<compile_context>
chip_gen: v7x
topology: tpu7x:2x2x1
jax: 0.10.2.dev20260603
libtpu: 0.0.44.dev20260713+nightly
codegen_flags: <defaults>
</compile_context>

<pallas_src>
import functools

import jax
import jax.numpy as jnp
from jax import lax
from jax.experimental import pallas as pl
from jax.experimental.pallas import tpu as pltpu
from jax.experimental.pallas import tpu_sc as plsc

NUM_SUB = 8
K = 8192
SUB_DIM = 64
DIM = NUM_SUB * SUB_DIM
NUM_CODES = 100000
R = 80
FLAT = R * NUM_SUB
NUM_CHUNKS = NUM_CODES // R
LANES = 16
TILE_ROWS = R // 8
LANE_BLKS = DIM // 128


def _make_gather_kernel():
    info = plsc.get_sparse_core_info()
    nc, ns = info.num_cores, info.num_subcores
    nw = nc * ns
    max_mine = -(-NUM_CHUNKS // nw)
    n_pairs = -(-max_mine // 2)
    mesh = plsc.VectorSubcoreMesh(core_axis_name="c", subcore_axis_name="s")

    @functools.partial(
        pl.kernel,
        out_type=jax.ShapeDtypeStruct((NUM_CHUNKS, FLAT, SUB_DIM),
                                      jnp.float32),
        mesh=mesh,
        scratch_types=[
            pltpu.VMEM((NUM_SUB, 96), jnp.int32),
            pltpu.VMEM((FLAT,), jnp.int32),
            pltpu.VMEM((FLAT,), jnp.int32),
            pltpu.VMEM((FLAT, SUB_DIM), jnp.float32),
            pltpu.VMEM((FLAT, SUB_DIM), jnp.float32),
            pltpu.SemaphoreType.DMA,
            pltpu.SemaphoreType.DMA,
            pltpu.SemaphoreType.DMA,
            pltpu.SemaphoreType.DMA,
        ],
        compiler_params=pltpu.CompilerParams(use_tc_tiling_on_sc=False,
                                             needs_layout_passes=False),
    )
    def gather_kernel(table_hbm, code_hbm, out_hbm,
                      craw, idx0, idx1, rows0, rows1,
                      g0, g1, w0, w1):
        wid = lax.axis_index("s") * nc + lax.axis_index("c")
        idx_b, rows_b = (idx0, idx1), (rows0, rows1)
        gsem, wsem = (g0, g1), (w0, w1)
        lane = lax.broadcasted_iota(jnp.int32, (LANES,), 0)
        offs_j = [((2 * j + (lane & 1)) * K).astype(jnp.int32)
                  for j in range(LANE_BLKS)]
        ka = ((lane * 2) & 15) + (lane >> 3)
        kb = ((lane * 2) & 15) + 1 - (lane >> 3)
        odd = (lane & 1) == 1
        n_mine = (NUM_CHUNKS - wid + nw - 1) // nw

        def load(t, b):
            n0 = (wid + t * nw) * R
            pltpu.sync_copy(code_hbm.at[:, pl.ds(n0, R)],
                            craw.at[:, pl.ds(0, R)])
            for u in range(TILE_ROWS):
                for j in range(LANE_BLKS):
                    va = craw[2 * j, pl.ds(8 * u, LANES)]
                    vb = craw[2 * j + 1, pl.ds(8 * u, LANES)]
                    _, sa = plsc.sort_key_val(ka, va)
                    _, sb = plsc.sort_key_val(kb, vb)
                    idx_b[b][pl.ds((u * LANE_BLKS + j) * LANES, LANES)] = (
                        jnp.where(odd, sb, sa) + offs_j[j])

            @pl.when(t >= 2)
            def _():
                pltpu.make_async_copy(
                    rows_b[b], out_hbm.at[0], wsem[b]).wait()

            pltpu.async_copy(table_hbm.at[idx_b[b]], rows_b[b], gsem[b])

        def store(t, b):
            pltpu.make_async_copy(
                table_hbm.at[idx_b[b]], rows_b[b], gsem[b]).wait()
            pltpu.async_copy(rows_b[b], out_hbm.at[wid + t * nw], wsem[b])

        load(0, 0)

        def pair(g, carry):
            t0, t1 = 2 * g, 2 * g + 1

            @pl.when(t1 < n_mine)
            def _():
                load(t1, 1)

            @pl.when(t0 < n_mine)
            def _():
                store(t0, 0)

            @pl.when(t1 + 1 < n_mine)
            def _():
                load(t1 + 1, 0)

            @pl.when(t1 < n_mine)
            def _():
                store(t1, 1)

            return carry

        lax.fori_loop(0, n_pairs, pair, 0)
        for b in (0, 1):
            pltpu.make_async_copy(
                rows_b[b], out_hbm.at[0], wsem[b]).wait()

    return gather_kernel


_gather = _make_gather_kernel()


@jax.jit
def kernel(code, centroid):
    table = centroid.reshape(NUM_SUB * K, SUB_DIM)
    code_t = code.astype(jnp.int32).T
    blocks = _gather(table, code_t)
    tiled = blocks.reshape(NUM_CODES // 8, LANE_BLKS, 8, 128)
    return tiled.transpose(0, 2, 1, 3).reshape(NUM_CODES, DIM)

# --- scband reference (transcript-rebuilt; emitter-appended) ---
"""Pipeline reference for scband-product-quantizer-36172214567569 (READ-ONLY COPY).

The authoritative reference and input builder live on the scoring server;
editing this copy changes nothing except your own understanding.
"""

import jax, jax.numpy as jnp
import numpy as np

NUM_SUB = 8
K = 8192
DIM = 512
SUB_DIM = DIM // NUM_SUB
NUM_CODES = 100000


def setup_inputs(seed: int = 0) -> dict:
    key = jax.random.key(seed)
    k1, k2 = jax.random.split(key)
    code = jax.random.randint(k1, (NUM_CODES, NUM_SUB), 0, K)
    # learned parameter: centroid (num_sub, k, dim/num_sub), as built by train_code
    centroid = jax.random.normal(k2, (NUM_SUB, K, SUB_DIM), dtype=jnp.float32)
    return {"code": code, "centroid": centroid}


def reference(code, centroid):
    # Faithful translation of ProductQuantizer.decode:
    # for each sub-quantizer, gather its centroids by the per-sub code column,
    # then concatenate along the feature dimension.
    sub_centroids = []
    num_sub = centroid.shape[0]
    for cur_sub in range(num_sub):
        cur_index = code[:, cur_sub]
        sub_centroid = centroid[cur_sub][cur_index]
        sub_centroids.append(sub_centroid)
    out = jnp.concatenate(sub_centroids, axis=1)
    return out

if __name__ == "__main__":
    import jax
    _d = setup_inputs()
    print(jax.jit(kernel)(*tuple(_d.values())))

</pallas_src>

<mosaic_0001>
#map = affine_map<(d0, d1) -> (0, 0)>
#map1 = affine_map<(d0, d1) -> (0, 0, 0)>
module attributes {stable_mosaic.version = 14 : i64} {
  func.func @gather_kernel(%arg0: i32, %arg1: i32, %arg2: memref<65536x64xf32, #tpu.memory_space<hbm>>, %arg3: memref<8x100000xi32, #tpu.memory_space<hbm>>, %arg4: memref<1250x640x64xf32, #tpu.memory_space<hbm>>, %arg5: memref<8x96xi32, #tpu.memory_space<vmem>>, %arg6: memref<640xi32, #tpu.memory_space<vmem>>, %arg7: memref<640xi32, #tpu.memory_space<vmem>>, %arg8: memref<640x64xf32, #tpu.memory_space<vmem>>, %arg9: memref<640x64xf32, #tpu.memory_space<vmem>>, %arg10: memref<!tpu.dma_semaphore, #tpu.memory_space<semaphore_mem>>, %arg11: memref<!tpu.dma_semaphore, #tpu.memory_space<semaphore_mem>>, %arg12: memref<!tpu.dma_semaphore, #tpu.memory_space<semaphore_mem>>, %arg13: memref<!tpu.dma_semaphore, #tpu.memory_space<semaphore_mem>>) attributes {dimension_semantics = [#tpu.dimension_semantics<core_parallel>, #tpu.dimension_semantics<subcore_parallel>], iteration_bounds = array<i64: 2, 16>, scalar_prefetch = 0 : i64, scratch_operands = 9 : i64, tpu.core_type = #tpu.core_type<sc_vector_subcore>, window_params = [{transform_indices = #map}, {transform_indices = #map}, {transform_indices = #map1}]} {
    %mul3A = arith.constant 2 : i32
    %mul3A_0 = arith.muli %arg1, %mul3A : i32
    %add3A = arith.addi %mul3A_0, %arg0 : i32
    %iota3A = tpu.iota {dimensions = array<i32: 0>} : vector<16xi32>
    %and3A = arith.constant 1 : i32
    %and3A_1 = vector.broadcast %and3A : i32 to vector<16xi32>
    %and3A_2 = arith.andi %iota3A, %and3A_1 : vector<16xi32>
    %add3A_3 = arith.constant 0 : i32
    %add3A_4 = vector.broadcast %add3A_3 : i32 to vector<16xi32>
    %add3A_5 = arith.addi %add3A_4, %and3A_2 : vector<16xi32>
    %mul3A_6 = arith.constant 8192 : i32
    %mul3A_7 = vector.broadcast %mul3A_6 : i32 to vector<16xi32>
    %mul3A_8 = arith.muli %add3A_5, %mul3A_7 : vector<16xi32>
    %and3A_9 = arith.constant 1 : i32
    %and3A_10 = vector.broadcast %and3A_9 : i32 to vector<16xi32>
    %and3A_11 = arith.andi %iota3A, %and3A_10 : vector<16xi32>
    %add3A_12 = arith.constant 2 : i32
    %add3A_13 = vector.broadcast %add3A_12 : i32 to vector<16xi32>
    %add3A_14 = arith.addi %add3A_13, %and3A_11 : vector<16xi32>
    %mul3A_15 = arith.constant 8192 : i32
    %mul3A_16 = vector.broadcast %mul3A_15 : i32 to vector<16xi32>
    %mul3A_17 = arith.muli %add3A_14, %mul3A_16 : vector<16xi32>
    %and3A_18 = arith.constant 1 : i32
    %and3A_19 = vector.broadcast %and3A_18 : i32 to vector<16xi32>
    %and3A_20 = arith.andi %iota3A, %and3A_19 : vector<16xi32>
    %add3A_21 = arith.constant 4 : i32
    %add3A_22 = vector.broadcast %add3A_21 : i32 to vector<16xi32>
    %add3A_23 = arith.addi %add3A_22, %and3A_20 : vector<16xi32>
    %mul3A_24 = arith.constant 8192 : i32
    %mul3A_25 = vector.broadcast %mul3A_24 : i32 to vector<16xi32>
    %mul3A_26 = arith.muli %add3A_23, %mul3A_25 : vector<16xi32>
    %and3A_27 = arith.constant 1 : i32
    %and3A_28 = vector.broadcast %and3A_27 : i32 to vector<16xi32>
    %and3A_29 = arith.andi %iota3A, %and3A_28 : vector<16xi32>
    %add3A_30 = arith.constant 6 : i32
    %add3A_31 = vector.broadcast %add3A_30 : i32 to vector<16xi32>
    %add3A_32 = arith.addi %add3A_31, %and3A_29 : vector<16xi32>
    %mul3A_33 = arith.constant 8192 : i32
    %mul3A_34 = vector.broadcast %mul3A_33 : i32 to vector<16xi32>
    %mul3A_35 = arith.muli %add3A_32, %mul3A_34 : vector<16xi32>
    %mul3A_36 = arith.constant 2 : i32
    %mul3A_37 = vector.broadcast %mul3A_36 : i32 to vector<16xi32>
    %mul3A_38 = arith.muli %iota3A, %mul3A_37 : vector<16xi32>
    %and3A_39 = arith.constant 15 : i32
    %and3A_40 = vector.broadcast %and3A_39 : i32 to vector<16xi32>
    %and3A_41 = arith.andi %mul3A_38, %and3A_40 : vector<16xi32>
    %shift_right_arithmetic3A = arith.constant 3 : i32
    %shift_right_arithmetic3A_42 = vector.broadcast %shift_right_arithmetic3A : i32 to vector<16xi32>
    %shift_right_arithmetic3A_43 = arith.shrsi %iota3A, %shift_right_arithmetic3A_42 : vector<16xi32>
    %add3A_44 = arith.addi %and3A_41, %shift_right_arithmetic3A_43 : vector<16xi32>
    %mul3A_45 = arith.constant 2 : i32
    %mul3A_46 = vector.broadcast %mul3A_45 : i32 to vector<16xi32>
    %mul3A_47 = arith.muli %iota3A, %mul3A_46 : vector<16xi32>
    %and3A_48 = arith.constant 15 : i32
    %and3A_49 = vector.broadcast %and3A_48 : i32 to vector<16xi32>
    %and3A_50 = arith.andi %mul3A_47, %and3A_49 : vector<16xi32>
    %add3A_51 = arith.constant 1 : i32
    %add3A_52 = vector.broadcast %add3A_51 : i32 to vector<16xi32>
    %add3A_53 = arith.addi %and3A_50, %add3A_52 : vector<16xi32>
    %shift_right_arithmetic3A_54 = arith.constant 3 : i32
    %shift_right_arithmetic3A_55 = vector.broadcast %shift_right_arithmetic3A_54 : i32 to vector<16xi32>
    %shift_right_arithmetic3A_56 = arith.shrsi %iota3A, %shift_right_arithmetic3A_55 : vector<16xi32>
    %sub3A = arith.subi %add3A_53, %shift_right_arithmetic3A_56 : vector<16xi32>
    %and3A_57 = arith.constant 1 : i32
    %and3A_58 = vector.broadcast %and3A_57 : i32 to vector<16xi32>
    %and3A_59 = arith.andi %iota3A, %and3A_58 : vector<16xi32>
    %eq3A = arith.constant 1 : i32
    %eq3A_60 = vector.broadcast %eq3A : i32 to vector<16xi32>
    %eq3A_61 = arith.cmpi eq, %and3A_59, %eq3A_60 : vector<16xi32>
    %sub3A_62 = arith.constant 1250 : i32
    %sub3A_63 = arith.subi %sub3A_62, %add3A : i32
    %add3A_64 = arith.constant 32 : i32
    %add3A_65 = arith.addi %sub3A_63, %add3A_64 : i32
    %sub3A_66 = arith.constant 1 : i32
    %sub3A_67 = arith.subi %add3A_65, %sub3A_66 : i32
    %jit3A = arith.constant 32 : i32
    %div3A = arith.divsi %sub3A_67, %jit3A : i32
    %sign3A = arith.constant 0 : i32
    %sign3A_68 = arith.cmpi sgt, %sub3A_67, %sign3A : i32
    %sign3A_69 = arith.extui %sign3A_68 : i1 to i32
    %sign3A_70 = arith.constant 0 : i32
    %sign3A_71 = arith.cmpi slt, %sub3A_67, %sign3A_70 : i32
    %sign3A_72 = arith.extui %sign3A_71 : i1 to i32
    %sign3A_73 = arith.subi %sign3A_69, %sign3A_72 : i32
    %sign3A_74 = arith.constant 0 : i32
    %sign3A_75 = arith.cmpi sgt, %jit3A, %sign3A_74 : i32
    %sign3A_76 = arith.extui %sign3A_75 : i1 to i32
    %sign3A_77 = arith.constant 0 : i32
    %sign3A_78 = arith.cmpi slt, %jit3A, %sign3A_77 : i32
    %sign3A_79 = arith.extui %sign3A_78 : i1 to i32
    %sign3A_80 = arith.subi %sign3A_76, %sign3A_79 : i32
    %ne3A = arith.cmpi ne, %sign3A_73, %sign3A_80 : i32
    %rem3A = arith.remsi %sub3A_67, %jit3A : i32
    %ne3A_81 = arith.constant 0 : i32
    %ne3A_82 = arith.cmpi ne, %rem3A, %ne3A_81 : i32
    %and3A_83 = arith.andi %ne3A, %ne3A_82 : i1
    %sub3A_84 = arith.constant 1 : i32
    %sub3A_85 = arith.subi %div3A, %sub3A_84 : i32
    %select_n3A = arith.select %and3A_83, %sub3A_85, %div3A : i32
    %add3A_86 = arith.constant 0 : i32
    %add3A_87 = arith.addi %add3A, %add3A_86 : i32
    %mul3A_88 = arith.constant 80 : i32
    %mul3A_89 = arith.muli %add3A_87, %mul3A_88 : i32
    "tpu.region"() ({
      %run_scoped3A = tpu.sem_alloc : memref<!tpu.dma_semaphore, #tpu.memory_space<semaphore_mem>>
      %dma_start3A_1231 = arith.constant 0 : i32
      %dma_start3A_1232 = arith.constant 0 : i32
      %dma_start3A_1233 = tpu.memref_slice %arg5[%dma_start3A_1231, %dma_start3A_1232] : memref<8x96xi32, #tpu.memory_space<vmem>> -> memref<8x80xi32, #tpu.memory_space<vmem>>
      %dma_start3A_1234 = arith.constant 0 : i32
      %dma_start3A_1235 = tpu.memref_slice %arg3[%dma_start3A_1234, %mul3A_89] : memref<8x100000xi32, #tpu.memory_space<hbm>> -> memref<8x80xi32, #tpu.memory_space<hbm>>
      %dma_start3A_1236 = arith.constant 0 : i32
      %dma_start3A_1237 = arith.constant 0 : i32
      %dma_start3A_1238 = tpu.memref_slice %arg5[%dma_start3A_1236, %dma_start3A_1237] : memref<8x96xi32, #tpu.memory_space<vmem>> -> memref<8x80xi32, #tpu.memory_space<vmem>>
      %dma_start3A_1239 = arith.constant 0 : i32
      %dma_start3A_1240 = tpu.memref_slice %arg3[%dma_start3A_1239, %mul3A_89] : memref<8x100000xi32, #tpu.memory_space<hbm>> -> memref<8x80xi32, #tpu.memory_space<hbm>>
      tpu.enqueue_dma source(%dma_start3A_1240 : memref<8x80xi32, #tpu.memory_space<hbm>>) target(%dma_start3A_1238 : memref<8x80xi32, #tpu.memory_space<vmem>>) target_semaphore(%run_scoped3A : memref<!tpu.dma_semaphore, #tpu.memory_space<semaphore_mem>>)
      %dma_wait3A_1241 = arith.constant 0 : i32
      %dma_wait3A_1242 = arith.constant 0 : i32
      %dma_wait3A_1243 = tpu.memref_slice %arg5[%dma_wait3A_1241, %dma_wait3A_1242] : memref<8x96xi32, #tpu.memory_space<vmem>> -> memref<8x80xi32, #tpu.memory_space<vmem>>
      %dma_wait3A_1244 = arith.constant 0 : i32
      %dma_wait3A_1245 = tpu.memref_slice %arg3[%dma_wait3A_1244, %mul3A_89] : memref<8x100000xi32, #tpu.memory_space<hbm>> -> memref<8x80xi32, #tpu.memory_space<hbm>>
      %dma_wait3A_1246 = arith.constant 0 : i32
      %dma_wait3A_1247 = arith.constant 0 : i32
      %dma_wait3A_1248 = tpu.memref_slice %arg5[%dma_wait3A_1246, %dma_wait3A_1247] : memref<8x96xi32, #tpu.memory_space<vmem>> -> memref<8x80xi32, #tpu.memory_space<vmem>>
      %dma_wait3A_1249 = arith.constant 0 : i32
      %dma_wait3A_1250 = tpu.memref_slice %arg3[%dma_wait3A_1249, %mul3A_89] : memref<8x100000xi32, #tpu.memory_space<hbm>> -> memref<8x80xi32, #tpu.memory_space<hbm>>
      tpu.wait_dma2 semaphore(%run_scoped3A : memref<!tpu.dma_semaphore, #tpu.memory_space<semaphore_mem>>) src(%dma_wait3A_1250 : memref<8x80xi32, #tpu.memory_space<hbm>>) dst(%dma_wait3A_1248 : memref<8x80xi32, #tpu.memory_space<vmem>>)
      tpu.yield
    }) : () -> ()
    %get3A = arith.constant 0 : i32
    %get3A_90 = arith.index_cast %get3A : i32 to index
    %get3A_91 = arith.constant 0 : index
    %get3A_92 = tpu.vector_load %arg5[%get3A_90, %get3A_91] {strides = array<i32>} : memref<8x96xi32, #tpu.memory_space<vmem>>, vector<16xi32>,
    %get3A_93 = arith.constant 1 : i32
    %get3A_94 = arith.index_cast %get3A_93 : i32 to index
    %get3A_95 = arith.constant 0 : index
    %get3A_96 = tpu.vector_load %arg5[%get3A_94, %get3A_95] {strides = array<i32>} : memref<8x96xi32, #tpu.memory_space<vmem>>, vector<16xi32>,
    %masked_sort3A = arith.constant dense<true> : vector<16xi1>
    %masked_sort3A_97 = arith.constant -2147483648 : i32
    %masked_sort3A_98 = vector.broadcast %masked_sort3A_97 : i32 to vector<16xi32>
    %masked_sort3A_99 = arith.xori %add3A_44, %masked_sort3A_98 : vector<16xi32>
    %masked_sort3A_100, %masked_sort3A_101, %masked_sort3A_102 = tpu.sort %masked_sort3A_99, %get3A_92 masked %masked_sort3A : (vector<16xi32>, vector<16xi32>, vector<16xi1>) -> (vector<16xi1>, vector<16xi32>, vector<16xi32>)
    %masked_sort3A_103 = arith.xori %masked_sort3A_101, %masked_sort3A_98 : vector<16xi32>
    %masked_sort3A_104 = arith.constant dense<true> : vector<16xi1>
    %masked_sort3A_105 = arith.constant -2147483648 : i32
    %masked_sort3A_106 = vector.broadcast %masked_sort3A_105 : i32 to vector<16xi32>
    %masked_sort3A_107 = arith.xori %sub3A, %masked_sort3A_106 : vector<16xi32>
    %masked_sort3A_108, %masked_sort3A_109, %masked_sort3A_110 = tpu.sort %masked_sort3A_107, %get3A_96 masked %masked_sort3A_104 : (vector<16xi32>, vector<16xi32>, vector<16xi1>) -> (vector<16xi1>, vector<16xi32>, vector<16xi32>)
    %masked_sort3A_111 = arith.xori %masked_sort3A_109, %masked_sort3A_106 : vector<16xi32>
    %select_n3A_112 = arith.select %eq3A_61, %masked_sort3A_110, %masked_sort3A_102 : vector<16xi1>, vector<16xi32>
    %add3A_113 = arith.addi %select_n3A_112, %mul3A_8 : vector<16xi32>
    %swap3A = arith.constant 0 : index
    %swap3A_114 = tpu.vector_load %arg6[%swap3A] {strides = array<i32>} : memref<640xi32, #tpu.memory_space<vmem>>, vector<16xi32>,
    tpu.vector_store %arg6[%swap3A], %add3A_113 {strides = array<i32>} : memref<640xi32, #tpu.memory_space<vmem>>, vector<16xi32>,
    %get3A_115 = arith.constant 2 : i32
    %get3A_116 = arith.index_cast %get3A_115 : i32 to index
    %get3A_117 = arith.constant 0 : index
    %get3A_118 = tpu.vector_load %arg5[%get3A_116, %get3A_117] {strides = array<i32>} : memref<8x96xi32, #tpu.memory_space<vmem>>, vector<16xi32>,
    %get3A_119 = arith.constant 3 : i32
    %get3A_120 = arith.index_cast %get3A_119 : i32 to index
    %get3A_121 = arith.constant 0 : index
    %get3A_122 = tpu.vector_load %arg5[%get3A_120, %get3A_121] {strides = array<i32>} : memref<8x96xi32, #tpu.memory_space<vmem>>, vector<16xi32>,
    %masked_sort3A_123 = arith.constant dense<true> : vector<16xi1>
    %masked_sort3A_124 = arith.constant -2147483648 : i32
    %masked_sort3A_125 = vector.broadcast %masked_sort3A_124 : i32 to vector<16xi32>
    %masked_sort3A_126 = arith.xori %add3A_44, %masked_sort3A_125 : vector<16xi32>
    %masked_sort3A_127, %masked_sort3A_128, %masked_sort3A_129 = tpu.sort %masked_sort3A_126, %get3A_118 masked %masked_sort3A_123 : (vector<16xi32>, vector<16xi32>, vector<16xi1>) -> (vector<16xi1>, vector<16xi32>, vector<16xi32>)
    %masked_sort3A_130 = arith.xori %masked_sort3A_128, %masked_sort3A_125 : vector<16xi32>
    %masked_sort3A_131 = arith.constant dense<true> : vector<16xi1>
    %masked_sort3A_132 = arith.constant -2147483648 : i32
    %masked_sort3A_133 = vector.broadcast %masked_sort3A_132 : i32 to vector<16xi32>
    %masked_sort3A_134 = arith.xori %sub3A, %masked_sort3A_133 : vector<16xi32>
    %masked_sort3A_135, %masked_sort3A_136, %masked_sort3A_137 = tpu.sort %masked_sort3A_134, %get3A_122 masked %masked_sort3A_131 : (vector<16xi32>, vector<16xi32>, vector<16xi1>) -> (vector<16xi1>, vector<16xi32>, vector<16xi32>)
    %masked_sort3A_138 = arith.xori %masked_sort3A_136, %masked_sort3A_133 : vector<16xi32>
    %select_n3A_139 = arith.select %eq3A_61, %masked_sort3A_137, %masked_sort3A_129 : vector<16xi1>, vector<16xi32>
    %add3A_140 = arith.addi %select_n3A_139, %mul3A_17 : vector<16xi32>
    %swap3A_141 = arith.constant 16 : index
    %swap3A_142 = tpu.vector_load %arg6[%swap3A_141] {strides = array<i32>} : memref<640xi32, #tpu.memory_space<vmem>>, vector<16xi32>,
    tpu.vector_store %arg6[%swap3A_141], %add3A_140 {strides = array<i32>} : memref<640xi32, #tpu.memory_space<vmem>>, vector<16xi32>,
    %get3A_143 = arith.constant 4 : i32
    %get3A_144 = arith.index_cast %get3A_143 : i32 to index
    %get3A_145 = arith.constant 0 : index
    %get3A_146 = tpu.vector_load %arg5[%get3A_144, %get3A_145] {strides = array<i32>} : memref<8x96xi32, #tpu.memory_space<vmem>>, vector<16xi32>,
    %get3A_147 = arith.constant 5 : i32
    %get3A_148 = arith.index_cast %get3A_147 : i32 to index
    %get3A_149 = arith.constant 0 : index
    %get3A_150 = tpu.vector_load %arg5[%get3A_148, %get3A_149] {strides = array<i32>} : memref<8x96xi32, #tpu.memory_space<vmem>>, vector<16xi32>,
    %masked_sort3A_151 = arith.constant dense<true> : vector<16xi1>
    %masked_sort3A_152 = arith.constant -2147483648 : i32
    %masked_sort3A_153 = vector.broadcast %masked_sort3A_152 : i32 to vector<16xi32>
    %masked_sort3A_154 = arith.xori %add3A_44, %masked_sort3A_153 : vector<16xi32>
    %masked_sort3A_155, %masked_sort3A_156, %masked_sort3A_157 = tpu.sort %masked_sort3A_154, %get3A_146 masked %masked_sort3A_151 : (vector<16xi32>, vector<16xi32>, vector<16xi1>) -> (vector<16xi1>, vector<16xi32>, vector<16xi32>)
    %masked_sort3A_158 = arith.xori %masked_sort3A_156, %masked_sort3A_153 : vector<16xi32>
    %masked_sort3A_159 = arith.constant dense<true> : vector<16xi1>
    %masked_sort3A_160 = arith.constant -2147483648 : i32
    %masked_sort3A_161 = vector.broadcast %masked_sort3A_160 : i32 to vector<16xi32>
    %masked_sort3A_162 = arith.xori %sub3A, %masked_sort3A_161 : vector<16xi32>
    %masked_sort3A_163, %masked_sort3A_164, %masked_sort3A_165 = tpu.sort %masked_sort3A_162, %get3A_150 masked %masked_sort3A_159 : (vector<16xi32>, vector<16xi32>, vector<16xi1>) -> (vector<16xi1>, vector<16xi32>, vector<16xi32>)
    %masked_sort3A_166 = arith.xori %masked_sort3A_164, %masked_sort3A_161 : vector<16xi32>
    %select_n3A_167 = arith.select %eq3A_61, %masked_sort3A_165, %masked_sort3A_157 : vector<16xi1>, vector<16xi32>
    %add3A_168 = arith.addi %select_n3A_167, %mul3A_26 : vector<16xi32>
    %swap3A_169 = arith.constant 32 : index
    %swap3A_170 = tpu.vector_load %arg6[%swap3A_169] {strides = array<i32>} : memref<640xi32, #tpu.memory_space<vmem>>, vector<16xi32>,
    tpu.vector_store %arg6[%swap3A_169], %add3A_168 {strides = array<i32>} : memref<640xi32, #tpu.memory_space<vmem>>, vector<16xi32>,
    %get3A_171 = arith.constant 6 : i32
    %get3A_172 = arith.index_cast %get3A_171 : i32 to index
    %get3A_173 = arith.constant 0 : index
    %get3A_174 = tpu.vector_load %arg5[%get3A_172, %get3A_173] {strides = array<i32>} : memref<8x96xi32, #tpu.memory_space<vmem>>, vector<16xi32>,
    %get3A_175 = arith.constant 7 : i32
    %get3A_176 = arith.index_cast %get3A_175 : i32 to index
    %get3A_177 = arith.constant 0 : index
    %get3A_178 = tpu.vector_load %arg5[%get3A_176, %get3A_177] {strides = array<i32>} : memref<8x96xi32, #tpu.memory_space<vmem>>, vector<16xi32>,
    %masked_sort3A_179 = arith.constant dense<true> : vector<16xi1>
    %masked_sort3A_180 = arith.constant -2147483648 : i32
    %masked_sort3A_181 = vector.broadcast %masked_sort3A_180 : i32 to vector<16xi32>
    %masked_sort3A_182 = arith.xori %add3A_44, %masked_sort3A_181 : vector<16xi32>
    %masked_sort3A_183, %masked_sort3A_184, %masked_sort3A_185 = tpu.sort %masked_sort3A_182, %get3A_174 masked %masked_sort3A_179 : (vector<16xi32>, vector<16xi32>, vector<16xi1>) -> (vector<16xi1>, vector<16xi32>, vector<16xi32>)
    %masked_sort3A_186 = arith.xori %masked_sort3A_184, %masked_sort3A_181 : vector<16xi32>
    %masked_sort3A_187 = arith.constant dense<true> : vector<16xi1>
    %masked_sort3A_188 = arith.constant -2147483648 : i32
    %masked_sort3A_189 = vector.broadcast %masked_sort3A_188 : i32 to vector<16xi32>
    %masked_sort3A_190 = arith.xori %sub3A, %masked_sort3A_189 : vector<16xi32>
    %masked_sort3A_191, %masked_sort3A_192, %masked_sort3A_193 = tpu.sort %masked_sort3A_190, %get3A_178 masked %masked_sort3A_187 : (vector<16xi32>, vector<16xi32>, vector<16xi1>) -> (vector<16xi1>, vector<16xi32>, vector<16xi32>)
    %masked_sort3A_194 = arith.xori %masked_sort3A_192, %masked_sort3A_189 : vector<16xi32>
    %select_n3A_195 = arith.select %eq3A_61, %masked_sort3A_193, %masked_sort3A_185 : vector<16xi1>, vector<16xi32>
    %add3A_196 = arith.addi %select_n3A_195, %mul3A_35 : vector<16xi32>
    %swap3A_197 = arith.constant 48 : index
    %swap3A_198 = tpu.vector_load %arg6[%swap3A_197] {strides = array<i32>} : memref<640xi32, #tpu.memory_space<vmem>>, vector<16xi32>,
    tpu.vector_store %arg6[%swap3A_197], %add3A_196 {strides = array<i32>} : memref<640xi32, #tpu.memory_space<vmem>>, vector<16xi32>,
    %get3A_199 = arith.constant 0 : i32
    %get3A_200 = arith.index_cast %get3A_199 : i32 to index
    %get3A_201 = arith.constant 8 : index
    %get3A_202 = tpu.vector_load %arg5[%get3A_200, %get3A_201] {strides = array<i32>} : memref<8x96xi32, #tpu.memory_space<vmem>>, vector<16xi32>,
    %get3A_203 = arith.constant 1 : i32
    %get3A_204 = arith.index_cast %get3A_203 : i32 to index
    %get3A_205 = arith.constant 8 : index
    %get3A_206 = tpu.vector_load %arg5[%get3A_204, %get3A_205] {strides = array<i32>} : memref<8x96xi32, #tpu.memory_space<vmem>>, vector<16xi32>,
    %masked_sort3A_207 = arith.constant dense<true> : vector<16xi1>
    %masked_sort3A_208 = arith.constant -2147483648 : i32
    %masked_sort3A_209 = vector.broadcast %masked_sort3A_208 : i32 to vector<16xi32>
    %masked_sort3A_210 = arith.xori %add3A_44, %masked_sort3A_209 : vector<16xi32>
    %masked_sort3A_211, %masked_sort3A_212, %masked_sort3A_213 = tpu.sort %masked_sort3A_210, %get3A_202 masked %masked_sort3A_207 : (vector<16xi32>, vector<16xi32>, vector<16xi1>) -> (vector<16xi1>, vector<16xi32>, vector<16xi32>)
    %masked_sort3A_214 = arith.xori %masked_sort3A_212, %masked_sort3A_209 : vector<16xi32>
    %masked_sort3A_215 = arith.constant dense<true> : vector<16xi1>
    %masked_sort3A_216 = arith.constant -2147483648 : i32
    %masked_sort3A_217 = vector.broadcast %masked_sort3A_216 : i32 to vector<16xi32>
    %masked_sort3A_218 = arith.xori %sub3A, %masked_sort3A_217 : vector<16xi32>
    %masked_sort3A_219, %masked_sort3A_220, %masked_sort3A_221 = tpu.sort %masked_sort3A_218, %get3A_206 masked %masked_sort3A_215 : (vector<16xi32>, vector<16xi32>, vector<16xi1>) -> (vector<16xi1>, vector<16xi32>, vector<16xi32>)
    %masked_sort3A_222 = arith.xori %masked_sort3A_220, %masked_sort3A_217 : vector<16xi32>
    %select_n3A_223 = arith.select %eq3A_61, %masked_sort3A_221, %masked_sort3A_213 : vector<16xi1>, vector<16xi32>
    %add3A_224 = arith.addi %select_n3A_223, %mul3A_8 : vector<16xi32>
    %swap3A_225 = arith.constant 64 : index
    %swap3A_226 = tpu.vector_load %arg6[%swap3A_225] {strides = array<i32>} : memref<640xi32, #tpu.memory_space<vmem>>, vector<16xi32>,
    tpu.vector_store %arg6[%swap3A_225], %add3A_224 {strides = array<i32>} : memref<640xi32, #tpu.memory_space<vmem>>, vector<16xi32>,
    %get3A_227 = arith.constant 2 : i32
    %get3A_228 = arith.index_cast %get3A_227 : i32 to index
    %get3A_229 = arith.constant 8 : index
    %get3A_230 = tpu.vector_load %arg5[%get3A_228, %get3A_229] {strides = array<i32>} : memref<8x96xi32, #tpu.memory_space<vmem>>, vector<16xi32>,
    %get3A_231 = arith.constant 3 : i32
    %get3A_232 = arith.index_cast %get3A_231 : i32 to index
    %get3A_233 = arith.constant 8 : index
    %get3A_234 = tpu.vector_load %arg5[%get3A_232, %get3A_233] {strides = array<i32>} : memref<8x96xi32, #tpu.memory_space<vmem>>, vector<16xi32>,
    %masked_sort3A_235 = arith.constant dense<true> : vector<16xi1>
    %masked_sort3A_236 = arith.constant -2147483648 : i32
    %masked_sort3A_237 = vector.broadcast %masked_sort3A_236 : i32 to vector<16xi32>
    %masked_sort3A_238 = arith.xori %add3A_44, %masked_sort3A_237 : vector<16xi32>
    %masked_sort3A_239, %masked_sort3A_240, %masked_sort3A_241 = tpu.sort %masked_sort3A_238, %get3A_230 masked %masked_sort3A_235 : (vector<16xi32>, vector<16xi32>, vector<16xi1>) -> (vector<16xi1>, vector<16xi32>, vector<16xi32>)
    %masked_sort3A_242 = arith.xori %masked_sort3A_240, %masked_sort3A_237 : vector<16xi32>
    %masked_sort3A_243 = arith.constant dense<true> : vector<16xi1>
    %masked_sort3A_244 = arith.constant -2147483648 : i32
    %masked_sort3A_245 = vector.broadcast %masked_sort3A_244 : i32 to vector<16xi32>
    %masked_sort3A_246 = arith.xori %sub3A, %masked_sort3A_245 : vector<16xi32>
    %masked_sort3A_247, %masked_sort3A_248, %masked_sort3A_249 = tpu.sort %masked_sort3A_246, %get3A_234 masked %masked_sort3A_243 : (vector<16xi32>, vector<16xi32>, vector<16xi1>) -> (vector<16xi1>, vector<16xi32>, vector<16xi32>)
    %masked_sort3A_250 = arith.xori %masked_sort3A_248, %masked_sort3A_245 : vector<16xi32>
    %select_n3A_251 = arith.select %eq3A_61, %masked_sort3A_249, %masked_sort3A_241 : vector<16xi1>, vector<16xi32>
    %add3A_252 = arith.addi %select_n3A_251, %mul3A_17 : vector<16xi32>
    %swap3A_253 = arith.constant 80 : index
    %swap3A_254 = tpu.vector_load %arg6[%swap3A_253] {strides = array<i32>} : memref<640xi32, #tpu.memory_space<vmem>>, vector<16xi32>,
    tpu.vector_store %arg6[%swap3A_253], %add3A_252 {strides = array<i32>} : memref<640xi32, #tpu.memory_space<vmem>>, vector<16xi32>,
    %get3A_255 = arith.constant 4 : i32
    %get3A_256 = arith.index_cast %get3A_255 : i32 to index
    %get3A_257 = arith.constant 8 : index
    %get3A_258 = tpu.vector_load %arg5[%get3A_256, %get3A_257] {strides = array<i32>} : memref<8x96xi32, #tpu.memory_space<vmem>>, vector<16xi32>,
    %get3A_259 = arith.constant 5 : i32
    %get3A_260 = arith.index_cast %get3A_259 : i32 to index
    %get3A_261 = arith.constant 8 : index
    %get3A_262 = tpu.vector_load %arg5[%get3A_260, %get3A_261] {strides = array<i32>} : memref<8x96xi32, #tpu.memory_space<vmem>>, vector<16xi32>,
    %masked_sort3A_263 = arith.constant dense<true> : vector<16xi1>
    %masked_sort3A_264 = arith.constant -2147483648 : i32
    %masked_sort3A_265 = vector.broadcast %masked_sort3A_264 : i32 to vector<16xi32>
    %masked_sort3A_266 = arith.xori %add3A_44, %masked_sort3A_265 : vector<16xi32>
    %masked_sort3A_267, %masked_sort3A_268, %masked_sort3A_269 = tpu.sort %masked_sort3A_266, %get3A_258 masked %masked_sort3A_263 : (vector<16xi32>, vector<16xi32>, vector<16xi1>) -> (vector<16xi1>, vector<16xi32>, vector<16xi32>)
    %masked_sort3A_270 = arith.xori %masked_sort3A_268, %masked_sort3A_265 : vector<16xi32>
    %masked_sort3A_271 = arith.constant dense<true> : vector<16xi1>
    %masked_sort3A_272 = arith.constant -2147483648 : i32
    %masked_sort3A_273 = vector.broadcast %masked_sort3A_272 : i32 to vector<16xi32>
    %masked_sort3A_274 = arith.xori %sub3A, %masked_sort3A_273 : vector<16xi32>
    %masked_sort3A_275, %masked_sort3A_276, %masked_sort3A_277 = tpu.sort %masked_sort3A_274, %get3A_262 masked %masked_sort3A_271 : (vector<16xi32>, vector<16xi32>, vector<16xi1>) -> (vector<16xi1>, vector<16xi32>, vector<16xi32>)
    %masked_sort3A_278 = arith.xori %masked_sort3A_276, %masked_sort3A_273 : vector<16xi32>
    %select_n3A_279 = arith.select %eq3A_61, %masked_sort3A_277, %masked_sort3A_269 : vector<16xi1>, vector<16xi32>
    %add3A_280 = arith.addi %select_n3A_279, %mul3A_26 : vector<16xi32>
    %swap3A_281 = arith.constant 96 : index
    %swap3A_282 = tpu.vector_load %arg6[%swap3A_281] {strides = array<i32>} : memref<640xi32, #tpu.memory_space<vmem>>, vector<16xi32>,
    tpu.vector_store %arg6[%swap3A_281], %add3A_280 {strides = array<i32>} : memref<640xi32, #tpu.memory_space<vmem>>, vector<16xi32>,
    %get3A_283 = arith.constant 6 : i32
    %get3A_284 = arith.index_cast %get3A_283 : i32 to index
    %get3A_285 = arith.constant 8 : index
    %get3A_286 = tpu.vector_load %arg5[%get3A_284, %get3A_285] {strides = array<i32>} : memref<8x96xi32, #tpu.memory_space<vmem>>, vector<16xi32>,
    %get3A_287 = arith.constant 7 : i32
    %get3A_288 = arith.index_cast %get3A_287 : i32 to index
    %get3A_289 = arith.constant 8 : index
    %get3A_290 = tpu.vector_load %arg5[%get3A_288, %get3A_289] {strides = array<i32>} : memref<8x96xi32, #tpu.memory_space<vmem>>, vector<16xi32>,
    %masked_sort3A_291 = arith.constant dense<true> : vector<16xi1>
    %masked_sort3A_292 = arith.constant -2147483648 : i32
    %masked_sort3A_293 = vector.broadcast %masked_sort3A_292 : i32 to vector<16xi32>
    %masked_sort3A_294 = arith.xori %add3A_44, %masked_sort3A_293 : vector<16xi32>
    %masked_sort3A_295, %masked_sort3A_296, %masked_sort3A_297 = tpu.sort %masked_sort3A_294, %get3A_286 masked %masked_sort3A_291 : (vector<16xi32>, vector<16xi32>, vector<16xi1>) -> (vector<16xi1>, vector<16xi32>, vector<16xi32>)
    %masked_sort3A_298 = arith.xori %masked_sort3A_296, %masked_sort3A_293 : vector<16xi32>
    %masked_sort3A_299 = arith.constant dense<true> : vector<16xi1>
    %masked_sort3A_300 = arith.constant -2147483648 : i32
    %masked_sort3A_301 = vector.broadcast %masked_sort3A_300 : i32 to vector<16xi32>
    %masked_sort3A_302 = arith.xori %sub3A, %masked_sort3A_301 : vector<16xi32>
    %masked_sort3A_303, %masked_sort3A_304, %masked_sort3A_305 = tpu.sort %masked_sort3A_302, %get3A_290 masked %masked_sort3A_299 : (vector<16xi32>, vector<16xi32>, vector<16xi1>) -> (vector<16xi1>, vector<16xi32>, vector<16xi32>)
    %masked_sort3A_306 = arith.xori %masked_sort3A_304, %masked_sort3A_301 : vector<16xi32>
    %select_n3A_307 = arith.select %eq3A_61, %masked_sort3A_305, %masked_sort3A_297 : vector<16xi1>, vector<16xi32>
    %add3A_308 = arith.addi %select_n3A_307, %mul3A_35 : vector<16xi32>
    %swap3A_309 = arith.constant 112 : index
    %swap3A_310 = tpu.vector_load %arg6[%swap3A_309] {strides = array<i32>} : memref<640xi32, #tpu.memory_space<vmem>>, vector<16xi32>,
    tpu.vector_store %arg6[%swap3A_309], %add3A_308 {strides = array<i32>} : memref<640xi32, #tpu.memory_space<vmem>>, vector<16xi32>,
    %get3A_311 = arith.constant 0 : i32
    %get3A_312 = arith.index_cast %get3A_311 : i32 to index
    %get3A_313 = arith.constant 16 : index
    %get3A_314 = tpu.vector_load %arg5[%get3A_312, %get3A_313] {strides = array<i32>} : memref<8x96xi32, #tpu.memory_space<vmem>>, vector<16xi32>,
    %get3A_315 = arith.constant 1 : i32
    %get3A_316 = arith.index_cast %get3A_315 : i32 to index
    %get3A_317 = arith.constant 16 : index
    %get3A_318 = tpu.vector_load %arg5[%get3A_316, %get3A_317] {strides = array<i32>} : memref<8x96xi32, #tpu.memory_space<vmem>>, vector<16xi32>,
    %masked_sort3A_319 = arith.constant dense<true> : vector<16xi1>
    %masked_sort3A_320 = arith.constant -2147483648 : i32
    %masked_sort3A_321 = vector.broadcast %masked_sort3A_320 : i32 to vector<16xi32>
    %masked_sort3A_322 = arith.xori %add3A_44, %masked_sort3A_321 : vector<16xi32>
    %masked_sort3A_323, %masked_sort3A_324, %masked_sort3A_325 = tpu.sort %masked_sort3A_322, %get3A_314 masked %masked_sort3A_319 : (vector<16xi32>, vector<16xi32>, vector<16xi1>) -> (vector<16xi1>, vector<16xi32>, vector<16xi32>)
    %masked_sort3A_326 = arith.xori %masked_sort3A_324, %masked_sort3A_321 : vector<16xi32>
    %masked_sort3A_327 = arith.constant dense<true> : vector<16xi1>
    %masked_sort3A_328 = arith.constant -2147483648 : i32
    %masked_sort3A_329 = vector.broadcast %masked_sort3A_328 : i32 to vector<16xi32>
    %masked_sort3A_330 = arith.xori %sub3A, %masked_sort3A_329 : vector<16xi32>
    %masked_sort3A_331, %masked_sort3A_332, %masked_sort3A_333 = tpu.sort %masked_sort3A_330, %get3A_318 masked %masked_sort3A_327 : (vector<16xi32>, vector<16xi32>, vector<16xi1>) -> (vector<16xi1>, vector<16xi32>, vector<16xi32>)
    %masked_sort3A_334 = arith.xori %masked_sort3A_332, %masked_sort3A_329 : vector<16xi32>
    %select_n3A_335 = arith.select %eq3A_61, %masked_sort3A_333, %masked_sort3A_325 : vector<16xi1>, vector<16xi32>
    %add3A_336 = arith.addi %select_n3A_335, %mul3A_8 : vector<16xi32>
    %swap3A_337 = arith.constant 128 : index
    %swap3A_338 = tpu.vector_load %arg6[%swap3A_337] {strides = array<i32>} : memref<640xi32, #tpu.memory_space<vmem>>, vector<16xi32>,
    tpu.vector_store %arg6[%swap3A_337], %add3A_336 {strides = array<i32>} : memref<640xi32, #tpu.memory_space<vmem>>, vector<16xi32>,
    %get3A_339 = arith.constant 2 : i32
    %get3A_340 = arith.index_cast %get3A_339 : i32 to index
    %get3A_341 = arith.constant 16 : index
    %get3A_342 = tpu.vector_load %arg5[%get3A_340, %get3A_341] {strides = array<i32>} : memref<8x96xi32, #tpu.memory_space<vmem>>, vector<16xi32>,
    %get3A_343 = arith.constant 3 : i32
    %get3A_344 = arith.index_cast %get3A_343 : i32 to index
    %get3A_345 = arith.constant 16 : index
    %get3A_346 = tpu.vector_load %arg5[%get3A_344, %get3A_345] {strides = array<i32>} : memref<8x96xi32, #tpu.memory_space<vmem>>, vector<16xi32>,
    %masked_sort3A_347 = arith.constant dense<true> : vector<16xi1>
    %masked_sort3A_348 = arith.constant -2147483648 : i32
    %masked_sort3A_349 = vector.broadcast %masked_sort3A_348 : i32 to vector<16xi32>
    %masked_sort3A_350 = arith.xori %add3A_44, %masked_sort3A_349 : vector<16xi32>
    %masked_sort3A_351, %masked_sort3A_352, %masked_sort3A_353 = tpu.sort %masked_sort3A_350, %get3A_342 masked %masked_sort3A_347 : (vector<16xi32>, vector<16xi32>, vector<16xi1>) -> (vector<16xi1>, vector<16xi32>, vector<16xi32>)
    %masked_sort3A_354 = arith.xori %masked_sort3A_352, %masked_sort3A_349 : vector<16xi32>
    %masked_sort3A_355 = arith.constant dense<true> : vector<16xi1>
    %masked_sort3A_356 = arith.constant -2147483648 : i32
    %masked_sort3A_357 = vector.broadcast %masked_sort3A_356 : i32 to vector<16xi32>
    %masked_sort3A_358 = arith.xori %sub3A, %masked_sort3A_357 : vector<16xi32>
    %masked_sort3A_359, %masked_sort3A_360, %masked_sort3A_361 = tpu.sort %masked_sort3A_358, %get3A_346 masked %masked_sort3A_355 : (vector<16xi32>, vector<16xi32>, vector<16xi1>) -> (vector<16xi1>, vector<16xi32>, vector<16xi32>)
    %masked_sort3A_362 = arith.xori %masked_sort3A_360, %masked_sort3A_357 : vector<16xi32>
    %select_n3A_363 = arith.select %eq3A_61, %masked_sort3A_361, %masked_sort3A_353 : vector<16xi1>, vector<16xi32>
    %add3A_364 = arith.addi %select_n3A_363, %mul3A_17 : vector<16xi32>
    %swap3A_365 = arith.constant 144 : index
    %swap3A_366 = tpu.vector_load %arg6[%swap3A_365] {strides = array<i32>} : memref<640xi32, #tpu.memory_space<vmem>>, vector<16xi32>,
    tpu.vector_store %arg6[%swap3A_365], %add3A_364 {strides = array<i32>} : memref<640xi32, #tpu.memory_space<vmem>>, vector<16xi32>,
    %get3A_367 = arith.constant 4 : i32
    %get3A_368 = arith.index_cast %get3A_367 : i32 to index
    %get3A_369 = arith.constant 16 : index
    %get3A_370 = tpu.vector_load %arg5[%get3A_368, %get3A_369] {strides = array<i32>} : memref<8x96xi32, #tpu.memory_space<vmem>>, vector<16xi32>,
    %get3A_371 = arith.constant 5 : i32
    %get3A_372 = arith.index_cast %get3A_371 : i32 to index
    %get3A_373 = arith.constant 16 : index
    %get3A_374 = tpu.vector_load %arg5[%get3A_372, %get3A_373] {strides = array<i32>} : memref<8x96xi32, #tpu.memory_space<vmem>>, vector<16xi32>,
    %masked_sort3A_375 = arith.constant dense<true> : vector<16xi1>
    %masked_sort3A_376 = arith.constant -2147483648 : i32
    %masked_sort3A_377 = vector.broadcast %masked_sort3A_376 : i32 to vector<16xi32>
    %masked_sort3A_378 = arith.xori %add3A_44, %masked_sort3A_377 : vector<16xi32>
    %masked_sort3A_379, %masked_sort3A_380, %masked_sort3A_381 = tpu.sort %masked_sort3A_378, %get3A_370 masked %masked_sort3A_375 : (vector<16xi32>, vector<16xi32>, vector<16xi1>) -> (vector<16xi1>, vector<16xi32>, vector<16xi32>)
    %masked_sort3A_382 = arith.xori %masked_sort3A_380, %masked_sort3A_377 : vector<16xi32>
    %masked_sort3A_383 = arith.constant dense<true> : vector<16xi1>
    %masked_sort3A_384 = arith.constant -2147483648 : i32
    %masked_sort3A_385 = vector.broadcast %masked_sort3A_384 : i32 to vector<16xi32>
    %masked_sort3A_386 = arith.xori %sub3A, %masked_sort3A_385 : vector<16xi32>
    %masked_sort3A_387, %masked_sort3A_388, %masked_sort3A_389 = tpu.sort %masked_sort3A_386, %get3A_374 masked %masked_sort3A_383 : (vector<16xi32>, vector<16xi32>, vector<16xi1>) -> (vector<16xi1>, vector<16xi32>, vector<16xi32>)
    %masked_sort3A_390 = arith.xori %masked_sort3A_388, %masked_sort3A_385 : vector<16xi32>
    %select_n3A_391 = arith.select %eq3A_61, %masked_sort3A_389, %masked_sort3A_381 : vector<16xi1>, vector<16xi32>
    %add3A_392 = arith.addi %select_n3A_391, %mul3A_26 : vector<16xi32>
    %swap3A_393 = arith.constant 160 : index
    %swap3A_394 = tpu.vector_load %arg6[%swap3A_393] {strides = array<i32>} : memref<640xi32, #tpu.memory_space<vmem>>, vector<16xi32>,
    tpu.vector_store %arg6[%swap3A_393], %add3A_392 {strides = array<i32>} : memref<640xi32, #tpu.memory_space<vmem>>, vector<16xi32>,
    %get3A_395 = arith.constant 6 : i32
    %get3A_396 = arith.index_cast %get3A_395 : i32 to index
    %get3A_397 = arith.constant 16 : index
    %get3A_398 = tpu.vector_load %arg5[%get3A_396, %get3A_397] {strides = array<i32>} : memref<8x96xi32, #tpu.memory_space<vmem>>, vector<16xi32>,
    %get3A_399 = arith.constant 7 : i32
    %get3A_400 = arith.index_cast %get3A_399 : i32 to index
    %get3A_401 = arith.constant 16 : index
    %get3A_402 = tpu.vector_load %arg5[%get3A_400, %get3A_401] {strides = array<i32>} : memref<8x96xi32, #tpu.memory_space<vmem>>, vector<16xi32>,
    %masked_sort3A_403 = arith.constant dense<true> : vector<16xi1>
    %masked_sort3A_404 = arith.constant -2147483648 : i32
    %masked_sort3A_405 = vector.broadcast %masked_sort3A_404 : i32 to vector<16xi32>
    %masked_sort3A_406 = arith.xori %add3A_44, %masked_sort3A_405 : vector<16xi32>
    %masked_sort3A_407, %masked_sort3A_408, %masked_sort3A_409 = tpu.sort %masked_sort3A_406, %get3A_398 masked %masked_sort3A_403 : (vector<16xi32>, vector<16xi32>, vector<16xi1>) -> (vector<16xi1>, vector<16xi32>, vector<16xi32>)
    %masked_sort3A_410 = arith.xori %masked_sort3A_408, %masked_sort3A_405 : vector<16xi32>
    %masked_sort3A_411 = arith.constant dense<true> : vector<16xi1>
    %masked_sort3A_412 = arith.constant -2147483648 : i32
    %masked_sort3A_413 = vector.broadcast %masked_sort3A_412 : i32 to vector<16xi32>
    %masked_sort3A_414 = arith.xori %sub3A, %masked_sort3A_413 : vector<16xi32>
    %masked_sort3A_415, %masked_sort3A_416, %masked_sort3A_417 = tpu.sort %masked_sort3A_414, %get3A_402 masked %masked_sort3A_411 : (vector<16xi32>, vector<16xi32>, vector<16xi1>) -> (vector<16xi1>, vector<16xi32>, vector<16xi32>)
    %masked_sort3A_418 = arith.xori %masked_sort3A_416, %masked_sort3A_413 : vector<16xi32>
    %select_n3A_419 = arith.select %eq3A_61, %masked_sort3A_417, %masked_sort3A_409 : vector<16xi1>, vector<16xi32>
    %add3A_420 = arith.addi %select_n3A_419, %mul3A_35 : vector<16xi32>
    %swap3A_421 = arith.constant 176 : index
    %swap3A_422 = tpu.vector_load %arg6[%swap3A_421] {strides = array<i32>} : memref<640xi32, #tpu.memory_space<vmem>>, vector<16xi32>,
    tpu.vector_store %arg6[%swap3A_421], %add3A_420 {strides = array<i32>} : memref<640xi32, #tpu.memory_space<vmem>>, vector<16xi32>,
    %get3A_423 = arith.constant 0 : i32
    %get3A_424 = arith.index_cast %get3A_423 : i32 to index
    %get3A_425 = arith.constant 24 : index
    %get3A_426 = tpu.vector_load %arg5[%get3A_424, %get3A_425] {strides = array<i32>} : memref<8x96xi32, #tpu.memory_space<vmem>>, vector<16xi32>,
    %get3A_427 = arith.constant 1 : i32
    %get3A_428 = arith.index_cast %get3A_427 : i32 to index
    %get3A_429 = arith.constant 24 : index
    %get3A_430 = tpu.vector_load %arg5[%get3A_428, %get3A_429] {strides = array<i32>} : memref<8x96xi32, #tpu.memory_space<vmem>>, vector<16xi32>,
    %masked_sort3A_431 = arith.constant dense<true> : vector<16xi1>
    %masked_sort3A_432 = arith.constant -2147483648 : i32
    %masked_sort3A_433 = vector.broadcast %masked_sort3A_432 : i32 to vector<16xi32>
    %masked_sort3A_434 = arith.xori %add3A_44, %masked_sort3A_433 : vector<16xi32>
    %masked_sort3A_435, %masked_sort3A_436, %masked_sort3A_437 = tpu.sort %masked_sort3A_434, %get3A_426 masked %masked_sort3A_431 : (vector<16xi32>, vector<16xi32>, vector<16xi1>) -> (vector<16xi1>, vector<16xi32>, vector<16xi32>)
    %masked_sort3A_438 = arith.xori %masked_sort3A_436, %masked_sort3A_433 : vector<16xi32>
    %masked_sort3A_439 = arith.constant dense<true> : vector<16xi1>
    %masked_sort3A_440 = arith.constant -2147483648 : i32
    %masked_sort3A_441 = vector.broadcast %masked_sort3A_440 : i32 to vector<16xi32>
    %masked_sort3A_442 = arith.xori %sub3A, %masked_sort3A_441 : vector<16xi32>
    %masked_sort3A_443, %masked_sort3A_444, %masked_sort3A_445 = tpu.sort %masked_sort3A_442, %get3A_430 masked %masked_sort3A_439 : (vector<16xi32>, vector<16xi32>, vector<16xi1>) -> (vector<16xi1>, vector<16xi32>, vector<16xi32>)
    %masked_sort3A_446 = arith.xori %masked_sort3A_444, %masked_sort3A_441 : vector<16xi32>
    %select_n3A_447 = arith.select %eq3A_61, %masked_sort3A_445, %masked_sort3A_437 : vector<16xi1>, vector<16xi32>
    %add3A_448 = arith.addi %select_n3A_447, %mul3A_8 : vector<16xi32>
    %swap3A_449 = arith.constant 192 : index
    %swap3A_450 = tpu.vector_load %arg6[%swap3A_449] {strides = array<i32>} : memref<640xi32, #tpu.memory_space<vmem>>, vector<16xi32>,
    tpu.vector_store %arg6[%swap3A_449], %add3A_448 {strides = array<i32>} : memref<640xi32, #tpu.memory_space<vmem>>, vector<16xi32>,
    %get3A_451 = arith.constant 2 : i32
    %get3A_452 = arith.index_cast %get3A_451 : i32 to index
    %get3A_453 = arith.constant 24 : index
    %get3A_454 = tpu.vector_load %arg5[%get3A_452, %get3A_453] {strides = array<i32>} : memref<8x96xi32, #tpu.memory_space<vmem>>, vector<16xi32>,
    %get3A_455 = arith.constant 3 : i32
    %get3A_456 = arith.index_cast %get3A_455 : i32 to index
    %get3A_457 = arith.constant 24 : index
    %get3A_458 = tpu.vector_load %arg5[%get3A_456, %get3A_457] {strides = array<i32>} : memref<8x96xi32, #tpu.memory_space<vmem>>, vector<16xi32>,
    %masked_sort3A_459 = arith.constant dense<true> : vector<16xi1>
    %masked_sort3A_460 = arith.constant -2147483648 : i32
    %masked_sort3A_461 = vector.broadcast %masked_sort3A_460 : i32 to vector<16xi32>
    %masked_sort3A_462 = arith.xori %add3A_44, %masked_sort3A_461 : vector<16xi32>
    %masked_sort3A_463, %masked_sort3A_464, %masked_sort3A_465 = tpu.sort %masked_sort3A_462, %get3A_454 masked %masked_sort3A_459 : (vector<16xi32>, vector<16xi32>, vector<16xi1>) -> (vector<16xi1>, vector<16xi32>, vector<16xi32>)
    %masked_sort3A_466 = arith.xori %masked_sort3A_464, %masked_sort3A_461 : vector<16xi32>
    %masked_sort3A_467 = arith.constant dense<true> : vector<16xi1>
    %masked_sort3A_468 = arith.constant -2147483648 : i32
    %masked_sort3A_469 = vector.broadcast %masked_sort3A_468 : i32 to vector<16xi32>
    %masked_sort3A_470 = arith.xori %sub3A, %masked_sort3A_469 : vector<16xi32>
    %masked_sort3A_471, %masked_sort3A_472, %masked_sort3A_473 = tpu.sort %masked_sort3A_470, %get3A_458 masked %masked_sort3A_467 : (vector<16xi32>, vector<16xi32>, vector<16xi1>) -> (vector<16xi1>, vector<16xi32>, vector<16xi32>)
    %masked_sort3A_474 = arith.xori %masked_sort3A_472, %masked_sort3A_469 : vector<16xi32>
    %select_n3A_475 = arith.select %eq3A_61, %masked_sort3A_473, %masked_sort3A_465 : vector<16xi1>, vector<16xi32>
    %add3A_476 = arith.addi %select_n3A_475, %mul3A_17 : vector<16xi32>
    %swap3A_477 = arith.constant 208 : index
    %swap3A_478 = tpu.vector_load %arg6[%swap3A_477] {strides = array<i32>} : memref<640xi32, #tpu.memory_space<vmem>>, vector<16xi32>,
    tpu.vector_store %arg6[%swap3A_477], %add3A_476 {strides = array<i32>} : memref<640xi32, #tpu.memory_space<vmem>>, vector<16xi32>,
    %get3A_479 = arith.constant 4 : i32
    %get3A_480 = arith.index_cast %get3A_479 : i32 to index
    %get3A_481 = arith.constant 24 : index
    %get3A_482 = tpu.vector_load %arg5[%get3A_480, %get3A_481] {strides = array<i32>} : memref<8x96xi32, #tpu.memory_space<vmem>>, vector<16xi32>,
    %get3A_483 = arith.constant 5 : i32
    %get3A_484 = arith.index_cast %get3A_483 : i32 to index
    %get3A_485 = arith.constant 24 : index
    %get3A_486 = tpu.vector_load %arg5[%get3A_484, %get3A_485] {strides = array<i32>} : memref<8x96xi32, #tpu.memory_space<vmem>>, vector<16xi32>,
    %masked_sort3A_487 = arith.constant dense<true> : vector<16xi1>
    %masked_sort3A_488 = arith.constant -2147483648 : i32
    %masked_sort3A_489 = vector.broadcast %masked_sort3A_488 : i32 to vector<16xi32>
    %masked_sort3A_490 = arith.xori %add3A_44, %masked_sort3A_489 : vector<16xi32>
    %masked_sort3A_491, %masked_sort3A_492, %masked_sort3A_493 = tpu.sort %masked_sort3A_490, %get3A_482 masked %masked_sort3A_487 : (vector<16xi32>, vector<16xi32>, vector<16xi1>) -> (vector<16xi1>, vector<16xi32>, vector<16xi32>)
    %masked_sort3A_494 = arith.xori %masked_sort3A_492, %masked_sort3A_489 : vector<16xi32>
    %masked_sort3A_495 = arith.constant dense<true> : vector<16xi1>
    %masked_sort3A_496 = arith.constant -2147483648 : i32
    %masked_sort3A_497 = vector.broadcast %masked_sort3A_496 : i32 to vector<16xi32>
    %masked_sort3A_498 = arith.xori %sub3A, %masked_sort3A_497 : vector<16xi32>
    %masked_sort3A_499, %masked_sort3A_500, %masked_sort3A_501 = tpu.sort %masked_sort3A_498, %get3A_486 masked %masked_sort3A_495 : (vector<16xi32>, vector<16xi32>, vector<16xi1>) -> (vector<16xi1>, vector<16xi32>, vector<16xi32>)
    %masked_sort3A_502 = arith.xori %masked_sort3A_500, %masked_sort3A_497 : vector<16xi32>
    %select_n3A_503 = arith.select %eq3A_61, %masked_sort3A_501, %masked_sort3A_493 : vector<16xi1>, vector<16xi32>
    %add3A_504 = arith.addi %select_n3A_503, %mul3A_26 : vector<16xi32>
    %swap3A_505 = arith.constant 224 : index
    %swap3A_506 = tpu.vector_load %arg6[%swap3A_505] {strides = array<i32>} : memref<640xi32, #tpu.memory_space<vmem>>, vector<16xi32>,
    tpu.vector_store %arg6[%swap3A_505], %add3A_504 {strides = array<i32>} : memref<640xi32, #tpu.memory_space<vmem>>, vector<16xi32>,
    %get3A_507 = arith.constant 6 : i32
    %get3A_508 = arith.index_cast %get3A_507 : i32 to index
    %get3A_509 = arith.constant 24 : index
    %get3A_510 = tpu.vector_load %arg5[%get3A_508, %get3A_509] {strides = array<i32>} : memref<8x96xi32, #tpu.memory_space<vmem>>, vector<16xi32>,
    %get3A_511 = arith.constant 7 : i32
    %get3A_512 = arith.index_cast %get3A_511 : i32 to index
    %get3A_513 = arith.constant 24 : index
    %get3A_514 = tpu.vector_load %arg5[%get3A_512, %get3A_513] {strides = array<i32>} : memref<8x96xi32, #tpu.memory_space<vmem>>, vector<16xi32>,
    %masked_sort3A_515 = arith.constant dense<true> : vector<16xi1>
    %masked_sort3A_516 = arith.constant -2147483648 : i32
    %masked_sort3A_517 = vector.broadcast %masked_sort3A_516 : i32 to vector<16xi32>
    %masked_sort3A_518 = arith.xori %add3A_44, %masked_sort3A_517 : vector<16xi32>
    %masked_sort3A_519, %masked_sort3A_520, %masked_sort3A_521 = tpu.sort %masked_sort3A_518, %get3A_510 masked %masked_sort3A_515 : (vector<16xi32>, vector<16xi32>, vector<16xi1>) -> (vector<16xi1>, vector<16xi32>, vector<16xi32>)
    %masked_sort3A_522 = arith.xori %masked_sort3A_520, %masked_sort3A_517 : vector<16xi32>
    %masked_sort3A_523 = arith.constant dense<true> : vector<16xi1>
    %masked_sort3A_524 = arith.constant -2147483648 : i32
    %masked_sort3A_525 = vector.broadcast %masked_sort3A_524 : i32 to vector<16xi32>
    %masked_sort3A_526 = arith.xori %sub3A, %masked_sort3A_525 : vector<16xi32>
    %masked_sort3A_527, %masked_sort3A_528, %masked_sort3A_529 = tpu.sort %masked_sort3A_526, %get3A_514 masked %masked_sort3A_523 : (vector<16xi32>, vector<16xi32>, vector<16xi1>) -> (vector<16xi1>, vector<16xi32>, vector<16xi32>)
    %masked_sort3A_530 = arith.xori %masked_sort3A_528, %masked_sort3A_525 : vector<16xi32>
    %select_n3A_531 = arith.select %eq3A_61, %masked_sort3A_529, %masked_sort3A_521 : vector<16xi1>, vector<16xi32>
    %add3A_532 = arith.addi %select_n3A_531, %mul3A_35 : vector<16xi32>
    %swap3A_533 = arith.constant 240 : index
    %swap3A_534 = tpu.vector_load %arg6[%swap3A_533] {strides = array<i32>} : memref<640xi32, #tpu.memory_space<vmem>>, vector<16xi32>,
    tpu.vector_store %arg6[%swap3A_533], %add3A_532 {strides = array<i32>} : memref<640xi32, #tpu.memory_space<vmem>>, vector<16xi32>,
    %get3A_535 = arith.constant 0 : i32
    %get3A_536 = arith.index_cast %get3A_535 : i32 to index
    %get3A_537 = arith.constant 32 : index
    %get3A_538 = tpu.vector_load %arg5[%get3A_536, %get3A_537] {strides = array<i32>} : memref<8x96xi32, #tpu.memory_space<vmem>>, vector<16xi32>,
    %get3A_539 = arith.constant 1 : i32
    %get3A_540 = arith.index_cast %get3A_539 : i32 to index
    %get3A_541 = arith.constant 32 : index
    %get3A_542 = tpu.vector_load %arg5[%get3A_540, %get3A_541] {strides = array<i32>} : memref<8x96xi32, #tpu.memory_space<vmem>>, vector<16xi32>,
    %masked_sort3A_543 = arith.constant dense<true> : vector<16xi1>
    %masked_sort3A_544 = arith.constant -2147483648 : i32
    %masked_sort3A_545 = vector.broadcast %masked_sort3A_544 : i32 to vector<16xi32>
    %masked_sort3A_546 = arith.xori %add3A_44, %masked_sort3A_545 : vector<16xi32>
    %masked_sort3A_547, %masked_sort3A_548, %masked_sort3A_549 = tpu.sort %masked_sort3A_546, %get3A_538 masked %masked_sort3A_543 : (vector<16xi32>, vector<16xi32>, vector<16xi1>) -> (vector<16xi1>, vector<16xi32>, vector<16xi32>)
    %masked_sort3A_550 = arith.xori %masked_sort3A_548, %masked_sort3A_545 : vector<16xi32>
    %masked_sort3A_551 = arith.constant dense<true> : vector<16xi1>
    %masked_sort3A_552 = arith.constant -2147483648 : i32
    %masked_sort3A_553 = vector.broadcast %masked_sort3A_552 : i32 to vector<16xi32>
    %masked_sort3A_554 = arith.xori %sub3A, %masked_sort3A_553 : vector<16xi32>
    %masked_sort3A_555, %masked_sort3A_556, %masked_sort3A_557 = tpu.sort %masked_sort3A_554, %get3A_542 masked %masked_sort3A_551 : (vector<16xi32>, vector<16xi32>, vector<16xi1>) -> (vector<16xi1>, vector<16xi32>, vector<16xi32>)
    %masked_sort3A_558 = arith.xori %masked_sort3A_556, %masked_sort3A_553 : vector<16xi32>
    %select_n3A_559 = arith.select %eq3A_61, %masked_sort3A_557, %masked_sort3A_549 : vector<16xi1>, vector<16xi32>
    %add3A_560 = arith.addi %select_n3A_559, %mul3A_8 : vector<16xi32>
    %swap3A_561 = arith.constant 256 : index
    %swap3A_562 = tpu.vector_load %arg6[%swap3A_561] {strides = array<i32>} : memref<640xi32, #tpu.memory_space<vmem>>, vector<16xi32>,
    tpu.vector_store %arg6[%swap3A_561], %add3A_560 {strides = array<i32>} : memref<640xi32, #tpu.memory_space<vmem>>, vector<16xi32>,
    %get3A_563 = arith.constant 2 : i32
    %get3A_564 = arith.index_cast %get3A_563 : i32 to index
    %get3A_565 = arith.constant 32 : index
    %get3A_566 = tpu.vector_load %arg5[%get3A_564, %get3A_565] {strides = array<i32>} : memref<8x96xi32, #tpu.memory_space<vmem>>, vector<16xi32>,
    %get3A_567 = arith.constant 3 : i32
    %get3A_568 = arith.index_cast %get3A_567 : i32 to index
    %get3A_569 = arith.constant 32 : index
    %get3A_570 = tpu.vector_load %arg5[%get3A_568, %get3A_569] {strides = array<i32>} : memref<8x96xi32, #tpu.memory_space<vmem>>, vector<16xi32>,
    %masked_sort3A_571 = arith.constant dense<true> : vector<16xi1>
    %masked_sort3A_572 = arith.constant -2147483648 : i32
    %masked_sort3A_573 = vector.broadcast %masked_sort3A_572 : i32 to vector<16xi32>
    %masked_sort3A_574 = arith.xori %add3A_44, %masked_sort3A_573 : vector<16xi32>
    %masked_sort3A_575, %masked_sort3A_576, %masked_sort3A_577 = tpu.sort %masked_sort3A_574, %get3A_566 masked %masked_sort3A_571 : (vector<16xi32>, vector<16xi32>, vector<16xi1>) -> (vector<16xi1>, vector<16xi32>, vector<16xi32>)
    %masked_sort3A_578 = arith.xori %masked_sort3A_576, %masked_sort3A_573 : vector<16xi32>
    %masked_sort3A_579 = arith.constant dense<true> : vector<16xi1>
    %masked_sort3A_580 = arith.constant -2147483648 : i32
    %masked_sort3A_581 = vector.broadcast %masked_sort3A_580 : i32 to vector<16xi32>
    %masked_sort3A_582 = arith.xori %sub3A, %masked_sort3A_581 : vector<16xi32>
    %masked_sort3A_583, %masked_sort3A_584, %masked_sort3A_585 = tpu.sort %masked_sort3A_582, %get3A_570 masked %masked_sort3A_579 : (vector<16xi32>, vector<16xi32>, vector<16xi1>) -> (vector<16xi1>, vector<16xi32>, vector<16xi32>)
    %masked_sort3A_586 = arith.xori %masked_sort3A_584, %masked_sort3A_581 : vector<16xi32>
    %select_n3A_587 = arith.select %eq3A_61, %masked_sort3A_585, %masked_sort3A_577 : vector<16xi1>, vector<16xi32>
    %add3A_588 = arith.addi %select_n3A_587, %mul3A_17 : vector<16xi32>
    %swap3A_589 = arith.constant 272 : index
    %swap3A_590 = tpu.vector_load %arg6[%swap3A_589] {strides = array<i32>} : memref<640xi32, #tpu.memory_space<vmem>>, vector<16xi32>,
    tpu.vector_store %arg6[%swap3A_589], %add3A_588 {strides = array<i32>} : memref<640xi32, #tpu.memory_space<vmem>>, vector<16xi32>,
    %get3A_591 = arith.constant 4 : i32
    %get3A_592 = arith.index_cast %get3A_591 : i32 to index
    %get3A_593 = arith.constant 32 : index
    %get3A_594 = tpu.vector_load %arg5[%get3A_592, %get3A_593] {strides = array<i32>} : memref<8x96xi32, #tpu.memory_space<vmem>>, vector<16xi32>,
    %get3A_595 = arith.constant 5 : i32
    %get3A_596 = arith.index_cast %get3A_595 : i32 to index
    %get3A_597 = arith.constant 32 : index
    %get3A_598 = tpu.vector_load %arg5[%get3A_596, %get3A_597] {strides = array<i32>} : memref<8x96xi32, #tpu.memory_space<vmem>>, vector<16xi32>,
    %masked_sort3A_599 = arith.constant dense<true> : vector<16xi1>
    %masked_sort3A_600 = arith.constant -2147483648 : i32
    %masked_sort3A_601 = vector.broadcast %masked_sort3A_600 : i32 to vector<16xi32>
    %masked_sort3A_602 = arith.xori %add3A_44, %masked_sort3A_601 : vector<16xi32>
    %masked_sort3A_603, %masked_sort3A_604, %masked_sort3A_605 = tpu.sort %masked_sort3A_602, %get3A_594 masked %masked_sort3A_599 : (vector<16xi32>, vector<16xi32>, vector<16xi1>) -> (vector<16xi1>, vector<16xi32>, vector<16xi32>)
    %masked_sort3A_606 = arith.xori %masked_sort3A_604, %masked_sort3A_601 : vector<16xi32>
    %masked_sort3A_607 = arith.constant dense<true> : vector<16xi1>
    %masked_sort3A_608 = arith.constant -2147483648 : i32
    %masked_sort3A_609 = vector.broadcast %masked_sort3A_608 : i32 to vector<16xi32>
    %masked_sort3A_610 = arith.xori %sub3A, %masked_sort3A_609 : vector<16xi32>
    %masked_sort3A_611, %masked_sort3A_612, %masked_sort3A_613 = tpu.sort %masked_sort3A_610, %get3A_598 masked %masked_sort3A_607 : (vector<16xi32>, vector<16xi32>, vector<16xi1>) -> (vector<16xi1>, vector<16xi32>, vector<16xi32>)
    %masked_sort3A_614 = arith.xori %masked_sort3A_612, %masked_sort3A_609 : vector<16xi32>
    %select_n3A_615 = arith.select %eq3A_61, %masked_sort3A_613, %masked_sort3A_605 : vector<16xi1>, vector<16xi32>
    %add3A_616 = arith.addi %select_n3A_615, %mul3A_26 : vector<16xi32>
    %swap3A_617 = arith.constant 288 : index
    %swap3A_618 = tpu.vector_load %arg6[%swap3A_617] {strides = array<i32>} : memref<640xi32, #tpu.memory_space<vmem>>, vector<16xi32>,
    tpu.vector_store %arg6[%swap3A_617], %add3A_616 {strides = array<i32>} : memref<640xi32, #tpu.memory_space<vmem>>, vector<16xi32>,
    %get3A_619 = arith.constant 6 : i32
    %get3A_620 = arith.index_cast %get3A_619 : i32 to index
    %get3A_621 = arith.constant 32 : index
    %get3A_622 = tpu.vector_load %arg5[%get3A_620, %get3A_621] {strides = array<i32>} : memref<8x96xi32, #tpu.memory_space<vmem>>, vector<16xi32>,
    %get3A_623 = arith.constant 7 : i32
    %get3A_624 = arith.index_cast %get3A_623 : i32 to index
    %get3A_625 = arith.constant 32 : index
    %get3A_626 = tpu.vector_load %arg5[%get3A_624, %get3A_625] {strides = array<i32>} : memref<8x96xi32, #tpu.memory_space<vmem>>, vector<16xi32>,
    %masked_sort3A_627 = arith.constant dense<true> : vector<16xi1>
    %masked_sort3A_628 = arith.constant -2147483648 : i32
    %masked_sort3A_629 = vector.broadcast %masked_sort3A_628 : i32 to vector<16xi32>
    %masked_sort3A_630 = arith.xori %add3A_44, %masked_sort3A_629 : vector<16xi32>
    %masked_sort3A_631, %masked_sort3A_632, %masked_sort3A_633 = tpu.sort %masked_sort3A_630, %get3A_622 masked %masked_sort3A_627 : (vector<16xi32>, vector<16xi32>, vector<16xi1>) -> (vector<16xi1>, vector<16xi32>, vector<16xi32>)
    %masked_sort3A_634 = arith.xori %masked_sort3A_632, %masked_sort3A_629 : vector<16xi32>
    %masked_sort3A_635 = arith.constant dense<true> : vector<16xi1>
    %masked_sort3A_636 = arith.constant -2147483648 : i32
    %masked_sort3A_637 = vector.broadcast %masked_sort3A_636 : i32 to vector<16xi32>
    %masked_sort3A_638 = arith.xori %sub3A, %masked_sort3A_637 : vector<16xi32>
    %masked_sort3A_639, %masked_sort3A_640, %masked_sort3A_641 = tpu.sort %masked_sort3A_638, %get3A_626 masked %masked_sort3A_635 : (vector<16xi32>, vector<16xi32>, vector<16xi1>) -> (vector<16xi1>, vector<16xi32>, vector<16xi32>)
    %masked_sort3A_642 = arith.xori %masked_sort3A_640, %masked_sort3A_637 : vector<16xi32>
    %select_n3A_643 = arith.select %eq3A_61, %masked_sort3A_641, %masked_sort3A_633 : vector<16xi1>, vector<16xi32>
    %add3A_644 = arith.addi %select_n3A_643, %mul3A_35 : vector<16xi32>
    %swap3A_645 = arith.constant 304 : index
    %swap3A_646 = tpu.vector_load %arg6[%swap3A_645] {strides = array<i32>} : memref<640xi32, #tpu.memory_space<vmem>>, vector<16xi32>,
    tpu.vector_store %arg6[%swap3A_645], %add3A_644 {strides = array<i32>} : memref<640xi32, #tpu.memory_space<vmem>>, vector<16xi32>,
    %get3A_647 = arith.constant 0 : i32
    %get3A_648 = arith.index_cast %get3A_647 : i32 to index
    %get3A_649 = arith.constant 40 : index
    %get3A_650 = tpu.vector_load %arg5[%get3A_648, %get3A_649] {strides = array<i32>} : memref<8x96xi32, #tpu.memory_space<vmem>>, vector<16xi32>,
    %get3A_651 = arith.constant 1 : i32
    %get3A_652 = arith.index_cast %get3A_651 : i32 to index
    %get3A_653 = arith.constant 40 : index
    %get3A_654 = tpu.vector_load %arg5[%get3A_652, %get3A_653] {strides = array<i32>} : memref<8x96xi32, #tpu.memory_space<vmem>>, vector<16xi32>,
    %masked_sort3A_655 = arith.constant dense<true> : vector<16xi1>
    %masked_sort3A_656 = arith.constant -2147483648 : i32
    %masked_sort3A_657 = vector.broadcast %masked_sort3A_656 : i32 to vector<16xi32>
    %masked_sort3A_658 = arith.xori %add3A_44, %masked_sort3A_657 : vector<16xi32>
    %masked_sort3A_659, %masked_sort3A_660, %masked_sort3A_661 = tpu.sort %masked_sort3A_658, %get3A_650 masked %masked_sort3A_655 : (vector<16xi32>, vector<16xi32>, vector<16xi1>) -> (vector<16xi1>, vector<16xi32>, vector<16xi32>)
    %masked_sort3A_662 = arith.xori %masked_sort3A_660, %masked_sort3A_657 : vector<16xi32>
    %masked_sort3A_663 = arith.constant dense<true> : vector<16xi1>
    %masked_sort3A_664 = arith.constant -2147483648 : i32
    %masked_sort3A_665 = vector.broadcast %masked_sort3A_664 : i32 to vector<16xi32>
    %masked_sort3A_666 = arith.xori %sub3A, %masked_sort3A_665 : vector<16xi32>
    %masked_sort3A_667, %masked_sort3A_668, %masked_sort3A_669 = tpu.sort %masked_sort3A_666, %get3A_654 masked %masked_sort3A_663 : (vector<16xi32>, vector<16xi32>, vector<16xi1>) -> (vector<16xi1>, vector<16xi32>, vector<16xi32>)
    %masked_sort3A_670 = arith.xori %masked_sort3A_668, %masked_sort3A_665 : vector<16xi32>
    %select_n3A_671 = arith.select %eq3A_61, %masked_sort3A_669, %masked_sort3A_661 : vector<16xi1>, vector<16xi32>
    %add3A_672 = arith.addi %select_n3A_671, %mul3A_8 : vector<16xi32>
    %swap3A_673 = arith.constant 320 : index
    %swap3A_674 = tpu.vector_load %arg6[%swap3A_673] {strides = array<i32>} : memref<640xi32, #tpu.memory_space<vmem>>, vector<16xi32>,
    tpu.vector_store %arg6[%swap3A_673], %add3A_672 {strides = array<i32>} : memref<640xi32, #tpu.memory_space<vmem>>, vector<16xi32>,
    %get3A_675 = arith.constant 2 : i32
    %get3A_676 = arith.index_cast %get3A_675 : i32 to index
    %get3A_677 = arith.constant 40 : index
    %get3A_678 = tpu.vector_load %arg5[%get3A_676, %get3A_677] {strides = array<i32>} : memref<8x96xi32, #tpu.memory_space<vmem>>, vector<16xi32>,
    %get3A_679 = arith.constant 3 : i32
    %get3A_680 = arith.index_cast %get3A_679 : i32 to index
    %get3A_681 = arith.constant 40 : index
    %get3A_682 = tpu.vector_load %arg5[%get3A_680, %get3A_681] {strides = array<i32>} : memref<8x96xi32, #tpu.memory_space<vmem>>, vector<16xi32>,
    %masked_sort3A_683 = arith.constant dense<true> : vector<16xi1>
    %masked_sort3A_684 = arith.constant -2147483648 : i32
    %masked_sort3A_685 = vector.broadcast %masked_sort3A_684 : i32 to vector<16xi32>
    %masked_sort3A_686 = arith.xori %add3A_44, %masked_sort3A_685 : vector<16xi32>
    %masked_sort3A_687, %masked_sort3A_688, %masked_sort3A_689 = tpu.sort %masked_sort3A_686, %get3A_678 masked %masked_sort3A_683 : (vector<16xi32>, vector<16xi32>, vector<16xi1>) -> (vector<16xi1>, vector<16xi32>, vector<16xi32>)
    %masked_sort3A_690 = arith.xori %masked_sort3A_688, %masked_sort3A_685 : vector<16xi32>
    %masked_sort3A_691 = arith.constant dense<true> : vector<16xi1>
    %masked_sort3A_692 = arith.constant -2147483648 : i32
    %masked_sort3A_693 = vector.broadcast %masked_sort3A_692 : i32 to vector<16xi32>
    %masked_sort3A_694 = arith.xori %sub3A, %masked_sort3A_693 : vector<16xi32>
    %masked_sort3A_695, %masked_sort3A_696, %masked_sort3A_697 = tpu.sort %masked_sort3A_694, %get3A_682 masked %masked_sort3A_691 : (vector<16xi32>, vector<16xi32>, vector<16xi1>) -> (vector<16xi1>, vector<16xi32>, vector<16xi32>)
    %masked_sort3A_698 = arith.xori %masked_sort3A_696, %masked_sort3A_693 : vector<16xi32>
    %select_n3A_699 = arith.select %eq3A_61, %masked_sort3A_697, %masked_sort3A_689 : vector<16xi1>, vector<16xi32>
    %add3A_700 = arith.addi %select_n3A_699, %mul3A_17 : vector<16xi32>
    %swap3A_701 = arith.constant 336 : index
    %swap3A_702 = tpu.vector_load %arg6[%swap3A_701] {strides = array<i32>} : memref<640xi32, #tpu.memory_space<vmem>>, vector<16xi32>,
    tpu.vector_store %arg6[%swap3A_701], %add3A_700 {strides = array<i32>} : memref<640xi32, #tpu.memory_space<vmem>>, vector<16xi32>,
    %get3A_703 = arith.constant 4 : i32
    %get3A_704 = arith.index_cast %get3A_703 : i32 to index
    %get3A_705 = arith.constant 40 : index
    %get3A_706 = tpu.vector_load %arg5[%get3A_704, %get3A_705] {strides = array<i32>} : memref<8x96xi32, #tpu.memory_space<vmem>>, vector<16xi32>,
    %get3A_707 = arith.constant 5 : i32
    %get3A_708 = arith.index_cast %get3A_707 : i32 to index
    %get3A_709 = arith.constant 40 : index
    %get3A_710 = tpu.vector_load %arg5[%get3A_708, %get3A_709] {strides = array<i32>} : memref<8x96xi32, #tpu.memory_space<vmem>>, vector<16xi32>,
    %masked_sort3A_711 = arith.constant dense<true> : vector<16xi1>
    %masked_sort3A_712 = arith.constant -2147483648 : i32
    %masked_sort3A_713 = vector.broadcast %masked_sort3A_712 : i32 to vector<16xi32>
    %masked_sort3A_714 = arith.xori %add3A_44, %masked_sort3A_713 : vector<16xi32>
    %masked_sort3A_715, %masked_sort3A_716, %masked_sort3A_717 = tpu.sort %masked_sort3A_714, %get3A_706 masked %masked_sort3A_711 : (vector<16xi32>, vector<16xi32>, vector<16xi1>) -> (vector<16xi1>, vector<16xi32>, vector<16xi32>)
    %masked_sort3A_718 = arith.xori %masked_sort3A_716, %masked_sort3A_713 : vector<16xi32>
    %masked_sort3A_719 = arith.constant dense<true> : vector<16xi1>
    %masked_sort3A_720 = arith.constant -2147483648 : i32
    %masked_sort3A_721 = vector.broadcast %masked_sort3A_720 : i32 to vector<16xi32>
    %masked_sort3A_722 = arith.xori %sub3A, %masked_sort3A_721 : vector<16xi32>
    %masked_sort3A_723, %masked_sort3A_724, %masked_sort3A_725 = tpu.sort %masked_sort3A_722, %get3A_710 masked %masked_sort3A_719 : (vector<16xi32>, vector<16xi32>, vector<16xi1>) -> (vector<16xi1>, vector<16xi32>, vector<16xi32>)
    %masked_sort3A_726 = arith.xori %masked_sort3A_724, %masked_sort3A_721 : vector<16xi32>
    %select_n3A_727 = arith.select %eq3A_61, %masked_sort3A_725, %masked_sort3A_717 : vector<16xi1>, vector<16xi32>
    %add3A_728 = arith.addi %select_n3A_727, %mul3A_26 : vector<16xi32>
    %swap3A_729 = arith.constant 352 : index
    %swap3A_730 = tpu.vector_load %arg6[%swap3A_729] {strides = array<i32>} : memref<640xi32, #tpu.memory_space<vmem>>, vector<16xi32>,
    tpu.vector_store %arg6[%swap3A_729], %add3A_728 {strides = array<i32>} : memref<640xi32, #tpu.memory_space<vmem>>, vector<16xi32>,
    %get3A_731 = arith.constant 6 : i32
    %get3A_732 = arith.index_cast %get3A_731 : i32 to index
    %get3A_733 = arith.constant 40 : index
    %get3A_734 = tpu.vector_load %arg5[%get3A_732, %get3A_733] {strides = array<i32>} : memref<8x96xi32, #tpu.memory_space<vmem>>, vector<16xi32>,
    %get3A_735 = arith.constant 7 : i32
    %get3A_736 = arith.index_cast %get3A_735 : i32 to index
    %get3A_737 = arith.constant 40 : index
    %get3A_738 = tpu.vector_load %arg5[%get3A_736, %get3A_737] {strides = array<i32>} : memref<8x96xi32, #tpu.memory_space<vmem>>, vector<16xi32>,
    %masked_sort3A_739 = arith.constant dense<true> : vector<16xi1>
    %masked_sort3A_740 = arith.constant -2147483648 : i32
    %masked_sort3A_741 = vector.broadcast %masked_sort3A_740 : i32 to vector<16xi32>
    %masked_sort3A_742 = arith.xori %add3A_44, %masked_sort3A_741 : vector<16xi32>
    %masked_sort3A_743, %masked_sort3A_744, %masked_sort3A_745 = tpu.sort %masked_sort3A_742, %get3A_734 masked %masked_sort3A_739 : (vector<16xi32>, vector<16xi32>, vector<16xi1>) -> (vector<16xi1>, vector<16xi32>, vector<16xi32>)
    %masked_sort3A_746 = arith.xori %masked_sort3A_744, %masked_sort3A_741 : vector<16xi32>
    %masked_sort3A_747 = arith.constant dense<true> : vector<16xi1>
    %masked_sort3A_748 = arith.constant -2147483648 : i32
    %masked_sort3A_749 = vector.broadcast %masked_sort3A_748 : i32 to vector<16xi32>
    %masked_sort3A_750 = arith.xori %sub3A, %masked_sort3A_749 : vector<16xi32>
    %masked_sort3A_751, %masked_sort3A_752, %masked_sort3A_753 = tpu.sort %masked_sort3A_750, %get3A_738 masked %masked_sort3A_747 : (vector<16xi32>, vector<16xi32>, vector<16xi1>) -> (vector<16xi1>, vector<16xi32>, vector<16xi32>)
    %masked_sort3A_754 = arith.xori %masked_sort3A_752, %masked_sort3A_749 : vector<16xi32>
    %select_n3A_755 = arith.select %eq3A_61, %masked_sort3A_753, %masked_sort3A_745 : vector<16xi1>, vector<16xi32>
    %add3A_756 = arith.addi %select_n3A_755, %mul3A_35 : vector<16xi32>
    %swap3A_757 = arith.constant 368 : index
    %swap3A_758 = tpu.vector_load %arg6[%swap3A_757] {strides = array<i32>} : memref<640xi32, #tpu.memory_space<vmem>>, vector<16xi32>,
    tpu.vector_store %arg6[%swap3A_757], %add3A_756 {strides = array<i32>} : memref<640xi32, #tpu.memory_space<vmem>>, vector<16xi32>,
    %get3A_759 = arith.constant 0 : i32
    %get3A_760 = arith.index_cast %get3A_759 : i32 to index
    %get3A_761 = arith.constant 48 : index
    %get3A_762 = tpu.vector_load %arg5[%get3A_760, %get3A_761] {strides = array<i32>} : memref<8x96xi32, #tpu.memory_space<vmem>>, vector<16xi32>,
    %get3A_763 = arith.constant 1 : i32
    %get3A_764 = arith.index_cast %get3A_763 : i32 to index
    %get3A_765 = arith.constant 48 : index
    %get3A_766 = tpu.vector_load %arg5[%get3A_764, %get3A_765] {strides = array<i32>} : memref<8x96xi32, #tpu.memory_space<vmem>>, vector<16xi32>,
    %masked_sort3A_767 = arith.constant dense<true> : vector<16xi1>
    %masked_sort3A_768 = arith.constant -2147483648 : i32
    %masked_sort3A_769 = vector.broadcast %masked_sort3A_768 : i32 to vector<16xi32>
    %masked_sort3A_770 = arith.xori %add3A_44, %masked_sort3A_769 : vector<16xi32>
    %masked_sort3A_771, %masked_sort3A_772, %masked_sort3A_773 = tpu.sort %masked_sort3A_770, %get3A_762 masked %masked_sort3A_767 : (vector<16xi32>, vector<16xi32>, vector<16xi1>) -> (vector<16xi1>, vector<16xi32>, vector<16xi32>)
    %masked_sort3A_774 = arith.xori %masked_sort3A_772, %masked_sort3A_769 : vector<16xi32>
    %masked_sort3A_775 = arith.constant dense<true> : vector<16xi1>
    %masked_sort3A_776 = arith.constant -2147483648 : i32
    %masked_sort3A_777 = vector.broadcast %masked_sort3A_776 : i32 to vector<16xi32>
    %masked_sort3A_778 = arith.xori %sub3A, %masked_sort3A_777 : vector<16xi32>
    %masked_sort3A_779, %masked_sort3A_780, %masked_sort3A_781 = tpu.sort %masked_sort3A_778, %get3A_766 masked %masked_sort3A_775 : (vector<16xi32>, vector<16xi32>, vector<16xi1>) -> (vector<16xi1>, vector<16xi32>, vector<16xi32>)
    %masked_sort3A_782 = arith.xori %masked_sort3A_780, %masked_sort3A_777 : vector<16xi32>
    %select_n3A_783 = arith.select %eq3A_61, %masked_sort3A_781, %masked_sort3A_773 : vector<16xi1>, vector<16xi32>
    %add3A_784 = arith.addi %select_n3A_783, %mul3A_8 : vector<16xi32>
    %swap3A_785 = arith.constant 384 : index
    %swap3A_786 = tpu.vector_load %arg6[%swap3A_785] {strides = array<i32>} : memref<640xi32, #tpu.memory_space<vmem>>, vector<16xi32>,
    tpu.vector_store %arg6[%swap3A_785], %add3A_784 {strides = array<i32>} : memref<640xi32, #tpu.memory_space<vmem>>, vector<16xi32>,
    %get3A_787 = arith.constant 2 : i32
    %get3A_788 = arith.index_cast %get3A_787 : i32 to index
    %get3A_789 = arith.constant 48 : index
    %get3A_790 = tpu.vector_load %arg5[%get3A_788, %get3A_789] {strides = array<i32>} : memref<8x96xi32, #tpu.memory_space<vmem>>, vector<16xi32>,
    %get3A_791 = arith.constant 3 : i32
    %get3A_792 = arith.index_cast %get3A_791 : i32 to index
    %get3A_793 = arith.constant 48 : index
    %get3A_794 = tpu.vector_load %arg5[%get3A_792, %get3A_793] {strides = array<i32>} : memref<8x96xi32, #tpu.memory_space<vmem>>, vector<16xi32>,
    %masked_sort3A_795 = arith.constant dense<true> : vector<16xi1>
    %masked_sort3A_796 = arith.constant -2147483648 : i32
    %masked_sort3A_797 = vector.broadcast %masked_sort3A_796 : i32 to vector<16xi32>
    %masked_sort3A_798 = arith.xori %add3A_44, %masked_sort3A_797 : vector<16xi32>
    %masked_sort3A_799, %masked_sort3A_800, %masked_sort3A_801 = tpu.sort %masked_sort3A_798, %get3A_790 masked %masked_sort3A_795 : (vector<16xi32>, vector<16xi32>, vector<16xi1>) -> (vector<16xi1>, vector<16xi32>, vector<16xi32>)
    %masked_sort3A_802 = arith.xori %masked_sort3A_800, %masked_sort3A_797 : vector<16xi32>
    %masked_sort3A_803 = arith.constant dense<true> : vector<16xi1>
    %masked_sort3A_804 = arith.constant -2147483648 : i32
    %masked_sort3A_805 = vector.broadcast %masked_sort3A_804 : i32 to vector<16xi32>
    %masked_sort3A_806 = arith.xori %sub3A, %masked_sort3A_805 : vector<16xi32>
    %masked_sort3A_807, %masked_sort3A_808, %masked_sort3A_809 = tpu.sort %masked_sort3A_806, %get3A_794 masked %masked_sort3A_803 : (vector<16xi32>, vector<16xi32>, vector<16xi1>) -> (vector<16xi1>, vector<16xi32>, vector<16xi32>)
    %masked_sort3A_810 = arith.xori %masked_sort3A_808, %masked_sort3A_805 : vector<16xi32>
    %select_n3A_811 = arith.select %eq3A_61, %masked_sort3A_809, %masked_sort3A_801 : vector<16xi1>, vector<16xi32>
    %add3A_812 = arith.addi %select_n3A_811, %mul3A_17 : vector<16xi32>
    %swap3A_813 = arith.constant 400 : index
    %swap3A_814 = tpu.vector_load %arg6[%swap3A_813] {strides = array<i32>} : memref<640xi32, #tpu.memory_space<vmem>>, vector<16xi32>,
    tpu.vector_store %arg6[%swap3A_813], %add3A_812 {strides = array<i32>} : memref<640xi32, #tpu.memory_space<vmem>>, vector<16xi32>,
    %get3A_815 = arith.constant 4 : i32
    %get3A_816 = arith.index_cast %get3A_815 : i32 to index
    %get3A_817 = arith.constant 48 : index
    %get3A_818 = tpu.vector_load %arg5[%get3A_816, %get3A_817] {strides = array<i32>} : memref<8x96xi32, #tpu.memory_space<vmem>>, vector<16xi32>,
    %get3A_819 = arith.constant 5 : i32
    %get3A_820 = arith.index_cast %get3A_819 : i32 to index
    %get3A_821 = arith.constant 48 : index
    %get3A_822 = tpu.vector_load %arg5[%get3A_820, %get3A_821] {strides = array<i32>} : memref<8x96xi32, #tpu.memory_space<vmem>>, vector<16xi32>,
    %masked_sort3A_823 = arith.constant dense<true> : vector<16xi1>
    %masked_sort3A_824 = arith.constant -2147483648 : i32
    %masked_sort3A_825 = vector.broadcast %masked_sort3A_824 : i32 to vector<16xi32>
    %masked_sort3A_826 = arith.xori %add3A_44, %masked_sort3A_825 : vector<16xi32>
    %masked_sort3A_827, %masked_sort3A_828, %masked_sort3A_829 = tpu.sort %masked_sort3A_826, %get3A_818 masked %masked_sort3A_823 : (vector<16xi32>, vector<16xi32>, vector<16xi1>) -> (vector<16xi1>, vector<16xi32>, vector<16xi32>)
    %masked_sort3A_830 = arith.xori %masked_sort3A_828, %masked_sort3A_825 : vector<16xi32>
    %masked_sort3A_831 = arith.constant dense<true> : vector<16xi1>
    %masked_sort3A_832 = arith.constant -2147483648 : i32
    %masked_sort3A_833 = vector.broadcast %masked_sort3A_832 : i32 to vector<16xi32>
    %masked_sort3A_834 = arith.xori %sub3A, %masked_sort3A_833 : vector<16xi32>
    %masked_sort3A_835, %masked_sort3A_836, %masked_sort3A_837 = tpu.sort %masked_sort3A_834, %get3A_822 masked %masked_sort3A_831 : (vector<16xi32>, vector<16xi32>, vector<16xi1>) -> (vector<16xi1>, vector<16xi32>, vector<16xi32>)
    %masked_sort3A_838 = arith.xori %masked_sort3A_836, %masked_sort3A_833 : vector<16xi32>
    %select_n3A_839 = arith.select %eq3A_61, %masked_sort3A_837, %masked_sort3A_829 : vector<16xi1>, vector<16xi32>
    %add3A_840 = arith.addi %select_n3A_839, %mul3A_26 : vector<16xi32>
    %swap3A_841 = arith.constant 416 : index
    %swap3A_842 = tpu.vector_load %arg6[%swap3A_841] {strides = array<i32>} : memref<640xi32, #tpu.memory_space<vmem>>, vector<16xi32>,
    tpu.vector_store %arg6[%swap3A_841], %add3A_840 {strides = array<i32>} : memref<640xi32, #tpu.memory_space<vmem>>, vector<16xi32>,
    %get3A_843 = arith.constant 6 : i32
    %get3A_844 = arith.index_cast %get3A_843 : i32 to index
    %get3A_845 = arith.constant 48 : index
    %get3A_846 = tpu.vector_load %arg5[%get3A_844, %get3A_845] {strides = array<i32>} : memref<8x96xi32, #tpu.memory_space<vmem>>, vector<16xi32>,
    %get3A_847 = arith.constant 7 : i32
    %get3A_848 = arith.index_cast %get3A_847 : i32 to index
    %get3A_849 = arith.constant 48 : index
    %get3A_850 = tpu.vector_load %arg5[%get3A_848, %get3A_849] {strides = array<i32>} : memref<8x96xi32, #tpu.memory_space<vmem>>, vector<16xi32>,
    %masked_sort3A_851 = arith.constant dense<true> : vector<16xi1>
    %masked_sort3A_852 = arith.constant -2147483648 : i32
    %masked_sort3A_853 = vector.broadcast %masked_sort3A_852 : i32 to vector<16xi32>
    %masked_sort3A_854 = arith.xori %add3A_44, %masked_sort3A_853 : vector<16xi32>
    %masked_sort3A_855, %masked_sort3A_856, %masked_sort3A_857 = tpu.sort %masked_sort3A_854, %get3A_846 masked %masked_sort3A_851 : (vector<16xi32>, vector<16xi32>, vector<16xi1>) -> (vector<16xi1>, vector<16xi32>, vector<16xi32>)
    %masked_sort3A_858 = arith.xori %masked_sort3A_856, %masked_sort3A_853 : vector<16xi32>
    %masked_sort3A_859 = arith.constant dense<true> : vector<16xi1>
    %masked_sort3A_860 = arith.constant -2147483648 : i32
    %masked_sort3A_861 = vector.broadcast %masked_sort3A_860 : i32 to vector<16xi32>
    %masked_sort3A_862 = arith.xori %sub3A, %masked_sort3A_861 : vector<16xi32>
    %masked_sort3A_863, %masked_sort3A_864, %masked_sort3A_865 = tpu.sort %masked_sort3A_862, %get3A_850 masked %masked_sort3A_859 : (vector<16xi32>, vector<16xi32>, vector<16xi1>) -> (vector<16xi1>, vector<16xi32>, vector<16xi32>)
    %masked_sort3A_866 = arith.xori %masked_sort3A_864, %masked_sort3A_861 : vector<16xi32>
    %select_n3A_867 = arith.select %eq3A_61, %masked_sort3A_865, %masked_sort3A_857 : vector<16xi1>, vector<16xi32>
    %add3A_868 = arith.addi %select_n3A_867, %mul3A_35 : vector<16xi32>
    %swap3A_869 = arith.constant 432 : index
    %swap3A_870 = tpu.vector_load %arg6[%swap3A_869] {strides = array<i32>} : memref<640xi32, #tpu.memory_space<vmem>>, vector<16xi32>,
    tpu.vector_store %arg6[%swap3A_869], %add3A_868 {strides = array<i32>} : memref<640xi32, #tpu.memory_space<vmem>>, vector<16xi32>,
    %get3A_871 = arith.constant 0 : i32
    %get3A_872 = arith.index_cast %get3A_871 : i32 to index
    %get3A_873 = arith.constant 56 : index
    %get3A_874 = tpu.vector_load %arg5[%get3A_872, %get3A_873] {strides = array<i32>} : memref<8x96xi32, #tpu.memory_space<vmem>>, vector<16xi32>,
    %get3A_875 = arith.constant 1 : i32
    %get3A_876 = arith.index_cast %get3A_875 : i32 to index
    %get3A_877 = arith.constant 56 : index
    %get3A_878 = tpu.vector_load %arg5[%get3A_876, %get3A_877] {strides = array<i32>} : memref<8x96xi32, #tpu.memory_space<vmem>>, vector<16xi32>,
    %masked_sort3A_879 = arith.constant dense<true> : vector<16xi1>
    %masked_sort3A_880 = arith.constant -2147483648 : i32
    %masked_sort3A_881 = vector.broadcast %masked_sort3A_880 : i32 to vector<16xi32>
    %masked_sort3A_882 = arith.xori %add3A_44, %masked_sort3A_881 : vector<16xi32>
    %masked_sort3A_883, %masked_sort3A_884, %masked_sort3A_885 = tpu.sort %masked_sort3A_882, %get3A_874 masked %masked_sort3A_879 : (vector<16xi32>, vector<16xi32>, vector<16xi1>) -> (vector<16xi1>, vector<16xi32>, vector<16xi32>)
    %masked_sort3A_886 = arith.xori %masked_sort3A_884, %masked_sort3A_881 : vector<16xi32>
    %masked_sort3A_887 = arith.constant dense<true> : vector<16xi1>
    %masked_sort3A_888 = arith.constant -2147483648 : i32
    %masked_sort3A_889 = vector.broadcast %masked_sort3A_888 : i32 to vector<16xi32>
    %masked_sort3A_890 = arith.xori %sub3A, %masked_sort3A_889 : vector<16xi32>
    %masked_sort3A_891, %masked_sort3A_892, %masked_sort3A_893 = tpu.sort %masked_sort3A_890, %get3A_878 masked %masked_sort3A_887 : (vector<16xi32>, vector<16xi32>, vector<16xi1>) -> (vector<16xi1>, vector<16xi32>, vector<16xi32>)
    %masked_sort3A_894 = arith.xori %masked_sort3A_892, %masked_sort3A_889 : vector<16xi32>
    %select_n3A_895 = arith.select %eq3A_61, %masked_sort3A_893, %masked_sort3A_885 : vector<16xi1>, vector<16xi32>
    %add3A_896 = arith.addi %select_n3A_895, %mul3A_8 : vector<16xi32>
    %swap3A_897 = arith.constant 448 : index
    %swap3A_898 = tpu.vector_load %arg6[%swap3A_897] {strides = array<i32>} : memref<640xi32, #tpu.memory_space<vmem>>, vector<16xi32>,
    tpu.vector_store %arg6[%swap3A_897], %add3A_896 {strides = array<i32>} : memref<640xi32, #tpu.memory_space<vmem>>, vector<16xi32>,
    %get3A_899 = arith.constant 2 : i32
    %get3A_900 = arith.index_cast %get3A_899 : i32 to index
    %get3A_901 = arith.constant 56 : index
    %get3A_902 = tpu.vector_load %arg5[%get3A_900, %get3A_901] {strides = array<i32>} : memref<8x96xi32, #tpu.memory_space<vmem>>, vector<16xi32>,
    %get3A_903 = arith.constant 3 : i32
    %get3A_904 = arith.index_cast %get3A_903 : i32 to index
    %get3A_905 = arith.constant 56 : index
    %get3A_906 = tpu.vector_load %arg5[%get3A_904, %get3A_905] {strides = array<i32>} : memref<8x96xi32, #tpu.memory_space<vmem>>, vector<16xi32>,
    %masked_sort3A_907 = arith.constant dense<true> : vector<16xi1>
    %masked_sort3A_908 = arith.constant -2147483648 : i32
    %masked_sort3A_909 = vector.broadcast %masked_sort3A_908 : i32 to vector<16xi32>
    %masked_sort3A_910 = arith.xori %add3A_44, %masked_sort3A_909 : vector<16xi32>
    %masked_sort3A_911, %masked_sort3A_912, %masked_sort3A_913 = tpu.sort %masked_sort3A_910, %get3A_902 masked %masked_sort3A_907 : (vector<16xi32>, vector<16xi32>, vector<16xi1>) -> (vector<16xi1>, vector<16xi32>, vector<16xi32>)
    %masked_sort3A_914 = arith.xori %masked_sort3A_912, %masked_sort3A_909 : vector<16xi32>
    %masked_sort3A_915 = arith.constant dense<true> : vector<16xi1>
    %masked_sort3A_916 = arith.constant -2147483648 : i32
    %masked_sort3A_917 = vector.broadcast %masked_sort3A_916 : i32 to vector<16xi32>
    %masked_sort3A_918 = arith.xori %sub3A, %masked_sort3A_917 : vector<16xi32>
    %masked_sort3A_919, %masked_sort3A_920, %masked_sort3A_921 = tpu.sort %masked_sort3A_918, %get3A_906 masked %masked_sort3A_915 : (vector<16xi32>, vector<16xi32>, vector<16xi1>) -> (vector<16xi1>, vector<16xi32>, vector<16xi32>)
    %masked_sort3A_922 = arith.xori %masked_sort3A_920, %masked_sort3A_917 : vector<16xi32>
    %select_n3A_923 = arith.select %eq3A_61, %masked_sort3A_921, %masked_sort3A_913 : vector<16xi1>, vector<16xi32>
    %add3A_924 = arith.addi %select_n3A_923, %mul3A_17 : vector<16xi32>
    %swap3A_925 = arith.constant 464 : index
    %swap3A_926 = tpu.vector_load %arg6[%swap3A_925] {strides = array<i32>} : memref<640xi32, #tpu.memory_space<vmem>>, vector<16xi32>,
    tpu.vector_store %arg6[%swap3A_925], %add3A_924 {strides = array<i32>} : memref<640xi32, #tpu.memory_space<vmem>>, vector<16xi32>,
    %get3A_927 = arith.constant 4 : i32
    %get3A_928 = arith.index_cast %get3A_927 : i32 to index
    %get3A_929 = arith.constant 56 : index
    %get3A_930 = tpu.vector_load %arg5[%get3A_928, %get3A_929] {strides = array<i32>} : memref<8x96xi32, #tpu.memory_space<vmem>>, vector<16xi32>,
    %get3A_931 = arith.constant 5 : i32
    %get3A_932 = arith.index_cast %get3A_931 : i32 to index
    %get3A_933 = arith.constant 56 : index
    %get3A_934 = tpu.vector_load %arg5[%get3A_932, %get3A_933] {strides = array<i32>} : memref<8x96xi32, #tpu.memory_space<vmem>>, vector<16xi32>,
    %masked_sort3A_935 = arith.constant dense<true> : vector<16xi1>
    %masked_sort3A_936 = arith.constant -2147483648 : i32
    %masked_sort3A_937 = vector.broadcast %masked_sort3A_936 : i32 to vector<16xi32>
    %masked_sort3A_938 = arith.xori %add3A_44, %masked_sort3A_937 : vector<16xi32>
    %masked_sort3A_939, %masked_sort3A_940, %masked_sort3A_941 = tpu.sort %masked_sort3A_938, %get3A_930 masked %masked_sort3A_935 : (vector<16xi32>, vector<16xi32>, vector<16xi1>) -> (vector<16xi1>, vector<16xi32>, vector<16xi32>)
    %masked_sort3A_942 = arith.xori %masked_sort3A_940, %masked_sort3A_937 : vector<16xi32>
    %masked_sort3A_943 = arith.constant dense<true> : vector<16xi1>
    %masked_sort3A_944 = arith.constant -2147483648 : i32
    %masked_sort3A_945 = vector.broadcast %masked_sort3A_944 : i32 to vector<16xi32>
    %masked_sort3A_946 = arith.xori %sub3A, %masked_sort3A_945 : vector<16xi32>
    %masked_sort3A_947, %masked_sort3A_948, %masked_sort3A_949 = tpu.sort %masked_sort3A_946, %get3A_934 masked %masked_sort3A_943 : (vector<16xi32>, vector<16xi32>, vector<16xi1>) -> (vector<16xi1>, vector<16xi32>, vector<16xi32>)
    %masked_sort3A_950 = arith.xori %masked_sort3A_948, %masked_sort3A_945 : vector<16xi32>
    %select_n3A_951 = arith.select %eq3A_61, %masked_sort3A_949, %masked_sort3A_941 : vector<16xi1>, vector<16xi32>
    %add3A_952 = arith.addi %select_n3A_951, %mul3A_26 : vector<16xi32>
    %swap3A_953 = arith.constant 480 : index
    %swap3A_954 = tpu.vector_load %arg6[%swap3A_953] {strides = array<i32>} : memref<640xi32, #tpu.memory_space<vmem>>, vector<16xi32>,
    tpu.vector_store %arg6[%swap3A_953], %add3A_952 {strides = array<i32>} : memref<640xi32, #tpu.memory_space<vmem>>, vector<16xi32>,
    %get3A_955 = arith.constant 6 : i32
    %get3A_956 = arith.index_cast %get3A_955 : i32 to index
    %get3A_957 = arith.constant 56 : index
    %get3A_958 = tpu.vector_load %arg5[%get3A_956, %get3A_957] {strides = array<i32>} : memref<8x96xi32, #tpu.memory_space<vmem>>, vector<16xi32>,
    %get3A_959 = arith.constant 7 : i32
    %get3A_960 = arith.index_cast %get3A_959 : i32 to index
    %get3A_961 = arith.constant 56 : index
    %get3A_962 = tpu.vector_load %arg5[%get3A_960, %get3A_961] {strides = array<i32>} : memref<8x96xi32, #tpu.memory_space<vmem>>, vector<16xi32>,
    %masked_sort3A_963 = arith.constant dense<true> : vector<16xi1>
    %masked_sort3A_964 = arith.constant -2147483648 : i32
    %masked_sort3A_965 = vector.broadcast %masked_sort3A_964 : i32 to vector<16xi32>
    %masked_sort3A_966 = arith.xori %add3A_44, %masked_sort3A_965 : vector<16xi32>
    %masked_sort3A_967, %masked_sort3A_968, %masked_sort3A_969 = tpu.sort %masked_sort3A_966, %get3A_958 masked %masked_sort3A_963 : (vector<16xi32>, vector<16xi32>, vector<16xi1>) -> (vector<16xi1>, vector<16xi32>, vector<16xi32>)
    %masked_sort3A_970 = arith.xori %masked_sort3A_968, %masked_sort3A_965 : vector<16xi32>
    %masked_sort3A_971 = arith.constant dense<true> : vector<16xi1>
    %masked_sort3A_972 = arith.constant -2147483648 : i32
    %masked_sort3A_973 = vector.broadcast %masked_sort3A_972 : i32 to vector<16xi32>
    %masked_sort3A_974 = arith.xori %sub3A, %masked_sort3A_973 : vector<16xi32>
    %masked_sort3A_975, %masked_sort3A_976, %masked_sort3A_977 = tpu.sort %masked_sort3A_974, %get3A_962 masked %masked_sort3A_971 : (vector<16xi32>, vector<16xi32>, vector<16xi1>) -> (vector<16xi1>, vector<16xi32>, vector<16xi32>)
    %masked_sort3A_978 = arith.xori %masked_sort3A_976, %masked_sort3A_973 : vector<16xi32>
    %select_n3A_979 = arith.select %eq3A_61, %masked_sort3A_977, %masked_sort3A_969 : vector<16xi1>, vector<16xi32>
    %add3A_980 = arith.addi %select_n3A_979, %mul3A_35 : vector<16xi32>
    %swap3A_981 = arith.constant 496 : index
    %swap3A_982 = tpu.vector_load %arg6[%swap3A_981] {strides = array<i32>} : memref<640xi32, #tpu.memory_space<vmem>>, vector<16xi32>,
    tpu.vector_store %arg6[%swap3A_981], %add3A_980 {strides = array<i32>} : memref<640xi32, #tpu.memory_space<vmem>>, vector<16xi32>,
    %get3A_983 = arith.constant 0 : i32
    %get3A_984 = arith.index_cast %get3A_983 : i32 to index
    %get3A_985 = arith.constant 64 : index
    %get3A_986 = tpu.vector_load %arg5[%get3A_984, %get3A_985] {strides = array<i32>} : memref<8x96xi32, #tpu.memory_space<vmem>>, vector<16xi32>,
    %get3A_987 = arith.constant 1 : i32
    %get3A_988 = arith.index_cast %get3A_987 : i32 to index
    %get3A_989 = arith.constant 64 : index
    %get3A_990 = tpu.vector_load %arg5[%get3A_988, %get3A_989] {strides = array<i32>} : memref<8x96xi32, #tpu.memory_space<vmem>>, vector<16xi32>,
    %masked_sort3A_991 = arith.constant dense<true> : vector<16xi1>
    %masked_sort3A_992 = arith.constant -2147483648 : i32
    %masked_sort3A_993 = vector.broadcast %masked_sort3A_992 : i32 to vector<16xi32>
    %masked_sort3A_994 = arith.xori %add3A_44, %masked_sort3A_993 : vector<16xi32>
    %masked_sort3A_995, %masked_sort3A_996, %masked_sort3A_997 = tpu.sort %masked_sort3A_994, %get3A_986 masked %masked_sort3A_991 : (vector<16xi32>, vector<16xi32>, vector<16xi1>) -> (vector<16xi1>, vector<16xi32>, vector<16xi32>)
    %masked_sort3A_998 = arith.xori %masked_sort3A_996, %masked_sort3A_993 : vector<16xi32>
    %masked_sort3A_999 = arith.constant dense<true> : vector<16xi1>
    %masked_sort3A_1000 = arith.constant -2147483648 : i32
    %masked_sort3A_1001 = vector.broadcast %masked_sort3A_1000 : i32 to vector<16xi32>
    %masked_sort3A_1002 = arith.xori %sub3A, %masked_sort3A_1001 : vector<16xi32>
    %masked_sort3A_1003, %masked_sort3A_1004, %masked_sort3A_1005 = tpu.sort %masked_sort3A_1002, %get3A_990 masked %masked_sort3A_999 : (vector<16xi32>, vector<16xi32>, vector<16xi1>) -> (vector<16xi1>, vector<16xi32>, vector<16xi32>)
    %masked_sort3A_1006 = arith.xori %masked_sort3A_1004, %masked_sort3A_1001 : vector<16xi32>
    %select_n3A_1007 = arith.select %eq3A_61, %masked_sort3A_1005, %masked_sort3A_997 : vector<16xi1>, vector<16xi32>
    %add3A_1008 = arith.addi %select_n3A_1007, %mul3A_8 : vector<16xi32>
    %swap3A_1009 = arith.constant 512 : index
    %swap3A_1010 = tpu.vector_load %arg6[%swap3A_1009] {strides = array<i32>} : memref<640xi32, #tpu.memory_space<vmem>>, vector<16xi32>,
    tpu.vector_store %arg6[%swap3A_1009], %add3A_1008 {strides = array<i32>} : memref<640xi32, #tpu.memory_space<vmem>>, vector<16xi32>,
    %get3A_1011 = arith.constant 2 : i32
    %get3A_1012 = arith.index_cast %get3A_1011 : i32 to index
    %get3A_1013 = arith.constant 64 : index
    %get3A_1014 = tpu.vector_load %arg5[%get3A_1012, %get3A_1013] {strides = array<i32>} : memref<8x96xi32, #tpu.memory_space<vmem>>, vector<16xi32>,
    %get3A_1015 = arith.constant 3 : i32
    %get3A_1016 = arith.index_cast %get3A_1015 : i32 to index
    %get3A_1017 = arith.constant 64 : index
    %get3A_1018 = tpu.vector_load %arg5[%get3A_1016, %get3A_1017] {strides = array<i32>} : memref<8x96xi32, #tpu.memory_space<vmem>>, vector<16xi32>,
    %masked_sort3A_1019 = arith.constant dense<true> : vector<16xi1>
    %masked_sort3A_1020 = arith.constant -2147483648 : i32
    %masked_sort3A_1021 = vector.broadcast %masked_sort3A_1020 : i32 to vector<16xi32>
    %masked_sort3A_1022 = arith.xori %add3A_44, %masked_sort3A_1021 : vector<16xi32>
    %masked_sort3A_1023, %masked_sort3A_1024, %masked_sort3A_1025 = tpu.sort %masked_sort3A_1022, %get3A_1014 masked %masked_sort3A_1019 : (vector<16xi32>, vector<16xi32>, vector<16xi1>) -> (vector<16xi1>, vector<16xi32>, vector<16xi32>)
    %masked_sort3A_1026 = arith.xori %masked_sort3A_1024, %masked_sort3A_1021 : vector<16xi32>
    %masked_sort3A_1027 = arith.constant dense<true> : vector<16xi1>
    %masked_sort3A_1028 = arith.constant -2147483648 : i32
    %masked_sort3A_1029 = vector.broadcast %masked_sort3A_1028 : i32 to vector<16xi32>
    %masked_sort3A_1030 = arith.xori %sub3A, %masked_sort3A_1029 : vector<16xi32>
    %masked_sort3A_1031, %masked_sort3A_1032, %masked_sort3A_1033 = tpu.sort %masked_sort3A_1030, %get3A_1018 masked %masked_sort3A_1027 : (vector<16xi32>, vector<16xi32>, vector<16xi1>) -> (vector<16xi1>, vector<16xi32>, vector<16xi32>)
    %masked_sort3A_1034 = arith.xori %masked_sort3A_1032, %masked_sort3A_1029 : vector<16xi32>
    %select_n3A_1035 = arith.select %eq3A_61, %masked_sort3A_1033, %masked_sort3A_1025 : vector<16xi1>, vector<16xi32>
    %add3A_1036 = arith.addi %select_n3A_1035, %mul3A_17 : vector<16xi32>
    %swap3A_1037 = arith.constant 528 : index
    %swap3A_1038 = tpu.vector_load %arg6[%swap3A_1037] {strides = array<i32>} : memref<640xi32, #tpu.memory_space<vmem>>, vector<16xi32>,
    tpu.vector_store %arg6[%swap3A_1037], %add3A_1036 {strides = array<i32>} : memref<640xi32, #tpu.memory_space<vmem>>, vector<16xi32>,
    %get3A_1039 = arith.constant 4 : i32
    %get3A_1040 = arith.index_cast %get3A_1039 : i32 to index
    %get3A_1041 = arith.constant 64 : index
    %get3A_1042 = tpu.vector_load %arg5[%get3A_1040, %get3A_1041] {strides = array<i32>} : memref<8x96xi32, #tpu.memory_space<vmem>>, vector<16xi32>,
    %get3A_1043 = arith.constant 5 : i32
    %get3A_1044 = arith.index_cast %get3A_1043 : i32 to index
    %get3A_1045 = arith.constant 64 : index
    %get3A_1046 = tpu.vector_load %arg5[%get3A_1044, %get3A_1045] {strides = array<i32>} : memref<8x96xi32, #tpu.memory_space<vmem>>, vector<16xi32>,
    %masked_sort3A_1047 = arith.constant dense<true> : vector<16xi1>
    %masked_sort3A_1048 = arith.constant -2147483648 : i32
    %masked_sort3A_1049 = vector.broadcast %masked_sort3A_1048 : i32 to vector<16xi32>
    %masked_sort3A_1050 = arith.xori %add3A_44, %masked_sort3A_1049 : vector<16xi32>
    %masked_sort3A_1051, %masked_sort3A_1052, %masked_sort3A_1053 = tpu.sort %masked_sort3A_1050, %get3A_1042 masked %masked_sort3A_1047 : (vector<16xi32>, vector<16xi32>, vector<16xi1>) -> (vector<16xi1>, vector<16xi32>, vector<16xi32>)
    %masked_sort3A_1054 = arith.xori %masked_sort3A_1052, %masked_sort3A_1049 : vector<16xi32>
    %masked_sort3A_1055 = arith.constant dense<true> : vector<16xi1>
    %masked_sort3A_1056 = arith.constant -2147483648 : i32
    %masked_sort3A_1057 = vector.broadcast %masked_sort3A_1056 : i32 to vector<16xi32>
    %masked_sort3A_1058 = arith.xori %sub3A, %masked_sort3A_1057 : vector<16xi32>
    %masked_sort3A_1059, %masked_sort3A_1060, %masked_sort3A_1061 = tpu.sort %masked_sort3A_1058, %get3A_1046 masked %masked_sort3A_1055 : (vector<16xi32>, vector<16xi32>, vector<16xi1>) -> (vector<16xi1>, vector<16xi32>, vector<16xi32>)
    %masked_sort3A_1062 = arith.xori %masked_sort3A_1060, %masked_sort3A_1057 : vector<16xi32>
    %select_n3A_1063 = arith.select %eq3A_61, %masked_sort3A_1061, %masked_sort3A_1053 : vector<16xi1>, vector<16xi32>
    %add3A_1064 = arith.addi %select_n3A_1063, %mul3A_26 : vector<16xi32>
    %swap3A_1065 = arith.constant 544 : index
    %swap3A_1066 = tpu.vector_load %arg6[%swap3A_1065] {strides = array<i32>} : memref<640xi32, #tpu.memory_space<vmem>>, vector<16xi32>,
    tpu.vector_store %arg6[%swap3A_1065], %add3A_1064 {strides = array<i32>} : memref<640xi32, #tpu.memory_space<vmem>>, vector<16xi32>,
    %get3A_1067 = arith.constant 6 : i32
    %get3A_1068 = arith.index_cast %get3A_1067 : i32 to index
    %get3A_1069 = arith.constant 64 : index
    %get3A_1070 = tpu.vector_load %arg5[%get3A_1068, %get3A_1069] {strides = array<i32>} : memref<8x96xi32, #tpu.memory_space<vmem>>, vector<16xi32>,
    %get3A_1071 = arith.constant 7 : i32
    %get3A_1072 = arith.index_cast %get3A_1071 : i32 to index
    %get3A_1073 = arith.constant 64 : index
    %get3A_1074 = tpu.vector_load %arg5[%get3A_1072, %get3A_1073] {strides = array<i32>} : memref<8x96xi32, #tpu.memory_space<vmem>>, vector<16xi32>,
    %masked_sort3A_1075 = arith.constant dense<true> : vector<16xi1>
    %masked_sort3A_1076 = arith.constant -2147483648 : i32
    %masked_sort3A_1077 = vector.broadcast %masked_sort3A_1076 : i32 to vector<16xi32>
    %masked_sort3A_1078 = arith.xori %add3A_44, %masked_sort3A_1077 : vector<16xi32>
    %masked_sort3A_1079, %masked_sort3A_1080, %masked_sort3A_1081 = tpu.sort %masked_sort3A_1078, %get3A_1070 masked %masked_sort3A_1075 : (vector<16xi32>, vector<16xi32>, vector<16xi1>) -> (vector<16xi1>, vector<16xi32>, vector<16xi32>)
    %masked_sort3A_1082 = arith.xori %masked_sort3A_1080, %masked_sort3A_1077 : vector<16xi32>
    %masked_sort3A_1083 = arith.constant dense<true> : vector<16xi1>
    %masked_sort3A_1084 = arith.constant -2147483648 : i32
    %masked_sort3A_1085 = vector.broadcast %masked_sort3A_1084 : i32 to vector<16xi32>
    %masked_sort3A_1086 = arith.xori %sub3A, %masked_sort3A_1085 : vector<16xi32>
    %masked_sort3A_1087, %masked_sort3A_1088, %masked_sort3A_1089 = tpu.sort %masked_sort3A_1086, %get3A_1074 masked %masked_sort3A_1083 : (vector<16xi32>, vector<16xi32>, vector<16xi1>) -> (vector<16xi1>, vector<16xi32>, vector<16xi32>)
    %masked_sort3A_1090 = arith.xori %masked_sort3A_1088, %masked_sort3A_1085 : vector<16xi32>
    %select_n3A_1091 = arith.select %eq3A_61, %masked_sort3A_1089, %masked_sort3A_1081 : vector<16xi1>, vector<16xi32>
    %add3A_1092 = arith.addi %select_n3A_1091, %mul3A_35 : vector<16xi32>
    %swap3A_1093 = arith.constant 560 : index
    %swap3A_1094 = tpu.vector_load %arg6[%swap3A_1093] {strides = array<i32>} : memref<640xi32, #tpu.memory_space<vmem>>, vector<16xi32>,
    tpu.vector_store %arg6[%swap3A_1093], %add3A_1092 {strides = array<i32>} : memref<640xi32, #tpu.memory_space<vmem>>, vector<16xi32>,
    %get3A_1095 = arith.constant 0 : i32
    %get3A_1096 = arith.index_cast %get3A_1095 : i32 to index
    %get3A_1097 = arith.constant 72 : index
    %get3A_1098 = tpu.vector_load %arg5[%get3A_1096, %get3A_1097] {strides = array<i32>} : memref<8x96xi32, #tpu.memory_space<vmem>>, vector<16xi32>,
    %get3A_1099 = arith.constant 1 : i32
    %get3A_1100 = arith.index_cast %get3A_1099 : i32 to index
    %get3A_1101 = arith.constant 72 : index
    %get3A_1102 = tpu.vector_load %arg5[%get3A_1100, %get3A_1101] {strides = array<i32>} : memref<8x96xi32, #tpu.memory_space<vmem>>, vector<16xi32>,
    %masked_sort3A_1103 = arith.constant dense<true> : vector<16xi1>
    %masked_sort3A_1104 = arith.constant -2147483648 : i32
    %masked_sort3A_1105 = vector.broadcast %masked_sort3A_1104 : i32 to vector<16xi32>
    %masked_sort3A_1106 = arith.xori %add3A_44, %masked_sort3A_1105 : vector<16xi32>
    %masked_sort3A_1107, %masked_sort3A_1108, %masked_sort3A_1109 = tpu.sort %masked_sort3A_1106, %get3A_1098 masked %masked_sort3A_1103 : (vector<16xi32>, vector<16xi32>, vector<16xi1>) -> (vector<16xi1>, vector<16xi32>, vector<16xi32>)
    %masked_sort3A_1110 = arith.xori %masked_sort3A_1108, %masked_sort3A_1105 : vector<16xi32>
    %masked_sort3A_1111 = arith.constant dense<true> : vector<16xi1>
    %masked_sort3A_1112 = arith.constant -2147483648 : i32
    %masked_sort3A_1113 = vector.broadcast %masked_sort3A_1112 : i32 to vector<16xi32>
    %masked_sort3A_1114 = arith.xori %sub3A, %masked_sort3A_1113 : vector<16xi32>
    %masked_sort3A_1115, %masked_sort3A_1116, %masked_sort3A_1117 = tpu.sort %masked_sort3A_1114, %get3A_1102 masked %masked_sort3A_1111 : (vector<16xi32>, vector<16xi32>, vector<16xi1>) -> (vector<16xi1>, vector<16xi32>, vector<16xi32>)
    %masked_sort3A_1118 = arith.xori %masked_sort3A_1116, %masked_sort3A_1113 : vector<16xi32>
    %select_n3A_1119 = arith.select %eq3A_61, %masked_sort3A_1117, %masked_sort3A_1109 : vector<16xi1>, vector<16xi32>
    %add3A_1120 = arith.addi %select_n3A_1119, %mul3A_8 : vector<16xi32>
    %swap3A_1121 = arith.constant 576 : index
    %swap3A_1122 = tpu.vector_load %arg6[%swap3A_1121] {strides = array<i32>} : memref<640xi32, #tpu.memory_space<vmem>>, vector<16xi32>,
    tpu.vector_store %arg6[%swap3A_1121], %add3A_1120 {strides = array<i32>} : memref<640xi32, #tpu.memory_space<vmem>>, vector<16xi32>,
    %get3A_1123 = arith.constant 2 : i32
    %get3A_1124 = arith.index_cast %get3A_1123 : i32 to index
    %get3A_1125 = arith.constant 72 : index
    %get3A_1126 = tpu.vector_load %arg5[%get3A_1124, %get3A_1125] {strides = array<i32>} : memref<8x96xi32, #tpu.memory_space<vmem>>, vector<16xi32>,
    %get3A_1127 = arith.constant 3 : i32
    %get3A_1128 = arith.index_cast %get3A_1127 : i32 to index
    %get3A_1129 = arith.constant 72 : index
    %get3A_1130 = tpu.vector_load %arg5[%get3A_1128, %get3A_1129] {strides = array<i32>} : memref<8x96xi32, #tpu.memory_space<vmem>>, vector<16xi32>,
    %masked_sort3A_1131 = arith.constant dense<true> : vector<16xi1>
    %masked_sort3A_1132 = arith.constant -2147483648 : i32
    %masked_sort3A_1133 = vector.broadcast %masked_sort3A_1132 : i32 to vector<16xi32>
    %masked_sort3A_1134 = arith.xori %add3A_44, %masked_sort3A_1133 : vector<16xi32>
    %masked_sort3A_1135, %masked_sort3A_1136, %masked_sort3A_1137 = tpu.sort %masked_sort3A_1134, %get3A_1126 masked %masked_sort3A_1131 : (vector<16xi32>, vector<16xi32>, vector<16xi1>) -> (vector<16xi1>, vector<16xi32>, vector<16xi32>)
    %masked_sort3A_1138 = arith.xori %masked_sort3A_1136, %masked_sort3A_1133 : vector<16xi32>
    %masked_sort3A_1139 = arith.constant dense<true> : vector<16xi1>
    %masked_sort3A_1140 = arith.constant -2147483648 : i32
    %masked_sort3A_1141 = vector.broadcast %masked_sort3A_1140 : i32 to vector<16xi32>
    %masked_sort3A_1142 = arith.xori %sub3A, %masked_sort3A_1141 : vector<16xi32>
    %masked_sort3A_1143, %masked_sort3A_1144, %masked_sort3A_1145 = tpu.sort %masked_sort3A_1142, %get3A_1130 masked %masked_sort3A_1139 : (vector<16xi32>, vector<16xi32>, vector<16xi1>) -> (vector<16xi1>, vector<16xi32>, vector<16xi32>)
    %masked_sort3A_1146 = arith.xori %masked_sort3A_1144, %masked_sort3A_1141 : vector<16xi32>
    %select_n3A_1147 = arith.select %eq3A_61, %masked_sort3A_1145, %masked_sort3A_1137 : vector<16xi1>, vector<16xi32>
    %add3A_1148 = arith.addi %select_n3A_1147, %mul3A_17 : vector<16xi32>
    %swap3A_1149 = arith.constant 592 : index
    %swap3A_1150 = tpu.vector_load %arg6[%swap3A_1149] {strides = array<i32>} : memref<640xi32, #tpu.memory_space<vmem>>, vector<16xi32>,
    tpu.vector_store %arg6[%swap3A_1149], %add3A_1148 {strides = array<i32>} : memref<640xi32, #tpu.memory_space<vmem>>, vector<16xi32>,
    %get3A_1151 = arith.constant 4 : i32
    %get3A_1152 = arith.index_cast %get3A_1151 : i32 to index
    %get3A_1153 = arith.constant 72 : index
    %get3A_1154 = tpu.vector_load %arg5[%get3A_1152, %get3A_1153] {strides = array<i32>} : memref<8x96xi32, #tpu.memory_space<vmem>>, vector<16xi32>,
    %get3A_1155 = arith.constant 5 : i32
    %get3A_1156 = arith.index_cast %get3A_1155 : i32 to index
    %get3A_1157 = arith.constant 72 : index
    %get3A_1158 = tpu.vector_load %arg5[%get3A_1156, %get3A_1157] {strides = array<i32>} : memref<8x96xi32, #tpu.memory_space<vmem>>, vector<16xi32>,
    %masked_sort3A_1159 = arith.constant dense<true> : vector<16xi1>
    %masked_sort3A_1160 = arith.constant -2147483648 : i32
    %masked_sort3A_1161 = vector.broadcast %masked_sort3A_1160 : i32 to vector<16xi32>
    %masked_sort3A_1162 = arith.xori %add3A_44, %masked_sort3A_1161 : vector<16xi32>
    %masked_sort3A_1163, %masked_sort3A_1164, %masked_sort3A_1165 = tpu.sort %masked_sort3A_1162, %get3A_1154 masked %masked_sort3A_1159 : (vector<16xi32>, vector<16xi32>, vector<16xi1>) -> (vector<16xi1>, vector<16xi32>, vector<16xi32>)
    %masked_sort3A_1166 = arith.xori %masked_sort3A_1164, %masked_sort3A_1161 : vector<16xi32>
    %masked_sort3A_1167 = arith.constant dense<true> : vector<16xi1>
    %masked_sort3A_1168 = arith.constant -2147483648 : i32
    %masked_sort3A_1169 = vector.broadcast %masked_sort3A_1168 : i32 to vector<16xi32>
    %masked_sort3A_1170 = arith.xori %sub3A, %masked_sort3A_1169 : vector<16xi32>
    %masked_sort3A_1171, %masked_sort3A_1172, %masked_sort3A_1173 = tpu.sort %masked_sort3A_1170, %get3A_1158 masked %masked_sort3A_1167 : (vector<16xi32>, vector<16xi32>, vector<16xi1>) -> (vector<16xi1>, vector<16xi32>, vector<16xi32>)
    %masked_sort3A_1174 = arith.xori %masked_sort3A_1172, %masked_sort3A_1169 : vector<16xi32>
    %select_n3A_1175 = arith.select %eq3A_61, %masked_sort3A_1173, %masked_sort3A_1165 : vector<16xi1>, vector<16xi32>
    %add3A_1176 = arith.addi %select_n3A_1175, %mul3A_26 : vector<16xi32>
    %swap3A_1177 = arith.constant 608 : index
    %swap3A_1178 = tpu.vector_load %arg6[%swap3A_1177] {strides = array<i32>} : memref<640xi32, #tpu.memory_space<vmem>>, vector<16xi32>,
    tpu.vector_store %arg6[%swap3A_1177], %add3A_1176 {strides = array<i32>} : memref<640xi32, #tpu.memory_space<vmem>>, vector<16xi32>,
    %get3A_1179 = arith.constant 6 : i32
    %get3A_1180 = arith.index_cast %get3A_1179 : i32 to index
    %get3A_1181 = arith.constant 72 : index
    %get3A_1182 = tpu.vector_load %arg5[%get3A_1180, %get3A_1181] {strides = array<i32>} : memref<8x96xi32, #tpu.memory_space<vmem>>, vector<16xi32>,
    %get3A_1183 = arith.constant 7 : i32
    %get3A_1184 = arith.index_cast %get3A_1183 : i32 to index
    %get3A_1185 = arith.constant 72 : index
    %get3A_1186 = tpu.vector_load %arg5[%get3A_1184, %get3A_1185] {strides = array<i32>} : memref<8x96xi32, #tpu.memory_space<vmem>>, vector<16xi32>,
    %masked_sort3A_1187 = arith.constant dense<true> : vector<16xi1>
    %masked_sort3A_1188 = arith.constant -2147483648 : i32
    %masked_sort3A_1189 = vector.broadcast %masked_sort3A_1188 : i32 to vector<16xi32>
    %masked_sort3A_1190 = arith.xori %add3A_44, %masked_sort3A_1189 : vector<16xi32>
    %masked_sort3A_1191, %masked_sort3A_1192, %masked_sort3A_1193 = tpu.sort %masked_sort3A_1190, %get3A_1182 masked %masked_sort3A_1187 : (vector<16xi32>, vector<16xi32>, vector<16xi1>) -> (vector<16xi1>, vector<16xi32>, vector<16xi32>)
    %masked_sort3A_1194 = arith.xori %masked_sort3A_1192, %masked_sort3A_1189 : vector<16xi32>
    %masked_sort3A_1195 = arith.constant dense<true> : vector<16xi1>
    %masked_sort3A_1196 = arith.constant -2147483648 : i32
    %masked_sort3A_1197 = vector.broadcast %masked_sort3A_1196 : i32 to vector<16xi32>
    %masked_sort3A_1198 = arith.xori %sub3A, %masked_sort3A_1197 : vector<16xi32>
    %masked_sort3A_1199, %masked_sort3A_1200, %masked_sort3A_1201 = tpu.sort %masked_sort3A_1198, %get3A_1186 masked %masked_sort3A_1195 : (vector<16xi32>, vector<16xi32>, vector<16xi1>) -> (vector<16xi1>, vector<16xi32>, vector<16xi32>)
    %masked_sort3A_1202 = arith.xori %masked_sort3A_1200, %masked_sort3A_1197 : vector<16xi32>
    %select_n3A_1203 = arith.select %eq3A_61, %masked_sort3A_1201, %masked_sort3A_1193 : vector<16xi1>, vector<16xi32>
    %add3A_1204 = arith.addi %select_n3A_1203, %mul3A_35 : vector<16xi32>
    %swap3A_1205 = arith.constant 624 : index
    %swap3A_1206 = tpu.vector_load %arg6[%swap3A_1205] {strides = array<i32>} : memref<640xi32, #tpu.memory_space<vmem>>, vector<16xi32>,
    tpu.vector_store %arg6[%swap3A_1205], %add3A_1204 {strides = array<i32>} : memref<640xi32, #tpu.memory_space<vmem>>, vector<16xi32>,
    %dma_start3A = arith.constant 0 : i32
    %dma_start3A_1207 = arith.constant 0 : i32
    %dma_start3A_1208 = tpu.memref_slice %arg2[%dma_start3A, %dma_start3A_1207] : memref<65536x64xf32, #tpu.memory_space<hbm>> -> memref<65536x64xf32, #tpu.memory_space<hbm>>
    tpu.enqueue_indirect_dma source(%dma_start3A_1208 : memref<65536x64xf32, #tpu.memory_space<hbm>>) target(%arg8 : memref<640x64xf32, #tpu.memory_space<vmem>>) offsets(%arg6 : memref<640xi32, #tpu.memory_space<vmem>>) semaphore(%arg10 : memref<!tpu.dma_semaphore, #tpu.memory_space<semaphore_mem>>)
    %scan3A = arith.constant 0 : i32
    %scan3A_1209 = arith.constant 0 : i32
    %scan3A_1210 = arith.constant 20 : i32
    %scan3A_1211 = arith.addi %scan3A_1209, %scan3A_1210 : i32
    %scan3A_1212 = arith.constant 1 : i32
    scf.for %scan3A_1231 = %scan3A_1209 to %scan3A_1211 step %scan3A_1212  : i32 {
      %mul3A_1232 = arith.constant 2 : i32
      %mul3A_1233 = arith.muli %mul3A_1232, %scan3A_1231 : i32
      %mul3A_1234 = arith.constant 2 : i32
      %mul3A_1235 = arith.muli %mul3A_1234, %scan3A_1231 : i32
      %add3A_1236 = arith.constant 1 : i32
      %add3A_1237 = arith.addi %mul3A_1235, %add3A_1236 : i32
      %lt3A = arith.cmpi slt, %add3A_1237, %select_n3A : i32
      %convert_element_type3A = arith.extui %lt3A : i1 to i32
      %cond3A = arith.constant 0 : i32
      %cond3A_1238 = arith.cmpi ne, %convert_element_type3A, %cond3A : i32
      scf.if %cond3A_1238 {
        %mul3A_1253 = arith.constant 32 : i32
        %mul3A_1254 = arith.muli %add3A_1237, %mul3A_1253 : i32
        %add3A_1255 = arith.addi %add3A, %mul3A_1254 : i32
        %mul3A_1256 = arith.constant 80 : i32
        %mul3A_1257 = arith.muli %add3A_1255, %mul3A_1256 : i32
        "tpu.region"() ({
          %run_scoped3A = tpu.sem_alloc : memref<!tpu.dma_semaphore, #tpu.memory_space<semaphore_mem>>
          %dma_start3A_2385 = arith.constant 0 : i32
          %dma_start3A_2386 = arith.constant 0 : i32
          %dma_start3A_2387 = tpu.memref_slice %arg5[%dma_start3A_2385, %dma_start3A_2386] : memref<8x96xi32, #tpu.memory_space<vmem>> -> memref<8x80xi32, #tpu.memory_space<vmem>>
          %dma_start3A_2388 = arith.constant 0 : i32
          %dma_start3A_2389 = tpu.memref_slice %arg3[%dma_start3A_2388, %mul3A_1257] : memref<8x100000xi32, #tpu.memory_space<hbm>> -> memref<8x80xi32, #tpu.memory_space<hbm>>
          %dma_start3A_2390 = arith.constant 0 : i32
          %dma_start3A_2391 = arith.constant 0 : i32
          %dma_start3A_2392 = tpu.memref_slice %arg5[%dma_start3A_2390, %dma_start3A_2391] : memref<8x96xi32, #tpu.memory_space<vmem>> -> memref<8x80xi32, #tpu.memory_space<vmem>>
          %dma_start3A_2393 = arith.constant 0 : i32
          %dma_start3A_2394 = tpu.memref_slice %arg3[%dma_start3A_2393, %mul3A_1257] : memref<8x100000xi32, #tpu.memory_space<hbm>> -> memref<8x80xi32, #tpu.memory_space<hbm>>
          tpu.enqueue_dma source(%dma_start3A_2394 : memref<8x80xi32, #tpu.memory_space<hbm>>) target(%dma_start3A_2392 : memref<8x80xi32, #tpu.memory_space<vmem>>) target_semaphore(%run_scoped3A : memref<!tpu.dma_semaphore, #tpu.memory_space<semaphore_mem>>)
          %dma_wait3A_2395 = arith.constant 0 : i32
          %dma_wait3A_2396 = arith.constant 0 : i32
          %dma_wait3A_2397 = tpu.memref_slice %arg5[%dma_wait3A_2395, %dma_wait3A_2396] : memref<8x96xi32, #tpu.memory_space<vmem>> -> memref<8x80xi32, #tpu.memory_space<vmem>>
          %dma_wait3A_2398 = arith.constant 0 : i32
          %dma_wait3A_2399 = tpu.memref_slice %arg3[%dma_wait3A_2398, %mul3A_1257] : memref<8x100000xi32, #tpu.memory_space<hbm>> -> memref<8x80xi32, #tpu.memory_space<hbm>>
          %dma_wait3A_2400 = arith.constant 0 : i32
          %dma_wait3A_2401 = arith.constant 0 : i32
          %dma_wait3A_2402 = tpu.memref_slice %arg5[%dma_wait3A_2400, %dma_wait3A_2401] : memref<8x96xi32, #tpu.memory_space<vmem>> -> memref<8x80xi32, #tpu.memory_space<vmem>>
          %dma_wait3A_2403 = arith.constant 0 : i32
          %dma_wait3A_2404 = tpu.memref_slice %arg3[%dma_wait3A_2403, %mul3A_1257] : memref<8x100000xi32, #tpu.memory_space<hbm>> -> memref<8x80xi32, #tpu.memory_space<hbm>>
          tpu.wait_dma2 semaphore(%run_scoped3A : memref<!tpu.dma_semaphore, #tpu.memory_space<semaphore_mem>>) src(%dma_wait3A_2404 : memref<8x80xi32, #tpu.memory_space<hbm>>) dst(%dma_wait3A_2402 : memref<8x80xi32, #tpu.memory_space<vmem>>)
          tpu.yield
        }) : () -> ()
        %get3A_1258 = arith.constant 0 : i32
        %get3A_1259 = arith.index_cast %get3A_1258 : i32 to index
        %get3A_1260 = arith.constant 0 : index
        %get3A_1261 = tpu.vector_load %arg5[%get3A_1259, %get3A_1260] {strides = array<i32>} : memref<8x96xi32, #tpu.memory_space<vmem>>, vector<16xi32>,
        %get3A_1262 = arith.constant 1 : i32
        %get3A_1263 = arith.index_cast %get3A_1262 : i32 to index
        %get3A_1264 = arith.constant 0 : index
        %get3A_1265 = tpu.vector_load %arg5[%get3A_1263, %get3A_1264] {strides = array<i32>} : memref<8x96xi32, #tpu.memory_space<vmem>>, vector<16xi32>,
        %masked_sort3A_1266 = arith.constant dense<true> : vector<16xi1>
        %masked_sort3A_1267 = arith.constant -2147483648 : i32
        %masked_sort3A_1268 = vector.broadcast %masked_sort3A_1267 : i32 to vector<16xi32>
        %masked_sort3A_1269 = arith.xori %add3A_44, %masked_sort3A_1268 : vector<16xi32>
        %masked_sort3A_1270, %masked_sort3A_1271, %masked_sort3A_1272 = tpu.sort %masked_sort3A_1269, %get3A_1261 masked %masked_sort3A_1266 : (vector<16xi32>, vector<16xi32>, vector<16xi1>) -> (vector<16xi1>, vector<16xi32>, vector<16xi32>)
        %masked_sort3A_1273 = arith.xori %masked_sort3A_1271, %masked_sort3A_1268 : vector<16xi32>
        %masked_sort3A_1274 = arith.constant dense<true> : vector<16xi1>
        %masked_sort3A_1275 = arith.constant -2147483648 : i32
        %masked_sort3A_1276 = vector.broadcast %masked_sort3A_1275 : i32 to vector<16xi32>
        %masked_sort3A_1277 = arith.xori %sub3A, %masked_sort3A_1276 : vector<16xi32>
        %masked_sort3A_1278, %masked_sort3A_1279, %masked_sort3A_1280 = tpu.sort %masked_sort3A_1277, %get3A_1265 masked %masked_sort3A_1274 : (vector<16xi32>, vector<16xi32>, vector<16xi1>) -> (vector<16xi1>, vector<16xi32>, vector<16xi32>)
        %masked_sort3A_1281 = arith.xori %masked_sort3A_1279, %masked_sort3A_1276 : vector<16xi32>
        %select_n3A_1282 = arith.select %eq3A_61, %masked_sort3A_1280, %masked_sort3A_1272 : vector<16xi1>, vector<16xi32>
        %add3A_1283 = arith.addi %select_n3A_1282, %mul3A_8 : vector<16xi32>
        %swap3A_1284 = arith.constant 0 : index
        %swap3A_1285 = tpu.vector_load %arg7[%swap3A_1284] {strides = array<i32>} : memref<640xi32, #tpu.memory_space<vmem>>, vector<16xi32>,
        tpu.vector_store %arg7[%swap3A_1284], %add3A_1283 {strides = array<i32>} : memref<640xi32, #tpu.memory_space<vmem>>, vector<16xi32>,
        %get3A_1286 = arith.constant 2 : i32
        %get3A_1287 = arith.index_cast %get3A_1286 : i32 to index
        %get3A_1288 = arith.constant 0 : index
        %get3A_1289 = tpu.vector_load %arg5[%get3A_1287, %get3A_1288] {strides = array<i32>} : memref<8x96xi32, #tpu.memory_space<vmem>>, vector<16xi32>,
        %get3A_1290 = arith.constant 3 : i32
        %get3A_1291 = arith.index_cast %get3A_1290 : i32 to index
        %get3A_1292 = arith.constant 0 : index
        %get3A_1293 = tpu.vector_load %arg5[%get3A_1291, %get3A_1292] {strides = array<i32>} : memref<8x96xi32, #tpu.memory_space<vmem>>, vector<16xi32>,
        %masked_sort3A_1294 = arith.constant dense<true> : vector<16xi1>
        %masked_sort3A_1295 = arith.constant -2147483648 : i32
        %masked_sort3A_1296 = vector.broadcast %masked_sort3A_1295 : i32 to vector<16xi32>
        %masked_sort3A_1297 = arith.xori %add3A_44, %masked_sort3A_1296 : vector<16xi32>
        %masked_sort3A_1298, %masked_sort3A_1299, %masked_sort3A_1300 = tpu.sort %masked_sort3A_1297, %get3A_1289 masked %masked_sort3A_1294 : (vector<16xi32>, vector<16xi32>, vector<16xi1>) -> (vector<16xi1>, vector<16xi32>, vector<16xi32>)
        %masked_sort3A_1301 = arith.xori %masked_sort3A_1299, %masked_sort3A_1296 : vector<16xi32>
        %masked_sort3A_1302 = arith.constant dense<true> : vector<16xi1>
        %masked_sort3A_1303 = arith.constant -2147483648 : i32
        %masked_sort3A_1304 = vector.broadcast %masked_sort3A_1303 : i32 to vector<16xi32>
        %masked_sort3A_1305 = arith.xori %sub3A, %masked_sort3A_1304 : vector<16xi32>
        %masked_sort3A_1306, %masked_sort3A_1307, %masked_sort3A_1308 = tpu.sort %masked_sort3A_1305, %get3A_1293 masked %masked_sort3A_1302 : (vector<16xi32>, vector<16xi32>, vector<16xi1>) -> (vector<16xi1>, vector<16xi32>, vector<16xi32>)
        %masked_sort3A_1309 = arith.xori %masked_sort3A_1307, %masked_sort3A_1304 : vector<16xi32>
        %select_n3A_1310 = arith.select %eq3A_61, %masked_sort3A_1308, %masked_sort3A_1300 : vector<16xi1>, vector<16xi32>
        %add3A_1311 = arith.addi %select_n3A_1310, %mul3A_17 : vector<16xi32>
        %swap3A_1312 = arith.constant 16 : index
        %swap3A_1313 = tpu.vector_load %arg7[%swap3A_1312] {strides = array<i32>} : memref<640xi32, #tpu.memory_space<vmem>>, vector<16xi32>,
        tpu.vector_store %arg7[%swap3A_1312], %add3A_1311 {strides = array<i32>} : memref<640xi32, #tpu.memory_space<vmem>>, vector<16xi32>,
        %get3A_1314 = arith.constant 4 : i32
        %get3A_1315 = arith.index_cast %get3A_1314 : i32 to index
        %get3A_1316 = arith.constant 0 : index
        %get3A_1317 = tpu.vector_load %arg5[%get3A_1315, %get3A_1316] {strides = array<i32>} : memref<8x96xi32, #tpu.memory_space<vmem>>, vector<16xi32>,
        %get3A_1318 = arith.constant 5 : i32
        %get3A_1319 = arith.index_cast %get3A_1318 : i32 to index
        %get3A_1320 = arith.constant 0 : index
        %get3A_1321 = tpu.vector_load %arg5[%get3A_1319, %get3A_1320] {strides = array<i32>} : memref<8x96xi32, #tpu.memory_space<vmem>>, vector<16xi32>,
        %masked_sort3A_1322 = arith.constant dense<true> : vector<16xi1>
        %masked_sort3A_1323 = arith.constant -2147483648 : i32
        %masked_sort3A_1324 = vector.broadcast %masked_sort3A_1323 : i32 to vector<16xi32>
        %masked_sort3A_1325 = arith.xori %add3A_44, %masked_sort3A_1324 : vector<16xi32>
        %masked_sort3A_1326, %masked_sort3A_1327, %masked_sort3A_1328 = tpu.sort %masked_sort3A_1325, %get3A_1317 masked %masked_sort3A_1322 : (vector<16xi32>, vector<16xi32>, vector<16xi1>) -> (vector<16xi1>, vector<16xi32>, vector<16xi32>)
        %masked_sort3A_1329 = arith.xori %masked_sort3A_1327, %masked_sort3A_1324 : vector<16xi32>
        %masked_sort3A_1330 = arith.constant dense<true> : vector<16xi1>
        %masked_sort3A_1331 = arith.constant -2147483648 : i32
        %masked_sort3A_1332 = vector.broadcast %masked_sort3A_1331 : i32 to vector<16xi32>
        %masked_sort3A_1333 = arith.xori %sub3A, %masked_sort3A_1332 : vector<16xi32>
        %masked_sort3A_1334, %masked_sort3A_1335, %masked_sort3A_1336 = tpu.sort %masked_sort3A_1333, %get3A_1321 masked %masked_sort3A_1330 : (vector<16xi32>, vector<16xi32>, vector<16xi1>) -> (vector<16xi1>, vector<16xi32>, vector<16xi32>)
        %masked_sort3A_1337 = arith.xori %masked_sort3A_1335, %masked_sort3A_1332 : vector<16xi32>
        %select_n3A_1338 = arith.select %eq3A_61, %masked_sort3A_1336, %masked_sort3A_1328 : vector<16xi1>, vector<16xi32>
        %add3A_1339 = arith.addi %select_n3A_1338, %mul3A_26 : vector<16xi32>
        %swap3A_1340 = arith.constant 32 : index
        %swap3A_1341 = tpu.vector_load %arg7[%swap3A_1340] {strides = array<i32>} : memref<640xi32, #tpu.memory_space<vmem>>, vector<16xi32>,
        tpu.vector_store %arg7[%swap3A_1340], %add3A_1339 {strides = array<i32>} : memref<640xi32, #tpu.memory_space<vmem>>, vector<16xi32>,
        %get3A_1342 = arith.constant 6 : i32
        %get3A_1343 = arith.index_cast %get3A_1342 : i32 to index
        %get3A_1344 = arith.constant 0 : index
        %get3A_1345 = tpu.vector_load %arg5[%get3A_1343, %get3A_1344] {strides = array<i32>} : memref<8x96xi32, #tpu.memory_space<vmem>>, vector<16xi32>,
        %get3A_1346 = arith.constant 7 : i32
        %get3A_1347 = arith.index_cast %get3A_1346 : i32 to index
        %get3A_1348 = arith.constant 0 : index
        %get3A_1349 = tpu.vector_load %arg5[%get3A_1347, %get3A_1348] {strides = array<i32>} : memref<8x96xi32, #tpu.memory_space<vmem>>, vector<16xi32>,
        %masked_sort3A_1350 = arith.constant dense<true> : vector<16xi1>
        %masked_sort3A_1351 = arith.constant -2147483648 : i32
        %masked_sort3A_1352 = vector.broadcast %masked_sort3A_1351 : i32 to vector<16xi32>
        %masked_sort3A_1353 = arith.xori %add3A_44, %masked_sort3A_1352 : vector<16xi32>
        %masked_sort3A_1354, %masked_sort3A_1355, %masked_sort3A_1356 = tpu.sort %masked_sort3A_1353, %get3A_1345 masked %masked_sort3A_1350 : (vector<16xi32>, vector<16xi32>, vector<16xi1>) -> (vector<16xi1>, vector<16xi32>, vector<16xi32>)
        %masked_sort3A_1357 = arith.xori %masked_sort3A_1355, %masked_sort3A_1352 : vector<16xi32>
        %masked_sort3A_1358 = arith.constant dense<true> : vector<16xi1>
        %masked_sort3A_1359 = arith.constant -2147483648 : i32
        %masked_sort3A_1360 = vector.broadcast %masked_sort3A_1359 : i32 to vector<16xi32>
        %masked_sort3A_1361 = arith.xori %sub3A, %masked_sort3A_1360 : vector<16xi32>
        %masked_sort3A_1362, %masked_sort3A_1363, %masked_sort3A_1364 = tpu.sort %masked_sort3A_1361, %get3A_1349 masked %masked_sort3A_1358 : (vector<16xi32>, vector<16xi32>, vector<16xi1>) -> (vector<16xi1>, vector<16xi32>, vector<16xi32>)
        %masked_sort3A_1365 = arith.xori %masked_sort3A_1363, %masked_sort3A_1360 : vector<16xi32>
        %select_n3A_1366 = arith.select %eq3A_61, %masked_sort3A_1364, %masked_sort3A_1356 : vector<16xi1>, vector<16xi32>
        %add3A_1367 = arith.addi %select_n3A_1366, %mul3A_35 : vector<16xi32>
        %swap3A_1368 = arith.constant 48 : index
        %swap3A_1369 = tpu.vector_load %arg7[%swap3A_1368] {strides = array<i32>} : memref<640xi32, #tpu.memory_space<vmem>>, vector<16xi32>,
        tpu.vector_store %arg7[%swap3A_1368], %add3A_1367 {strides = array<i32>} : memref<640xi32, #tpu.memory_space<vmem>>, vector<16xi32>,
        %get3A_1370 = arith.constant 0 : i32
        %get3A_1371 = arith.index_cast %get3A_1370 : i32 to index
        %get3A_1372 = arith.constant 8 : index
        %get3A_1373 = tpu.vector_load %arg5[%get3A_1371, %get3A_1372] {strides = array<i32>} : memref<8x96xi32, #tpu.memory_space<vmem>>, vector<16xi32>,
        %get3A_1374 = arith.constant 1 : i32
        %get3A_1375 = arith.index_cast %get3A_1374 : i32 to index
        %get3A_1376 = arith.constant 8 : index
        %get3A_1377 = tpu.vector_load %arg5[%get3A_1375, %get3A_1376] {strides = array<i32>} : memref<8x96xi32, #tpu.memory_space<vmem>>, vector<16xi32>,
        %masked_sort3A_1378 = arith.constant dense<true> : vector<16xi1>
        %masked_sort3A_1379 = arith.constant -2147483648 : i32
        %masked_sort3A_1380 = vector.broadcast %masked_sort3A_1379 : i32 to vector<16xi32>
        %masked_sort3A_1381 = arith.xori %add3A_44, %masked_sort3A_1380 : vector<16xi32>
        %masked_sort3A_1382, %masked_sort3A_1383, %masked_sort3A_1384 = tpu.sort %masked_sort3A_1381, %get3A_1373 masked %masked_sort3A_1378 : (vector<16xi32>, vector<16xi32>, vector<16xi1>) -> (vector<16xi1>, vector<16xi32>, vector<16xi32>)
        %masked_sort3A_1385 = arith.xori %masked_sort3A_1383, %masked_sort3A_1380 : vector<16xi32>
        %masked_sort3A_1386 = arith.constant dense<true> : vector<16xi1>
        %masked_sort3A_1387 = arith.constant -2147483648 : i32
        %masked_sort3A_1388 = vector.broadcast %masked_sort3A_1387 : i32 to vector<16xi32>
        %masked_sort3A_1389 = arith.xori %sub3A, %masked_sort3A_1388 : vector<16xi32>
        %masked_sort3A_1390, %masked_sort3A_1391, %masked_sort3A_1392 = tpu.sort %masked_sort3A_1389, %get3A_1377 masked %masked_sort3A_1386 : (vector<16xi32>, vector<16xi32>, vector<16xi1>) -> (vector<16xi1>, vector<16xi32>, vector<16xi32>)
        %masked_sort3A_1393 = arith.xori %masked_sort3A_1391, %masked_sort3A_1388 : vector<16xi32>
        %select_n3A_1394 = arith.select %eq3A_61, %masked_sort3A_1392, %masked_sort3A_1384 : vector<16xi1>, vector<16xi32>
        %add3A_1395 = arith.addi %select_n3A_1394, %mul3A_8 : vector<16xi32>
        %swap3A_1396 = arith.constant 64 : index
        %swap3A_1397 = tpu.vector_load %arg7[%swap3A_1396] {strides = array<i32>} : memref<640xi32, #tpu.memory_space<vmem>>, vector<16xi32>,
        tpu.vector_store %arg7[%swap3A_1396], %add3A_1395 {strides = array<i32>} : memref<640xi32, #tpu.memory_space<vmem>>, vector<16xi32>,
        %get3A_1398 = arith.constant 2 : i32
        %get3A_1399 = arith.index_cast %get3A_1398 : i32 to index
        %get3A_1400 = arith.constant 8 : index
        %get3A_1401 = tpu.vector_load %arg5[%get3A_1399, %get3A_1400] {strides = array<i32>} : memref<8x96xi32, #tpu.memory_space<vmem>>, vector<16xi32>,
        %get3A_1402 = arith.constant 3 : i32
        %get3A_1403 = arith.index_cast %get3A_1402 : i32 to index
        %get3A_1404 = arith.constant 8 : index
        %get3A_1405 = tpu.vector_load %arg5[%get3A_1403, %get3A_1404] {strides = array<i32>} : memref<8x96xi32, #tpu.memory_space<vmem>>, vector<16xi32>,
        %masked_sort3A_1406 = arith.constant dense<true> : vector<16xi1>
        %masked_sort3A_1407 = arith.constant -2147483648 : i32
        %masked_sort3A_1408 = vector.broadcast %masked_sort3A_1407 : i32 to vector<16xi32>
        %masked_sort3A_1409 = arith.xori %add3A_44, %masked_sort3A_1408 : vector<16xi32>
        %masked_sort3A_1410, %masked_sort3A_1411, %masked_sort3A_1412 = tpu.sort %masked_sort3A_1409, %get3A_1401 masked %masked_sort3A_1406 : (vector<16xi32>, vector<16xi32>, vector<16xi1>) -> (vector<16xi1>, vector<16xi32>, vector<16xi32>)
        %masked_sort3A_1413 = arith.xori %masked_sort3A_1411, %masked_sort3A_1408 : vector<16xi32>
        %masked_sort3A_1414 = arith.constant dense<true> : vector<16xi1>
        %masked_sort3A_1415 = arith.constant -2147483648 : i32
        %masked_sort3A_1416 = vector.broadcast %masked_sort3A_1415 : i32 to vector<16xi32>
        %masked_sort3A_1417 = arith.xori %sub3A, %masked_sort3A_1416 : vector<16xi32>
        %masked_sort3A_1418, %masked_sort3A_1419, %masked_sort3A_1420 = tpu.sort %masked_sort3A_1417, %get3A_1405 masked %masked_sort3A_1414 : (vector<16xi32>, vector<16xi32>, vector<16xi1>) -> (vector<16xi1>, vector<16xi32>, vector<16xi32>)
        %masked_sort3A_1421 = arith.xori %masked_sort3A_1419, %masked_sort3A_1416 : vector<16xi32>
        %select_n3A_1422 = arith.select %eq3A_61, %masked_sort3A_1420, %masked_sort3A_1412 : vector<16xi1>, vector<16xi32>
        %add3A_1423 = arith.addi %select_n3A_1422, %mul3A_17 : vector<16xi32>
        %swap3A_1424 = arith.constant 80 : index
        %swap3A_1425 = tpu.vector_load %arg7[%swap3A_1424] {strides = array<i32>} : memref<640xi32, #tpu.memory_space<vmem>>, vector<16xi32>,
        tpu.vector_store %arg7[%swap3A_1424], %add3A_1423 {strides = array<i32>} : memref<640xi32, #tpu.memory_space<vmem>>, vector<16xi32>,
        %get3A_1426 = arith.constant 4 : i32
        %get3A_1427 = arith.index_cast %get3A_1426 : i32 to index
        %get3A_1428 = arith.constant 8 : index
        %get3A_1429 = tpu.vector_load %arg5[%get3A_1427, %get3A_1428] {strides = array<i32>} : memref<8x96xi32, #tpu.memory_space<vmem>>, vector<16xi32>,
        %get3A_1430 = arith.constant 5 : i32
        %get3A_1431 = arith.index_cast %get3A_1430 : i32 to index
        %get3A_1432 = arith.constant 8 : index
        %get3A_1433 = tpu.vector_load %arg5[%get3A_1431, %get3A_1432] {strides = array<i32>} : memref<8x96xi32, #tpu.memory_space<vmem>>, vector<16xi32>,
        %masked_sort3A_1434 = arith.constant dense<true> : vector<16xi1>
        %masked_sort3A_1435 = arith.constant -2147483648 : i32
        %masked_sort3A_1436 = vector.broadcast %masked_sort3A_1435 : i32 to vector<16xi32>
        %masked_sort3A_1437 = arith.xori %add3A_44, %masked_sort3A_1436 : vector<16xi32>
        %masked_sort3A_1438, %masked_sort3A_1439, %masked_sort3A_1440 = tpu.sort %masked_sort3A_1437, %get3A_1429 masked %masked_sort3A_1434 : (vector<16xi32>, vector<16xi32>, vector<16xi1>) -> (vector<16xi1>, vector<16xi32>, vector<16xi32>)
        %masked_sort3A_1441 = arith.xori %masked_sort3A_1439, %masked_sort3A_1436 : vector<16xi32>
        %masked_sort3A_1442 = arith.constant dense<true> : vector<16xi1>
        %masked_sort3A_1443 = arith.constant -2147483648 : i32
        %masked_sort3A_1444 = vector.broadcast %masked_sort3A_1443 : i32 to vector<16xi32>
        %masked_sort3A_1445 = arith.xori %sub3A, %masked_sort3A_1444 : vector<16xi32>
        %masked_sort3A_1446, %masked_sort3A_1447, %masked_sort3A_1448 = tpu.sort %masked_sort3A_1445, %get3A_1433 masked %masked_sort3A_1442 : (vector<16xi32>, vector<16xi32>, vector<16xi1>) -> (vector<16xi1>, vector<16xi32>, vector<16xi32>)
        %masked_sort3A_1449 = arith.xori %masked_sort3A_1447, %masked_sort3A_1444 : vector<16xi32>
        %select_n3A_1450 = arith.select %eq3A_61, %masked_sort3A_1448, %masked_sort3A_1440 : vector<16xi1>, vector<16xi32>
        %add3A_1451 = arith.addi %select_n3A_1450, %mul3A_26 : vector<16xi32>
        %swap3A_1452 = arith.constant 96 : index
        %swap3A_1453 = tpu.vector_load %arg7[%swap3A_1452] {strides = array<i32>} : memref<640xi32, #tpu.memory_space<vmem>>, vector<16xi32>,
        tpu.vector_store %arg7[%swap3A_1452], %add3A_1451 {strides = array<i32>} : memref<640xi32, #tpu.memory_space<vmem>>, vector<16xi32>,
        %get3A_1454 = arith.constant 6 : i32
        %get3A_1455 = arith.index_cast %get3A_1454 : i32 to index
        %get3A_1456 = arith.constant 8 : index
        %get3A_1457 = tpu.vector_load %arg5[%get3A_1455, %get3A_1456] {strides = array<i32>} : memref<8x96xi32, #tpu.memory_space<vmem>>, vector<16xi32>,
        %get3A_1458 = arith.constant 7 : i32
        %get3A_1459 = arith.index_cast %get3A_1458 : i32 to index
        %get3A_1460 = arith.constant 8 : index
        %get3A_1461 = tpu.vector_load %arg5[%get3A_1459, %get3A_1460] {strides = array<i32>} : memref<8x96xi32, #tpu.memory_space<vmem>>, vector<16xi32>,
        %masked_sort3A_1462 = arith.constant dense<true> : vector<16xi1>
        %masked_sort3A_1463 = arith.constant -2147483648 : i32
        %masked_sort3A_1464 = vector.broadcast %masked_sort3A_1463 : i32 to vector<16xi32>
        %masked_sort3A_1465 = arith.xori %add3A_44, %masked_sort3A_1464 : vector<16xi32>
        %masked_sort3A_1466, %masked_sort3A_1467, %masked_sort3A_1468 = tpu.sort %masked_sort3A_1465, %get3A_1457 masked %masked_sort3A_1462 : (vector<16xi32>, vector<16xi32>, vector<16xi1>) -> (vector<16xi1>, vector<16xi32>, vector<16xi32>)
        %masked_sort3A_1469 = arith.xori %masked_sort3A_1467, %masked_sort3A_1464 : vector<16xi32>
        %masked_sort3A_1470 = arith.constant dense<true> : vector<16xi1>
        %masked_sort3A_1471 = arith.constant -2147483648 : i32
        %masked_sort3A_1472 = vector.broadcast %masked_sort3A_1471 : i32 to vector<16xi32>
        %masked_sort3A_1473 = arith.xori %sub3A, %masked_sort3A_1472 : vector<16xi32>
        %masked_sort3A_1474, %masked_sort3A_1475, %masked_sort3A_1476 = tpu.sort %masked_sort3A_1473, %get3A_1461 masked %masked_sort3A_1470 : (vector<16xi32>, vector<16xi32>, vector<16xi1>) -> (vector<16xi1>, vector<16xi32>, vector<16xi32>)
        %masked_sort3A_1477 = arith.xori %masked_sort3A_1475, %masked_sort3A_1472 : vector<16xi32>
        %select_n3A_1478 = arith.select %eq3A_61, %masked_sort3A_1476, %masked_sort3A_1468 : vector<16xi1>, vector<16xi32>
        %add3A_1479 = arith.addi %select_n3A_1478, %mul3A_35 : vector<16xi32>
        %swap3A_1480 = arith.constant 112 : index
        %swap3A_1481 = tpu.vector_load %arg7[%swap3A_1480] {strides = array<i32>} : memref<640xi32, #tpu.memory_space<vmem>>, vector<16xi32>,
        tpu.vector_store %arg7[%swap3A_1480], %add3A_1479 {strides = array<i32>} : memref<640xi32, #tpu.memory_space<vmem>>, vector<16xi32>,
        %get3A_1482 = arith.constant 0 : i32
        %get3A_1483 = arith.index_cast %get3A_1482 : i32 to index
        %get3A_1484 = arith.constant 16 : index
        %get3A_1485 = tpu.vector_load %arg5[%get3A_1483, %get3A_1484] {strides = array<i32>} : memref<8x96xi32, #tpu.memory_space<vmem>>, vector<16xi32>,
        %get3A_1486 = arith.constant 1 : i32
        %get3A_1487 = arith.index_cast %get3A_1486 : i32 to index
        %get3A_1488 = arith.constant 16 : index
        %get3A_1489 = tpu.vector_load %arg5[%get3A_1487, %get3A_1488] {strides = array<i32>} : memref<8x96xi32, #tpu.memory_space<vmem>>, vector<16xi32>,
        %masked_sort3A_1490 = arith.constant dense<true> : vector<16xi1>
        %masked_sort3A_1491 = arith.constant -2147483648 : i32
        %masked_sort3A_1492 = vector.broadcast %masked_sort3A_1491 : i32 to vector<16xi32>
        %masked_sort3A_1493 = arith.xori %add3A_44, %masked_sort3A_1492 : vector<16xi32>
        %masked_sort3A_1494, %masked_sort3A_1495, %masked_sort3A_1496 = tpu.sort %masked_sort3A_1493, %get3A_1485 masked %masked_sort3A_1490 : (vector<16xi32>, vector<16xi32>, vector<16xi1>) -> (vector<16xi1>, vector<16xi32>, vector<16xi32>)
        %masked_sort3A_1497 = arith.xori %masked_sort3A_1495, %masked_sort3A_1492 : vector<16xi32>
        %masked_sort3A_1498 = arith.constant dense<true> : vector<16xi1>
        %masked_sort3A_1499 = arith.constant -2147483648 : i32
        %masked_sort3A_1500 = vector.broadcast %masked_sort3A_1499 : i32 to vector<16xi32>
        %masked_sort3A_1501 = arith.xori %sub3A, %masked_sort3A_1500 : vector<16xi32>
        %masked_sort3A_1502, %masked_sort3A_1503, %masked_sort3A_1504 = tpu.sort %masked_sort3A_1501, %get3A_1489 masked %masked_sort3A_1498 : (vector<16xi32>, vector<16xi32>, vector<16xi1>) -> (vector<16xi1>, vector<16xi32>, vector<16xi32>)
        %masked_sort3A_1505 = arith.xori %masked_sort3A_1503, %masked_sort3A_1500 : vector<16xi32>
        %select_n3A_1506 = arith.select %eq3A_61, %masked_sort3A_1504, %masked_sort3A_1496 : vector<16xi1>, vector<16xi32>
        %add3A_1507 = arith.addi %select_n3A_1506, %mul3A_8 : vector<16xi32>
        %swap3A_1508 = arith.constant 128 : index
        %swap3A_1509 = tpu.vector_load %arg7[%swap3A_1508] {strides = array<i32>} : memref<640xi32, #tpu.memory_space<vmem>>, vector<16xi32>,
        tpu.vector_store %arg7[%swap3A_1508], %add3A_1507 {strides = array<i32>} : memref<640xi32, #tpu.memory_space<vmem>>, vector<16xi32>,
        %get3A_1510 = arith.constant 2 : i32
        %get3A_1511 = arith.index_cast %get3A_1510 : i32 to index
        %get3A_1512 = arith.constant 16 : index
        %get3A_1513 = tpu.vector_load %arg5[%get3A_1511, %get3A_1512] {strides = array<i32>} : memref<8x96xi32, #tpu.memory_space<vmem>>, vector<16xi32>,
        %get3A_1514 = arith.constant 3 : i32
        %get3A_1515 = arith.index_cast %get3A_1514 : i32 to index
        %get3A_1516 = arith.constant 16 : index
        %get3A_1517 = tpu.vector_load %arg5[%get3A_1515, %get3A_1516] {strides = array<i32>} : memref<8x96xi32, #tpu.memory_space<vmem>>, vector<16xi32>,
        %masked_sort3A_1518 = arith.constant dense<true> : vector<16xi1>
        %masked_sort3A_1519 = arith.constant -2147483648 : i32
        %masked_sort3A_1520 = vector.broadcast %masked_sort3A_1519 : i32 to vector<16xi32>
        %masked_sort3A_1521 = arith.xori %add3A_44, %masked_sort3A_1520 : vector<16xi32>
        %masked_sort3A_1522, %masked_sort3A_1523, %masked_sort3A_1524 = tpu.sort %masked_sort3A_1521, %get3A_1513 masked %masked_sort3A_1518 : (vector<16xi32>, vector<16xi32>, vector<16xi1>) -> (vector<16xi1>, vector<16xi32>, vector<16xi32>)
        %masked_sort3A_1525 = arith.xori %masked_sort3A_1523, %masked_sort3A_1520 : vector<16xi32>
        %masked_sort3A_1526 = arith.constant dense<true> : vector<16xi1>
        %masked_sort3A_1527 = arith.constant -2147483648 : i32
        %masked_sort3A_1528 = vector.broadcast %masked_sort3A_1527 : i32 to vector<16xi32>
        %masked_sort3A_1529 = arith.xori %sub3A, %masked_sort3A_1528 : vector<16xi32>
        %masked_sort3A_1530, %masked_sort3A_1531, %masked_sort3A_1532 = tpu.sort %masked_sort3A_1529, %get3A_1517 masked %masked_sort3A_1526 : (vector<16xi32>, vector<16xi32>, vector<16xi1>) -> (vector<16xi1>, vector<16xi32>, vector<16xi32>)
        %masked_sort3A_1533 = arith.xori %masked_sort3A_1531, %masked_sort3A_1528 : vector<16xi32>
        %select_n3A_1534 = arith.select %eq3A_61, %masked_sort3A_1532, %masked_sort3A_1524 : vector<16xi1>, vector<16xi32>
        %add3A_1535 = arith.addi %select_n3A_1534, %mul3A_17 : vector<16xi32>
        %swap3A_1536 = arith.constant 144 : index
        %swap3A_1537 = tpu.vector_load %arg7[%swap3A_1536] {strides = array<i32>} : memref<640xi32, #tpu.memory_space<vmem>>, vector<16xi32>,
        tpu.vector_store %arg7[%swap3A_1536], %add3A_1535 {strides = array<i32>} : memref<640xi32, #tpu.memory_space<vmem>>, vector<16xi32>,
        %get3A_1538 = arith.constant 4 : i32
        %get3A_1539 = arith.index_cast %get3A_1538 : i32 to index
        %get3A_1540 = arith.constant 16 : index
        %get3A_1541 = tpu.vector_load %arg5[%get3A_1539, %get3A_1540] {strides = array<i32>} : memref<8x96xi32, #tpu.memory_space<vmem>>, vector<16xi32>,
        %get3A_1542 = arith.constant 5 : i32
        %get3A_1543 = arith.index_cast %get3A_1542 : i32 to index
        %get3A_1544 = arith.constant 16 : index
        %get3A_1545 = tpu.vector_load %arg5[%get3A_1543, %get3A_1544] {strides = array<i32>} : memref<8x96xi32, #tpu.memory_space<vmem>>, vector<16xi32>,
        %masked_sort3A_1546 = arith.constant dense<true> : vector<16xi1>
        %masked_sort3A_1547 = arith.constant -2147483648 : i32
        %masked_sort3A_1548 = vector.broadcast %masked_sort3A_1547 : i32 to vector<16xi32>
        %masked_sort3A_1549 = arith.xori %add3A_44, %masked_sort3A_1548 : vector<16xi32>
        %masked_sort3A_1550, %masked_sort3A_1551, %masked_sort3A_1552 = tpu.sort %masked_sort3A_1549, %get3A_1541 masked %masked_sort3A_1546 : (vector<16xi32>, vector<16xi32>, vector<16xi1>) -> (vector<16xi1>, vector<16xi32>, vector<16xi32>)
        %masked_sort3A_1553 = arith.xori %masked_sort3A_1551, %masked_sort3A_1548 : vector<16xi32>
        %masked_sort3A_1554 = arith.constant dense<true> : vector<16xi1>
        %masked_sort3A_1555 = arith.constant -2147483648 : i32
        %masked_sort3A_1556 = vector.broadcast %masked_sort3A_1555 : i32 to vector<16xi32>
        %masked_sort3A_1557 = arith.xori %sub3A, %masked_sort3A_1556 : vector<16xi32>
        %masked_sort3A_1558, %masked_sort3A_1559, %masked_sort3A_1560 = tpu.sort %masked_sort3A_1557, %get3A_1545 masked %masked_sort3A_1554 : (vector<16xi32>, vector<16xi32>, vector<16xi1>) -> (vector<16xi1>, vector<16xi32>, vector<16xi32>)
        %masked_sort3A_1561 = arith.xori %masked_sort3A_1559, %masked_sort3A_1556 : vector<16xi32>
        %select_n3A_1562 = arith.select %eq3A_61, %masked_sort3A_1560, %masked_sort3A_1552 : vector<16xi1>, vector<16xi32>
        %add3A_1563 = arith.addi %select_n3A_1562, %mul3A_26 : vector<16xi32>
        %swap3A_1564 = arith.constant 160 : index
        %swap3A_1565 = tpu.vector_load %arg7[%swap3A_1564] {strides = array<i32>} : memref<640xi32, #tpu.memory_space<vmem>>, vector<16xi32>,
        tpu.vector_store %arg7[%swap3A_1564], %add3A_1563 {strides = array<i32>} : memref<640xi32, #tpu.memory_space<vmem>>, vector<16xi32>,
        %get3A_1566 = arith.constant 6 : i32
        %get3A_1567 = arith.index_cast %get3A_1566 : i32 to index
        %get3A_1568 = arith.constant 16 : index
        %get3A_1569 = tpu.vector_load %arg5[%get3A_1567, %get3A_1568] {strides = array<i32>} : memref<8x96xi32, #tpu.memory_space<vmem>>, vector<16xi32>,
        %get3A_1570 = arith.constant 7 : i32
        %get3A_1571 = arith.index_cast %get3A_1570 : i32 to index
        %get3A_1572 = arith.constant 16 : index
        %get3A_1573 = tpu.vector_load %arg5[%get3A_1571, %get3A_1572] {strides = array<i32>} : memref<8x96xi32, #tpu.memory_space<vmem>>, vector<16xi32>,
        %masked_sort3A_1574 = arith.constant dense<true> : vector<16xi1>
        %masked_sort3A_1575 = arith.constant -2147483648 : i32
        %masked_sort3A_1576 = vector.broadcast %masked_sort3A_1575 : i32 to vector<16xi32>
        %masked_sort3A_1577 = arith.xori %add3A_44, %masked_sort3A_1576 : vector<16xi32>
        %masked_sort3A_1578, %masked_sort3A_1579, %masked_sort3A_1580 = tpu.sort %masked_sort3A_1577, %get3A_1569 masked %masked_sort3A_1574 : (vector<16xi32>, vector<16xi32>, vector<16xi1>) -> (vector<16xi1>, vector<16xi32>, vector<16xi32>)
        %masked_sort3A_1581 = arith.xori %masked_sort3A_1579, %masked_sort3A_1576 : vector<16xi32>
        %masked_sort3A_1582 = arith.constant dense<true> : vector<16xi1>
        %masked_sort3A_1583 = arith.constant -2147483648 : i32
        %masked_sort3A_1584 = vector.broadcast %masked_sort3A_1583 : i32 to vector<16xi32>
        %masked_sort3A_1585 = arith.xori %sub3A, %masked_sort3A_1584 : vector<16xi32>
        %masked_sort3A_1586, %masked_sort3A_1587, %masked_sort3A_1588 = tpu.sort %masked_sort3A_1585, %get3A_1573 masked %masked_sort3A_1582 : (vector<16xi32>, vector<16xi32>, vector<16xi1>) -> (vector<16xi1>, vector<16xi32>, vector<16xi32>)
        %masked_sort3A_1589 = arith.xori %masked_sort3A_1587, %masked_sort3A_1584 : vector<16xi32>
        %select_n3A_1590 = arith.select %eq3A_61, %masked_sort3A_1588, %masked_sort3A_1580 : vector<16xi1>, vector<16xi32>
        %add3A_1591 = arith.addi %select_n3A_1590, %mul3A_35 : vector<16xi32>
        %swap3A_1592 = arith.constant 176 : index
        %swap3A_1593 = tpu.vector_load %arg7[%swap3A_1592] {strides = array<i32>} : memref<640xi32, #tpu.memory_space<vmem>>, vector<16xi32>,
        tpu.vector_store %arg7[%swap3A_1592], %add3A_1591 {strides = array<i32>} : memref<640xi32, #tpu.memory_space<vmem>>, vector<16xi32>,
        %get3A_1594 = arith.constant 0 : i32
        %get3A_1595 = arith.index_cast %get3A_1594 : i32 to index
        %get3A_1596 = arith.constant 24 : index
        %get3A_1597 = tpu.vector_load %arg5[%get3A_1595, %get3A_1596] {strides = array<i32>} : memref<8x96xi32, #tpu.memory_space<vmem>>, vector<16xi32>,
        %get3A_1598 = arith.constant 1 : i32
        %get3A_1599 = arith.index_cast %get3A_1598 : i32 to index
        %get3A_1600 = arith.constant 24 : index
        %get3A_1601 = tpu.vector_load %arg5[%get3A_1599, %get3A_1600] {strides = array<i32>} : memref<8x96xi32, #tpu.memory_space<vmem>>, vector<16xi32>,
        %masked_sort3A_1602 = arith.constant dense<true> : vector<16xi1>
        %masked_sort3A_1603 = arith.constant -2147483648 : i32
        %masked_sort3A_1604 = vector.broadcast %masked_sort3A_1603 : i32 to vector<16xi32>
        %masked_sort3A_1605 = arith.xori %add3A_44, %masked_sort3A_1604 : vector<16xi32>
        %masked_sort3A_1606, %masked_sort3A_1607, %masked_sort3A_1608 = tpu.sort %masked_sort3A_1605, %get3A_1597 masked %masked_sort3A_1602 : (vector<16xi32>, vector<16xi32>, vector<16xi1>) -> (vector<16xi1>, vector<16xi32>, vector<16xi32>)
        %masked_sort3A_1609 = arith.xori %masked_sort3A_1607, %masked_sort3A_1604 : vector<16xi32>
        %masked_sort3A_1610 = arith.constant dense<true> : vector<16xi1>
        %masked_sort3A_1611 = arith.constant -2147483648 : i32
        %masked_sort3A_1612 = vector.broadcast %masked_sort3A_1611 : i32 to vector<16xi32>
        %masked_sort3A_1613 = arith.xori %sub3A, %masked_sort3A_1612 : vector<16xi32>
        %masked_sort3A_1614, %masked_sort3A_1615, %masked_sort3A_1616 = tpu.sort %masked_sort3A_1613, %get3A_1601 masked %masked_sort3A_1610 : (vector<16xi32>, vector<16xi32>, vector<16xi1>) -> (vector<16xi1>, vector<16xi32>, vector<16xi32>)
        %masked_sort3A_1617 = arith.xori %masked_sort3A_1615, %masked_sort3A_1612 : vector<16xi32>
        %select_n3A_1618 = arith.select %eq3A_61, %masked_sort3A_1616, %masked_sort3A_1608 : vector<16xi1>, vector<16xi32>
        %add3A_1619 = arith.addi %select_n3A_1618, %mul3A_8 : vector<16xi32>
        %swap3A_1620 = arith.constant 192 : index
        %swap3A_1621 = tpu.vector_load %arg7[%swap3A_1620] {strides = array<i32>} : memref<640xi32, #tpu.memory_space<vmem>>, vector<16xi32>,
        tpu.vector_store %arg7[%swap3A_1620], %add3A_1619 {strides = array<i32>} : memref<640xi32, #tpu.memory_space<vmem>>, vector<16xi32>,
        %get3A_1622 = arith.constant 2 : i32
        %get3A_1623 = arith.index_cast %get3A_1622 : i32 to index
        %get3A_1624 = arith.constant 24 : index
        %get3A_1625 = tpu.vector_load %arg5[%get3A_1623, %get3A_1624] {strides = array<i32>} : memref<8x96xi32, #tpu.memory_space<vmem>>, vector<16xi32>,
        %get3A_1626 = arith.constant 3 : i32
        %get3A_1627 = arith.index_cast %get3A_1626 : i32 to index
        %get3A_1628 = arith.constant 24 : index
        %get3A_1629 = tpu.vector_load %arg5[%get3A_1627, %get3A_1628] {strides = array<i32>} : memref<8x96xi32, #tpu.memory_space<vmem>>, vector<16xi32>,
        %masked_sort3A_1630 = arith.constant dense<true> : vector<16xi1>
        %masked_sort3A_1631 = arith.constant -2147483648 : i32
        %masked_sort3A_1632 = vector.broadcast %masked_sort3A_1631 : i32 to vector<16xi32>
        %masked_sort3A_1633 = arith.xori %add3A_44, %masked_sort3A_1632 : vector<16xi32>
        %masked_sort3A_1634, %masked_sort3A_1635, %masked_sort3A_1636 = tpu.sort %masked_sort3A_1633, %get3A_1625 masked %masked_sort3A_1630 : (vector<16xi32>, vector<16xi32>, vector<16xi1>) -> (vector<16xi1>, vector<16xi32>, vector<16xi32>)
        %masked_sort3A_1637 = arith.xori %masked_sort3A_1635, %masked_sort3A_1632 : vector<16xi32>
        %masked_sort3A_1638 = arith.constant dense<true> : vector<16xi1>
        %masked_sort3A_1639 = arith.constant -2147483648 : i32
        %masked_sort3A_1640 = vector.broadcast %masked_sort3A_1639 : i32 to vector<16xi32>
        %masked_sort3A_1641 = arith.xori %sub3A, %masked_sort3A_1640 : vector<16xi32>
        %masked_sort3A_1642, %masked_sort3A_1643, %masked_sort3A_1644 = tpu.sort %masked_sort3A_1641, %get3A_1629 masked %masked_sort3A_1638 : (vector<16xi32>, vector<16xi32>, vector<16xi1>) -> (vector<16xi1>, vector<16xi32>, vector<16xi32>)
        %masked_sort3A_1645 = arith.xori %masked_sort3A_1643, %masked_sort3A_1640 : vector<16xi32>
        %select_n3A_1646 = arith.select %eq3A_61, %masked_sort3A_1644, %masked_sort3A_1636 : vector<16xi1>, vector<16xi32>
        %add3A_1647 = arith.addi %select_n3A_1646, %mul3A_17 : vector<16xi32>
        %swap3A_1648 = arith.constant 208 : index
        %swap3A_1649 = tpu.vector_load %arg7[%swap3A_1648] {strides = array<i32>} : memref<640xi32, #tpu.memory_space<vmem>>, vector<16xi32>,
        tpu.vector_store %arg7[%swap3A_1648], %add3A_1647 {strides = array<i32>} : memref<640xi32, #tpu.memory_space<vmem>>, vector<16xi32>,
        %get3A_1650 = arith.constant 4 : i32
        %get3A_1651 = arith.index_cast %get3A_1650 : i32 to index
        %get3A_1652 = arith.constant 24 : index
        %get3A_1653 = tpu.vector_load %arg5[%get3A_1651, %get3A_1652] {strides = array<i32>} : memref<8x96xi32, #tpu.memory_space<vmem>>, vector<16xi32>,
        %get3A_1654 = arith.constant 5 : i32
        %get3A_1655 = arith.index_cast %get3A_1654 : i32 to index
        %get3A_1656 = arith.constant 24 : index
        %get3A_1657 = tpu.vector_load %arg5[%get3A_1655, %get3A_1656] {strides = array<i32>} : memref<8x96xi32, #tpu.memory_space<vmem>>, vector<16xi32>,
        %masked_sort3A_1658 = arith.constant dense<true> : vector<16xi1>
        %masked_sort3A_1659 = arith.constant -2147483648 : i32
        %masked_sort3A_1660 = vector.broadcast %masked_sort3A_1659 : i32 to vector<16xi32>
        %masked_sort3A_1661 = arith.xori %add3A_44, %masked_sort3A_1660 : vector<16xi32>
        %masked_sort3A_1662, %masked_sort3A_1663, %masked_sort3A_1664 = tpu.sort %masked_sort3A_1661, %get3A_1653 masked %masked_sort3A_1658 : (vector<16xi32>, vector<16xi32>, vector<16xi1>) -> (vector<16xi1>, vector<16xi32>, vector<16xi32>)
        %masked_sort3A_1665 = arith.xori %masked_sort3A_1663, %masked_sort3A_1660 : vector<16xi32>
        %masked_sort3A_1666 = arith.constant dense<true> : vector<16xi1>
        %masked_sort3A_1667 = arith.constant -2147483648 : i32
        %masked_sort3A_1668 = vector.broadcast %masked_sort3A_1667 : i32 to vector<16xi32>
        %masked_sort3A_1669 = arith.xori %sub3A, %masked_sort3A_1668 : vector<16xi32>
        %masked_sort3A_1670, %masked_sort3A_1671, %masked_sort3A_1672 = tpu.sort %masked_sort3A_1669, %get3A_1657 masked %masked_sort3A_1666 : (vector<16xi32>, vector<16xi32>, vector<16xi1>) -> (vector<16xi1>, vector<16xi32>, vector<16xi32>)
        %masked_sort3A_1673 = arith.xori %masked_sort3A_1671, %masked_sort3A_1668 : vector<16xi32>
        %select_n3A_1674 = arith.select %eq3A_61, %masked_sort3A_1672, %masked_sort3A_1664 : vector<16xi1>, vector<16xi32>
        %add3A_1675 = arith.addi %select_n3A_1674, %mul3A_26 : vector<16xi32>
        %swap3A_1676 = arith.constant 224 : index
        %swap3A_1677 = tpu.vector_load %arg7[%swap3A_1676] {strides = array<i32>} : memref<640xi32, #tpu.memory_space<vmem>>, vector<16xi32>,
        tpu.vector_store %arg7[%swap3A_1676], %add3A_1675 {strides = array<i32>} : memref<640xi32, #tpu.memory_space<vmem>>, vector<16xi32>,
        %get3A_1678 = arith.constant 6 : i32
        %get3A_1679 = arith.index_cast %get3A_1678 : i32 to index
        %get3A_1680 = arith.constant 24 : index
        %get3A_1681 = tpu.vector_load %arg5[%get3A_1679, %get3A_1680] {strides = array<i32>} : memref<8x96xi32, #tpu.memory_space<vmem>>, vector<16xi32>,
        %get3A_1682 = arith.constant 7 : i32
        %get3A_1683 = arith.index_cast %get3A_1682 : i32 to index
        %get3A_1684 = arith.constant 24 : index
        %get3A_1685 = tpu.vector_load %arg5[%get3A_1683, %get3A_1684] {strides = array<i32>} : memref<8x96xi32, #tpu.memory_space<vmem>>, vector<16xi32>,
        %masked_sort3A_1686 = arith.constant dense<true> : vector<16xi1>
        %masked_sort3A_1687 = arith.constant -2147483648 : i32
        %masked_sort3A_1688 = vector.broadcast %masked_sort3A_1687 : i32 to vector<16xi32>
        %masked_sort3A_1689 = arith.xori %add3A_44, %masked_sort3A_1688 : vector<16xi32>
        %masked_sort3A_1690, %masked_sort3A_1691, %masked_sort3A_1692 = tpu.sort %masked_sort3A_1689, %get3A_1681 masked %masked_sort3A_1686 : (vector<16xi32>, vector<16xi32>, vector<16xi1>) -> (vector<16xi1>, vector<16xi32>, vector<16xi32>)
        %masked_sort3A_1693 = arith.xori %masked_sort3A_1691, %masked_sort3A_1688 : vector<16xi32>
        %masked_sort3A_1694 = arith.constant dense<true> : vector<16xi1>
        %masked_sort3A_1695 = arith.constant -2147483648 : i32
        %masked_sort3A_1696 = vector.broadcast %masked_sort3A_1695 : i32 to vector<16xi32>
        %masked_sort3A_1697 = arith.xori %sub3A, %masked_sort3A_1696 : vector<16xi32>
        %masked_sort3A_1698, %masked_sort3A_1699, %masked_sort3A_1700 = tpu.sort %masked_sort3A_1697, %get3A_1685 masked %masked_sort3A_1694 : (vector<16xi32>, vector<16xi32>, vector<16xi1>) -> (vector<16xi1>, vector<16xi32>, vector<16xi32>)
        %masked_sort3A_1701 = arith.xori %masked_sort3A_1699, %masked_sort3A_1696 : vector<16xi32>
        %select_n3A_1702 = arith.select %eq3A_61, %masked_sort3A_1700, %masked_sort3A_1692 : vector<16xi1>, vector<16xi32>
        %add3A_1703 = arith.addi %select_n3A_1702, %mul3A_35 : vector<16xi32>
        %swap3A_1704 = arith.constant 240 : index
        %swap3A_1705 = tpu.vector_load %arg7[%swap3A_1704] {strides = array<i32>} : memref<640xi32, #tpu.memory_space<vmem>>, vector<16xi32>,
        tpu.vector_store %arg7[%swap3A_1704], %add3A_1703 {strides = array<i32>} : memref<640xi32, #tpu.memory_space<vmem>>, vector<16xi32>,
        %get3A_1706 = arith.constant 0 : i32
        %get3A_1707 = arith.index_cast %get3A_1706 : i32 to index
        %get3A_1708 = arith.constant 32 : index
        %get3A_1709 = tpu.vector_load %arg5[%get3A_1707, %get3A_1708] {strides = array<i32>} : memref<8x96xi32, #tpu.memory_space<vmem>>, vector<16xi32>,
        %get3A_1710 = arith.constant 1 : i32
        %get3A_1711 = arith.index_cast %get3A_1710 : i32 to index
        %get3A_1712 = arith.constant 32 : index
        %get3A_1713 = tpu.vector_load %arg5[%get3A_1711, %get3A_1712] {strides = array<i32>} : memref<8x96xi32, #tpu.memory_space<vmem>>, vector<16xi32>,
        %masked_sort3A_1714 = arith.constant dense<true> : vector<16xi1>
        %masked_sort3A_1715 = arith.constant -2147483648 : i32
        %masked_sort3A_1716 = vector.broadcast %masked_sort3A_1715 : i32 to vector<16xi32>
        %masked_sort3A_1717 = arith.xori %add3A_44, %masked_sort3A_1716 : vector<16xi32>
        %masked_sort3A_1718, %masked_sort3A_1719, %masked_sort3A_1720 = tpu.sort %masked_sort3A_1717, %get3A_1709 masked %masked_sort3A_1714 : (vector<16xi32>, vector<16xi32>, vector<16xi1>) -> (vector<16xi1>, vector<16xi32>, vector<16xi32>)
        %masked_sort3A_1721 = arith.xori %masked_sort3A_1719, %masked_sort3A_1716 : vector<16xi32>
        %masked_sort3A_1722 = arith.constant dense<true> : vector<16xi1>
        %masked_sort3A_1723 = arith.constant -2147483648 : i32
        %masked_sort3A_1724 = vector.broadcast %masked_sort3A_1723 : i32 to vector<16xi32>
        %masked_sort3A_1725 = arith.xori %sub3A, %masked_sort3A_1724 : vector<16xi32>
        %masked_sort3A_1726, %masked_sort3A_1727, %masked_sort3A_1728 = tpu.sort %masked_sort3A_1725, %get3A_1713 masked %masked_sort3A_1722 : (vector<16xi32>, vector<16xi32>, vector<16xi1>) -> (vector<16xi1>, vector<16xi32>, vector<16xi32>)
        %masked_sort3A_1729 = arith.xori %masked_sort3A_1727, %masked_sort3A_1724 : vector<16xi32>
        %select_n3A_1730 = arith.select %eq3A_61, %masked_sort3A_1728, %masked_sort3A_1720 : vector<16xi1>, vector<16xi32>
        %add3A_1731 = arith.addi %select_n3A_1730, %mul3A_8 : vector<16xi32>
        %swap3A_1732 = arith.constant 256 : index
        %swap3A_1733 = tpu.vector_load %arg7[%swap3A_1732] {strides = array<i32>} : memref<640xi32, #tpu.memory_space<vmem>>, vector<16xi32>,
        tpu.vector_store %arg7[%swap3A_1732], %add3A_1731 {strides = array<i32>} : memref<640xi32, #tpu.memory_space<vmem>>, vector<16xi32>,
        %get3A_1734 = arith.constant 2 : i32
        %get3A_1735 = arith.index_cast %get3A_1734 : i32 to index
        %get3A_1736 = arith.constant 32 : index
        %get3A_1737 = tpu.vector_load %arg5[%get3A_1735, %get3A_1736] {strides = array<i32>} : memref<8x96xi32, #tpu.memory_space<vmem>>, vector<16xi32>,
        %get3A_1738 = arith.constant 3 : i32
        %get3A_1739 = arith.index_cast %get3A_1738 : i32 to index
        %get3A_1740 = arith.constant 32 : index
        %get3A_1741 = tpu.vector_load %arg5[%get3A_1739, %get3A_1740] {strides = array<i32>} : memref<8x96xi32, #tpu.memory_space<vmem>>, vector<16xi32>,
        %masked_sort3A_1742 = arith.constant dense<true> : vector<16xi1>
        %masked_sort3A_1743 = arith.constant -2147483648 : i32
        %masked_sort3A_1744 = vector.broadcast %masked_sort3A_1743 : i32 to vector<16xi32>
        %masked_sort3A_1745 = arith.xori %add3A_44, %masked_sort3A_1744 : vector<16xi32>
        %masked_sort3A_1746, %masked_sort3A_1747, %masked_sort3A_1748 = tpu.sort %masked_sort3A_1745, %get3A_1737 masked %masked_sort3A_1742 : (vector<16xi32>, vector<16xi32>, vector<16xi1>) -> (vector<16xi1>, vector<16xi32>, vector<16xi32>)
        %masked_sort3A_1749 = arith.xori %masked_sort3A_1747, %masked_sort3A_1744 : vector<16xi32>
        %masked_sort3A_1750 = arith.constant dense<true> : vector<16xi1>
        %masked_sort3A_1751 = arith.constant -2147483648 : i32
        %masked_sort3A_1752 = vector.broadcast %masked_sort3A_1751 : i32 to vector<16xi32>
        %masked_sort3A_1753 = arith.xori %sub3A, %masked_sort3A_1752 : vector<16xi32>
        %masked_sort3A_1754, %masked_sort3A_1755, %masked_sort3A_1756 = tpu.sort %masked_sort3A_1753, %get3A_1741 masked %masked_sort3A_1750 : (vector<16xi32>, vector<16xi32>, vector<16xi1>) -> (vector<16xi1>, vector<16xi32>, vector<16xi32>)
        %masked_sort3A_1757 = arith.xori %masked_sort3A_1755, %masked_sort3A_1752 : vector<16xi32>
        %select_n3A_1758 = arith.select %eq3A_61, %masked_sort3A_1756, %masked_sort3A_1748 : vector<16xi1>, vector<16xi32>
        %add3A_1759 = arith.addi %select_n3A_1758, %mul3A_17 : vector<16xi32>
        %swap3A_1760 = arith.constant 272 : index
        %swap3A_1761 = tpu.vector_load %arg7[%swap3A_1760] {strides = array<i32>} : memref<640xi32, #tpu.memory_space<vmem>>, vector<16xi32>,
        tpu.vector_store %arg7[%swap3A_1760], %add3A_1759 {strides = array<i32>} : memref<640xi32, #tpu.memory_space<vmem>>, vector<16xi32>,
        %get3A_1762 = arith.constant 4 : i32
        %get3A_1763 = arith.index_cast %get3A_1762 : i32 to index
        %get3A_1764 = arith.constant 32 : index
        %get3A_1765 = tpu.vector_load %arg5[%get3A_1763, %get3A_1764] {strides = array<i32>} : memref<8x96xi32, #tpu.memory_space<vmem>>, vector<16xi32>,
        %get3A_1766 = arith.constant 5 : i32
        %get3A_1767 = arith.index_cast %get3A_1766 : i32 to index
        %get3A_1768 = arith.constant 32 : index
        %get3A_1769 = tpu.vector_load %arg5[%get3A_1767, %get3A_1768] {strides = array<i32>} : memref<8x96xi32, #tpu.memory_space<vmem>>, vector<16xi32>,
        %masked_sort3A_1770 = arith.constant dense<true> : vector<16xi1>
        %masked_sort3A_1771 = arith.constant -2147483648 : i32
        %masked_sort3A_1772 = vector.broadcast %masked_sort3A_1771 : i32 to vector<16xi32>
        %masked_sort3A_1773 = arith.xori %add3A_44, %masked_sort3A_1772 : vector<16xi32>
        %masked_sort3A_1774, %masked_sort3A_1775, %masked_sort3A_1776 = tpu.sort %masked_sort3A_1773, %get3A_1765 masked %masked_sort3A_1770 : (vector<16xi32>, vector<16xi32>, vector<16xi1>) -> (vector<16xi1>, vector<16xi32>, vector<16xi32>)
        %masked_sort3A_1777 = arith.xori %masked_sort3A_1775, %masked_sort3A_1772 : vector<16xi32>
        %masked_sort3A_1778 = arith.constant dense<true> : vector<16xi1>
        %masked_sort3A_1779 = arith.constant -2147483648 : i32
        %masked_sort3A_1780 = vector.broadcast %masked_sort3A_1779 : i32 to vector<16xi32>
        %masked_sort3A_1781 = arith.xori %sub3A, %masked_sort3A_1780 : vector<16xi32>
        %masked_sort3A_1782, %masked_sort3A_1783, %masked_sort3A_1784 = tpu.sort %masked_sort3A_1781, %get3A_1769 masked %masked_sort3A_1778 : (vector<16xi32>, vector<16xi32>, vector<16xi1>) -> (vector<16xi1>, vector<16xi32>, vector<16xi32>)
        %masked_sort3A_1785 = arith.xori %masked_sort3A_1783, %masked_sort3A_1780 : vector<16xi32>
        %select_n3A_1786 = arith.select %eq3A_61, %masked_sort3A_1784, %masked_sort3A_1776 : vector<16xi1>, vector<16xi32>
        %add3A_1787 = arith.addi %select_n3A_1786, %mul3A_26 : vector<16xi32>
        %swap3A_1788 = arith.constant 288 : index
        %swap3A_1789 = tpu.vector_load %arg7[%swap3A_1788] {strides = array<i32>} : memref<640xi32, #tpu.memory_space<vmem>>, vector<16xi32>,
        tpu.vector_store %arg7[%swap3A_1788], %add3A_1787 {strides = array<i32>} : memref<640xi32, #tpu.memory_space<vmem>>, vector<16xi32>,
        %get3A_1790 = arith.constant 6 : i32
        %get3A_1791 = arith.index_cast %get3A_1790 : i32 to index
        %get3A_1792 = arith.constant 32 : index
        %get3A_1793 = tpu.vector_load %arg5[%get3A_1791, %get3A_1792] {strides = array<i32>} : memref<8x96xi32, #tpu.memory_space<vmem>>, vector<16xi32>,
        %get3A_1794 = arith.constant 7 : i32
        %get3A_1795 = arith.index_cast %get3A_1794 : i32 to index
        %get3A_1796 = arith.constant 32 : index
        %get3A_1797 = tpu.vector_load %arg5[%get3A_1795, %get3A_1796] {strides = array<i32>} : memref<8x96xi32, #tpu.memory_space<vmem>>, vector<16xi32>,
        %masked_sort3A_1798 = arith.constant dense<true> : vector<16xi1>
        %masked_sort3A_1799 = arith.constant -2147483648 : i32
        %masked_sort3A_1800 = vector.broadcast %masked_sort3A_1799 : i32 to vector<16xi32>
        %masked_sort3A_1801 = arith.xori %add3A_44, %masked_sort3A_1800 : vector<16xi32>
        %masked_sort3A_1802, %masked_sort3A_1803, %masked_sort3A_1804 = tpu.sort %masked_sort3A_1801, %get3A_1793 masked %masked_sort3A_1798 : (vector<16xi32>, vector<16xi32>, vector<16xi1>) -> (vector<16xi1>, vector<16xi32>, vector<16xi32>)
        %masked_sort3A_1805 = arith.xori %masked_sort3A_1803, %masked_sort3A_1800 : vector<16xi32>
        %masked_sort3A_1806 = arith.constant dense<true> : vector<16xi1>
        %masked_sort3A_1807 = arith.constant -2147483648 : i32
        %masked_sort3A_1808 = vector.broadcast %masked_sort3A_1807 : i32 to vector<16xi32>
        %masked_sort3A_1809 = arith.xori %sub3A, %masked_sort3A_1808 : vector<16xi32>
        %masked_sort3A_1810, %masked_sort3A_1811, %masked_sort3A_1812 = tpu.sort %masked_sort3A_1809, %get3A_1797 masked %masked_sort3A_1806 : (vector<16xi32>, vector<16xi32>, vector<16xi1>) -> (vector<16xi1>, vector<16xi32>, vector<16xi32>)
        %masked_sort3A_1813 = arith.xori %masked_sort3A_1811, %masked_sort3A_1808 : vector<16xi32>
        %select_n3A_1814 = arith.select %eq3A_61, %masked_sort3A_1812, %masked_sort3A_1804 : vector<16xi1>, vector<16xi32>
        %add3A_1815 = arith.addi %select_n3A_1814, %mul3A_35 : vector<16xi32>
        %swap3A_1816 = arith.constant 304 : index
        %swap3A_1817 = tpu.vector_load %arg7[%swap3A_1816] {strides = array<i32>} : memref<640xi32, #tpu.memory_space<vmem>>, vector<16xi32>,
        tpu.vector_store %arg7[%swap3A_1816], %add3A_1815 {strides = array<i32>} : memref<640xi32, #tpu.memory_space<vmem>>, vector<16xi32>,
        %get3A_1818 = arith.constant 0 : i32
        %get3A_1819 = arith.index_cast %get3A_1818 : i32 to index
        %get3A_1820 = arith.constant 40 : index
        %get3A_1821 = tpu.vector_load %arg5[%get3A_1819, %get3A_1820] {strides = array<i32>} : memref<8x96xi32, #tpu.memory_space<vmem>>, vector<16xi32>,
        %get3A_1822 = arith.constant 1 : i32
        %get3A_1823 = arith.index_cast %get3A_1822 : i32 to index
        %get3A_1824 = arith.constant 40 : index
        %get3A_1825 = tpu.vector_load %arg5[%get3A_1823, %get3A_1824] {strides = array<i32>} : memref<8x96xi32, #tpu.memory_space<vmem>>, vector<16xi32>,
        %masked_sort3A_1826 = arith.constant dense<true> : vector<16xi1>
        %masked_sort3A_1827 = arith.constant -2147483648 : i32
        %masked_sort3A_1828 = vector.broadcast %masked_sort3A_1827 : i32 to vector<16xi32>
        %masked_sort3A_1829 = arith.xori %add3A_44, %masked_sort3A_1828 : vector<16xi32>
        %masked_sort3A_1830, %masked_sort3A_1831, %masked_sort3A_1832 = tpu.sort %masked_sort3A_1829, %get3A_1821 masked %masked_sort3A_1826 : (vector<16xi32>, vector<16xi32>, vector<16xi1>) -> (vector<16xi1>, vector<16xi32>, vector<16xi32>)
        %masked_sort3A_1833 = arith.xori %masked_sort3A_1831, %masked_sort3A_1828 : vector<16xi32>
        %masked_sort3A_1834 = arith.constant dense<true> : vector<16xi1>
        %masked_sort3A_1835 = arith.constant -2147483648 : i32
        %masked_sort3A_1836 = vector.broadcast %masked_sort3A_1835 : i32 to vector<16xi32>
        %masked_sort3A_1837 = arith.xori %sub3A, %masked_sort3A_1836 : vector<16xi32>
        %masked_sort3A_1838, %masked_sort3A_1839, %masked_sort3A_1840 = tpu.sort %masked_sort3A_1837, %get3A_1825 masked %masked_sort3A_1834 : (vector<16xi32>, vector<16xi32>, vector<16xi1>) -> (vector<16xi1>, vector<16xi32>, vector<16xi32>)
        %masked_sort3A_1841 = arith.xori %masked_sort3A_1839, %masked_sort3A_1836 : vector<16xi32>
        %select_n3A_1842 = arith.select %eq3A_61, %masked_sort3A_1840, %masked_sort3A_1832 : vector<16xi1>, vector<16xi32>
        %add3A_1843 = arith.addi %select_n3A_1842, %mul3A_8 : vector<16xi32>
        %swap3A_1844 = arith.constant 320 : index
        %swap3A_1845 = tpu.vector_load %arg7[%swap3A_1844] {strides = array<i32>} : memref<640xi32, #tpu.memory_space<vmem>>, vector<16xi32>,
        tpu.vector_store %arg7[%swap3A_1844], %add3A_1843 {strides = array<i32>} : memref<640xi32, #tpu.memory_space<vmem>>, vector<16xi32>,
        %get3A_1846 = arith.constant 2 : i32
        %get3A_1847 = arith.index_cast %get3A_1846 : i32 to index
        %get3A_1848 = arith.constant 40 : index
        %get3A_1849 = tpu.vector_load %arg5[%get3A_1847, %get3A_1848] {strides = array<i32>} : memref<8x96xi32, #tpu.memory_space<vmem>>, vector<16xi32>,
        %get3A_1850 = arith.constant 3 : i32
        %get3A_1851 = arith.index_cast %get3A_1850 : i32 to index
        %get3A_1852 = arith.constant 40 : index
        %get3A_1853 = tpu.vector_load %arg5[%get3A_1851, %get3A_1852] {strides = array<i32>} : memref<8x96xi32, #tpu.memory_space<vmem>>, vector<16xi32>,
        %masked_sort3A_1854 = arith.constant dense<true> : vector<16xi1>
        %masked_sort3A_1855 = arith.constant -2147483648 : i32
        %masked_sort3A_1856 = vector.broadcast %masked_sort3A_1855 : i32 to vector<16xi32>
        %masked_sort3A_1857 = arith.xori %add3A_44, %masked_sort3A_1856 : vector<16xi32>
        %masked_sort3A_1858, %masked_sort3A_1859, %masked_sort3A_1860 = tpu.sort %masked_sort3A_1857, %get3A_1849 masked %masked_sort3A_1854 : (vector<16xi32>, vector<16xi32>, vector<16xi1>) -> (vector<16xi1>, vector<16xi32>, vector<16xi32>)
        %masked_sort3A_1861 = arith.xori %masked_sort3A_1859, %masked_sort3A_1856 : vector<16xi32>
        %masked_sort3A_1862 = arith.constant dense<true> : vector<16xi1>
        %masked_sort3A_1863 = arith.constant -2147483648 : i32
        %masked_sort3A_1864 = vector.broadcast %masked_sort3A_1863 : i32 to vector<16xi32>
        %masked_sort3A_1865 = arith.xori %sub3A, %masked_sort3A_1864 : vector<16xi32>
        %masked_sort3A_1866, %masked_sort3A_1867, %masked_sort3A_1868 = tpu.sort %masked_sort3A_1865, %get3A_1853 masked %masked_sort3A_1862 : (vector<16xi32>, vector<16xi32>, vector<16xi1>) -> (vector<16xi1>, vector<16xi32>, vector<16xi32>)
        %masked_sort3A_1869 = arith.xori %masked_sort3A_1867, %masked_sort3A_1864 : vector<16xi32>
        %select_n3A_1870 = arith.select %eq3A_61, %masked_sort3A_1868, %masked_sort3A_1860 : vector<16xi1>, vector<16xi32>
        %add3A_1871 = arith.addi %select_n3A_1870, %mul3A_17 : vector<16xi32>
        %swap3A_1872 = arith.constant 336 : index
        %swap3A_1873 = tpu.vector_load %arg7[%swap3A_1872] {strides = array<i32>} : memref<640xi32, #tpu.memory_space<vmem>>, vector<16xi32>,
        tpu.vector_store %arg7[%swap3A_1872], %add3A_1871 {strides = array<i32>} : memref<640xi32, #tpu.memory_space<vmem>>, vector<16xi32>,
        %get3A_1874 = arith.constant 4 : i32
        %get3A_1875 = arith.index_cast %get3A_1874 : i32 to index
        %get3A_1876 = arith.constant 40 : index
        %get3A_1877 = tpu.vector_load %arg5[%get3A_1875, %get3A_1876] {strides = array<i32>} : memref<8x96xi32, #tpu.memory_space<vmem>>, vector<16xi32>,
        %get3A_1878 = arith.constant 5 : i32
        %get3A_1879 = arith.index_cast %get3A_1878 : i32 to index
        %get3A_1880 = arith.constant 40 : index
        %get3A_1881 = tpu.vector_load %arg5[%get3A_1879, %get3A_1880] {strides = array<i32>} : memref<8x96xi32, #tpu.memory_space<vmem>>, vector<16xi32>,
        %masked_sort3A_1882 = arith.constant dense<true> : vector<16xi1>
        %masked_sort3A_1883 = arith.constant -2147483648 : i32
        %masked_sort3A_1884 = vector.broadcast %masked_sort3A_1883 : i32 to vector<16xi32>
        %masked_sort3A_1885 = arith.xori %add3A_44, %masked_sort3A_1884 : vector<16xi32>
        %masked_sort3A_1886, %masked_sort3A_1887, %masked_sort3A_1888 = tpu.sort %masked_sort3A_1885, %get3A_1877 masked %masked_sort3A_1882 : (vector<16xi32>, vector<16xi32>, vector<16xi1>) -> (vector<16xi1>, vector<16xi32>, vector<16xi32>)
        %masked_sort3A_1889 = arith.xori %masked_sort3A_1887, %masked_sort3A_1884 : vector<16xi32>
        %masked_sort3A_1890 = arith.constant dense<true> : vector<16xi1>
        %masked_sort3A_1891 = arith.constant -2147483648 : i32
        %masked_sort3A_1892 = vector.broadcast %masked_sort3A_1891 : i32 to vector<16xi32>
        %masked_sort3A_1893 = arith.xori %sub3A, %masked_sort3A_1892 : vector<16xi32>
        %masked_sort3A_1894, %masked_sort3A_1895, %masked_sort3A_1896 = tpu.sort %masked_sort3A_1893, %get3A_1881 masked %masked_sort3A_1890 : (vector<16xi32>, vector<16xi32>, vector<16xi1>) -> (vector<16xi1>, vector<16xi32>, vector<16xi32>)
        %masked_sort3A_1897 = arith.xori %masked_sort3A_1895, %masked_sort3A_1892 : vector<16xi32>
        %select_n3A_1898 = arith.select %eq3A_61, %masked_sort3A_1896, %masked_sort3A_1888 : vector<16xi1>, vector<16xi32>
        %add3A_1899 = arith.addi %select_n3A_1898, %mul3A_26 : vector<16xi32>
        %swap3A_1900 = arith.constant 352 : index
        %swap3A_1901 = tpu.vector_load %arg7[%swap3A_1900] {strides = array<i32>} : memref<640xi32, #tpu.memory_space<vmem>>, vector<16xi32>,
        tpu.vector_store %arg7[%swap3A_1900], %add3A_1899 {strides = array<i32>} : memref<640xi32, #tpu.memory_space<vmem>>, vector<16xi32>,
        %get3A_1902 = arith.constant 6 : i32
        %get3A_1903 = arith.index_cast %get3A_1902 : i32 to index
        %get3A_1904 = arith.constant 40 : index
        %get3A_1905 = tpu.vector_load %arg5[%get3A_1903, %get3A_1904] {strides = array<i32>} : memref<8x96xi32, #tpu.memory_space<vmem>>, vector<16xi32>,
        %get3A_1906 = arith.constant 7 : i32
        %get3A_1907 = arith.index_cast %get3A_1906 : i32 to index
        %get3A_1908 = arith.constant 40 : index
        %get3A_1909 = tpu.vector_load %arg5[%get3A_1907, %get3A_1908] {strides = array<i32>} : memref<8x96xi32, #tpu.memory_space<vmem>>, vector<16xi32>,
        %masked_sort3A_1910 = arith.constant dense<true> : vector<16xi1>
        %masked_sort3A_1911 = arith.constant -2147483648 : i32
        %masked_sort3A_1912 = vector.broadcast %masked_sort3A_1911 : i32 to vector<16xi32>
        %masked_sort3A_1913 = arith.xori %add3A_44, %masked_sort3A_1912 : vector<16xi32>
        %masked_sort3A_1914, %masked_sort3A_1915, %masked_sort3A_1916 = tpu.sort %masked_sort3A_1913, %get3A_1905 masked %masked_sort3A_1910 : (vector<16xi32>, vector<16xi32>, vector<16xi1>) -> (vector<16xi1>, vector<16xi32>, vector<16xi32>)
        %masked_sort3A_1917 = arith.xori %masked_sort3A_1915, %masked_sort3A_1912 : vector<16xi32>
        %masked_sort3A_1918 = arith.constant dense<true> : vector<16xi1>
        %masked_sort3A_1919 = arith.constant -2147483648 : i32
        %masked_sort3A_1920 = vector.broadcast %masked_sort3A_1919 : i32 to vector<16xi32>
        %masked_sort3A_1921 = arith.xori %sub3A, %masked_sort3A_1920 : vector<16xi32>
        %masked_sort3A_1922, %masked_sort3A_1923, %masked_sort3A_1924 = tpu.sort %masked_sort3A_1921, %get3A_1909 masked %masked_sort3A_1918 : (vector<16xi32>, vector<16xi32>, vector<16xi1>) -> (vector<16xi1>, vector<16xi32>, vector<16xi32>)
        %masked_sort3A_1925 = arith.xori %masked_sort3A_1923, %masked_sort3A_1920 : vector<16xi32>
        %select_n3A_1926 = arith.select %eq3A_61, %masked_sort3A_1924, %masked_sort3A_1916 : vector<16xi1>, vector<16xi32>
        %add3A_1927 = arith.addi %select_n3A_1926, %mul3A_35 : vector<16xi32>
        %swap3A_1928 = arith.constant 368 : index
        %swap3A_1929 = tpu.vector_load %arg7[%swap3A_1928] {strides = array<i32>} : memref<640xi32, #tpu.memory_space<vmem>>, vector<16xi32>,
        tpu.vector_store %arg7[%swap3A_1928], %add3A_1927 {strides = array<i32>} : memref<640xi32, #tpu.memory_space<vmem>>, vector<16xi32>,
        %get3A_1930 = arith.constant 0 : i32
        %get3A_1931 = arith.index_cast %get3A_1930 : i32 to index
        %get3A_1932 = arith.constant 48 : index
        %get3A_1933 = tpu.vector_load %arg5[%get3A_1931, %get3A_1932] {strides = array<i32>} : memref<8x96xi32, #tpu.memory_space<vmem>>, vector<16xi32>,
        %get3A_1934 = arith.constant 1 : i32
        %get3A_1935 = arith.index_cast %get3A_1934 : i32 to index
        %get3A_1936 = arith.constant 48 : index
        %get3A_1937 = tpu.vector_load %arg5[%get3A_1935, %get3A_1936] {strides = array<i32>} : memref<8x96xi32, #tpu.memory_space<vmem>>, vector<16xi32>,
        %masked_sort3A_1938 = arith.constant dense<true> : vector<16xi1>
        %masked_sort3A_1939 = arith.constant -2147483648 : i32
        %masked_sort3A_1940 = vector.broadcast %masked_sort3A_1939 : i32 to vector<16xi32>
        %masked_sort3A_1941 = arith.xori %add3A_44, %masked_sort3A_1940 : vector<16xi32>
        %masked_sort3A_1942, %masked_sort3A_1943, %masked_sort3A_1944 = tpu.sort %masked_sort3A_1941, %get3A_1933 masked %masked_sort3A_1938 : (vector<16xi32>, vector<16xi32>, vector<16xi1>) -> (vector<16xi1>, vector<16xi32>, vector<16xi32>)
        %masked_sort3A_1945 = arith.xori %masked_sort3A_1943, %masked_sort3A_1940 : vector<16xi32>
        %masked_sort3A_1946 = arith.constant dense<true> : vector<16xi1>
        %masked_sort3A_1947 = arith.constant -2147483648 : i32
        %masked_sort3A_1948 = vector.broadcast %masked_sort3A_1947 : i32 to vector<16xi32>
        %masked_sort3A_1949 = arith.xori %sub3A, %masked_sort3A_1948 : vector<16xi32>
        %masked_sort3A_1950, %masked_sort3A_1951, %masked_sort3A_1952 = tpu.sort %masked_sort3A_1949, %get3A_1937 masked %masked_sort3A_1946 : (vector<16xi32>, vector<16xi32>, vector<16xi1>) -> (vector<16xi1>, vector<16xi32>, vector<16xi32>)
        %masked_sort3A_1953 = arith.xori %masked_sort3A_1951, %masked_sort3A_1948 : vector<16xi32>
        %select_n3A_1954 = arith.select %eq3A_61, %masked_sort3A_1952, %masked_sort3A_1944 : vector<16xi1>, vector<16xi32>
        %add3A_1955 = arith.addi %select_n3A_1954, %mul3A_8 : vector<16xi32>
        %swap3A_1956 = arith.constant 384 : index
        %swap3A_1957 = tpu.vector_load %arg7[%swap3A_1956] {strides = array<i32>} : memref<640xi32, #tpu.memory_space<vmem>>, vector<16xi32>,
        tpu.vector_store %arg7[%swap3A_1956], %add3A_1955 {strides = array<i32>} : memref<640xi32, #tpu.memory_space<vmem>>, vector<16xi32>,
        %get3A_1958 = arith.constant 2 : i32
        %get3A_1959 = arith.index_cast %get3A_1958 : i32 to index
        %get3A_1960 = arith.constant 48 : index
        %get3A_1961 = tpu.vector_load %arg5[%get3A_1959, %get3A_1960] {strides = array<i32>} : memref<8x96xi32, #tpu.memory_space<vmem>>, vector<16xi32>,
        %get3A_1962 = arith.constant 3 : i32
        %get3A_1963 = arith.index_cast %get3A_1962 : i32 to index
        %get3A_1964 = arith.constant 48 : index
        %get3A_1965 = tpu.vector_load %arg5[%get3A_1963, %get3A_1964] {strides = array<i32>} : memref<8x96xi32, #tpu.memory_space<vmem>>, vector<16xi32>,
        %masked_sort3A_1966 = arith.constant dense<true> : vector<16xi1>
        %masked_sort3A_1967 = arith.constant -2147483648 : i32
        %masked_sort3A_1968 = vector.broadcast %masked_sort3A_1967 : i32 to vector<16xi32>
        %masked_sort3A_1969 = arith.xori %add3A_44, %masked_sort3A_1968 : vector<16xi32>
        %masked_sort3A_1970, %masked_sort3A_1971, %masked_sort3A_1972 = tpu.sort %masked_sort3A_1969, %get3A_1961 masked %masked_sort3A_1966 : (vector<16xi32>, vector<16xi32>, vector<16xi1>) -> (vector<16xi1>, vector<16xi32>, vector<16xi32>)
        %masked_sort3A_1973 = arith.xori %masked_sort3A_1971, %masked_sort3A_1968 : vector<16xi32>
        %masked_sort3A_1974 = arith.constant dense<true> : vector<16xi1>
        %masked_sort3A_1975 = arith.constant -2147483648 : i32
        %masked_sort3A_1976 = vector.broadcast %masked_sort3A_1975 : i32 to vector<16xi32>
        %masked_sort3A_1977 = arith.xori %sub3A, %masked_sort3A_1976 : vector<16xi32>
        %masked_sort3A_1978, %masked_sort3A_1979, %masked_sort3A_1980 = tpu.sort %masked_sort3A_1977, %get3A_1965 masked %masked_sort3A_1974 : (vector<16xi32>, vector<16xi32>, vector<16xi1>) -> (vector<16xi1>, vector<16xi32>, vector<16xi32>)
        %masked_sort3A_1981 = arith.xori %masked_sort3A_1979, %masked_sort3A_1976 : vector<16xi32>
        %select_n3A_1982 = arith.select %eq3A_61, %masked_sort3A_1980, %masked_sort3A_1972 : vector<16xi1>, vector<16xi32>
        %add3A_1983 = arith.addi %select_n3A_1982, %mul3A_17 : vector<16xi32>
        %swap3A_1984 = arith.constant 400 : index
        %swap3A_1985 = tpu.vector_load %arg7[%swap3A_1984] {strides = array<i32>} : memref<640xi32, #tpu.memory_space<vmem>>, vector<16xi32>,
        tpu.vector_store %arg7[%swap3A_1984], %add3A_1983 {strides = array<i32>} : memref<640xi32, #tpu.memory_space<vmem>>, vector<16xi32>,
        %get3A_1986 = arith.constant 4 : i32
        %get3A_1987 = arith.index_cast %get3A_1986 : i32 to index
        %get3A_1988 = arith.constant 48 : index
        %get3A_1989 = tpu.vector_load %arg5[%get3A_1987, %get3A_1988] {strides = array<i32>} : memref<8x96xi32, #tpu.memory_space<vmem>>, vector<16xi32>,
        %get3A_1990 = arith.constant 5 : i32
        %get3A_1991 = arith.index_cast %get3A_1990 : i32 to index
        %get3A_1992 = arith.constant 48 : index
        %get3A_1993 = tpu.vector_load %arg5[%get3A_1991, %get3A_1992] {strides = array<i32>} : memref<8x96xi32, #tpu.memory_space<vmem>>, vector<16xi32>,
        %masked_sort3A_1994 = arith.constant dense<true> : vector<16xi1>
        %masked_sort3A_1995 = arith.constant -2147483648 : i32
        %masked_sort3A_1996 = vector.broadcast %masked_sort3A_1995 : i32 to vector<16xi32>
        %masked_sort3A_1997 = arith.xori %add3A_44, %masked_sort3A_1996 : vector<16xi32>
        %masked_sort3A_1998, %masked_sort3A_1999, %masked_sort3A_2000 = tpu.sort %masked_sort3A_1997, %get3A_1989 masked %masked_sort3A_1994 : (vector<16xi32>, vector<16xi32>, vector<16xi1>) -> (vector<16xi1>, vector<16xi32>, vector<16xi32>)
        %masked_sort3A_2001 = arith.xori %masked_sort3A_1999, %masked_sort3A_1996 : vector<16xi32>
        %masked_sort3A_2002 = arith.constant dense<true> : vector<16xi1>
        %masked_sort3A_2003 = arith.constant -2147483648 : i32
        %masked_sort3A_2004 = vector.broadcast %masked_sort3A_2003 : i32 to vector<16xi32>
        %masked_sort3A_2005 = arith.xori %sub3A, %masked_sort3A_2004 : vector<16xi32>
        %masked_sort3A_2006, %masked_sort3A_2007, %masked_sort3A_2008 = tpu.sort %masked_sort3A_2005, %get3A_1993 masked %masked_sort3A_2002 : (vector<16xi32>, vector<16xi32>, vector<16xi1>) -> (vector<16xi1>, vector<16xi32>, vector<16xi32>)
        %masked_sort3A_2009 = arith.xori %masked_sort3A_2007, %masked_sort3A_2004 : vector<16xi32>
        %select_n3A_2010 = arith.select %eq3A_61, %masked_sort3A_2008, %masked_sort3A_2000 : vector<16xi1>, vector<16xi32>
        %add3A_2011 = arith.addi %select_n3A_2010, %mul3A_26 : vector<16xi32>
        %swap3A_2012 = arith.constant 416 : index
        %swap3A_2013 = tpu.vector_load %arg7[%swap3A_2012] {strides = array<i32>} : memref<640xi32, #tpu.memory_space<vmem>>, vector<16xi32>,
        tpu.vector_store %arg7[%swap3A_2012], %add3A_2011 {strides = array<i32>} : memref<640xi32, #tpu.memory_space<vmem>>, vector<16xi32>,
        %get3A_2014 = arith.constant 6 : i32
        %get3A_2015 = arith.index_cast %get3A_2014 : i32 to index
        %get3A_2016 = arith.constant 48 : index
        %get3A_2017 = tpu.vector_load %arg5[%get3A_2015, %get3A_2016] {strides = array<i32>} : memref<8x96xi32, #tpu.memory_space<vmem>>, vector<16xi32>,
        %get3A_2018 = arith.constant 7 : i32
        %get3A_2019 = arith.index_cast %get3A_2018 : i32 to index
        %get3A_2020 = arith.constant 48 : index
        %get3A_2021 = tpu.vector_load %arg5[%get3A_2019, %get3A_2020] {strides = array<i32>} : memref<8x96xi32, #tpu.memory_space<vmem>>, vector<16xi32>,
        %masked_sort3A_2022 = arith.constant dense<true> : vector<16xi1>
        %masked_sort3A_2023 = arith.constant -2147483648 : i32
        %masked_sort3A_2024 = vector.broadcast %masked_sort3A_2023 : i32 to vector<16xi32>
        %masked_sort3A_2025 = arith.xori %add3A_44, %masked_sort3A_2024 : vector<16xi32>
        %masked_sort3A_2026, %masked_sort3A_2027, %masked_sort3A_2028 = tpu.sort %masked_sort3A_2025, %get3A_2017 masked %masked_sort3A_2022 : (vector<16xi32>, vector<16xi32>, vector<16xi1>) -> (vector<16xi1>, vector<16xi32>, vector<16xi32>)
        %masked_sort3A_2029 = arith.xori %masked_sort3A_2027, %masked_sort3A_2024 : vector<16xi32>
        %masked_sort3A_2030 = arith.constant dense<true> : vector<16xi1>
        %masked_sort3A_2031 = arith.constant -2147483648 : i32
        %masked_sort3A_2032 = vector.broadcast %masked_sort3A_2031 : i32 to vector<16xi32>
        %masked_sort3A_2033 = arith.xori %sub3A, %masked_sort3A_2032 : vector<16xi32>
        %masked_sort3A_2034, %masked_sort3A_2035, %masked_sort3A_2036 = tpu.sort %masked_sort3A_2033, %get3A_2021 masked %masked_sort3A_2030 : (vector<16xi32>, vector<16xi32>, vector<16xi1>) -> (vector<16xi1>, vector<16xi32>, vector<16xi32>)
        %masked_sort3A_2037 = arith.xori %masked_sort3A_2035, %masked_sort3A_2032 : vector<16xi32>
        %select_n3A_2038 = arith.select %eq3A_61, %masked_sort3A_2036, %masked_sort3A_2028 : vector<16xi1>, vector<16xi32>
        %add3A_2039 = arith.addi %select_n3A_2038, %mul3A_35 : vector<16xi32>
        %swap3A_2040 = arith.constant 432 : index
        %swap3A_2041 = tpu.vector_load %arg7[%swap3A_2040] {strides = array<i32>} : memref<640xi32, #tpu.memory_space<vmem>>, vector<16xi32>,
        tpu.vector_store %arg7[%swap3A_2040], %add3A_2039 {strides = array<i32>} : memref<640xi32, #tpu.memory_space<vmem>>, vector<16xi32>,
        %get3A_2042 = arith.constant 0 : i32
        %get3A_2043 = arith.index_cast %get3A_2042 : i32 to index
        %get3A_2044 = arith.constant 56 : index
        %get3A_2045 = tpu.vector_load %arg5[%get3A_2043, %get3A_2044] {strides = array<i32>} : memref<8x96xi32, #tpu.memory_space<vmem>>, vector<16xi32>,
        %get3A_2046 = arith.constant 1 : i32
        %get3A_2047 = arith.index_cast %get3A_2046 : i32 to index
        %get3A_2048 = arith.constant 56 : index
        %get3A_2049 = tpu.vector_load %arg5[%get3A_2047, %get3A_2048] {strides = array<i32>} : memref<8x96xi32, #tpu.memory_space<vmem>>, vector<16xi32>,
        %masked_sort3A_2050 = arith.constant dense<true> : vector<16xi1>
        %masked_sort3A_2051 = arith.constant -2147483648 : i32
        %masked_sort3A_2052 = vector.broadcast %masked_sort3A_2051 : i32 to vector<16xi32>
        %masked_sort3A_2053 = arith.xori %add3A_44, %masked_sort3A_2052 : vector<16xi32>
        %masked_sort3A_2054, %masked_sort3A_2055, %masked_sort3A_2056 = tpu.sort %masked_sort3A_2053, %get3A_2045 masked %masked_sort3A_2050 : (vector<16xi32>, vector<16xi32>, vector<16xi1>) -> (vector<16xi1>, vector<16xi32>, vector<16xi32>)
        %masked_sort3A_2057 = arith.xori %masked_sort3A_2055, %masked_sort3A_2052 : vector<16xi32>
        %masked_sort3A_2058 = arith.constant dense<true> : vector<16xi1>
        %masked_sort3A_2059 = arith.constant -2147483648 : i32
        %masked_sort3A_2060 = vector.broadcast %masked_sort3A_2059 : i32 to vector<16xi32>
        %masked_sort3A_2061 = arith.xori %sub3A, %masked_sort3A_2060 : vector<16xi32>
        %masked_sort3A_2062, %masked_sort3A_2063, %masked_sort3A_2064 = tpu.sort %masked_sort3A_2061, %get3A_2049 masked %masked_sort3A_2058 : (vector<16xi32>, vector<16xi32>, vector<16xi1>) -> (vector<16xi1>, vector<16xi32>, vector<16xi32>)
        %masked_sort3A_2065 = arith.xori %masked_sort3A_2063, %masked_sort3A_2060 : vector<16xi32>
        %select_n3A_2066 = arith.select %eq3A_61, %masked_sort3A_2064, %masked_sort3A_2056 : vector<16xi1>, vector<16xi32>
        %add3A_2067 = arith.addi %select_n3A_2066, %mul3A_8 : vector<16xi32>
        %swap3A_2068 = arith.constant 448 : index
        %swap3A_2069 = tpu.vector_load %arg7[%swap3A_2068] {strides = array<i32>} : memref<640xi32, #tpu.memory_space<vmem>>, vector<16xi32>,
        tpu.vector_store %arg7[%swap3A_2068], %add3A_2067 {strides = array<i32>} : memref<640xi32, #tpu.memory_space<vmem>>, vector<16xi32>,
        %get3A_2070 = arith.constant 2 : i32
        %get3A_2071 = arith.index_cast %get3A_2070 : i32 to index
        %get3A_2072 = arith.constant 56 : index
        %get3A_2073 = tpu.vector_load %arg5[%get3A_2071, %get3A_2072] {strides = array<i32>} : memref<8x96xi32, #tpu.memory_space<vmem>>, vector<16xi32>,
        %get3A_2074 = arith.constant 3 : i32
        %get3A_2075 = arith.index_cast %get3A_2074 : i32 to index
        %get3A_2076 = arith.constant 56 : index
        %get3A_2077 = tpu.vector_load %arg5[%get3A_2075, %get3A_2076] {strides = array<i32>} : memref<8x96xi32, #tpu.memory_space<vmem>>, vector<16xi32>,
        %masked_sort3A_2078 = arith.constant dense<true> : vector<16xi1>
        %masked_sort3A_2079 = arith.constant -2147483648 : i32
        %masked_sort3A_2080 = vector.broadcast %masked_sort3A_2079 : i32 to vector<16xi32>
        %masked_sort3A_2081 = arith.xori %add3A_44, %masked_sort3A_2080 : vector<16xi32>
        %masked_sort3A_2082, %masked_sort3A_2083, %masked_sort3A_2084 = tpu.sort %masked_sort3A_2081, %get3A_2073 masked %masked_sort3A_2078 : (vector<16xi32>, vector<16xi32>, vector<16xi1>) -> (vector<16xi1>, vector<16xi32>, vector<16xi32>)
        %masked_sort3A_2085 = arith.xori %masked_sort3A_2083, %masked_sort3A_2080 : vector<16xi32>
        %masked_sort3A_2086 = arith.constant dense<true> : vector<16xi1>
        %masked_sort3A_2087 = arith.constant -2147483648 : i32
        %masked_sort3A_2088 = vector.broadcast %masked_sort3A_2087 : i32 to vector<16xi32>
        %masked_sort3A_2089 = arith.xori %sub3A, %masked_sort3A_2088 : vector<16xi32>
        %masked_sort3A_2090, %masked_sort3A_2091, %masked_sort3A_2092 = tpu.sort %masked_sort3A_2089, %get3A_2077 masked %masked_sort3A_2086 : (vector<16xi32>, vector<16xi32>, vector<16xi1>) -> (vector<16xi1>, vector<16xi32>, vector<16xi32>)
        %masked_sort3A_2093 = arith.xori %masked_sort3A_2091, %masked_sort3A_2088 : vector<16xi32>
        %select_n3A_2094 = arith.select %eq3A_61, %masked_sort3A_2092, %masked_sort3A_2084 : vector<16xi1>, vector<16xi32>
        %add3A_2095 = arith.addi %select_n3A_2094, %mul3A_17 : vector<16xi32>
        %swap3A_2096 = arith.constant 464 : index
        %swap3A_2097 = tpu.vector_load %arg7[%swap3A_2096] {strides = array<i32>} : memref<640xi32, #tpu.memory_space<vmem>>, vector<16xi32>,
        tpu.vector_store %arg7[%swap3A_2096], %add3A_2095 {strides = array<i32>} : memref<640xi32, #tpu.memory_space<vmem>>, vector<16xi32>,
        %get3A_2098 = arith.constant 4 : i32
        %get3A_2099 = arith.index_cast %get3A_2098 : i32 to index
        %get3A_2100 = arith.constant 56 : index
        %get3A_2101 = tpu.vector_load %arg5[%get3A_2099, %get3A_2100] {strides = array<i32>} : memref<8x96xi32, #tpu.memory_space<vmem>>, vector<16xi32>,
        %get3A_2102 = arith.constant 5 : i32
        %get3A_2103 = arith.index_cast %get3A_2102 : i32 to index
        %get3A_2104 = arith.constant 56 : index
        %get3A_2105 = tpu.vector_load %arg5[%get3A_2103, %get3A_2104] {strides = array<i32>} : memref<8x96xi32, #tpu.memory_space<vmem>>, vector<16xi32>,
        %masked_sort3A_2106 = arith.constant dense<true> : vector<16xi1>
        %masked_sort3A_2107 = arith.constant -2147483648 : i32
        %masked_sort3A_2108 = vector.broadcast %masked_sort3A_2107 : i32 to vector<16xi32>
        %masked_sort3A_2109 = arith.xori %add3A_44, %masked_sort3A_2108 : vector<16xi32>
        %masked_sort3A_2110, %masked_sort3A_2111, %masked_sort3A_2112 = tpu.sort %masked_sort3A_2109, %get3A_2101 masked %masked_sort3A_2106 : (vector<16xi32>, vector<16xi32>, vector<16xi1>) -> (vector<16xi1>, vector<16xi32>, vector<16xi32>)
        %masked_sort3A_2113 = arith.xori %masked_sort3A_2111, %masked_sort3A_2108 : vector<16xi32>
        %masked_sort3A_2114 = arith.constant dense<true> : vector<16xi1>
        %masked_sort3A_2115 = arith.constant -2147483648 : i32
        %masked_sort3A_2116 = vector.broadcast %masked_sort3A_2115 : i32 to vector<16xi32>
        %masked_sort3A_2117 = arith.xori %sub3A, %masked_sort3A_2116 : vector<16xi32>
        %masked_sort3A_2118, %masked_sort3A_2119, %masked_sort3A_2120 = tpu.sort %masked_sort3A_2117, %get3A_2105 masked %masked_sort3A_2114 : (vector<16xi32>, vector<16xi32>, vector<16xi1>) -> (vector<16xi1>, vector<16xi32>, vector<16xi32>)
        %masked_sort3A_2121 = arith.xori %masked_sort3A_2119, %masked_sort3A_2116 : vector<16xi32>
        %select_n3A_2122 = arith.select %eq3A_61, %masked_sort3A_2120, %masked_sort3A_2112 : vector<16xi1>, vector<16xi32>
        %add3A_2123 = arith.addi %select_n3A_2122, %mul3A_26 : vector<16xi32>
        %swap3A_2124 = arith.constant 480 : index
        %swap3A_2125 = tpu.vector_load %arg7[%swap3A_2124] {strides = array<i32>} : memref<640xi32, #tpu.memory_space<vmem>>, vector<16xi32>,
        tpu.vector_store %arg7[%swap3A_2124], %add3A_2123 {strides = array<i32>} : memref<640xi32, #tpu.memory_space<vmem>>, vector<16xi32>,
        %get3A_2126 = arith.constant 6 : i32
        %get3A_2127 = arith.index_cast %get3A_2126 : i32 to index
        %get3A_2128 = arith.constant 56 : index
        %get3A_2129 = tpu.vector_load %arg5[%get3A_2127, %get3A_2128] {strides = array<i32>} : memref<8x96xi32, #tpu.memory_space<vmem>>, vector<16xi32>,
        %get3A_2130 = arith.constant 7 : i32
        %get3A_2131 = arith.index_cast %get3A_2130 : i32 to index
        %get3A_2132 = arith.constant 56 : index
        %get3A_2133 = tpu.vector_load %arg5[%get3A_2131, %get3A_2132] {strides = array<i32>} : memref<8x96xi32, #tpu.memory_space<vmem>>, vector<16xi32>,
        %masked_sort3A_2134 = arith.constant dense<true> : vector<16xi1>
        %masked_sort3A_2135 = arith.constant -2147483648 : i32
        %masked_sort3A_2136 = vector.broadcast %masked_sort3A_2135 : i32 to vector<16xi32>
        %masked_sort3A_2137 = arith.xori %add3A_44, %masked_sort3A_2136 : vector<16xi32>
        %masked_sort3A_2138, %masked_sort3A_2139, %masked_sort3A_2140 = tpu.sort %masked_sort3A_2137, %get3A_2129 masked %masked_sort3A_2134 : (vector<16xi32>, vector<16xi32>, vector<16xi1>) -> (vector<16xi1>, vector<16xi32>, vector<16xi32>)
        %masked_sort3A_2141 = arith.xori %masked_sort3A_2139, %masked_sort3A_2136 : vector<16xi32>
        %masked_sort3A_2142 = arith.constant dense<true> : vector<16xi1>
        %masked_sort3A_2143 = arith.constant -2147483648 : i32
        %masked_sort3A_2144 = vector.broadcast %masked_sort3A_2143 : i32 to vector<16xi32>
        %masked_sort3A_2145 = arith.xori %sub3A, %masked_sort3A_2144 : vector<16xi32>
        %masked_sort3A_2146, %masked_sort3A_2147, %masked_sort3A_2148 = tpu.sort %masked_sort3A_2145, %get3A_2133 masked %masked_sort3A_2142 : (vector<16xi32>, vector<16xi32>, vector<16xi1>) -> (vector<16xi1>, vector<16xi32>, vector<16xi32>)
        %masked_sort3A_2149 = arith.xori %masked_sort3A_2147, %masked_sort3A_2144 : vector<16xi32>
        %select_n3A_2150 = arith.select %eq3A_61, %masked_sort3A_2148, %masked_sort3A_2140 : vector<16xi1>, vector<16xi32>
        %add3A_2151 = arith.addi %select_n3A_2150, %mul3A_35 : vector<16xi32>
        %swap3A_2152 = arith.constant 496 : index
        %swap3A_2153 = tpu.vector_load %arg7[%swap3A_2152] {strides = array<i32>} : memref<640xi32, #tpu.memory_space<vmem>>, vector<16xi32>,
        tpu.vector_store %arg7[%swap3A_2152], %add3A_2151 {strides = array<i32>} : memref<640xi32, #tpu.memory_space<vmem>>, vector<16xi32>,
        %get3A_2154 = arith.constant 0 : i32
        %get3A_2155 = arith.index_cast %get3A_2154 : i32 to index
        %get3A_2156 = arith.constant 64 : index
        %get3A_2157 = tpu.vector_load %arg5[%get3A_2155, %get3A_2156] {strides = array<i32>} : memref<8x96xi32, #tpu.memory_space<vmem>>, vector<16xi32>,
        %get3A_2158 = arith.constant 1 : i32
        %get3A_2159 = arith.index_cast %get3A_2158 : i32 to index
        %get3A_2160 = arith.constant 64 : index
        %get3A_2161 = tpu.vector_load %arg5[%get3A_2159, %get3A_2160] {strides = array<i32>} : memref<8x96xi32, #tpu.memory_space<vmem>>, vector<16xi32>,
        %masked_sort3A_2162 = arith.constant dense<true> : vector<16xi1>
        %masked_sort3A_2163 = arith.constant -2147483648 : i32
        %masked_sort3A_2164 = vector.broadcast %masked_sort3A_2163 : i32 to vector<16xi32>
        %masked_sort3A_2165 = arith.xori %add3A_44, %masked_sort3A_2164 : vector<16xi32>
        %masked_sort3A_2166, %masked_sort3A_2167, %masked_sort3A_2168 = tpu.sort %masked_sort3A_2165, %get3A_2157 masked %masked_sort3A_2162 : (vector<16xi32>, vector<16xi32>, vector<16xi1>) -> (vector<16xi1>, vector<16xi32>, vector<16xi32>)
        %masked_sort3A_2169 = arith.xori %masked_sort3A_2167, %masked_sort3A_2164 : vector<16xi32>
        %masked_sort3A_2170 = arith.constant dense<true> : vector<16xi1>
        %masked_sort3A_2171 = arith.constant -2147483648 : i32
        %masked_sort3A_2172 = vector.broadcast %masked_sort3A_2171 : i32 to vector<16xi32>
        %masked_sort3A_2173 = arith.xori %sub3A, %masked_sort3A_2172 : vector<16xi32>
        %masked_sort3A_2174, %masked_sort3A_2175, %masked_sort3A_2176 = tpu.sort %masked_sort3A_2173, %get3A_2161 masked %masked_sort3A_2170 : (vector<16xi32>, vector<16xi32>, vector<16xi1>) -> (vector<16xi1>, vector<16xi32>, vector<16xi32>)
        %masked_sort3A_2177 = arith.xori %masked_sort3A_2175, %masked_sort3A_2172 : vector<16xi32>
        %select_n3A_2178 = arith.select %eq3A_61, %masked_sort3A_2176, %masked_sort3A_2168 : vector<16xi1>, vector<16xi32>
        %add3A_2179 = arith.addi %select_n3A_2178, %mul3A_8 : vector<16xi32>
        %swap3A_2180 = arith.constant 512 : index
        %swap3A_2181 = tpu.vector_load %arg7[%swap3A_2180] {strides = array<i32>} : memref<640xi32, #tpu.memory_space<vmem>>, vector<16xi32>,
        tpu.vector_store %arg7[%swap3A_2180], %add3A_2179 {strides = array<i32>} : memref<640xi32, #tpu.memory_space<vmem>>, vector<16xi32>,
        %get3A_2182 = arith.constant 2 : i32
        %get3A_2183 = arith.index_cast %get3A_2182 : i32 to index
        %get3A_2184 = arith.constant 64 : index
        %get3A_2185 = tpu.vector_load %arg5[%get3A_2183, %get3A_2184] {strides = array<i32>} : memref<8x96xi32, #tpu.memory_space<vmem>>, vector<16xi32>,
        %get3A_2186 = arith.constant 3 : i32
        %get3A_2187 = arith.index_cast %get3A_2186 : i32 to index
        %get3A_2188 = arith.constant 64 : index
        %get3A_2189 = tpu.vector_load %arg5[%get3A_2187, %get3A_2188] {strides = array<i32>} : memref<8x96xi32, #tpu.memory_space<vmem>>, vector<16xi32>,
        %masked_sort3A_2190 = arith.constant dense<true> : vector<16xi1>
        %masked_sort3A_2191 = arith.constant -2147483648 : i32
        %masked_sort3A_2192 = vector.broadcast %masked_sort3A_2191 : i32 to vector<16xi32>
        %masked_sort3A_2193 = arith.xori %add3A_44, %masked_sort3A_2192 : vector<16xi32>
        %masked_sort3A_2194, %masked_sort3A_2195, %masked_sort3A_2196 = tpu.sort %masked_sort3A_2193, %get3A_2185 masked %masked_sort3A_2190 : (vector<16xi32>, vector<16xi32>, vector<16xi1>) -> (vector<16xi1>, vector<16xi32>, vector<16xi32>)
        %masked_sort3A_2197 = arith.xori %masked_sort3A_2195, %masked_sort3A_2192 : vector<16xi32>
        %masked_sort3A_2198 = arith.constant dense<true> : vector<16xi1>
        %masked_sort3A_2199 = arith.constant -2147483648 : i32
        %masked_sort3A_2200 = vector.broadcast %masked_sort3A_2199 : i32 to vector<16xi32>
        %masked_sort3A_2201 = arith.xori %sub3A, %masked_sort3A_2200 : vector<16xi32>
        %masked_sort3A_2202, %masked_sort3A_2203, %masked_sort3A_2204 = tpu.sort %masked_sort3A_2201, %get3A_2189 masked %masked_sort3A_2198 : (vector<16xi32>, vector<16xi32>, vector<16xi1>) -> (vector<16xi1>, vector<16xi32>, vector<16xi32>)
        %masked_sort3A_2205 = arith.xori %masked_sort3A_2203, %masked_sort3A_2200 : vector<16xi32>
        %select_n3A_2206 = arith.select %eq3A_61, %masked_sort3A_2204, %masked_sort3A_2196 : vector<16xi1>, vector<16xi32>
        %add3A_2207 = arith.addi %select_n3A_2206, %mul3A_17 : vector<16xi32>
        %swap3A_2208 = arith.constant 528 : index
        %swap3A_2209 = tpu.vector_load %arg7[%swap3A_2208] {strides = array<i32>} : memref<640xi32, #tpu.memory_space<vmem>>, vector<16xi32>,
        tpu.vector_store %arg7[%swap3A_2208], %add3A_2207 {strides = array<i32>} : memref<640xi32, #tpu.memory_space<vmem>>, vector<16xi32>,
        %get3A_2210 = arith.constant 4 : i32
        %get3A_2211 = arith.index_cast %get3A_2210 : i32 to index
        %get3A_2212 = arith.constant 64 : index
        %get3A_2213 = tpu.vector_load %arg5[%get3A_2211, %get3A_2212] {strides = array<i32>} : memref<8x96xi32, #tpu.memory_space<vmem>>, vector<16xi32>,
        %get3A_2214 = arith.constant 5 : i32
        %get3A_2215 = arith.index_cast %get3A_2214 : i32 to index
        %get3A_2216 = arith.constant 64 : index
        %get3A_2217 = tpu.vector_load %arg5[%get3A_2215, %get3A_2216] {strides = array<i32>} : memref<8x96xi32, #tpu.memory_space<vmem>>, vector<16xi32>,
        %masked_sort3A_2218 = arith.constant dense<true> : vector<16xi1>
        %masked_sort3A_2219 = arith.constant -2147483648 : i32
        %masked_sort3A_2220 = vector.broadcast %masked_sort3A_2219 : i32 to vector<16xi32>
        %masked_sort3A_2221 = arith.xori %add3A_44, %masked_sort3A_2220 : vector<16xi32>
        %masked_sort3A_2222, %masked_sort3A_2223, %masked_sort3A_2224 = tpu.sort %masked_sort3A_2221, %get3A_2213 masked %masked_sort3A_2218 : (vector<16xi32>, vector<16xi32>, vector<16xi1>) -> (vector<16xi1>, vector<16xi32>, vector<16xi32>)
        %masked_sort3A_2225 = arith.xori %masked_sort3A_2223, %masked_sort3A_2220 : vector<16xi32>
        %masked_sort3A_2226 = arith.constant dense<true> : vector<16xi1>
        %masked_sort3A_2227 = arith.constant -2147483648 : i32
        %masked_sort3A_2228 = vector.broadcast %masked_sort3A_2227 : i32 to vector<16xi32>
        %masked_sort3A_2229 = arith.xori %sub3A, %masked_sort3A_2228 : vector<16xi32>
        %masked_sort3A_2230, %masked_sort3A_2231, %masked_sort3A_2232 = tpu.sort %masked_sort3A_2229, %get3A_2217 masked %masked_sort3A_2226 : (vector<16xi32>, vector<16xi32>, vector<16xi1>) -> (vector<16xi1>, vector<16xi32>, vector<16xi32>)
        %masked_sort3A_2233 = arith.xori %masked_sort3A_2231, %masked_sort3A_2228 : vector<16xi32>
        %select_n3A_2234 = arith.select %eq3A_61, %masked_sort3A_2232, %masked_sort3A_2224 : vector<16xi1>, vector<16xi32>
        %add3A_2235 = arith.addi %select_n3A_2234, %mul3A_26 : vector<16xi32>
        %swap3A_2236 = arith.constant 544 : index
        %swap3A_2237 = tpu.vector_load %arg7[%swap3A_2236] {strides = array<i32>} : memref<640xi32, #tpu.memory_space<vmem>>, vector<16xi32>,
        tpu.vector_store %arg7[%swap3A_2236], %add3A_2235 {strides = array<i32>} : memref<640xi32, #tpu.memory_space<vmem>>, vector<16xi32>,
        %get3A_2238 = arith.constant 6 : i32
        %get3A_2239 = arith.index_cast %get3A_2238 : i32 to index
        %get3A_2240 = arith.constant 64 : index
        %get3A_2241 = tpu.vector_load %arg5[%get3A_2239, %get3A_2240] {strides = array<i32>} : memref<8x96xi32, #tpu.memory_space<vmem>>, vector<16xi32>,
        %get3A_2242 = arith.constant 7 : i32
        %get3A_2243 = arith.index_cast %get3A_2242 : i32 to index
        %get3A_2244 = arith.constant 64 : index
        %get3A_2245 = tpu.vector_load %arg5[%get3A_2243, %get3A_2244] {strides = array<i32>} : memref<8x96xi32, #tpu.memory_space<vmem>>, vector<16xi32>,
        %masked_sort3A_2246 = arith.constant dense<true> : vector<16xi1>
        %masked_sort3A_2247 = arith.constant -2147483648 : i32
        %masked_sort3A_2248 = vector.broadcast %masked_sort3A_2247 : i32 to vector<16xi32>
        %masked_sort3A_2249 = arith.xori %add3A_44, %masked_sort3A_2248 : vector<16xi32>
        %masked_sort3A_2250, %masked_sort3A_2251, %masked_sort3A_2252 = tpu.sort %masked_sort3A_2249, %get3A_2241 masked %masked_sort3A_2246 : (vector<16xi32>, vector<16xi32>, vector<16xi1>) -> (vector<16xi1>, vector<16xi32>, vector<16xi32>)
        %masked_sort3A_2253 = arith.xori %masked_sort3A_2251, %masked_sort3A_2248 : vector<16xi32>
        %masked_sort3A_2254 = arith.constant dense<true> : vector<16xi1>
        %masked_sort3A_2255 = arith.constant -2147483648 : i32
        %masked_sort3A_2256 = vector.broadcast %masked_sort3A_2255 : i32 to vector<16xi32>
        %masked_sort3A_2257 = arith.xori %sub3A, %masked_sort3A_2256 : vector<16xi32>
        %masked_sort3A_2258, %masked_sort3A_2259, %masked_sort3A_2260 = tpu.sort %masked_sort3A_2257, %get3A_2245 masked %masked_sort3A_2254 : (vector<16xi32>, vector<16xi32>, vector<16xi1>) -> (vector<16xi1>, vector<16xi32>, vector<16xi32>)
        %masked_sort3A_2261 = arith.xori %masked_sort3A_2259, %masked_sort3A_2256 : vector<16xi32>
        %select_n3A_2262 = arith.select %eq3A_61, %masked_sort3A_2260, %masked_sort3A_2252 : vector<16xi1>, vector<16xi32>
        %add3A_2263 = arith.addi %select_n3A_2262, %mul3A_35 : vector<16xi32>
        %swap3A_2264 = arith.constant 560 : index
        %swap3A_2265 = tpu.vector_load %arg7[%swap3A_2264] {strides = array<i32>} : memref<640xi32, #tpu.memory_space<vmem>>, vector<16xi32>,
        tpu.vector_store %arg7[%swap3A_2264], %add3A_2263 {strides = array<i32>} : memref<640xi32, #tpu.memory_space<vmem>>, vector<16xi32>,
        %get3A_2266 = arith.constant 0 : i32
        %get3A_2267 = arith.index_cast %get3A_2266 : i32 to index
        %get3A_2268 = arith.constant 72 : index
        %get3A_2269 = tpu.vector_load %arg5[%get3A_2267, %get3A_2268] {strides = array<i32>} : memref<8x96xi32, #tpu.memory_space<vmem>>, vector<16xi32>,
        %get3A_2270 = arith.constant 1 : i32
        %get3A_2271 = arith.index_cast %get3A_2270 : i32 to index
        %get3A_2272 = arith.constant 72 : index
        %get3A_2273 = tpu.vector_load %arg5[%get3A_2271, %get3A_2272] {strides = array<i32>} : memref<8x96xi32, #tpu.memory_space<vmem>>, vector<16xi32>,
        %masked_sort3A_2274 = arith.constant dense<true> : vector<16xi1>
        %masked_sort3A_2275 = arith.constant -2147483648 : i32
        %masked_sort3A_2276 = vector.broadcast %masked_sort3A_2275 : i32 to vector<16xi32>
        %masked_sort3A_2277 = arith.xori %add3A_44, %masked_sort3A_2276 : vector<16xi32>
        %masked_sort3A_2278, %masked_sort3A_2279, %masked_sort3A_2280 = tpu.sort %masked_sort3A_2277, %get3A_2269 masked %masked_sort3A_2274 : (vector<16xi32>, vector<16xi32>, vector<16xi1>) -> (vector<16xi1>, vector<16xi32>, vector<16xi32>)
        %masked_sort3A_2281 = arith.xori %masked_sort3A_2279, %masked_sort3A_2276 : vector<16xi32>
        %masked_sort3A_2282 = arith.constant dense<true> : vector<16xi1>
        %masked_sort3A_2283 = arith.constant -2147483648 : i32
        %masked_sort3A_2284 = vector.broadcast %masked_sort3A_2283 : i32 to vector<16xi32>
        %masked_sort3A_2285 = arith.xori %sub3A, %masked_sort3A_2284 : vector<16xi32>
        %masked_sort3A_2286, %masked_sort3A_2287, %masked_sort3A_2288 = tpu.sort %masked_sort3A_2285, %get3A_2273 masked %masked_sort3A_2282 : (vector<16xi32>, vector<16xi32>, vector<16xi1>) -> (vector<16xi1>, vector<16xi32>, vector<16xi32>)
        %masked_sort3A_2289 = arith.xori %masked_sort3A_2287, %masked_sort3A_2284 : vector<16xi32>
        %select_n3A_2290 = arith.select %eq3A_61, %masked_sort3A_2288, %masked_sort3A_2280 : vector<16xi1>, vector<16xi32>
        %add3A_2291 = arith.addi %select_n3A_2290, %mul3A_8 : vector<16xi32>
        %swap3A_2292 = arith.constant 576 : index
        %swap3A_2293 = tpu.vector_load %arg7[%swap3A_2292] {strides = array<i32>} : memref<640xi32, #tpu.memory_space<vmem>>, vector<16xi32>,
        tpu.vector_store %arg7[%swap3A_2292], %add3A_2291 {strides = array<i32>} : memref<640xi32, #tpu.memory_space<vmem>>, vector<16xi32>,
        %get3A_2294 = arith.constant 2 : i32
        %get3A_2295 = arith.index_cast %get3A_2294 : i32 to index
        %get3A_2296 = arith.constant 72 : index
        %get3A_2297 = tpu.vector_load %arg5[%get3A_2295, %get3A_2296] {strides = array<i32>} : memref<8x96xi32, #tpu.memory_space<vmem>>, vector<16xi32>,
        %get3A_2298 = arith.constant 3 : i32
        %get3A_2299 = arith.index_cast %get3A_2298 : i32 to index
        %get3A_2300 = arith.constant 72 : index
        %get3A_2301 = tpu.vector_load %arg5[%get3A_2299, %get3A_2300] {strides = array<i32>} : memref<8x96xi32, #tpu.memory_space<vmem>>, vector<16xi32>,
        %masked_sort3A_2302 = arith.constant dense<true> : vector<16xi1>
        %masked_sort3A_2303 = arith.constant -2147483648 : i32
        %masked_sort3A_2304 = vector.broadcast %masked_sort3A_2303 : i32 to vector<16xi32>
        %masked_sort3A_2305 = arith.xori %add3A_44, %masked_sort3A_2304 : vector<16xi32>
        %masked_sort3A_2306, %masked_sort3A_2307, %masked_sort3A_2308 = tpu.sort %masked_sort3A_2305, %get3A_2297 masked %masked_sort3A_2302 : (vector<16xi32>, vector<16xi32>, vector<16xi1>) -> (vector<16xi1>, vector<16xi32>, vector<16xi32>)
        %masked_sort3A_2309 = arith.xori %masked_sort3A_2307, %masked_sort3A_2304 : vector<16xi32>
        %masked_sort3A_2310 = arith.constant dense<true> : vector<16xi1>
        %masked_sort3A_2311 = arith.constant -2147483648 : i32
        %masked_sort3A_2312 = vector.broadcast %masked_sort3A_2311 : i32 to vector<16xi32>
        %masked_sort3A_2313 = arith.xori %sub3A, %masked_sort3A_2312 : vector<16xi32>
        %masked_sort3A_2314, %masked_sort3A_2315, %masked_sort3A_2316 = tpu.sort %masked_sort3A_2313, %get3A_2301 masked %masked_sort3A_2310 : (vector<16xi32>, vector<16xi32>, vector<16xi1>) -> (vector<16xi1>, vector<16xi32>, vector<16xi32>)
        %masked_sort3A_2317 = arith.xori %masked_sort3A_2315, %masked_sort3A_2312 : vector<16xi32>
        %select_n3A_2318 = arith.select %eq3A_61, %masked_sort3A_2316, %masked_sort3A_2308 : vector<16xi1>, vector<16xi32>
        %add3A_2319 = arith.addi %select_n3A_2318, %mul3A_17 : vector<16xi32>
        %swap3A_2320 = arith.constant 592 : index
        %swap3A_2321 = tpu.vector_load %arg7[%swap3A_2320] {strides = array<i32>} : memref<640xi32, #tpu.memory_space<vmem>>, vector<16xi32>,
        tpu.vector_store %arg7[%swap3A_2320], %add3A_2319 {strides = array<i32>} : memref<640xi32, #tpu.memory_space<vmem>>, vector<16xi32>,
        %get3A_2322 = arith.constant 4 : i32
        %get3A_2323 = arith.index_cast %get3A_2322 : i32 to index
        %get3A_2324 = arith.constant 72 : index
        %get3A_2325 = tpu.vector_load %arg5[%get3A_2323, %get3A_2324] {strides = array<i32>} : memref<8x96xi32, #tpu.memory_space<vmem>>, vector<16xi32>,
        %get3A_2326 = arith.constant 5 : i32
        %get3A_2327 = arith.index_cast %get3A_2326 : i32 to index
        %get3A_2328 = arith.constant 72 : index
        %get3A_2329 = tpu.vector_load %arg5[%get3A_2327, %get3A_2328] {strides = array<i32>} : memref<8x96xi32, #tpu.memory_space<vmem>>, vector<16xi32>,
        %masked_sort3A_2330 = arith.constant dense<true> : vector<16xi1>
        %masked_sort3A_2331 = arith.constant -2147483648 : i32
        %masked_sort3A_2332 = vector.broadcast %masked_sort3A_2331 : i32 to vector<16xi32>
        %masked_sort3A_2333 = arith.xori %add3A_44, %masked_sort3A_2332 : vector<16xi32>
        %masked_sort3A_2334, %masked_sort3A_2335, %masked_sort3A_2336 = tpu.sort %masked_sort3A_2333, %get3A_2325 masked %masked_sort3A_2330 : (vector<16xi32>, vector<16xi32>, vector<16xi1>) -> (vector<16xi1>, vector<16xi32>, vector<16xi32>)
        %masked_sort3A_2337 = arith.xori %masked_sort3A_2335, %masked_sort3A_2332 : vector<16xi32>
        %masked_sort3A_2338 = arith.constant dense<true> : vector<16xi1>
        %masked_sort3A_2339 = arith.constant -2147483648 : i32
        %masked_sort3A_2340 = vector.broadcast %masked_sort3A_2339 : i32 to vector<16xi32>
        %masked_sort3A_2341 = arith.xori %sub3A, %masked_sort3A_2340 : vector<16xi32>
        %masked_sort3A_2342, %masked_sort3A_2343, %masked_sort3A_2344 = tpu.sort %masked_sort3A_2341, %get3A_2329 masked %masked_sort3A_2338 : (vector<16xi32>, vector<16xi32>, vector<16xi1>) -> (vector<16xi1>, vector<16xi32>, vector<16xi32>)
        %masked_sort3A_2345 = arith.xori %masked_sort3A_2343, %masked_sort3A_2340 : vector<16xi32>
        %select_n3A_2346 = arith.select %eq3A_61, %masked_sort3A_2344, %masked_sort3A_2336 : vector<16xi1>, vector<16xi32>
        %add3A_2347 = arith.addi %select_n3A_2346, %mul3A_26 : vector<16xi32>
        %swap3A_2348 = arith.constant 608 : index
        %swap3A_2349 = tpu.vector_load %arg7[%swap3A_2348] {strides = array<i32>} : memref<640xi32, #tpu.memory_space<vmem>>, vector<16xi32>,
        tpu.vector_store %arg7[%swap3A_2348], %add3A_2347 {strides = array<i32>} : memref<640xi32, #tpu.memory_space<vmem>>, vector<16xi32>,
        %get3A_2350 = arith.constant 6 : i32
        %get3A_2351 = arith.index_cast %get3A_2350 : i32 to index
        %get3A_2352 = arith.constant 72 : index
        %get3A_2353 = tpu.vector_load %arg5[%get3A_2351, %get3A_2352] {strides = array<i32>} : memref<8x96xi32, #tpu.memory_space<vmem>>, vector<16xi32>,
        %get3A_2354 = arith.constant 7 : i32
        %get3A_2355 = arith.index_cast %get3A_2354 : i32 to index
        %get3A_2356 = arith.constant 72 : index
        %get3A_2357 = tpu.vector_load %arg5[%get3A_2355, %get3A_2356] {strides = array<i32>} : memref<8x96xi32, #tpu.memory_space<vmem>>, vector<16xi32>,
        %masked_sort3A_2358 = arith.constant dense<true> : vector<16xi1>
        %masked_sort3A_2359 = arith.constant -2147483648 : i32
        %masked_sort3A_2360 = vector.broadcast %masked_sort3A_2359 : i32 to vector<16xi32>
        %masked_sort3A_2361 = arith.xori %add3A_44, %masked_sort3A_2360 : vector<16xi32>
        %masked_sort3A_2362, %masked_sort3A_2363, %masked_sort3A_2364 = tpu.sort %masked_sort3A_2361, %get3A_2353 masked %masked_sort3A_2358 : (vector<16xi32>, vector<16xi32>, vector<16xi1>) -> (vector<16xi1>, vector<16xi32>, vector<16xi32>)
        %masked_sort3A_2365 = arith.xori %masked_sort3A_2363, %masked_sort3A_2360 : vector<16xi32>
        %masked_sort3A_2366 = arith.constant dense<true> : vector<16xi1>
        %masked_sort3A_2367 = arith.constant -2147483648 : i32
        %masked_sort3A_2368 = vector.broadcast %masked_sort3A_2367 : i32 to vector<16xi32>
        %masked_sort3A_2369 = arith.xori %sub3A, %masked_sort3A_2368 : vector<16xi32>
        %masked_sort3A_2370, %masked_sort3A_2371, %masked_sort3A_2372 = tpu.sort %masked_sort3A_2369, %get3A_2357 masked %masked_sort3A_2366 : (vector<16xi32>, vector<16xi32>, vector<16xi1>) -> (vector<16xi1>, vector<16xi32>, vector<16xi32>)
        %masked_sort3A_2373 = arith.xori %masked_sort3A_2371, %masked_sort3A_2368 : vector<16xi32>
        %select_n3A_2374 = arith.select %eq3A_61, %masked_sort3A_2372, %masked_sort3A_2364 : vector<16xi1>, vector<16xi32>
        %add3A_2375 = arith.addi %select_n3A_2374, %mul3A_35 : vector<16xi32>
        %swap3A_2376 = arith.constant 624 : index
        %swap3A_2377 = tpu.vector_load %arg7[%swap3A_2376] {strides = array<i32>} : memref<640xi32, #tpu.memory_space<vmem>>, vector<16xi32>,
        tpu.vector_store %arg7[%swap3A_2376], %add3A_2375 {strides = array<i32>} : memref<640xi32, #tpu.memory_space<vmem>>, vector<16xi32>,
        %ge3A = arith.constant 2 : i32
        %ge3A_2378 = arith.cmpi sge, %add3A_1237, %ge3A : i32
        %convert_element_type3A_2379 = arith.extui %ge3A_2378 : i1 to i32
        %cond3A_2380 = arith.constant 0 : i32
        %cond3A_2381 = arith.cmpi ne, %convert_element_type3A_2379, %cond3A_2380 : i32
        scf.if %cond3A_2381 {
          %dma_wait3A_2385 = arith.constant 0 : i32
          %dma_wait3A_2386 = arith.constant 0 : i32
          %dma_wait3A_2387 = arith.constant 0 : i32
          %dma_wait3A_2388 = tpu.memref_slice %arg4[%dma_wait3A_2385, %dma_wait3A_2386, %dma_wait3A_2387] : memref<1250x640x64xf32, #tpu.memory_space<hbm>> -> memref<1x640x64xf32, #tpu.memory_space<hbm>>
          %dma_wait3A_2389 = tpu.memref_squeeze %dma_wait3A_2388 : memref<1x640x64xf32, #tpu.memory_space<hbm>> -> memref<640x64xf32, #tpu.memory_space<hbm>>
          %dma_wait3A_2390 = arith.constant 0 : i32
          %dma_wait3A_2391 = arith.constant 0 : i32
          %dma_wait3A_2392 = tpu.memref_slice %arg4[%dma_wait3A_2385, %dma_wait3A_2390, %dma_wait3A_2391] : memref<1250x640x64xf32, #tpu.memory_space<hbm>> -> memref<1x640x64xf32, #tpu.memory_space<hbm>>
          %dma_wait3A_2393 = tpu.memref_squeeze %dma_wait3A_2392 : memref<1x640x64xf32, #tpu.memory_space<hbm>> -> memref<640x64xf32, #tpu.memory_space<hbm>>
          tpu.wait_dma2 semaphore(%arg13 : memref<!tpu.dma_semaphore, #tpu.memory_space<semaphore_mem>>) src(%arg9 : memref<640x64xf32, #tpu.memory_space<vmem>>) dst(%dma_wait3A_2393 : memref<640x64xf32, #tpu.memory_space<hbm>>)
        } else {
        }
        %dma_start3A_2382 = arith.constant 0 : i32
        %dma_start3A_2383 = arith.constant 0 : i32
        %dma_start3A_2384 = tpu.memref_slice %arg2[%dma_start3A_2382, %dma_start3A_2383] : memref<65536x64xf32, #tpu.memory_space<hbm>> -> memref<65536x64xf32, #tpu.memory_space<hbm>>
        tpu.enqueue_indirect_dma source(%dma_start3A_2384 : memref<65536x64xf32, #tpu.memory_space<hbm>>) target(%arg9 : memref<640x64xf32, #tpu.memory_space<vmem>>) offsets(%arg7 : memref<640xi32, #tpu.memory_space<vmem>>) semaphore(%arg11 : memref<!tpu.dma_semaphore, #tpu.memory_space<semaphore_mem>>)
      } else {
      }
      %lt3A_1239 = arith.cmpi slt, %mul3A_1233, %select_n3A : i32
      %convert_element_type3A_1240 = arith.extui %lt3A_1239 : i1 to i32
      %cond3A_1241 = arith.constant 0 : i32
      %cond3A_1242 = arith.cmpi ne, %convert_element_type3A_1240, %cond3A_1241 : i32
      scf.if %cond3A_1242 {
        %dma_wait3A_1253 = arith.constant 0 : i32
        %dma_wait3A_1254 = arith.constant 0 : i32
        %dma_wait3A_1255 = tpu.memref_slice %arg2[%dma_wait3A_1253, %dma_wait3A_1254] : memref<65536x64xf32, #tpu.memory_space<hbm>> -> memref<65536x64xf32, #tpu.memory_space<hbm>>
        tpu.wait_indirect_dma semaphore(%arg10 : memref<!tpu.dma_semaphore, #tpu.memory_space<semaphore_mem>>) src(%dma_wait3A_1255 : memref<65536x64xf32, #tpu.memory_space<hbm>>) dst(%arg8 : memref<640x64xf32, #tpu.memory_space<vmem>>)
        %mul3A_1256 = arith.constant 32 : i32
        %mul3A_1257 = arith.muli %mul3A_1233, %mul3A_1256 : i32
        %add3A_1258 = arith.addi %add3A, %mul3A_1257 : i32
        %dma_start3A_1259 = arith.constant 0 : i32
        %dma_start3A_1260 = arith.constant 0 : i32
        %dma_start3A_1261 = tpu.memref_slice %arg4[%add3A_1258, %dma_start3A_1259, %dma_start3A_1260] : memref<1250x640x64xf32, #tpu.memory_space<hbm>> -> memref<1x640x64xf32, #tpu.memory_space<hbm>>
        %dma_start3A_1262 = tpu.memref_squeeze %dma_start3A_1261 : memref<1x640x64xf32, #tpu.memory_space<hbm>> -> memref<640x64xf32, #tpu.memory_space<hbm>>
        %dma_start3A_1263 = arith.constant 0 : i32
        %dma_start3A_1264 = arith.constant 0 : i32
        %dma_start3A_1265 = tpu.memref_slice %arg4[%add3A_1258, %dma_start3A_1263, %dma_start3A_1264] : memref<1250x640x64xf32, #tpu.memory_space<hbm>> -> memref<1x640x64xf32, #tpu.memory_space<hbm>>
        %dma_start3A_1266 = tpu.memref_squeeze %dma_start3A_1265 : memref<1x640x64xf32, #tpu.memory_space<hbm>> -> memref<640x64xf32, #tpu.memory_space<hbm>>
        tpu.enqueue_dma source(%arg8 : memref<640x64xf32, #tpu.memory_space<vmem>>) target(%dma_start3A_1266 : memref<640x64xf32, #tpu.memory_space<hbm>>) target_semaphore(%arg12 : memref<!tpu.dma_semaphore, #tpu.memory_space<semaphore_mem>>)
      } else {
      }
      %add3A_1243 = arith.constant 1 : i32
      %add3A_1244 = arith.addi %add3A_1237, %add3A_1243 : i32
      %lt3A_1245 = arith.cmpi slt, %add3A_1244, %select_n3A : i32
      %convert_element_type3A_1246 = arith.extui %lt3A_1245 : i1 to i32
      %cond3A_1247 = arith.constant 0 : i32
      %cond3A_1248 = arith.cmpi ne, %convert_element_type3A_1246, %cond3A_1247 : i32
      scf.if %cond3A_1248 {
        %add3A_1253 = arith.constant 1 : i32
        %add3A_1254 = arith.addi %add3A_1237, %add3A_1253 : i32
        %mul3A_1255 = arith.constant 32 : i32
        %mul3A_1256 = arith.muli %add3A_1254, %mul3A_1255 : i32
        %add3A_1257 = arith.addi %add3A, %mul3A_1256 : i32
        %mul3A_1258 = arith.constant 80 : i32
        %mul3A_1259 = arith.muli %add3A_1257, %mul3A_1258 : i32
        "tpu.region"() ({
          %run_scoped3A = tpu.sem_alloc : memref<!tpu.dma_semaphore, #tpu.memory_space<semaphore_mem>>
          %dma_start3A_2387 = arith.constant 0 : i32
          %dma_start3A_2388 = arith.constant 0 : i32
          %dma_start3A_2389 = tpu.memref_slice %arg5[%dma_start3A_2387, %dma_start3A_2388] : memref<8x96xi32, #tpu.memory_space<vmem>> -> memref<8x80xi32, #tpu.memory_space<vmem>>
          %dma_start3A_2390 = arith.constant 0 : i32
          %dma_start3A_2391 = tpu.memref_slice %arg3[%dma_start3A_2390, %mul3A_1259] : memref<8x100000xi32, #tpu.memory_space<hbm>> -> memref<8x80xi32, #tpu.memory_space<hbm>>
          %dma_start3A_2392 = arith.constant 0 : i32
          %dma_start3A_2393 = arith.constant 0 : i32
          %dma_start3A_2394 = tpu.memref_slice %arg5[%dma_start3A_2392, %dma_start3A_2393] : memref<8x96xi32, #tpu.memory_space<vmem>> -> memref<8x80xi32, #tpu.memory_space<vmem>>
          %dma_start3A_2395 = arith.constant 0 : i32
          %dma_start3A_2396 = tpu.memref_slice %arg3[%dma_start3A_2395, %mul3A_1259] : memref<8x100000xi32, #tpu.memory_space<hbm>> -> memref<8x80xi32, #tpu.memory_space<hbm>>
          tpu.enqueue_dma source(%dma_start3A_2396 : memref<8x80xi32, #tpu.memory_space<hbm>>) target(%dma_start3A_2394 : memref<8x80xi32, #tpu.memory_space<vmem>>) target_semaphore(%run_scoped3A : memref<!tpu.dma_semaphore, #tpu.memory_space<semaphore_mem>>)
          %dma_wait3A_2397 = arith.constant 0 : i32
          %dma_wait3A_2398 = arith.constant 0 : i32
          %dma_wait3A_2399 = tpu.memref_slice %arg5[%dma_wait3A_2397, %dma_wait3A_2398] : memref<8x96xi32, #tpu.memory_space<vmem>> -> memref<8x80xi32, #tpu.memory_space<vmem>>
          %dma_wait3A_2400 = arith.constant 0 : i32
          %dma_wait3A_2401 = tpu.memref_slice %arg3[%dma_wait3A_2400, %mul3A_1259] : memref<8x100000xi32, #tpu.memory_space<hbm>> -> memref<8x80xi32, #tpu.memory_space<hbm>>
          %dma_wait3A_2402 = arith.constant 0 : i32
          %dma_wait3A_2403 = arith.constant 0 : i32
          %dma_wait3A_2404 = tpu.memref_slice %arg5[%dma_wait3A_2402, %dma_wait3A_2403] : memref<8x96xi32, #tpu.memory_space<vmem>> -> memref<8x80xi32, #tpu.memory_space<vmem>>
          %dma_wait3A_2405 = arith.constant 0 : i32
          %dma_wait3A_2406 = tpu.memref_slice %arg3[%dma_wait3A_2405, %mul3A_1259] : memref<8x100000xi32, #tpu.memory_space<hbm>> -> memref<8x80xi32, #tpu.memory_space<hbm>>
          tpu.wait_dma2 semaphore(%run_scoped3A : memref<!tpu.dma_semaphore, #tpu.memory_space<semaphore_mem>>) src(%dma_wait3A_2406 : memref<8x80xi32, #tpu.memory_space<hbm>>) dst(%dma_wait3A_2404 : memref<8x80xi32, #tpu.memory_space<vmem>>)
          tpu.yield
        }) : () -> ()
        %get3A_1260 = arith.constant 0 : i32
        %get3A_1261 = arith.index_cast %get3A_1260 : i32 to index
        %get3A_1262 = arith.constant 0 : index
        %get3A_1263 = tpu.vector_load %arg5[%get3A_1261, %get3A_1262] {strides = array<i32>} : memref<8x96xi32, #tpu.memory_space<vmem>>, vector<16xi32>,
        %get3A_1264 = arith.constant 1 : i32
        %get3A_1265 = arith.index_cast %get3A_1264 : i32 to index
        %get3A_1266 = arith.constant 0 : index
        %get3A_1267 = tpu.vector_load %arg5[%get3A_1265, %get3A_1266] {strides = array<i32>} : memref<8x96xi32, #tpu.memory_space<vmem>>, vector<16xi32>,
        %masked_sort3A_1268 = arith.constant dense<true> : vector<16xi1>
        %masked_sort3A_1269 = arith.constant -2147483648 : i32
        %masked_sort3A_1270 = vector.broadcast %masked_sort3A_1269 : i32 to vector<16xi32>
        %masked_sort3A_1271 = arith.xori %add3A_44, %masked_sort3A_1270 : vector<16xi32>
        %masked_sort3A_1272, %masked_sort3A_1273, %masked_sort3A_1274 = tpu.sort %masked_sort3A_1271, %get3A_1263 masked %masked_sort3A_1268 : (vector<16xi32>, vector<16xi32>, vector<16xi1>) -> (vector<16xi1>, vector<16xi32>, vector<16xi32>)
        %masked_sort3A_1275 = arith.xori %masked_sort3A_1273, %masked_sort3A_1270 : vector<16xi32>
        %masked_sort3A_1276 = arith.constant dense<true> : vector<16xi1>
        %masked_sort3A_1277 = arith.constant -2147483648 : i32
        %masked_sort3A_1278 = vector.broadcast %masked_sort3A_1277 : i32 to vector<16xi32>
        %masked_sort3A_1279 = arith.xori %sub3A, %masked_sort3A_1278 : vector<16xi32>
        %masked_sort3A_1280, %masked_sort3A_1281, %masked_sort3A_1282 = tpu.sort %masked_sort3A_1279, %get3A_1267 masked %masked_sort3A_1276 : (vector<16xi32>, vector<16xi32>, vector<16xi1>) -> (vector<16xi1>, vector<16xi32>, vector<16xi32>)
        %masked_sort3A_1283 = arith.xori %masked_sort3A_1281, %masked_sort3A_1278 : vector<16xi32>
        %select_n3A_1284 = arith.select %eq3A_61, %masked_sort3A_1282, %masked_sort3A_1274 : vector<16xi1>, vector<16xi32>
        %add3A_1285 = arith.addi %select_n3A_1284, %mul3A_8 : vector<16xi32>
        %swap3A_1286 = arith.constant 0 : index
        %swap3A_1287 = tpu.vector_load %arg6[%swap3A_1286] {strides = array<i32>} : memref<640xi32, #tpu.memory_space<vmem>>, vector<16xi32>,
        tpu.vector_store %arg6[%swap3A_1286], %add3A_1285 {strides = array<i32>} : memref<640xi32, #tpu.memory_space<vmem>>, vector<16xi32>,
        %get3A_1288 = arith.constant 2 : i32
        %get3A_1289 = arith.index_cast %get3A_1288 : i32 to index
        %get3A_1290 = arith.constant 0 : index
        %get3A_1291 = tpu.vector_load %arg5[%get3A_1289, %get3A_1290] {strides = array<i32>} : memref<8x96xi32, #tpu.memory_space<vmem>>, vector<16xi32>,
        %get3A_1292 = arith.constant 3 : i32
        %get3A_1293 = arith.index_cast %get3A_1292 : i32 to index
        %get3A_1294 = arith.constant 0 : index
        %get3A_1295 = tpu.vector_load %arg5[%get3A_1293, %get3A_1294] {strides = array<i32>} : memref<8x96xi32, #tpu.memory_space<vmem>>, vector<16xi32>,
        %masked_sort3A_1296 = arith.constant dense<true> : vector<16xi1>
        %masked_sort3A_1297 = arith.constant -2147483648 : i32
        %masked_sort3A_1298 = vector.broadcast %masked_sort3A_1297 : i32 to vector<16xi32>
        %masked_sort3A_1299 = arith.xori %add3A_44, %masked_sort3A_1298 : vector<16xi32>
        %masked_sort3A_1300, %masked_sort3A_1301, %masked_sort3A_1302 = tpu.sort %masked_sort3A_1299, %get3A_1291 masked %masked_sort3A_1296 : (vector<16xi32>, vector<16xi32>, vector<16xi1>) -> (vector<16xi1>, vector<16xi32>, vector<16xi32>)
        %masked_sort3A_1303 = arith.xori %masked_sort3A_1301, %masked_sort3A_1298 : vector<16xi32>
        %masked_sort3A_1304 = arith.constant dense<true> : vector<16xi1>
        %masked_sort3A_1305 = arith.constant -2147483648 : i32
        %masked_sort3A_1306 = vector.broadcast %masked_sort3A_1305 : i32 to vector<16xi32>
        %masked_sort3A_1307 = arith.xori %sub3A, %masked_sort3A_1306 : vector<16xi32>
        %masked_sort3A_1308, %masked_sort3A_1309, %masked_sort3A_1310 = tpu.sort %masked_sort3A_1307, %get3A_1295 masked %masked_sort3A_1304 : (vector<16xi32>, vector<16xi32>, vector<16xi1>) -> (vector<16xi1>, vector<16xi32>, vector<16xi32>)
        %masked_sort3A_1311 = arith.xori %masked_sort3A_1309, %masked_sort3A_1306 : vector<16xi32>
        %select_n3A_1312 = arith.select %eq3A_61, %masked_sort3A_1310, %masked_sort3A_1302 : vector<16xi1>, vector<16xi32>
        %add3A_1313 = arith.addi %select_n3A_1312, %mul3A_17 : vector<16xi32>
        %swap3A_1314 = arith.constant 16 : index
        %swap3A_1315 = tpu.vector_load %arg6[%swap3A_1314] {strides = array<i32>} : memref<640xi32, #tpu.memory_space<vmem>>, vector<16xi32>,
        tpu.vector_store %arg6[%swap3A_1314], %add3A_1313 {strides = array<i32>} : memref<640xi32, #tpu.memory_space<vmem>>, vector<16xi32>,
        %get3A_1316 = arith.constant 4 : i32
        %get3A_1317 = arith.index_cast %get3A_1316 : i32 to index
        %get3A_1318 = arith.constant 0 : index
        %get3A_1319 = tpu.vector_load %arg5[%get3A_1317, %get3A_1318] {strides = array<i32>} : memref<8x96xi32, #tpu.memory_space<vmem>>, vector<16xi32>,
        %get3A_1320 = arith.constant 5 : i32
        %get3A_1321 = arith.index_cast %get3A_1320 : i32 to index
        %get3A_1322 = arith.constant 0 : index
        %get3A_1323 = tpu.vector_load %arg5[%get3A_1321, %get3A_1322] {strides = array<i32>} : memref<8x96xi32, #tpu.memory_space<vmem>>, vector<16xi32>,
        %masked_sort3A_1324 = arith.constant dense<true> : vector<16xi1>
        %masked_sort3A_1325 = arith.constant -2147483648 : i32
        %masked_sort3A_1326 = vector.broadcast %masked_sort3A_1325 : i32 to vector<16xi32>
        %masked_sort3A_1327 = arith.xori %add3A_44, %masked_sort3A_1326 : vector<16xi32>
        %masked_sort3A_1328, %masked_sort3A_1329, %masked_sort3A_1330 = tpu.sort %masked_sort3A_1327, %get3A_1319 masked %masked_sort3A_1324 : (vector<16xi32>, vector<16xi32>, vector<16xi1>) -> (vector<16xi1>, vector<16xi32>, vector<16xi32>)
        %masked_sort3A_1331 = arith.xori %masked_sort3A_1329, %masked_sort3A_1326 : vector<16xi32>
        %masked_sort3A_1332 = arith.constant dense<true> : vector<16xi1>
        %masked_sort3A_1333 = arith.constant -2147483648 : i32
        %masked_sort3A_1334 = vector.broadcast %masked_sort3A_1333 : i32 to vector<16xi32>
        %masked_sort3A_1335 = arith.xori %sub3A, %masked_sort3A_1334 : vector<16xi32>
        %masked_sort3A_1336, %masked_sort3A_1337, %masked_sort3A_1338 = tpu.sort %masked_sort3A_1335, %get3A_1323 masked %masked_sort3A_1332 : (vector<16xi32>, vector<16xi32>, vector<16xi1>) -> (vector<16xi1>, vector<16xi32>, vector<16xi32>)
        %masked_sort3A_1339 = arith.xori %masked_sort3A_1337, %masked_sort3A_1334 : vector<16xi32>
        %select_n3A_1340 = arith.select %eq3A_61, %masked_sort3A_1338, %masked_sort3A_1330 : vector<16xi1>, vector<16xi32>
        %add3A_1341 = arith.addi %select_n3A_1340, %mul3A_26 : vector<16xi32>
        %swap3A_1342 = arith.constant 32 : index
        %swap3A_1343 = tpu.vector_load %arg6[%swap3A_1342] {strides = array<i32>} : memref<640xi32, #tpu.memory_space<vmem>>, vector<16xi32>,
        tpu.vector_store %arg6[%swap3A_1342], %add3A_1341 {strides = array<i32>} : memref<640xi32, #tpu.memory_space<vmem>>, vector<16xi32>,
        %get3A_1344 = arith.constant 6 : i32
        %get3A_1345 = arith.index_cast %get3A_1344 : i32 to index
        %get3A_1346 = arith.constant 0 : index
        %get3A_1347 = tpu.vector_load %arg5[%get3A_1345, %get3A_1346] {strides = array<i32>} : memref<8x96xi32, #tpu.memory_space<vmem>>, vector<16xi32>,
        %get3A_1348 = arith.constant 7 : i32
        %get3A_1349 = arith.index_cast %get3A_1348 : i32 to index
        %get3A_1350 = arith.constant 0 : index
        %get3A_1351 = tpu.vector_load %arg5[%get3A_1349, %get3A_1350] {strides = array<i32>} : memref<8x96xi32, #tpu.memory_space<vmem>>, vector<16xi32>,
        %masked_sort3A_1352 = arith.constant dense<true> : vector<16xi1>
        %masked_sort3A_1353 = arith.constant -2147483648 : i32
        %masked_sort3A_1354 = vector.broadcast %masked_sort3A_1353 : i32 to vector<16xi32>
        %masked_sort3A_1355 = arith.xori %add3A_44, %masked_sort3A_1354 : vector<16xi32>
        %masked_sort3A_1356, %masked_sort3A_1357, %masked_sort3A_1358 = tpu.sort %masked_sort3A_1355, %get3A_1347 masked %masked_sort3A_1352 : (vector<16xi32>, vector<16xi32>, vector<16xi1>) -> (vector<16xi1>, vector<16xi32>, vector<16xi32>)
        %masked_sort3A_1359 = arith.xori %masked_sort3A_1357, %masked_sort3A_1354 : vector<16xi32>
        %masked_sort3A_1360 = arith.constant dense<true> : vector<16xi1>
        %masked_sort3A_1361 = arith.constant -2147483648 : i32
        %masked_sort3A_1362 = vector.broadcast %masked_sort3A_1361 : i32 to vector<16xi32>
        %masked_sort3A_1363 = arith.xori %sub3A, %masked_sort3A_1362 : vector<16xi32>
        %masked_sort3A_1364, %masked_sort3A_1365, %masked_sort3A_1366 = tpu.sort %masked_sort3A_1363, %get3A_1351 masked %masked_sort3A_1360 : (vector<16xi32>, vector<16xi32>, vector<16xi1>) -> (vector<16xi1>, vector<16xi32>, vector<16xi32>)
        %masked_sort3A_1367 = arith.xori %masked_sort3A_1365, %masked_sort3A_1362 : vector<16xi32>
        %select_n3A_1368 = arith.select %eq3A_61, %masked_sort3A_1366, %masked_sort3A_1358 : vector<16xi1>, vector<16xi32>
        %add3A_1369 = arith.addi %select_n3A_1368, %mul3A_35 : vector<16xi32>
        %swap3A_1370 = arith.constant 48 : index
        %swap3A_1371 = tpu.vector_load %arg6[%swap3A_1370] {strides = array<i32>} : memref<640xi32, #tpu.memory_space<vmem>>, vector<16xi32>,
        tpu.vector_store %arg6[%swap3A_1370], %add3A_1369 {strides = array<i32>} : memref<640xi32, #tpu.memory_space<vmem>>, vector<16xi32>,
        %get3A_1372 = arith.constant 0 : i32
        %get3A_1373 = arith.index_cast %get3A_1372 : i32 to index
        %get3A_1374 = arith.constant 8 : index
        %get3A_1375 = tpu.vector_load %arg5[%get3A_1373, %get3A_1374] {strides = array<i32>} : memref<8x96xi32, #tpu.memory_space<vmem>>, vector<16xi32>,
        %get3A_1376 = arith.constant 1 : i32
        %get3A_1377 = arith.index_cast %get3A_1376 : i32 to index
        %get3A_1378 = arith.constant 8 : index
        %get3A_1379 = tpu.vector_load %arg5[%get3A_1377, %get3A_1378] {strides = array<i32>} : memref<8x96xi32, #tpu.memory_space<vmem>>, vector<16xi32>,
        %masked_sort3A_1380 = arith.constant dense<true> : vector<16xi1>
        %masked_sort3A_1381 = arith.constant -2147483648 : i32
        %masked_sort3A_1382 = vector.broadcast %masked_sort3A_1381 : i32 to vector<16xi32>
        %masked_sort3A_1383 = arith.xori %add3A_44, %masked_sort3A_1382 : vector<16xi32>
        %masked_sort3A_1384, %masked_sort3A_1385, %masked_sort3A_1386 = tpu.sort %masked_sort3A_1383, %get3A_1375 masked %masked_sort3A_1380 : (vector<16xi32>, vector<16xi32>, vector<16xi1>) -> (vector<16xi1>, vector<16xi32>, vector<16xi32>)
        %masked_sort3A_1387 = arith.xori %masked_sort3A_1385, %masked_sort3A_1382 : vector<16xi32>
        %masked_sort3A_1388 = arith.constant dense<true> : vector<16xi1>
        %masked_sort3A_1389 = arith.constant -2147483648 : i32
        %masked_sort3A_1390 = vector.broadcast %masked_sort3A_1389 : i32 to vector<16xi32>
        %masked_sort3A_1391 = arith.xori %sub3A, %masked_sort3A_1390 : vector<16xi32>
        %masked_sort3A_1392, %masked_sort3A_1393, %masked_sort3A_1394 = tpu.sort %masked_sort3A_1391, %get3A_1379 masked %masked_sort3A_1388 : (vector<16xi32>, vector<16xi32>, vector<16xi1>) -> (vector<16xi1>, vector<16xi32>, vector<16xi32>)
        %masked_sort3A_1395 = arith.xori %masked_sort3A_1393, %masked_sort3A_1390 : vector<16xi32>
        %select_n3A_1396 = arith.select %eq3A_61, %masked_sort3A_1394, %masked_sort3A_1386 : vector<16xi1>, vector<16xi32>
        %add3A_1397 = arith.addi %select_n3A_1396, %mul3A_8 : vector<16xi32>
        %swap3A_1398 = arith.constant 64 : index
        %swap3A_1399 = tpu.vector_load %arg6[%swap3A_1398] {strides = array<i32>} : memref<640xi32, #tpu.memory_space<vmem>>, vector<16xi32>,
        tpu.vector_store %arg6[%swap3A_1398], %add3A_1397 {strides = array<i32>} : memref<640xi32, #tpu.memory_space<vmem>>, vector<16xi32>,
        %get3A_1400 = arith.constant 2 : i32
        %get3A_1401 = arith.index_cast %get3A_1400 : i32 to index
        %get3A_1402 = arith.constant 8 : index
        %get3A_1403 = tpu.vector_load %arg5[%get3A_1401, %get3A_1402] {strides = array<i32>} : memref<8x96xi32, #tpu.memory_space<vmem>>, vector<16xi32>,
        %get3A_1404 = arith.constant 3 : i32
        %get3A_1405 = arith.index_cast %get3A_1404 : i32 to index
        %get3A_1406 = arith.constant 8 : index
        %get3A_1407 = tpu.vector_load %arg5[%get3A_1405, %get3A_1406] {strides = array<i32>} : memref<8x96xi32, #tpu.memory_space<vmem>>, vector<16xi32>,
        %masked_sort3A_1408 = arith.constant dense<true> : vector<16xi1>
        %masked_sort3A_1409 = arith.constant -2147483648 : i32
        %masked_sort3A_1410 = vector.broadcast %masked_sort3A_1409 : i32 to vector<16xi32>
        %masked_sort3A_1411 = arith.xori %add3A_44, %masked_sort3A_1410 : vector<16xi32>
        %masked_sort3A_1412, %masked_sort3A_1413, %masked_sort3A_1414 = tpu.sort %masked_sort3A_1411, %get3A_1403 masked %masked_sort3A_1408 : (vector<16xi32>, vector<16xi32>, vector<16xi1>) -> (vector<16xi1>, vector<16xi32>, vector<16xi32>)
        %masked_sort3A_1415 = arith.xori %masked_sort3A_1413, %masked_sort3A_1410 : vector<16xi32>
        %masked_sort3A_1416 = arith.constant dense<true> : vector<16xi1>
        %masked_sort3A_1417 = arith.constant -2147483648 : i32
        %masked_sort3A_1418 = vector.broadcast %masked_sort3A_1417 : i32 to vector<16xi32>
        %masked_sort3A_1419 = arith.xori %sub3A, %masked_sort3A_1418 : vector<16xi32>
        %masked_sort3A_1420, %masked_sort3A_1421, %masked_sort3A_1422 = tpu.sort %masked_sort3A_1419, %get3A_1407 masked %masked_sort3A_1416 : (vector<16xi32>, vector<16xi32>, vector<16xi1>) -> (vector<16xi1>, vector<16xi32>, vector<16xi32>)
        %masked_sort3A_1423 = arith.xori %masked_sort3A_1421, %masked_sort3A_1418 : vector<16xi32>
        %select_n3A_1424 = arith.select %eq3A_61, %masked_sort3A_1422, %masked_sort3A_1414 : vector<16xi1>, vector<16xi32>
        %add3A_1425 = arith.addi %select_n3A_1424, %mul3A_17 : vector<16xi32>
        %swap3A_1426 = arith.constant 80 : index
        %swap3A_1427 = tpu.vector_load %arg6[%swap3A_1426] {strides = array<i32>} : memref<640xi32, #tpu.memory_space<vmem>>, vector<16xi32>,
        tpu.vector_store %arg6[%swap3A_1426], %add3A_1425 {strides = array<i32>} : memref<640xi32, #tpu.memory_space<vmem>>, vector<16xi32>,
        %get3A_1428 = arith.constant 4 : i32
        %get3A_1429 = arith.index_cast %get3A_1428 : i32 to index
        %get3A_1430 = arith.constant 8 : index
        %get3A_1431 = tpu.vector_load %arg5[%get3A_1429, %get3A_1430] {strides = array<i32>} : memref<8x96xi32, #tpu.memory_space<vmem>>, vector<16xi32>,
        %get3A_1432 = arith.constant 5 : i32
        %get3A_1433 = arith.index_cast %get3A_1432 : i32 to index
        %get3A_1434 = arith.constant 8 : index
        %get3A_1435 = tpu.vector_load %arg5[%get3A_1433, %get3A_1434] {strides = array<i32>} : memref<8x96xi32, #tpu.memory_space<vmem>>, vector<16xi32>,
        %masked_sort3A_1436 = arith.constant dense<true> : vector<16xi1>
        %masked_sort3A_1437 = arith.constant -2147483648 : i32
        %masked_sort3A_1438 = vector.broadcast %masked_sort3A_1437 : i32 to vector<16xi32>
        %masked_sort3A_1439 = arith.xori %add3A_44, %masked_sort3A_1438 : vector<16xi32>
        %masked_sort3A_1440, %masked_sort3A_1441, %masked_sort3A_1442 = tpu.sort %masked_sort3A_1439, %get3A_1431 masked %masked_sort3A_1436 : (vector<16xi32>, vector<16xi32>, vector<16xi1>) -> (vector<16xi1>, vector<16xi32>, vector<16xi32>)
        %masked_sort3A_1443 = arith.xori %masked_sort3A_1441, %masked_sort3A_1438 : vector<16xi32>
        %masked_sort3A_1444 = arith.constant dense<true> : vector<16xi1>
        %masked_sort3A_1445 = arith.constant -2147483648 : i32
        %masked_sort3A_1446 = vector.broadcast %masked_sort3A_1445 : i32 to vector<16xi32>
        %masked_sort3A_1447 = arith.xori %sub3A, %masked_sort3A_1446 : vector<16xi32>
        %masked_sort3A_1448, %masked_sort3A_1449, %masked_sort3A_1450 = tpu.sort %masked_sort3A_1447, %get3A_1435 masked %masked_sort3A_1444 : (vector<16xi32>, vector<16xi32>, vector<16xi1>) -> (vector<16xi1>, vector<16xi32>, vector<16xi32>)
        %masked_sort3A_1451 = arith.xori %masked_sort3A_1449, %masked_sort3A_1446 : vector<16xi32>
        %select_n3A_1452 = arith.select %eq3A_61, %masked_sort3A_1450, %masked_sort3A_1442 : vector<16xi1>, vector<16xi32>
        %add3A_1453 = arith.addi %select_n3A_1452, %mul3A_26 : vector<16xi32>
        %swap3A_1454 = arith.constant 96 : index
        %swap3A_1455 = tpu.vector_load %arg6[%swap3A_1454] {strides = array<i32>} : memref<640xi32, #tpu.memory_space<vmem>>, vector<16xi32>,
        tpu.vector_store %arg6[%swap3A_1454], %add3A_1453 {strides = array<i32>} : memref<640xi32, #tpu.memory_space<vmem>>, vector<16xi32>,
        %get3A_1456 = arith.constant 6 : i32
        %get3A_1457 = arith.index_cast %get3A_1456 : i32 to index
        %get3A_1458 = arith.constant 8 : index
        %get3A_1459 = tpu.vector_load %arg5[%get3A_1457, %get3A_1458] {strides = array<i32>} : memref<8x96xi32, #tpu.memory_space<vmem>>, vector<16xi32>,
        %get3A_1460 = arith.constant 7 : i32
        %get3A_1461 = arith.index_cast %get3A_1460 : i32 to index
        %get3A_1462 = arith.constant 8 : index
        %get3A_1463 = tpu.vector_load %arg5[%get3A_1461, %get3A_1462] {strides = array<i32>} : memref<8x96xi32, #tpu.memory_space<vmem>>, vector<16xi32>,
        %masked_sort3A_1464 = arith.constant dense<true> : vector<16xi1>
        %masked_sort3A_1465 = arith.constant -2147483648 : i32
        %masked_sort3A_1466 = vector.broadcast %masked_sort3A_1465 : i32 to vector<16xi32>
        %masked_sort3A_1467 = arith.xori %add3A_44, %masked_sort3A_1466 : vector<16xi32>
        %masked_sort3A_1468, %masked_sort3A_1469, %masked_sort3A_1470 = tpu.sort %masked_sort3A_1467, %get3A_1459 masked %masked_sort3A_1464 : (vector<16xi32>, vector<16xi32>, vector<16xi1>) -> (vector<16xi1>, vector<16xi32>, vector<16xi32>)
        %masked_sort3A_1471 = arith.xori %masked_sort3A_1469, %masked_sort3A_1466 : vector<16xi32>
        %masked_sort3A_1472 = arith.constant dense<true> : vector<16xi1>
        %masked_sort3A_1473 = arith.constant -2147483648 : i32
        %masked_sort3A_1474 = vector.broadcast %masked_sort3A_1473 : i32 to vector<16xi32>
        %masked_sort3A_1475 = arith.xori %sub3A, %masked_sort3A_1474 : vector<16xi32>
        %masked_sort3A_1476, %masked_sort3A_1477, %masked_sort3A_1478 = tpu.sort %masked_sort3A_1475, %get3A_1463 masked %masked_sort3A_1472 : (vector<16xi32>, vector<16xi32>, vector<16xi1>) -> (vector<16xi1>, vector<16xi32>, vector<16xi32>)
        %masked_sort3A_1479 = arith.xori %masked_sort3A_1477, %masked_sort3A_1474 : vector<16xi32>
        %select_n3A_1480 = arith.select %eq3A_61, %masked_sort3A_1478, %masked_sort3A_1470 : vector<16xi1>, vector<16xi32>
        %add3A_1481 = arith.addi %select_n3A_1480, %mul3A_35 : vector<16xi32>
        %swap3A_1482 = arith.constant 112 : index
        %swap3A_1483 = tpu.vector_load %arg6[%swap3A_1482] {strides = array<i32>} : memref<640xi32, #tpu.memory_space<vmem>>, vector<16xi32>,
        tpu.vector_store %arg6[%swap3A_1482], %add3A_1481 {strides = array<i32>} : memref<640xi32, #tpu.memory_space<vmem>>, vector<16xi32>,
        %get3A_1484 = arith.constant 0 : i32
        %get3A_1485 = arith.index_cast %get3A_1484 : i32 to index
        %get3A_1486 = arith.constant 16 : index
        %get3A_1487 = tpu.vector_load %arg5[%get3A_1485, %get3A_1486] {strides = array<i32>} : memref<8x96xi32, #tpu.memory_space<vmem>>, vector<16xi32>,
        %get3A_1488 = arith.constant 1 : i32
        %get3A_1489 = arith.index_cast %get3A_1488 : i32 to index
        %get3A_1490 = arith.constant 16 : index
        %get3A_1491 = tpu.vector_load %arg5[%get3A_1489, %get3A_1490] {strides = array<i32>} : memref<8x96xi32, #tpu.memory_space<vmem>>, vector<16xi32>,
        %masked_sort3A_1492 = arith.constant dense<true> : vector<16xi1>
        %masked_sort3A_1493 = arith.constant -2147483648 : i32
        %masked_sort3A_1494 = vector.broadcast %masked_sort3A_1493 : i32 to vector<16xi32>
        %masked_sort3A_1495 = arith.xori %add3A_44, %masked_sort3A_1494 : vector<16xi32>
        %masked_sort3A_1496, %masked_sort3A_1497, %masked_sort3A_1498 = tpu.sort %masked_sort3A_1495, %get3A_1487 masked %masked_sort3A_1492 : (vector<16xi32>, vector<16xi32>, vector<16xi1>) -> (vector<16xi1>, vector<16xi32>, vector<16xi32>)
        %masked_sort3A_1499 = arith.xori %masked_sort3A_1497, %masked_sort3A_1494 : vector<16xi32>
        %masked_sort3A_1500 = arith.constant dense<true> : vector<16xi1>
        %masked_sort3A_1501 = arith.constant -2147483648 : i32
        %masked_sort3A_1502 = vector.broadcast %masked_sort3A_1501 : i32 to vector<16xi32>
        %masked_sort3A_1503 = arith.xori %sub3A, %masked_sort3A_1502 : vector<16xi32>
        %masked_sort3A_1504, %masked_sort3A_1505, %masked_sort3A_1506 = tpu.sort %masked_sort3A_1503, %get3A_1491 masked %masked_sort3A_1500 : (vector<16xi32>, vector<16xi32>, vector<16xi1>) -> (vector<16xi1>, vector<16xi32>, vector<16xi32>)
        %masked_sort3A_1507 = arith.xori %masked_sort3A_1505, %masked_sort3A_1502 : vector<16xi32>
        %select_n3A_1508 = arith.select %eq3A_61, %masked_sort3A_1506, %masked_sort3A_1498 : vector<16xi1>, vector<16xi32>
        %add3A_1509 = arith.addi %select_n3A_1508, %mul3A_8 : vector<16xi32>
        %swap3A_1510 = arith.constant 128 : index
        %swap3A_1511 = tpu.vector_load %arg6[%swap3A_1510] {strides = array<i32>} : memref<640xi32, #tpu.memory_space<vmem>>, vector<16xi32>,
        tpu.vector_store %arg6[%swap3A_1510], %add3A_1509 {strides = array<i32>} : memref<640xi32, #tpu.memory_space<vmem>>, vector<16xi32>,
        %get3A_1512 = arith.constant 2 : i32
        %get3A_1513 = arith.index_cast %get3A_1512 : i32 to index
        %get3A_1514 = arith.constant 16 : index
        %get3A_1515 = tpu.vector_load %arg5[%get3A_1513, %get3A_1514] {strides = array<i32>} : memref<8x96xi32, #tpu.memory_space<vmem>>, vector<16xi32>,
        %get3A_1516 = arith.constant 3 : i32
        %get3A_1517 = arith.index_cast %get3A_1516 : i32 to index
        %get3A_1518 = arith.constant 16 : index
        %get3A_1519 = tpu.vector_load %arg5[%get3A_1517, %get3A_1518] {strides = array<i32>} : memref<8x96xi32, #tpu.memory_space<vmem>>, vector<16xi32>,
        %masked_sort3A_1520 = arith.constant dense<true> : vector<16xi1>
        %masked_sort3A_1521 = arith.constant -2147483648 : i32
        %masked_sort3A_1522 = vector.broadcast %masked_sort3A_1521 : i32 to vector<16xi32>
        %masked_sort3A_1523 = arith.xori %add3A_44, %masked_sort3A_1522 : vector<16xi32>
        %masked_sort3A_1524, %masked_sort3A_1525, %masked_sort3A_1526 = tpu.sort %masked_sort3A_1523, %get3A_1515 masked %masked_sort3A_1520 : (vector<16xi32>, vector<16xi32>, vector<16xi1>) -> (vector<16xi1>, vector<16xi32>, vector<16xi32>)
        %masked_sort3A_1527 = arith.xori %masked_sort3A_1525, %masked_sort3A_1522 : vector<16xi32>
        %masked_sort3A_1528 = arith.constant dense<true> : vector<16xi1>
        %masked_sort3A_1529 = arith.constant -2147483648 : i32
        %masked_sort3A_1530 = vector.broadcast %masked_sort3A_1529 : i32 to vector<16xi32>
        %masked_sort3A_1531 = arith.xori %sub3A, %masked_sort3A_1530 : vector<16xi32>
        %masked_sort3A_1532, %masked_sort3A_1533, %masked_sort3A_1534 = tpu.sort %masked_sort3A_1531, %get3A_1519 masked %masked_sort3A_1528 : (vector<16xi32>, vector<16xi32>, vector<16xi1>) -> (vector<16xi1>, vector<16xi32>, vector<16xi32>)
        %masked_sort3A_1535 = arith.xori %masked_sort3A_1533, %masked_sort3A_1530 : vector<16xi32>
        %select_n3A_1536 = arith.select %eq3A_61, %masked_sort3A_1534, %masked_sort3A_1526 : vector<16xi1>, vector<16xi32>
        %add3A_1537 = arith.addi %select_n3A_1536, %mul3A_17 : vector<16xi32>
        %swap3A_1538 = arith.constant 144 : index
        %swap3A_1539 = tpu.vector_load %arg6[%swap3A_1538] {strides = array<i32>} : memref<640xi32, #tpu.memory_space<vmem>>, vector<16xi32>,
        tpu.vector_store %arg6[%swap3A_1538], %add3A_1537 {strides = array<i32>} : memref<640xi32, #tpu.memory_space<vmem>>, vector<16xi32>,
        %get3A_1540 = arith.constant 4 : i32
        %get3A_1541 = arith.index_cast %get3A_1540 : i32 to index
        %get3A_1542 = arith.constant 16 : index
        %get3A_1543 = tpu.vector_load %arg5[%get3A_1541, %get3A_1542] {strides = array<i32>} : memref<8x96xi32, #tpu.memory_space<vmem>>, vector<16xi32>,
        %get3A_1544 = arith.constant 5 : i32
        %get3A_1545 = arith.index_cast %get3A_1544 : i32 to index
        %get3A_1546 = arith.constant 16 : index
        %get3A_1547 = tpu.vector_load %arg5[%get3A_1545, %get3A_1546] {strides = array<i32>} : memref<8x96xi32, #tpu.memory_space<vmem>>, vector<16xi32>,
        %masked_sort3A_1548 = arith.constant dense<true> : vector<16xi1>
        %masked_sort3A_1549 = arith.constant -2147483648 : i32
        %masked_sort3A_1550 = vector.broadcast %masked_sort3A_1549 : i32 to vector<16xi32>
        %masked_sort3A_1551 = arith.xori %add3A_44, %masked_sort3A_1550 : vector<16xi32>
        %masked_sort3A_1552, %masked_sort3A_1553, %masked_sort3A_1554 = tpu.sort %masked_sort3A_1551, %get3A_1543 masked %masked_sort3A_1548 : (vector<16xi32>, vector<16xi32>, vector<16xi1>) -> (vector<16xi1>, vector<16xi32>, vector<16xi32>)
        %masked_sort3A_1555 = arith.xori %masked_sort3A_1553, %masked_sort3A_1550 : vector<16xi32>
        %masked_sort3A_1556 = arith.constant dense<true> : vector<16xi1>
        %masked_sort3A_1557 = arith.constant -2147483648 : i32
        %masked_sort3A_1558 = vector.broadcast %masked_sort3A_1557 : i32 to vector<16xi32>
        %masked_sort3A_1559 = arith.xori %sub3A, %masked_sort3A_1558 : vector<16xi32>
        %masked_sort3A_1560, %masked_sort3A_1561, %masked_sort3A_1562 = tpu.sort %masked_sort3A_1559, %get3A_1547 masked %masked_sort3A_1556 : (vector<16xi32>, vector<16xi32>, vector<16xi1>) -> (vector<16xi1>, vector<16xi32>, vector<16xi32>)
        %masked_sort3A_1563 = arith.xori %masked_sort3A_1561, %masked_sort3A_1558 : vector<16xi32>
        %select_n3A_1564 = arith.select %eq3A_61, %masked_sort3A_1562, %masked_sort3A_1554 : vector<16xi1>, vector<16xi32>
        %add3A_1565 = arith.addi %select_n3A_1564, %mul3A_26 : vector<16xi32>
        %swap3A_1566 = arith.constant 160 : index
        %swap3A_1567 = tpu.vector_load %arg6[%swap3A_1566] {strides = array<i32>} : memref<640xi32, #tpu.memory_space<vmem>>, vector<16xi32>,
        tpu.vector_store %arg6[%swap3A_1566], %add3A_1565 {strides = array<i32>} : memref<640xi32, #tpu.memory_space<vmem>>, vector<16xi32>,
        %get3A_1568 = arith.constant 6 : i32
        %get3A_1569 = arith.index_cast %get3A_1568 : i32 to index
        %get3A_1570 = arith.constant 16 : index
        %get3A_1571 = tpu.vector_load %arg5[%get3A_1569, %get3A_1570] {strides = array<i32>} : memref<8x96xi32, #tpu.memory_space<vmem>>, vector<16xi32>,
        %get3A_1572 = arith.constant 7 : i32
        %get3A_1573 = arith.index_cast %get3A_1572 : i32 to index
        %get3A_1574 = arith.constant 16 : index
        %get3A_1575 = tpu.vector_load %arg5[%get3A_1573, %get3A_1574] {strides = array<i32>} : memref<8x96xi32, #tpu.memory_space<vmem>>, vector<16xi32>,
        %masked_sort3A_1576 = arith.constant dense<true> : vector<16xi1>
        %masked_sort3A_1577 = arith.constant -2147483648 : i32
        %masked_sort3A_1578 = vector.broadcast %masked_sort3A_1577 : i32 to vector<16xi32>
        %masked_sort3A_1579 = arith.xori %add3A_44, %masked_sort3A_1578 : vector<16xi32>
        %masked_sort3A_1580, %masked_sort3A_1581, %masked_sort3A_1582 = tpu.sort %masked_sort3A_1579, %get3A_1571 masked %masked_sort3A_1576 : (vector<16xi32>, vector<16xi32>, vector<16xi1>) -> (vector<16xi1>, vector<16xi32>, vector<16xi32>)
        %masked_sort3A_1583 = arith.xori %masked_sort3A_1581, %masked_sort3A_1578 : vector<16xi32>
        %masked_sort3A_1584 = arith.constant dense<true> : vector<16xi1>
        %masked_sort3A_1585 = arith.constant -2147483648 : i32
        %masked_sort3A_1586 = vector.broadcast %masked_sort3A_1585 : i32 to vector<16xi32>
        %masked_sort3A_1587 = arith.xori %sub3A, %masked_sort3A_1586 : vector<16xi32>
        %masked_sort3A_1588, %masked_sort3A_1589, %masked_sort3A_1590 = tpu.sort %masked_sort3A_1587, %get3A_1575 masked %masked_sort3A_1584 : (vector<16xi32>, vector<16xi32>, vector<16xi1>) -> (vector<16xi1>, vector<16xi32>, vector<16xi32>)
        %masked_sort3A_1591 = arith.xori %masked_sort3A_1589, %masked_sort3A_1586 : vector<16xi32>
        %select_n3A_1592 = arith.select %eq3A_61, %masked_sort3A_1590, %masked_sort3A_1582 : vector<16xi1>, vector<16xi32>
        %add3A_1593 = arith.addi %select_n3A_1592, %mul3A_35 : vector<16xi32>
        %swap3A_1594 = arith.constant 176 : index
        %swap3A_1595 = tpu.vector_load %arg6[%swap3A_1594] {strides = array<i32>} : memref<640xi32, #tpu.memory_space<vmem>>, vector<16xi32>,
        tpu.vector_store %arg6[%swap3A_1594], %add3A_1593 {strides = array<i32>} : memref<640xi32, #tpu.memory_space<vmem>>, vector<16xi32>,
        %get3A_1596 = arith.constant 0 : i32
        %get3A_1597 = arith.index_cast %get3A_1596 : i32 to index
        %get3A_1598 = arith.constant 24 : index
        %get3A_1599 = tpu.vector_load %arg5[%get3A_1597, %get3A_1598] {strides = array<i32>} : memref<8x96xi32, #tpu.memory_space<vmem>>, vector<16xi32>,
        %get3A_1600 = arith.constant 1 : i32
        %get3A_1601 = arith.index_cast %get3A_1600 : i32 to index
        %get3A_1602 = arith.constant 24 : index
        %get3A_1603 = tpu.vector_load %arg5[%get3A_1601, %get3A_1602] {strides = array<i32>} : memref<8x96xi32, #tpu.memory_space<vmem>>, vector<16xi32>,
        %masked_sort3A_1604 = arith.constant dense<true> : vector<16xi1>
        %masked_sort3A_1605 = arith.constant -2147483648 : i32
        %masked_sort3A_1606 = vector.broadcast %masked_sort3A_1605 : i32 to vector<16xi32>
        %masked_sort3A_1607 = arith.xori %add3A_44, %masked_sort3A_1606 : vector<16xi32>
        %masked_sort3A_1608, %masked_sort3A_1609, %masked_sort3A_1610 = tpu.sort %masked_sort3A_1607, %get3A_1599 masked %masked_sort3A_1604 : (vector<16xi32>, vector<16xi32>, vector<16xi1>) -> (vector<16xi1>, vector<16xi32>, vector<16xi32>)
        %masked_sort3A_1611 = arith.xori %masked_sort3A_1609, %masked_sort3A_1606 : vector<16xi32>
        %masked_sort3A_1612 = arith.constant dense<true> : vector<16xi1>
        %masked_sort3A_1613 = arith.constant -2147483648 : i32
        %masked_sort3A_1614 = vector.broadcast %masked_sort3A_1613 : i32 to vector<16xi32>
        %masked_sort3A_1615 = arith.xori %sub3A, %masked_sort3A_1614 : vector<16xi32>
        %masked_sort3A_1616, %masked_sort3A_1617, %masked_sort3A_1618 = tpu.sort %masked_sort3A_1615, %get3A_1603 masked %masked_sort3A_1612 : (vector<16xi32>, vector<16xi32>, vector<16xi1>) -> (vector<16xi1>, vector<16xi32>, vector<16xi32>)
        %masked_sort3A_1619 = arith.xori %masked_sort3A_1617, %masked_sort3A_1614 : vector<16xi32>
        %select_n3A_1620 = arith.select %eq3A_61, %masked_sort3A_1618, %masked_sort3A_1610 : vector<16xi1>, vector<16xi32>
        %add3A_1621 = arith.addi %select_n3A_1620, %mul3A_8 : vector<16xi32>
        %swap3A_1622 = arith.constant 192 : index
        %swap3A_1623 = tpu.vector_load %arg6[%swap3A_1622] {strides = array<i32>} : memref<640xi32, #tpu.memory_space<vmem>>, vector<16xi32>,
        tpu.vector_store %arg6[%swap3A_1622], %add3A_1621 {strides = array<i32>} : memref<640xi32, #tpu.memory_space<vmem>>, vector<16xi32>,
        %get3A_1624 = arith.constant 2 : i32
        %get3A_1625 = arith.index_cast %get3A_1624 : i32 to index
        %get3A_1626 = arith.constant 24 : index
        %get3A_1627 = tpu.vector_load %arg5[%get3A_1625, %get3A_1626] {strides = array<i32>} : memref<8x96xi32, #tpu.memory_space<vmem>>, vector<16xi32>,
        %get3A_1628 = arith.constant 3 : i32
        %get3A_1629 = arith.index_cast %get3A_1628 : i32 to index
        %get3A_1630 = arith.constant 24 : index
        %get3A_1631 = tpu.vector_load %arg5[%get3A_1629, %get3A_1630] {strides = array<i32>} : memref<8x96xi32, #tpu.memory_space<vmem>>, vector<16xi32>,
        %masked_sort3A_1632 = arith.constant dense<true> : vector<16xi1>
        %masked_sort3A_1633 = arith.constant -2147483648 : i32
        %masked_sort3A_1634 = vector.broadcast %masked_sort3A_1633 : i32 to vector<16xi32>
        %masked_sort3A_1635 = arith.xori %add3A_44, %masked_sort3A_1634 : vector<16xi32>
        %masked_sort3A_1636, %masked_sort3A_1637, %masked_sort3A_1638 = tpu.sort %masked_sort3A_1635, %get3A_1627 masked %masked_sort3A_1632 : (vector<16xi32>, vector<16xi32>, vector<16xi1>) -> (vector<16xi1>, vector<16xi32>, vector<16xi32>)
        %masked_sort3A_1639 = arith.xori %masked_sort3A_1637, %masked_sort3A_1634 : vector<16xi32>
        %masked_sort3A_1640 = arith.constant dense<true> : vector<16xi1>
        %masked_sort3A_1641 = arith.constant -2147483648 : i32
        %masked_sort3A_1642 = vector.broadcast %masked_sort3A_1641 : i32 to vector<16xi32>
        %masked_sort3A_1643 = arith.xori %sub3A, %masked_sort3A_1642 : vector<16xi32>
        %masked_sort3A_1644, %masked_sort3A_1645, %masked_sort3A_1646 = tpu.sort %masked_sort3A_1643, %get3A_1631 masked %masked_sort3A_1640 : (vector<16xi32>, vector<16xi32>, vector<16xi1>) -> (vector<16xi1>, vector<16xi32>, vector<16xi32>)
        %masked_sort3A_1647 = arith.xori %masked_sort3A_1645, %masked_sort3A_1642 : vector<16xi32>
        %select_n3A_1648 = arith.select %eq3A_61, %masked_sort3A_1646, %masked_sort3A_1638 : vector<16xi1>, vector<16xi32>
        %add3A_1649 = arith.addi %select_n3A_1648, %mul3A_17 : vector<16xi32>
        %swap3A_1650 = arith.constant 208 : index
        %swap3A_1651 = tpu.vector_load %arg6[%swap3A_1650] {strides = array<i32>} : memref<640xi32, #tpu.memory_space<vmem>>, vector<16xi32>,
        tpu.vector_store %arg6[%swap3A_1650], %add3A_1649 {strides = array<i32>} : memref<640xi32, #tpu.memory_space<vmem>>, vector<16xi32>,
        %get3A_1652 = arith.constant 4 : i32
        %get3A_1653 = arith.index_cast %get3A_1652 : i32 to index
        %get3A_1654 = arith.constant 24 : index
        %get3A_1655 = tpu.vector_load %arg5[%get3A_1653, %get3A_1654] {strides = array<i32>} : memref<8x96xi32, #tpu.memory_space<vmem>>, vector<16xi32>,
        %get3A_1656 = arith.constant 5 : i32
        %get3A_1657 = arith.index_cast %get3A_1656 : i32 to index
        %get3A_1658 = arith.constant 24 : index
        %get3A_1659 = tpu.vector_load %arg5[%get3A_1657, %get3A_1658] {strides = array<i32>} : memref<8x96xi32, #tpu.memory_space<vmem>>, vector<16xi32>,
        %masked_sort3A_1660 = arith.constant dense<true> : vector<16xi1>
        %masked_sort3A_1661 = arith.constant -2147483648 : i32
        %masked_sort3A_1662 = vector.broadcast %masked_sort3A_1661 : i32 to vector<16xi32>
        %masked_sort3A_1663 = arith.xori %add3A_44, %masked_sort3A_1662 : vector<16xi32>
        %masked_sort3A_1664, %masked_sort3A_1665, %masked_sort3A_1666 = tpu.sort %masked_sort3A_1663, %get3A_1655 masked %masked_sort3A_1660 : (vector<16xi32>, vector<16xi32>, vector<16xi1>) -> (vector<16xi1>, vector<16xi32>, vector<16xi32>)
        %masked_sort3A_1667 = arith.xori %masked_sort3A_1665, %masked_sort3A_1662 : vector<16xi32>
        %masked_sort3A_1668 = arith.constant dense<true> : vector<16xi1>
        %masked_sort3A_1669 = arith.constant -2147483648 : i32
        %masked_sort3A_1670 = vector.broadcast %masked_sort3A_1669 : i32 to vector<16xi32>
        %masked_sort3A_1671 = arith.xori %sub3A, %masked_sort3A_1670 : vector<16xi32>
        %masked_sort3A_1672, %masked_sort3A_1673, %masked_sort3A_1674 = tpu.sort %masked_sort3A_1671, %get3A_1659 masked %masked_sort3A_1668 : (vector<16xi32>, vector<16xi32>, vector<16xi1>) -> (vector<16xi1>, vector<16xi32>, vector<16xi32>)
        %masked_sort3A_1675 = arith.xori %masked_sort3A_1673, %masked_sort3A_1670 : vector<16xi32>
        %select_n3A_1676 = arith.select %eq3A_61, %masked_sort3A_1674, %masked_sort3A_1666 : vector<16xi1>, vector<16xi32>
        %add3A_1677 = arith.addi %select_n3A_1676, %mul3A_26 : vector<16xi32>
        %swap3A_1678 = arith.constant 224 : index
        %swap3A_1679 = tpu.vector_load %arg6[%swap3A_1678] {strides = array<i32>} : memref<640xi32, #tpu.memory_space<vmem>>, vector<16xi32>,
        tpu.vector_store %arg6[%swap3A_1678], %add3A_1677 {strides = array<i32>} : memref<640xi32, #tpu.memory_space<vmem>>, vector<16xi32>,
        %get3A_1680 = arith.constant 6 : i32
        %get3A_1681 = arith.index_cast %get3A_1680 : i32 to index
        %get3A_1682 = arith.constant 24 : index
        %get3A_1683 = tpu.vector_load %arg5[%get3A_1681, %get3A_1682] {strides = array<i32>} : memref<8x96xi32, #tpu.memory_space<vmem>>, vector<16xi32>,
        %get3A_1684 = arith.constant 7 : i32
        %get3A_1685 = arith.index_cast %get3A_1684 : i32 to index
        %get3A_1686 = arith.constant 24 : index
        %get3A_1687 = tpu.vector_load %arg5[%get3A_1685, %get3A_1686] {strides = array<i32>} : memref<8x96xi32, #tpu.memory_space<vmem>>, vector<16xi32>,
        %masked_sort3A_1688 = arith.constant dense<true> : vector<16xi1>
        %masked_sort3A_1689 = arith.constant -2147483648 : i32
        %masked_sort3A_1690 = vector.broadcast %masked_sort3A_1689 : i32 to vector<16xi32>
        %masked_sort3A_1691 = arith.xori %add3A_44, %masked_sort3A_1690 : vector<16xi32>
        %masked_sort3A_1692, %masked_sort3A_1693, %masked_sort3A_1694 = tpu.sort %masked_sort3A_1691, %get3A_1683 masked %masked_sort3A_1688 : (vector<16xi32>, vector<16xi32>, vector<16xi1>) -> (vector<16xi1>, vector<16xi32>, vector<16xi32>)
        %masked_sort3A_1695 = arith.xori %masked_sort3A_1693, %masked_sort3A_1690 : vector<16xi32>
        %masked_sort3A_1696 = arith.constant dense<true> : vector<16xi1>
        %masked_sort3A_1697 = arith.constant -2147483648 : i32
        %masked_sort3A_1698 = vector.broadcast %masked_sort3A_1697 : i32 to vector<16xi32>
        %masked_sort3A_1699 = arith.xori %sub3A, %masked_sort3A_1698 : vector<16xi32>
        %masked_sort3A_1700, %masked_sort3A_1701, %masked_sort3A_1702 = tpu.sort %masked_sort3A_1699, %get3A_1687 masked %masked_sort3A_1696 : (vector<16xi32>, vector<16xi32>, vector<16xi1>) -> (vector<16xi1>, vector<16xi32>, vector<16xi32>)
        %masked_sort3A_1703 = arith.xori %masked_sort3A_1701, %masked_sort3A_1698 : vector<16xi32>
        %select_n3A_1704 = arith.select %eq3A_61, %masked_sort3A_1702, %masked_sort3A_1694 : vector<16xi1>, vector<16xi32>
        %add3A_1705 = arith.addi %select_n3A_1704, %mul3A_35 : vector<16xi32>
        %swap3A_1706 = arith.constant 240 : index
        %swap3A_1707 = tpu.vector_load %arg6[%swap3A_1706] {strides = array<i32>} : memref<640xi32, #tpu.memory_space<vmem>>, vector<16xi32>,
        tpu.vector_store %arg6[%swap3A_1706], %add3A_1705 {strides = array<i32>} : memref<640xi32, #tpu.memory_space<vmem>>, vector<16xi32>,
        %get3A_1708 = arith.constant 0 : i32
        %get3A_1709 = arith.index_cast %get3A_1708 : i32 to index
        %get3A_1710 = arith.constant 32 : index
        %get3A_1711 = tpu.vector_load %arg5[%get3A_1709, %get3A_1710] {strides = array<i32>} : memref<8x96xi32, #tpu.memory_space<vmem>>, vector<16xi32>,
        %get3A_1712 = arith.constant 1 : i32
        %get3A_1713 = arith.index_cast %get3A_1712 : i32 to index
        %get3A_1714 = arith.constant 32 : index
        %get3A_1715 = tpu.vector_load %arg5[%get3A_1713, %get3A_1714] {strides = array<i32>} : memref<8x96xi32, #tpu.memory_space<vmem>>, vector<16xi32>,
        %masked_sort3A_1716 = arith.constant dense<true> : vector<16xi1>
        %masked_sort3A_1717 = arith.constant -2147483648 : i32
        %masked_sort3A_1718 = vector.broadcast %masked_sort3A_1717 : i32 to vector<16xi32>
        %masked_sort3A_1719 = arith.xori %add3A_44, %masked_sort3A_1718 : vector<16xi32>
        %masked_sort3A_1720, %masked_sort3A_1721, %masked_sort3A_1722 = tpu.sort %masked_sort3A_1719, %get3A_1711 masked %masked_sort3A_1716 : (vector<16xi32>, vector<16xi32>, vector<16xi1>) -> (vector<16xi1>, vector<16xi32>, vector<16xi32>)
        %masked_sort3A_1723 = arith.xori %masked_sort3A_1721, %masked_sort3A_1718 : vector<16xi32>
        %masked_sort3A_1724 = arith.constant dense<true> : vector<16xi1>
        %masked_sort3A_1725 = arith.constant -2147483648 : i32
        %masked_sort3A_1726 = vector.broadcast %masked_sort3A_1725 : i32 to vector<16xi32>
        %masked_sort3A_1727 = arith.xori %sub3A, %masked_sort3A_1726 : vector<16xi32>
        %masked_sort3A_1728, %masked_sort3A_1729, %masked_sort3A_1730 = tpu.sort %masked_sort3A_1727, %get3A_1715 masked %masked_sort3A_1724 : (vector<16xi32>, vector<16xi32>, vector<16xi1>) -> (vector<16xi1>, vector<16xi32>, vector<16xi32>)
        %masked_sort3A_1731 = arith.xori %masked_sort3A_1729, %masked_sort3A_1726 : vector<16xi32>
        %select_n3A_1732 = arith.select %eq3A_61, %masked_sort3A_1730, %masked_sort3A_1722 : vector<16xi1>, vector<16xi32>
        %add3A_1733 = arith.addi %select_n3A_1732, %mul3A_8 : vector<16xi32>
        %swap3A_1734 = arith.constant 256 : index
        %swap3A_1735 = tpu.vector_load %arg6[%swap3A_1734] {strides = array<i32>} : memref<640xi32, #tpu.memory_space<vmem>>, vector<16xi32>,
        tpu.vector_store %arg6[%swap3A_1734], %add3A_1733 {strides = array<i32>} : memref<640xi32, #tpu.memory_space<vmem>>, vector<16xi32>,
        %get3A_1736 = arith.constant 2 : i32
        %get3A_1737 = arith.index_cast %get3A_1736 : i32 to index
        %get3A_1738 = arith.constant 32 : index
        %get3A_1739 = tpu.vector_load %arg5[%get3A_1737, %get3A_1738] {strides = array<i32>} : memref<8x96xi32, #tpu.memory_space<vmem>>, vector<16xi32>,
        %get3A_1740 = arith.constant 3 : i32
        %get3A_1741 = arith.index_cast %get3A_1740 : i32 to index
        %get3A_1742 = arith.constant 32 : index
        %get3A_1743 = tpu.vector_load %arg5[%get3A_1741, %get3A_1742] {strides = array<i32>} : memref<8x96xi32, #tpu.memory_space<vmem>>, vector<16xi32>,
        %masked_sort3A_1744 = arith.constant dense<true> : vector<16xi1>
        %masked_sort3A_1745 = arith.constant -2147483648 : i32
        %masked_sort3A_1746 = vector.broadcast %masked_sort3A_1745 : i32 to vector<16xi32>
        %masked_sort3A_1747 = arith.xori %add3A_44, %masked_sort3A_1746 : vector<16xi32>
        %masked_sort3A_1748, %masked_sort3A_1749, %masked_sort3A_1750 = tpu.sort %masked_sort3A_1747, %get3A_1739 masked %masked_sort3A_1744 : (vector<16xi32>, vector<16xi32>, vector<16xi1>) -> (vector<16xi1>, vector<16xi32>, vector<16xi32>)
        %masked_sort3A_1751 = arith.xori %masked_sort3A_1749, %masked_sort3A_1746 : vector<16xi32>
        %masked_sort3A_1752 = arith.constant dense<true> : vector<16xi1>
        %masked_sort3A_1753 = arith.constant -2147483648 : i32
        %masked_sort3A_1754 = vector.broadcast %masked_sort3A_1753 : i32 to vector<16xi32>
        %masked_sort3A_1755 = arith.xori %sub3A, %masked_sort3A_1754 : vector<16xi32>
        %masked_sort3A_1756, %masked_sort3A_1757, %masked_sort3A_1758 = tpu.sort %masked_sort3A_1755, %get3A_1743 masked %masked_sort3A_1752 : (vector<16xi32>, vector<16xi32>, vector<16xi1>) -> (vector<16xi1>, vector<16xi32>, vector<16xi32>)
        %masked_sort3A_1759 = arith.xori %masked_sort3A_1757, %masked_sort3A_1754 : vector<16xi32>
        %select_n3A_1760 = arith.select %eq3A_61, %masked_sort3A_1758, %masked_sort3A_1750 : vector<16xi1>, vector<16xi32>
        %add3A_1761 = arith.addi %select_n3A_1760, %mul3A_17 : vector<16xi32>
        %swap3A_1762 = arith.constant 272 : index
        %swap3A_1763 = tpu.vector_load %arg6[%swap3A_1762] {strides = array<i32>} : memref<640xi32, #tpu.memory_space<vmem>>, vector<16xi32>,
        tpu.vector_store %arg6[%swap3A_1762], %add3A_1761 {strides = array<i32>} : memref<640xi32, #tpu.memory_space<vmem>>, vector<16xi32>,
        %get3A_1764 = arith.constant 4 : i32
        %get3A_1765 = arith.index_cast %get3A_1764 : i32 to index
        %get3A_1766 = arith.constant 32 : index
        %get3A_1767 = tpu.vector_load %arg5[%get3A_1765, %get3A_1766] {strides = array<i32>} : memref<8x96xi32, #tpu.memory_space<vmem>>, vector<16xi32>,
        %get3A_1768 = arith.constant 5 : i32
        %get3A_1769 = arith.index_cast %get3A_1768 : i32 to index
        %get3A_1770 = arith.constant 32 : index
        %get3A_1771 = tpu.vector_load %arg5[%get3A_1769, %get3A_1770] {strides = array<i32>} : memref<8x96xi32, #tpu.memory_space<vmem>>, vector<16xi32>,
        %masked_sort3A_1772 = arith.constant dense<true> : vector<16xi1>
        %masked_sort3A_1773 = arith.constant -2147483648 : i32
        %masked_sort3A_1774 = vector.broadcast %masked_sort3A_1773 : i32 to vector<16xi32>
        %masked_sort3A_1775 = arith.xori %add3A_44, %masked_sort3A_1774 : vector<16xi32>
        %masked_sort3A_1776, %masked_sort3A_1777, %masked_sort3A_1778 = tpu.sort %masked_sort3A_1775, %get3A_1767 masked %masked_sort3A_1772 : (vector<16xi32>, vector<16xi32>, vector<16xi1>) -> (vector<16xi1>, vector<16xi32>, vector<16xi32>)
        %masked_sort3A_1779 = arith.xori %masked_sort3A_1777, %masked_sort3A_1774 : vector<16xi32>
        %masked_sort3A_1780 = arith.constant dense<true> : vector<16xi1>
        %masked_sort3A_1781 = arith.constant -2147483648 : i32
        %masked_sort3A_1782 = vector.broadcast %masked_sort3A_1781 : i32 to vector<16xi32>
        %masked_sort3A_1783 = arith.xori %sub3A, %masked_sort3A_1782 : vector<16xi32>
        %masked_sort3A_1784, %masked_sort3A_1785, %masked_sort3A_1786 = tpu.sort %masked_sort3A_1783, %get3A_1771 masked %masked_sort3A_1780 : (vector<16xi32>, vector<16xi32>, vector<16xi1>) -> (vector<16xi1>, vector<16xi32>, vector<16xi32>)
        %masked_sort3A_1787 = arith.xori %masked_sort3A_1785, %masked_sort3A_1782 : vector<16xi32>
        %select_n3A_1788 = arith.select %eq3A_61, %masked_sort3A_1786, %masked_sort3A_1778 : vector<16xi1>, vector<16xi32>
        %add3A_1789 = arith.addi %select_n3A_1788, %mul3A_26 : vector<16xi32>
        %swap3A_1790 = arith.constant 288 : index
        %swap3A_1791 = tpu.vector_load %arg6[%swap3A_1790] {strides = array<i32>} : memref<640xi32, #tpu.memory_space<vmem>>, vector<16xi32>,
        tpu.vector_store %arg6[%swap3A_1790], %add3A_1789 {strides = array<i32>} : memref<640xi32, #tpu.memory_space<vmem>>, vector<16xi32>,
        %get3A_1792 = arith.constant 6 : i32
        %get3A_1793 = arith.index_cast %get3A_1792 : i32 to index
        %get3A_1794 = arith.constant 32 : index
        %get3A_1795 = tpu.vector_load %arg5[%get3A_1793, %get3A_1794] {strides = array<i32>} : memref<8x96xi32, #tpu.memory_space<vmem>>, vector<16xi32>,
        %get3A_1796 = arith.constant 7 : i32
        %get3A_1797 = arith.index_cast %get3A_1796 : i32 to index
        %get3A_1798 = arith.constant 32 : index
        %get3A_1799 = tpu.vector_load %arg5[%get3A_1797, %get3A_1798] {strides = array<i32>} : memref<8x96xi32, #tpu.memory_space<vmem>>, vector<16xi32>,
        %masked_sort3A_1800 = arith.constant dense<true> : vector<16xi1>
        %masked_sort3A_1801 = arith.constant -2147483648 : i32
        %masked_sort3A_1802 = vector.broadcast %masked_sort3A_1801 : i32 to vector<16xi32>
        %masked_sort3A_1803 = arith.xori %add3A_44, %masked_sort3A_1802 : vector<16xi32>
        %masked_sort3A_1804, %masked_sort3A_1805, %masked_sort3A_1806 = tpu.sort %masked_sort3A_1803, %get3A_1795 masked %masked_sort3A_1800 : (vector<16xi32>, vector<16xi32>, vector<16xi1>) -> (vector<16xi1>, vector<16xi32>, vector<16xi32>)
        %masked_sort3A_1807 = arith.xori %masked_sort3A_1805, %masked_sort3A_1802 : vector<16xi32>
        %masked_sort3A_1808 = arith.constant dense<true> : vector<16xi1>
        %masked_sort3A_1809 = arith.constant -2147483648 : i32
        %masked_sort3A_1810 = vector.broadcast %masked_sort3A_1809 : i32 to vector<16xi32>
        %masked_sort3A_1811 = arith.xori %sub3A, %masked_sort3A_1810 : vector<16xi32>
        %masked_sort3A_1812, %masked_sort3A_1813, %masked_sort3A_1814 = tpu.sort %masked_sort3A_1811, %get3A_1799 masked %masked_sort3A_1808 : (vector<16xi32>, vector<16xi32>, vector<16xi1>) -> (vector<16xi1>, vector<16xi32>, vector<16xi32>)
        %masked_sort3A_1815 = arith.xori %masked_sort3A_1813, %masked_sort3A_1810 : vector<16xi32>
        %select_n3A_1816 = arith.select %eq3A_61, %masked_sort3A_1814, %masked_sort3A_1806 : vector<16xi1>, vector<16xi32>
        %add3A_1817 = arith.addi %select_n3A_1816, %mul3A_35 : vector<16xi32>
        %swap3A_1818 = arith.constant 304 : index
        %swap3A_1819 = tpu.vector_load %arg6[%swap3A_1818] {strides = array<i32>} : memref<640xi32, #tpu.memory_space<vmem>>, vector<16xi32>,
        tpu.vector_store %arg6[%swap3A_1818], %add3A_1817 {strides = array<i32>} : memref<640xi32, #tpu.memory_space<vmem>>, vector<16xi32>,
        %get3A_1820 = arith.constant 0 : i32
        %get3A_1821 = arith.index_cast %get3A_1820 : i32 to index
        %get3A_1822 = arith.constant 40 : index
        %get3A_1823 = tpu.vector_load %arg5[%get3A_1821, %get3A_1822] {strides = array<i32>} : memref<8x96xi32, #tpu.memory_space<vmem>>, vector<16xi32>,
        %get3A_1824 = arith.constant 1 : i32
        %get3A_1825 = arith.index_cast %get3A_1824 : i32 to index
        %get3A_1826 = arith.constant 40 : index
        %get3A_1827 = tpu.vector_load %arg5[%get3A_1825, %get3A_1826] {strides = array<i32>} : memref<8x96xi32, #tpu.memory_space<vmem>>, vector<16xi32>,
        %masked_sort3A_1828 = arith.constant dense<true> : vector<16xi1>
        %masked_sort3A_1829 = arith.constant -2147483648 : i32
        %masked_sort3A_1830 = vector.broadcast %masked_sort3A_1829 : i32 to vector<16xi32>
        %masked_sort3A_1831 = arith.xori %add3A_44, %masked_sort3A_1830 : vector<16xi32>
        %masked_sort3A_1832, %masked_sort3A_1833, %masked_sort3A_1834 = tpu.sort %masked_sort3A_1831, %get3A_1823 masked %masked_sort3A_1828 : (vector<16xi32>, vector<16xi32>, vector<16xi1>) -> (vector<16xi1>, vector<16xi32>, vector<16xi32>)
        %masked_sort3A_1835 = arith.xori %masked_sort3A_1833, %masked_sort3A_1830 : vector<16xi32>
        %masked_sort3A_1836 = arith.constant dense<true> : vector<16xi1>
        %masked_sort3A_1837 = arith.constant -2147483648 : i32
        %masked_sort3A_1838 = vector.broadcast %masked_sort3A_1837 : i32 to vector<16xi32>
        %masked_sort3A_1839 = arith.xori %sub3A, %masked_sort3A_1838 : vector<16xi32>
        %masked_sort3A_1840, %masked_sort3A_1841, %masked_sort3A_1842 = tpu.sort %masked_sort3A_1839, %get3A_1827 masked %masked_sort3A_1836 : (vector<16xi32>, vector<16xi32>, vector<16xi1>) -> (vector<16xi1>, vector<16xi32>, vector<16xi32>)
        %masked_sort3A_1843 = arith.xori %masked_sort3A_1841, %masked_sort3A_1838 : vector<16xi32>
        %select_n3A_1844 = arith.select %eq3A_61, %masked_sort3A_1842, %masked_sort3A_1834 : vector<16xi1>, vector<16xi32>
        %add3A_1845 = arith.addi %select_n3A_1844, %mul3A_8 : vector<16xi32>
        %swap3A_1846 = arith.constant 320 : index
        %swap3A_1847 = tpu.vector_load %arg6[%swap3A_1846] {strides = array<i32>} : memref<640xi32, #tpu.memory_space<vmem>>, vector<16xi32>,
        tpu.vector_store %arg6[%swap3A_1846], %add3A_1845 {strides = array<i32>} : memref<640xi32, #tpu.memory_space<vmem>>, vector<16xi32>,
        %get3A_1848 = arith.constant 2 : i32
        %get3A_1849 = arith.index_cast %get3A_1848 : i32 to index
        %get3A_1850 = arith.constant 40 : index
        %get3A_1851 = tpu.vector_load %arg5[%get3A_1849, %get3A_1850] {strides = array<i32>} : memref<8x96xi32, #tpu.memory_space<vmem>>, vector<16xi32>,
        %get3A_1852 = arith.constant 3 : i32
        %get3A_1853 = arith.index_cast %get3A_1852 : i32 to index
        %get3A_1854 = arith.constant 40 : index
        %get3A_1855 = tpu.vector_load %arg5[%get3A_1853, %get3A_1854] {strides = array<i32>} : memref<8x96xi32, #tpu.memory_space<vmem>>, vector<16xi32>,
        %masked_sort3A_1856 = arith.constant dense<true> : vector<16xi1>
        %masked_sort3A_1857 = arith.constant -2147483648 : i32
        %masked_sort3A_1858 = vector.broadcast %masked_sort3A_1857 : i32 to vector<16xi32>
        %masked_sort3A_1859 = arith.xori %add3A_44, %masked_sort3A_1858 : vector<16xi32>
        %masked_sort3A_1860, %masked_sort3A_1861, %masked_sort3A_1862 = tpu.sort %masked_sort3A_1859, %get3A_1851 masked %masked_sort3A_1856 : (vector<16xi32>, vector<16xi32>, vector<16xi1>) -> (vector<16xi1>, vector<16xi32>, vector<16xi32>)
        %masked_sort3A_1863 = arith.xori %masked_sort3A_1861, %masked_sort3A_1858 : vector<16xi32>
        %masked_sort3A_1864 = arith.constant dense<true> : vector<16xi1>
        %masked_sort3A_1865 = arith.constant -2147483648 : i32
        %masked_sort3A_1866 = vector.broadcast %masked_sort3A_1865 : i32 to vector<16xi32>
        %masked_sort3A_1867 = arith.xori %sub3A, %masked_sort3A_1866 : vector<16xi32>
        %masked_sort3A_1868, %masked_sort3A_1869, %masked_sort3A_1870 = tpu.sort %masked_sort3A_1867, %get3A_1855 masked %masked_sort3A_1864 : (vector<16xi32>, vector<16xi32>, vector<16xi1>) -> (vector<16xi1>, vector<16xi32>, vector<16xi32>)
        %masked_sort3A_1871 = arith.xori %masked_sort3A_1869, %masked_sort3A_1866 : vector<16xi32>
        %select_n3A_1872 = arith.select %eq3A_61, %masked_sort3A_1870, %masked_sort3A_1862 : vector<16xi1>, vector<16xi32>
        %add3A_1873 = arith.addi %select_n3A_1872, %mul3A_17 : vector<16xi32>
        %swap3A_1874 = arith.constant 336 : index
        %swap3A_1875 = tpu.vector_load %arg6[%swap3A_1874] {strides = array<i32>} : memref<640xi32, #tpu.memory_space<vmem>>, vector<16xi32>,
        tpu.vector_store %arg6[%swap3A_1874], %add3A_1873 {strides = array<i32>} : memref<640xi32, #tpu.memory_space<vmem>>, vector<16xi32>,
        %get3A_1876 = arith.constant 4 : i32
        %get3A_1877 = arith.index_cast %get3A_1876 : i32 to index
        %get3A_1878 = arith.constant 40 : index
        %get3A_1879 = tpu.vector_load %arg5[%get3A_1877, %get3A_1878] {strides = array<i32>} : memref<8x96xi32, #tpu.memory_space<vmem>>, vector<16xi32>,
        %get3A_1880 = arith.constant 5 : i32
        %get3A_1881 = arith.index_cast %get3A_1880 : i32 to index
        %get3A_1882 = arith.constant 40 : index
        %get3A_1883 = tpu.vector_load %arg5[%get3A_1881, %get3A_1882] {strides = array<i32>} : memref<8x96xi32, #tpu.memory_space<vmem>>, vector<16xi32>,
        %masked_sort3A_1884 = arith.constant dense<true> : vector<16xi1>
        %masked_sort3A_1885 = arith.constant -2147483648 : i32
        %masked_sort3A_1886 = vector.broadcast %masked_sort3A_1885 : i32 to vector<16xi32>
        %masked_sort3A_1887 = arith.xori %add3A_44, %masked_sort3A_1886 : vector<16xi32>
        %masked_sort3A_1888, %masked_sort3A_1889, %masked_sort3A_1890 = tpu.sort %masked_sort3A_1887, %get3A_1879 masked %masked_sort3A_1884 : (vector<16xi32>, vector<16xi32>, vector<16xi1>) -> (vector<16xi1>, vector<16xi32>, vector<16xi32>)
        %masked_sort3A_1891 = arith.xori %masked_sort3A_1889, %masked_sort3A_1886 : vector<16xi32>
        %masked_sort3A_1892 = arith.constant dense<true> : vector<16xi1>
        %masked_sort3A_1893 = arith.constant -2147483648 : i32
        %masked_sort3A_1894 = vector.broadcast %masked_sort3A_1893 : i32 to vector<16xi32>
        %masked_sort3A_1895 = arith.xori %sub3A, %masked_sort3A_1894 : vector<16xi32>
        %masked_sort3A_1896, %masked_sort3A_1897, %masked_sort3A_1898 = tpu.sort %masked_sort3A_1895, %get3A_1883 masked %masked_sort3A_1892 : (vector<16xi32>, vector<16xi32>, vector<16xi1>) -> (vector<16xi1>, vector<16xi32>, vector<16xi32>)
        %masked_sort3A_1899 = arith.xori %masked_sort3A_1897, %masked_sort3A_1894 : vector<16xi32>
        %select_n3A_1900 = arith.select %eq3A_61, %masked_sort3A_1898, %masked_sort3A_1890 : vector<16xi1>, vector<16xi32>
        %add3A_1901 = arith.addi %select_n3A_1900, %mul3A_26 : vector<16xi32>
        %swap3A_1902 = arith.constant 352 : index
        %swap3A_1903 = tpu.vector_load %arg6[%swap3A_1902] {strides = array<i32>} : memref<640xi32, #tpu.memory_space<vmem>>, vector<16xi32>,
        tpu.vector_store %arg6[%swap3A_1902], %add3A_1901 {strides = array<i32>} : memref<640xi32, #tpu.memory_space<vmem>>, vector<16xi32>,
        %get3A_1904 = arith.constant 6 : i32
        %get3A_1905 = arith.index_cast %get3A_1904 : i32 to index
        %get3A_1906 = arith.constant 40 : index
        %get3A_1907 = tpu.vector_load %arg5[%get3A_1905, %get3A_1906] {strides = array<i32>} : memref<8x96xi32, #tpu.memory_space<vmem>>, vector<16xi32>,
        %get3A_1908 = arith.constant 7 : i32
        %get3A_1909 = arith.index_cast %get3A_1908 : i32 to index
        %get3A_1910 = arith.constant 40 : index
        %get3A_1911 = tpu.vector_load %arg5[%get3A_1909, %get3A_1910] {strides = array<i32>} : memref<8x96xi32, #tpu.memory_space<vmem>>, vector<16xi32>,
        %masked_sort3A_1912 = arith.constant dense<true> : vector<16xi1>
        %masked_sort3A_1913 = arith.constant -2147483648 : i32
        %masked_sort3A_1914 = vector.broadcast %masked_sort3A_1913 : i32 to vector<16xi32>
        %masked_sort3A_1915 = arith.xori %add3A_44, %masked_sort3A_1914 : vector<16xi32>
        %masked_sort3A_1916, %masked_sort3A_1917, %masked_sort3A_1918 = tpu.sort %masked_sort3A_1915, %get3A_1907 masked %masked_sort3A_1912 : (vector<16xi32>, vector<16xi32>, vector<16xi1>) -> (vector<16xi1>, vector<16xi32>, vector<16xi32>)
        %masked_sort3A_1919 = arith.xori %masked_sort3A_1917, %masked_sort3A_1914 : vector<16xi32>
        %masked_sort3A_1920 = arith.constant dense<true> : vector<16xi1>
        %masked_sort3A_1921 = arith.constant -2147483648 : i32
        %masked_sort3A_1922 = vector.broadcast %masked_sort3A_1921 : i32 to vector<16xi32>
        %masked_sort3A_1923 = arith.xori %sub3A, %masked_sort3A_1922 : vector<16xi32>
        %masked_sort3A_1924, %masked_sort3A_1925, %masked_sort3A_1926 = tpu.sort %masked_sort3A_1923, %get3A_1911 masked %masked_sort3A_1920 : (vector<16xi32>, vector<16xi32>, vector<16xi1>) -> (vector<16xi1>, vector<16xi32>, vector<16xi32>)
        %masked_sort3A_1927 = arith.xori %masked_sort3A_1925, %masked_sort3A_1922 : vector<16xi32>
        %select_n3A_1928 = arith.select %eq3A_61, %masked_sort3A_1926, %masked_sort3A_1918 : vector<16xi1>, vector<16xi32>
        %add3A_1929 = arith.addi %select_n3A_1928, %mul3A_35 : vector<16xi32>
        %swap3A_1930 = arith.constant 368 : index
        %swap3A_1931 = tpu.vector_load %arg6[%swap3A_1930] {strides = array<i32>} : memref<640xi32, #tpu.memory_space<vmem>>, vector<16xi32>,
        tpu.vector_store %arg6[%swap3A_1930], %add3A_1929 {strides = array<i32>} : memref<640xi32, #tpu.memory_space<vmem>>, vector<16xi32>,
        %get3A_1932 = arith.constant 0 : i32
        %get3A_1933 = arith.index_cast %get3A_1932 : i32 to index
        %get3A_1934 = arith.constant 48 : index
        %get3A_1935 = tpu.vector_load %arg5[%get3A_1933, %get3A_1934] {strides = array<i32>} : memref<8x96xi32, #tpu.memory_space<vmem>>, vector<16xi32>,
        %get3A_1936 = arith.constant 1 : i32
        %get3A_1937 = arith.index_cast %get3A_1936 : i32 to index
        %get3A_1938 = arith.constant 48 : index
        %get3A_1939 = tpu.vector_load %arg5[%get3A_1937, %get3A_1938] {strides = array<i32>} : memref<8x96xi32, #tpu.memory_space<vmem>>, vector<16xi32>,
        %masked_sort3A_1940 = arith.constant dense<true> : vector<16xi1>
        %masked_sort3A_1941 = arith.constant -2147483648 : i32
        %masked_sort3A_1942 = vector.broadcast %masked_sort3A_1941 : i32 to vector<16xi32>
        %masked_sort3A_1943 = arith.xori %add3A_44, %masked_sort3A_1942 : vector<16xi32>
        %masked_sort3A_1944, %masked_sort3A_1945, %masked_sort3A_1946 = tpu.sort %masked_sort3A_1943, %get3A_1935 masked %masked_sort3A_1940 : (vector<16xi32>, vector<16xi32>, vector<16xi1>) -> (vector<16xi1>, vector<16xi32>, vector<16xi32>)
        %masked_sort3A_1947 = arith.xori %masked_sort3A_1945, %masked_sort3A_1942 : vector<16xi32>
        %masked_sort3A_1948 = arith.constant dense<true> : vector<16xi1>
        %masked_sort3A_1949 = arith.constant -2147483648 : i32
        %masked_sort3A_1950 = vector.broadcast %masked_sort3A_1949 : i32 to vector<16xi32>
        %masked_sort3A_1951 = arith.xori %sub3A, %masked_sort3A_1950 : vector<16xi32>
        %masked_sort3A_1952, %masked_sort3A_1953, %masked_sort3A_1954 = tpu.sort %masked_sort3A_1951, %get3A_1939 masked %masked_sort3A_1948 : (vector<16xi32>, vector<16xi32>, vector<16xi1>) -> (vector<16xi1>, vector<16xi32>, vector<16xi32>)
        %masked_sort3A_1955 = arith.xori %masked_sort3A_1953, %masked_sort3A_1950 : vector<16xi32>
        %select_n3A_1956 = arith.select %eq3A_61, %masked_sort3A_1954, %masked_sort3A_1946 : vector<16xi1>, vector<16xi32>
        %add3A_1957 = arith.addi %select_n3A_1956, %mul3A_8 : vector<16xi32>
        %swap3A_1958 = arith.constant 384 : index
        %swap3A_1959 = tpu.vector_load %arg6[%swap3A_1958] {strides = array<i32>} : memref<640xi32, #tpu.memory_space<vmem>>, vector<16xi32>,
        tpu.vector_store %arg6[%swap3A_1958], %add3A_1957 {strides = array<i32>} : memref<640xi32, #tpu.memory_space<vmem>>, vector<16xi32>,
        %get3A_1960 = arith.constant 2 : i32
        %get3A_1961 = arith.index_cast %get3A_1960 : i32 to index
        %get3A_1962 = arith.constant 48 : index
        %get3A_1963 = tpu.vector_load %arg5[%get3A_1961, %get3A_1962] {strides = array<i32>} : memref<8x96xi32, #tpu.memory_space<vmem>>, vector<16xi32>,
        %get3A_1964 = arith.constant 3 : i32
        %get3A_1965 = arith.index_cast %get3A_1964 : i32 to index
        %get3A_1966 = arith.constant 48 : index
        %get3A_1967 = tpu.vector_load %arg5[%get3A_1965, %get3A_1966] {strides = array<i32>} : memref<8x96xi32, #tpu.memory_space<vmem>>, vector<16xi32>,
        %masked_sort3A_1968 = arith.constant dense<true> : vector<16xi1>
        %masked_sort3A_1969 = arith.constant -2147483648 : i32
        %masked_sort3A_1970 = vector.broadcast %masked_sort3A_1969 : i32 to vector<16xi32>
        %masked_sort3A_1971 = arith.xori %add3A_44, %masked_sort3A_1970 : vector<16xi32>
        %masked_sort3A_1972, %masked_sort3A_1973, %masked_sort3A_1974 = tpu.sort %masked_sort3A_1971, %get3A_1963 masked %masked_sort3A_1968 : (vector<16xi32>, vector<16xi32>, vector<16xi1>) -> (vector<16xi1>, vector<16xi32>, vector<16xi32>)
        %masked_sort3A_1975 = arith.xori %masked_sort3A_1973, %masked_sort3A_1970 : vector<16xi32>
        %masked_sort3A_1976 = arith.constant dense<true> : vector<16xi1>
        %masked_sort3A_1977 = arith.constant -2147483648 : i32
        %masked_sort3A_1978 = vector.broadcast %masked_sort3A_1977 : i32 to vector<16xi32>
        %masked_sort3A_1979 = arith.xori %sub3A, %masked_sort3A_1978 : vector<16xi32>
        %masked_sort3A_1980, %masked_sort3A_1981, %masked_sort3A_1982 = tpu.sort %masked_sort3A_1979, %get3A_1967 masked %masked_sort3A_1976 : (vector<16xi32>, vector<16xi32>, vector<16xi1>) -> (vector<16xi1>, vector<16xi32>, vector<16xi32>)
        %masked_sort3A_1983 = arith.xori %masked_sort3A_1981, %masked_sort3A_1978 : vector<16xi32>
        %select_n3A_1984 = arith.select %eq3A_61, %masked_sort3A_1982, %masked_sort3A_1974 : vector<16xi1>, vector<16xi32>
        %add3A_1985 = arith.addi %select_n3A_1984, %mul3A_17 : vector<16xi32>
        %swap3A_1986 = arith.constant 400 : index
        %swap3A_1987 = tpu.vector_load %arg6[%swap3A_1986] {strides = array<i32>} : memref<640xi32, #tpu.memory_space<vmem>>, vector<16xi32>,
        tpu.vector_store %arg6[%swap3A_1986], %add3A_1985 {strides = array<i32>} : memref<640xi32, #tpu.memory_space<vmem>>, vector<16xi32>,
        %get3A_1988 = arith.constant 4 : i32
        %get3A_1989 = arith.index_cast %get3A_1988 : i32 to index
        %get3A_1990 = arith.constant 48 : index
        %get3A_1991 = tpu.vector_load %arg5[%get3A_1989, %get3A_1990] {strides = array<i32>} : memref<8x96xi32, #tpu.memory_space<vmem>>, vector<16xi32>,
        %get3A_1992 = arith.constant 5 : i32
        %get3A_1993 = arith.index_cast %get3A_1992 : i32 to index
        %get3A_1994 = arith.constant 48 : index
        %get3A_1995 = tpu.vector_load %arg5[%get3A_1993, %get3A_1994] {strides = array<i32>} : memref<8x96xi32, #tpu.memory_space<vmem>>, vector<16xi32>,
        %masked_sort3A_1996 = arith.constant dense<true> : vector<16xi1>
        %masked_sort3A_1997 = arith.constant -2147483648 : i32
        %masked_sort3A_1998 = vector.broadcast %masked_sort3A_1997 : i32 to vector<16xi32>
        %masked_sort3A_1999 = arith.xori %add3A_44, %masked_sort3A_1998 : vector<16xi32>
        %masked_sort3A_2000, %masked_sort3A_2001, %masked_sort3A_2002 = tpu.sort %masked_sort3A_1999, %get3A_1991 masked %masked_sort3A_1996 : (vector<16xi32>, vector<16xi32>, vector<16xi1>) -> (vector<16xi1>, vector<16xi32>, vector<16xi32>)
        %masked_sort3A_2003 = arith.xori %masked_sort3A_2001, %masked_sort3A_1998 : vector<16xi32>
        %masked_sort3A_2004 = arith.constant dense<true> : vector<16xi1>
        %masked_sort3A_2005 = arith.constant -2147483648 : i32
        %masked_sort3A_2006 = vector.broadcast %masked_sort3A_2005 : i32 to vector<16xi32>
        %masked_sort3A_2007 = arith.xori %sub3A, %masked_sort3A_2006 : vector<16xi32>
        %masked_sort3A_2008, %masked_sort3A_2009, %masked_sort3A_2010 = tpu.sort %masked_sort3A_2007, %get3A_1995 masked %masked_sort3A_2004 : (vector<16xi32>, vector<16xi32>, vector<16xi1>) -> (vector<16xi1>, vector<16xi32>, vector<16xi32>)
        %masked_sort3A_2011 = arith.xori %masked_sort3A_2009, %masked_sort3A_2006 : vector<16xi32>
        %select_n3A_2012 = arith.select %eq3A_61, %masked_sort3A_2010, %masked_sort3A_2002 : vector<16xi1>, vector<16xi32>
        %add3A_2013 = arith.addi %select_n3A_2012, %mul3A_26 : vector<16xi32>
        %swap3A_2014 = arith.constant 416 : index
        %swap3A_2015 = tpu.vector_load %arg6[%swap3A_2014] {strides = array<i32>} : memref<640xi32, #tpu.memory_space<vmem>>, vector<16xi32>,
        tpu.vector_store %arg6[%swap3A_2014], %add3A_2013 {strides = array<i32>} : memref<640xi32, #tpu.memory_space<vmem>>, vector<16xi32>,
        %get3A_2016 = arith.constant 6 : i32
        %get3A_2017 = arith.index_cast %get3A_2016 : i32 to index
        %get3A_2018 = arith.constant 48 : index
        %get3A_2019 = tpu.vector_load %arg5[%get3A_2017, %get3A_2018] {strides = array<i32>} : memref<8x96xi32, #tpu.memory_space<vmem>>, vector<16xi32>,
        %get3A_2020 = arith.constant 7 : i32
        %get3A_2021 = arith.index_cast %get3A_2020 : i32 to index
        %get3A_2022 = arith.constant 48 : index
        %get3A_2023 = tpu.vector_load %arg5[%get3A_2021, %get3A_2022] {strides = array<i32>} : memref<8x96xi32, #tpu.memory_space<vmem>>, vector<16xi32>,
        %masked_sort3A_2024 = arith.constant dense<true> : vector<16xi1>
        %masked_sort3A_2025 = arith.constant -2147483648 : i32
        %masked_sort3A_2026 = vector.broadcast %masked_sort3A_2025 : i32 to vector<16xi32>
        %masked_sort3A_2027 = arith.xori %add3A_44, %masked_sort3A_2026 : vector<16xi32>
        %masked_sort3A_2028, %masked_sort3A_2029, %masked_sort3A_2030 = tpu.sort %masked_sort3A_2027, %get3A_2019 masked %masked_sort3A_2024 : (vector<16xi32>, vector<16xi32>, vector<16xi1>) -> (vector<16xi1>, vector<16xi32>, vector<16xi32>)
        %masked_sort3A_2031 = arith.xori %masked_sort3A_2029, %masked_sort3A_2026 : vector<16xi32>
        %masked_sort3A_2032 = arith.constant dense<true> : vector<16xi1>
        %masked_sort3A_2033 = arith.constant -2147483648 : i32
        %masked_sort3A_2034 = vector.broadcast %masked_sort3A_2033 : i32 to vector<16xi32>
        %masked_sort3A_2035 = arith.xori %sub3A, %masked_sort3A_2034 : vector<16xi32>
        %masked_sort3A_2036, %masked_sort3A_2037, %masked_sort3A_2038 = tpu.sort %masked_sort3A_2035, %get3A_2023 masked %masked_sort3A_2032 : (vector<16xi32>, vector<16xi32>, vector<16xi1>) -> (vector<16xi1>, vector<16xi32>, vector<16xi32>)
        %masked_sort3A_2039 = arith.xori %masked_sort3A_2037, %masked_sort3A_2034 : vector<16xi32>
        %select_n3A_2040 = arith.select %eq3A_61, %masked_sort3A_2038, %masked_sort3A_2030 : vector<16xi1>, vector<16xi32>
        %add3A_2041 = arith.addi %select_n3A_2040, %mul3A_35 : vector<16xi32>
        %swap3A_2042 = arith.constant 432 : index
        %swap3A_2043 = tpu.vector_load %arg6[%swap3A_2042] {strides = array<i32>} : memref<640xi32, #tpu.memory_space<vmem>>, vector<16xi32>,
        tpu.vector_store %arg6[%swap3A_2042], %add3A_2041 {strides = array<i32>} : memref<640xi32, #tpu.memory_space<vmem>>, vector<16xi32>,
        %get3A_2044 = arith.constant 0 : i32
        %get3A_2045 = arith.index_cast %get3A_2044 : i32 to index
        %get3A_2046 = arith.constant 56 : index
        %get3A_2047 = tpu.vector_load %arg5[%get3A_2045, %get3A_2046] {strides = array<i32>} : memref<8x96xi32, #tpu.memory_space<vmem>>, vector<16xi32>,
        %get3A_2048 = arith.constant 1 : i32
        %get3A_2049 = arith.index_cast %get3A_2048 : i32 to index
        %get3A_2050 = arith.constant 56 : index
        %get3A_2051 = tpu.vector_load %arg5[%get3A_2049, %get3A_2050] {strides = array<i32>} : memref<8x96xi32, #tpu.memory_space<vmem>>, vector<16xi32>,
        %masked_sort3A_2052 = arith.constant dense<true> : vector<16xi1>
        %masked_sort3A_2053 = arith.constant -2147483648 : i32
        %masked_sort3A_2054 = vector.broadcast %masked_sort3A_2053 : i32 to vector<16xi32>
        %masked_sort3A_2055 = arith.xori %add3A_44, %masked_sort3A_2054 : vector<16xi32>
        %masked_sort3A_2056, %masked_sort3A_2057, %masked_sort3A_2058 = tpu.sort %masked_sort3A_2055, %get3A_2047 masked %masked_sort3A_2052 : (vector<16xi32>, vector<16xi32>, vector<16xi1>) -> (vector<16xi1>, vector<16xi32>, vector<16xi32>)
        %masked_sort3A_2059 = arith.xori %masked_sort3A_2057, %masked_sort3A_2054 : vector<16xi32>
        %masked_sort3A_2060 = arith.constant dense<true> : vector<16xi1>
        %masked_sort3A_2061 = arith.constant -2147483648 : i32
        %masked_sort3A_2062 = vector.broadcast %masked_sort3A_2061 : i32 to vector<16xi32>
        %masked_sort3A_2063 = arith.xori %sub3A, %masked_sort3A_2062 : vector<16xi32>
        %masked_sort3A_2064, %masked_sort3A_2065, %masked_sort3A_2066 = tpu.sort %masked_sort3A_2063, %get3A_2051 masked %masked_sort3A_2060 : (vector<16xi32>, vector<16xi32>, vector<16xi1>) -> (vector<16xi1>, vector<16xi32>, vector<16xi32>)
        %masked_sort3A_2067 = arith.xori %masked_sort3A_2065, %masked_sort3A_2062 : vector<16xi32>
        %select_n3A_2068 = arith.select %eq3A_61, %masked_sort3A_2066, %masked_sort3A_2058 : vector<16xi1>, vector<16xi32>
        %add3A_2069 = arith.addi %select_n3A_2068, %mul3A_8 : vector<16xi32>
        %swap3A_2070 = arith.constant 448 : index
        %swap3A_2071 = tpu.vector_load %arg6[%swap3A_2070] {strides = array<i32>} : memref<640xi32, #tpu.memory_space<vmem>>, vector<16xi32>,
        tpu.vector_store %arg6[%swap3A_2070], %add3A_2069 {strides = array<i32>} : memref<640xi32, #tpu.memory_space<vmem>>, vector<16xi32>,
        %get3A_2072 = arith.constant 2 : i32
        %get3A_2073 = arith.index_cast %get3A_2072 : i32 to index
        %get3A_2074 = arith.constant 56 : index
        %get3A_2075 = tpu.vector_load %arg5[%get3A_2073, %get3A_2074] {strides = array<i32>} : memref<8x96xi32, #tpu.memory_space<vmem>>, vector<16xi32>,
        %get3A_2076 = arith.constant 3 : i32
        %get3A_2077 = arith.index_cast %get3A_2076 : i32 to index
        %get3A_2078 = arith.constant 56 : index
        %get3A_2079 = tpu.vector_load %arg5[%get3A_2077, %get3A_2078] {strides = array<i32>} : memref<8x96xi32, #tpu.memory_space<vmem>>, vector<16xi32>,
        %masked_sort3A_2080 = arith.constant dense<true> : vector<16xi1>
        %masked_sort3A_2081 = arith.constant -2147483648 : i32
        %masked_sort3A_2082 = vector.broadcast %masked_sort3A_2081 : i32 to vector<16xi32>
        %masked_sort3A_2083 = arith.xori %add3A_44, %masked_sort3A_2082 : vector<16xi32>
        %masked_sort3A_2084, %masked_sort3A_2085, %masked_sort3A_2086 = tpu.sort %masked_sort3A_2083, %get3A_2075 masked %masked_sort3A_2080 : (vector<16xi32>, vector<16xi32>, vector<16xi1>) -> (vector<16xi1>, vector<16xi32>, vector<16xi32>)
        %masked_sort3A_2087 = arith.xori %masked_sort3A_2085, %masked_sort3A_2082 : vector<16xi32>
        %masked_sort3A_2088 = arith.constant dense<true> : vector<16xi1>
        %masked_sort3A_2089 = arith.constant -2147483648 : i32
        %masked_sort3A_2090 = vector.broadcast %masked_sort3A_2089 : i32 to vector<16xi32>
        %masked_sort3A_2091 = arith.xori %sub3A, %masked_sort3A_2090 : vector<16xi32>
        %masked_sort3A_2092, %masked_sort3A_2093, %masked_sort3A_2094 = tpu.sort %masked_sort3A_2091, %get3A_2079 masked %masked_sort3A_2088 : (vector<16xi32>, vector<16xi32>, vector<16xi1>) -> (vector<16xi1>, vector<16xi32>, vector<16xi32>)
        %masked_sort3A_2095 = arith.xori %masked_sort3A_2093, %masked_sort3A_2090 : vector<16xi32>
        %select_n3A_2096 = arith.select %eq3A_61, %masked_sort3A_2094, %masked_sort3A_2086 : vector<16xi1>, vector<16xi32>
        %add3A_2097 = arith.addi %select_n3A_2096, %mul3A_17 : vector<16xi32>
        %swap3A_2098 = arith.constant 464 : index
        %swap3A_2099 = tpu.vector_load %arg6[%swap3A_2098] {strides = array<i32>} : memref<640xi32, #tpu.memory_space<vmem>>, vector<16xi32>,
        tpu.vector_store %arg6[%swap3A_2098], %add3A_2097 {strides = array<i32>} : memref<640xi32, #tpu.memory_space<vmem>>, vector<16xi32>,
        %get3A_2100 = arith.constant 4 : i32
        %get3A_2101 = arith.index_cast %get3A_2100 : i32 to index
        %get3A_2102 = arith.constant 56 : index
        %get3A_2103 = tpu.vector_load %arg5[%get3A_2101, %get3A_2102] {strides = array<i32>} : memref<8x96xi32, #tpu.memory_space<vmem>>, vector<16xi32>,
        %get3A_2104 = arith.constant 5 : i32
        %get3A_2105 = arith.index_cast %get3A_2104 : i32 to index
        %get3A_2106 = arith.constant 56 : index
        %get3A_2107 = tpu.vector_load %arg5[%get3A_2105, %get3A_2106] {strides = array<i32>} : memref<8x96xi32, #tpu.memory_space<vmem>>, vector<16xi32>,
        %masked_sort3A_2108 = arith.constant dense<true> : vector<16xi1>
        %masked_sort3A_2109 = arith.constant -2147483648 : i32
        %masked_sort3A_2110 = vector.broadcast %masked_sort3A_2109 : i32 to vector<16xi32>
        %masked_sort3A_2111 = arith.xori %add3A_44, %masked_sort3A_2110 : vector<16xi32>
        %masked_sort3A_2112, %masked_sort3A_2113, %masked_sort3A_2114 = tpu.sort %masked_sort3A_2111, %get3A_2103 masked %masked_sort3A_2108 : (vector<16xi32>, vector<16xi32>, vector<16xi1>) -> (vector<16xi1>, vector<16xi32>, vector<16xi32>)
        %masked_sort3A_2115 = arith.xori %masked_sort3A_2113, %masked_sort3A_2110 : vector<16xi32>
        %masked_sort3A_2116 = arith.constant dense<true> : vector<16xi1>
        %masked_sort3A_2117 = arith.constant -2147483648 : i32
        %masked_sort3A_2118 = vector.broadcast %masked_sort3A_2117 : i32 to vector<16xi32>
        %masked_sort3A_2119 = arith.xori %sub3A, %masked_sort3A_2118 : vector<16xi32>
        %masked_sort3A_2120, %masked_sort3A_2121, %masked_sort3A_2122 = tpu.sort %masked_sort3A_2119, %get3A_2107 masked %masked_sort3A_2116 : (vector<16xi32>, vector<16xi32>, vector<16xi1>) -> (vector<16xi1>, vector<16xi32>, vector<16xi32>)
        %masked_sort3A_2123 = arith.xori %masked_sort3A_2121, %masked_sort3A_2118 : vector<16xi32>
        %select_n3A_2124 = arith.select %eq3A_61, %masked_sort3A_2122, %masked_sort3A_2114 : vector<16xi1>, vector<16xi32>
        %add3A_2125 = arith.addi %select_n3A_2124, %mul3A_26 : vector<16xi32>
        %swap3A_2126 = arith.constant 480 : index
        %swap3A_2127 = tpu.vector_load %arg6[%swap3A_2126] {strides = array<i32>} : memref<640xi32, #tpu.memory_space<vmem>>, vector<16xi32>,
        tpu.vector_store %arg6[%swap3A_2126], %add3A_2125 {strides = array<i32>} : memref<640xi32, #tpu.memory_space<vmem>>, vector<16xi32>,
        %get3A_2128 = arith.constant 6 : i32
        %get3A_2129 = arith.index_cast %get3A_2128 : i32 to index
        %get3A_2130 = arith.constant 56 : index
        %get3A_2131 = tpu.vector_load %arg5[%get3A_2129, %get3A_2130] {strides = array<i32>} : memref<8x96xi32, #tpu.memory_space<vmem>>, vector<16xi32>,
        %get3A_2132 = arith.constant 7 : i32
        %get3A_2133 = arith.index_cast %get3A_2132 : i32 to index
        %get3A_2134 = arith.constant 56 : index
        %get3A_2135 = tpu.vector_load %arg5[%get3A_2133, %get3A_2134] {strides = array<i32>} : memref<8x96xi32, #tpu.memory_space<vmem>>, vector<16xi32>,
        %masked_sort3A_2136 = arith.constant dense<true> : vector<16xi1>
        %masked_sort3A_2137 = arith.constant -2147483648 : i32
        %masked_sort3A_2138 = vector.broadcast %masked_sort3A_2137 : i32 to vector<16xi32>
        %masked_sort3A_2139 = arith.xori %add3A_44, %masked_sort3A_2138 : vector<16xi32>
        %masked_sort3A_2140, %masked_sort3A_2141, %masked_sort3A_2142 = tpu.sort %masked_sort3A_2139, %get3A_2131 masked %masked_sort3A_2136 : (vector<16xi32>, vector<16xi32>, vector<16xi1>) -> (vector<16xi1>, vector<16xi32>, vector<16xi32>)
        %masked_sort3A_2143 = arith.xori %masked_sort3A_2141, %masked_sort3A_2138 : vector<16xi32>
        %masked_sort3A_2144 = arith.constant dense<true> : vector<16xi1>
        %masked_sort3A_2145 = arith.constant -2147483648 : i32
        %masked_sort3A_2146 = vector.broadcast %masked_sort3A_2145 : i32 to vector<16xi32>
        %masked_sort3A_2147 = arith.xori %sub3A, %masked_sort3A_2146 : vector<16xi32>
        %masked_sort3A_2148, %masked_sort3A_2149, %masked_sort3A_2150 = tpu.sort %masked_sort3A_2147, %get3A_2135 masked %masked_sort3A_2144 : (vector<16xi32>, vector<16xi32>, vector<16xi1>) -> (vector<16xi1>, vector<16xi32>, vector<16xi32>)
        %masked_sort3A_2151 = arith.xori %masked_sort3A_2149, %masked_sort3A_2146 : vector<16xi32>
        %select_n3A_2152 = arith.select %eq3A_61, %masked_sort3A_2150, %masked_sort3A_2142 : vector<16xi1>, vector<16xi32>
        %add3A_2153 = arith.addi %select_n3A_2152, %mul3A_35 : vector<16xi32>
        %swap3A_2154 = arith.constant 496 : index
        %swap3A_2155 = tpu.vector_load %arg6[%swap3A_2154] {strides = array<i32>} : memref<640xi32, #tpu.memory_space<vmem>>, vector<16xi32>,
        tpu.vector_store %arg6[%swap3A_2154], %add3A_2153 {strides = array<i32>} : memref<640xi32, #tpu.memory_space<vmem>>, vector<16xi32>,
        %get3A_2156 = arith.constant 0 : i32
        %get3A_2157 = arith.index_cast %get3A_2156 : i32 to index
        %get3A_2158 = arith.constant 64 : index
        %get3A_2159 = tpu.vector_load %arg5[%get3A_2157, %get3A_2158] {strides = array<i32>} : memref<8x96xi32, #tpu.memory_space<vmem>>, vector<16xi32>,
        %get3A_2160 = arith.constant 1 : i32
        %get3A_2161 = arith.index_cast %get3A_2160 : i32 to index
        %get3A_2162 = arith.constant 64 : index
        %get3A_2163 = tpu.vector_load %arg5[%get3A_2161, %get3A_2162] {strides = array<i32>} : memref<8x96xi32, #tpu.memory_space<vmem>>, vector<16xi32>,
        %masked_sort3A_2164 = arith.constant dense<true> : vector<16xi1>
        %masked_sort3A_2165 = arith.constant -2147483648 : i32
        %masked_sort3A_2166 = vector.broadcast %masked_sort3A_2165 : i32 to vector<16xi32>
        %masked_sort3A_2167 = arith.xori %add3A_44, %masked_sort3A_2166 : vector<16xi32>
        %masked_sort3A_2168, %masked_sort3A_2169, %masked_sort3A_2170 = tpu.sort %masked_sort3A_2167, %get3A_2159 masked %masked_sort3A_2164 : (vector<16xi32>, vector<16xi32>, vector<16xi1>) -> (vector<16xi1>, vector<16xi32>, vector<16xi32>)
        %masked_sort3A_2171 = arith.xori %masked_sort3A_2169, %masked_sort3A_2166 : vector<16xi32>
        %masked_sort3A_2172 = arith.constant dense<true> : vector<16xi1>
        %masked_sort3A_2173 = arith.constant -2147483648 : i32
        %masked_sort3A_2174 = vector.broadcast %masked_sort3A_2173 : i32 to vector<16xi32>
        %masked_sort3A_2175 = arith.xori %sub3A, %masked_sort3A_2174 : vector<16xi32>
        %masked_sort3A_2176, %masked_sort3A_2177, %masked_sort3A_2178 = tpu.sort %masked_sort3A_2175, %get3A_2163 masked %masked_sort3A_2172 : (vector<16xi32>, vector<16xi32>, vector<16xi1>) -> (vector<16xi1>, vector<16xi32>, vector<16xi32>)
        %masked_sort3A_2179 = arith.xori %masked_sort3A_2177, %masked_sort3A_2174 : vector<16xi32>
        %select_n3A_2180 = arith.select %eq3A_61, %masked_sort3A_2178, %masked_sort3A_2170 : vector<16xi1>, vector<16xi32>
        %add3A_2181 = arith.addi %select_n3A_2180, %mul3A_8 : vector<16xi32>
        %swap3A_2182 = arith.constant 512 : index
        %swap3A_2183 = tpu.vector_load %arg6[%swap3A_2182] {strides = array<i32>} : memref<640xi32, #tpu.memory_space<vmem>>, vector<16xi32>,
        tpu.vector_store %arg6[%swap3A_2182], %add3A_2181 {strides = array<i32>} : memref<640xi32, #tpu.memory_space<vmem>>, vector<16xi32>,
        %get3A_2184 = arith.constant 2 : i32
        %get3A_2185 = arith.index_cast %get3A_2184 : i32 to index
        %get3A_2186 = arith.constant 64 : index
        %get3A_2187 = tpu.vector_load %arg5[%get3A_2185, %get3A_2186] {strides = array<i32>} : memref<8x96xi32, #tpu.memory_space<vmem>>, vector<16xi32>,
        %get3A_2188 = arith.constant 3 : i32
        %get3A_2189 = arith.index_cast %get3A_2188 : i32 to index
        %get3A_2190 = arith.constant 64 : index
        %get3A_2191 = tpu.vector_load %arg5[%get3A_2189, %get3A_2190] {strides = array<i32>} : memref<8x96xi32, #tpu.memory_space<vmem>>, vector<16xi32>,
        %masked_sort3A_2192 = arith.constant dense<true> : vector<16xi1>
        %masked_sort3A_2193 = arith.constant -2147483648 : i32
        %masked_sort3A_2194 = vector.broadcast %masked_sort3A_2193 : i32 to vector<16xi32>
        %masked_sort3A_2195 = arith.xori %add3A_44, %masked_sort3A_2194 : vector<16xi32>
        %masked_sort3A_2196, %masked_sort3A_2197, %masked_sort3A_2198 = tpu.sort %masked_sort3A_2195, %get3A_2187 masked %masked_sort3A_2192 : (vector<16xi32>, vector<16xi32>, vector<16xi1>) -> (vector<16xi1>, vector<16xi32>, vector<16xi32>)
        %masked_sort3A_2199 = arith.xori %masked_sort3A_2197, %masked_sort3A_2194 : vector<16xi32>
        %masked_sort3A_2200 = arith.constant dense<true> : vector<16xi1>
        %masked_sort3A_2201 = arith.constant -2147483648 : i32
        %masked_sort3A_2202 = vector.broadcast %masked_sort3A_2201 : i32 to vector<16xi32>
        %masked_sort3A_2203 = arith.xori %sub3A, %masked_sort3A_2202 : vector<16xi32>
        %masked_sort3A_2204, %masked_sort3A_2205, %masked_sort3A_2206 = tpu.sort %masked_sort3A_2203, %get3A_2191 masked %masked_sort3A_2200 : (vector<16xi32>, vector<16xi32>, vector<16xi1>) -> (vector<16xi1>, vector<16xi32>, vector<16xi32>)
        %masked_sort3A_2207 = arith.xori %masked_sort3A_2205, %masked_sort3A_2202 : vector<16xi32>
        %select_n3A_2208 = arith.select %eq3A_61, %masked_sort3A_2206, %masked_sort3A_2198 : vector<16xi1>, vector<16xi32>
        %add3A_2209 = arith.addi %select_n3A_2208, %mul3A_17 : vector<16xi32>
        %swap3A_2210 = arith.constant 528 : index
        %swap3A_2211 = tpu.vector_load %arg6[%swap3A_2210] {strides = array<i32>} : memref<640xi32, #tpu.memory_space<vmem>>, vector<16xi32>,
        tpu.vector_store %arg6[%swap3A_2210], %add3A_2209 {strides = array<i32>} : memref<640xi32, #tpu.memory_space<vmem>>, vector<16xi32>,
        %get3A_2212 = arith.constant 4 : i32
        %get3A_2213 = arith.index_cast %get3A_2212 : i32 to index
        %get3A_2214 = arith.constant 64 : index
        %get3A_2215 = tpu.vector_load %arg5[%get3A_2213, %get3A_2214] {strides = array<i32>} : memref<8x96xi32, #tpu.memory_space<vmem>>, vector<16xi32>,
        %get3A_2216 = arith.constant 5 : i32
        %get3A_2217 = arith.index_cast %get3A_2216 : i32 to index
        %get3A_2218 = arith.constant 64 : index
        %get3A_2219 = tpu.vector_load %arg5[%get3A_2217, %get3A_2218] {strides = array<i32>} : memref<8x96xi32, #tpu.memory_space<vmem>>, vector<16xi32>,
        %masked_sort3A_2220 = arith.constant dense<true> : vector<16xi1>
        %masked_sort3A_2221 = arith.constant -2147483648 : i32
        %masked_sort3A_2222 = vector.broadcast %masked_sort3A_2221 : i32 to vector<16xi32>
        %masked_sort3A_2223 = arith.xori %add3A_44, %masked_sort3A_2222 : vector<16xi32>
        %masked_sort3A_2224, %masked_sort3A_2225, %masked_sort3A_2226 = tpu.sort %masked_sort3A_2223, %get3A_2215 masked %masked_sort3A_2220 : (vector<16xi32>, vector<16xi32>, vector<16xi1>) -> (vector<16xi1>, vector<16xi32>, vector<16xi32>)
        %masked_sort3A_2227 = arith.xori %masked_sort3A_2225, %masked_sort3A_2222 : vector<16xi32>
        %masked_sort3A_2228 = arith.constant dense<true> : vector<16xi1>
        %masked_sort3A_2229 = arith.constant -2147483648 : i32
        %masked_sort3A_2230 = vector.broadcast %masked_sort3A_2229 : i32 to vector<16xi32>
        %masked_sort3A_2231 = arith.xori %sub3A, %masked_sort3A_2230 : vector<16xi32>
        %masked_sort3A_2232, %masked_sort3A_2233, %masked_sort3A_2234 = tpu.sort %masked_sort3A_2231, %get3A_2219 masked %masked_sort3A_2228 : (vector<16xi32>, vector<16xi32>, vector<16xi1>) -> (vector<16xi1>, vector<16xi32>, vector<16xi32>)
        %masked_sort3A_2235 = arith.xori %masked_sort3A_2233, %masked_sort3A_2230 : vector<16xi32>
        %select_n3A_2236 = arith.select %eq3A_61, %masked_sort3A_2234, %masked_sort3A_2226 : vector<16xi1>, vector<16xi32>
        %add3A_2237 = arith.addi %select_n3A_2236, %mul3A_26 : vector<16xi32>
        %swap3A_2238 = arith.constant 544 : index
        %swap3A_2239 = tpu.vector_load %arg6[%swap3A_2238] {strides = array<i32>} : memref<640xi32, #tpu.memory_space<vmem>>, vector<16xi32>,
        tpu.vector_store %arg6[%swap3A_2238], %add3A_2237 {strides = array<i32>} : memref<640xi32, #tpu.memory_space<vmem>>, vector<16xi32>,
        %get3A_2240 = arith.constant 6 : i32
        %get3A_2241 = arith.index_cast %get3A_2240 : i32 to index
        %get3A_2242 = arith.constant 64 : index
        %get3A_2243 = tpu.vector_load %arg5[%get3A_2241, %get3A_2242] {strides = array<i32>} : memref<8x96xi32, #tpu.memory_space<vmem>>, vector<16xi32>,
        %get3A_2244 = arith.constant 7 : i32
        %get3A_2245 = arith.index_cast %get3A_2244 : i32 to index
        %get3A_2246 = arith.constant 64 : index
        %get3A_2247 = tpu.vector_load %arg5[%get3A_2245, %get3A_2246] {strides = array<i32>} : memref<8x96xi32, #tpu.memory_space<vmem>>, vector<16xi32>,
        %masked_sort3A_2248 = arith.constant dense<true> : vector<16xi1>
        %masked_sort3A_2249 = arith.constant -2147483648 : i32
        %masked_sort3A_2250 = vector.broadcast %masked_sort3A_2249 : i32 to vector<16xi32>
        %masked_sort3A_2251 = arith.xori %add3A_44, %masked_sort3A_2250 : vector<16xi32>
        %masked_sort3A_2252, %masked_sort3A_2253, %masked_sort3A_2254 = tpu.sort %masked_sort3A_2251, %get3A_2243 masked %masked_sort3A_2248 : (vector<16xi32>, vector<16xi32>, vector<16xi1>) -> (vector<16xi1>, vector<16xi32>, vector<16xi32>)
        %masked_sort3A_2255 = arith.xori %masked_sort3A_2253, %masked_sort3A_2250 : vector<16xi32>
        %masked_sort3A_2256 = arith.constant dense<true> : vector<16xi1>
        %masked_sort3A_2257 = arith.constant -2147483648 : i32
        %masked_sort3A_2258 = vector.broadcast %masked_sort3A_2257 : i32 to vector<16xi32>
        %masked_sort3A_2259 = arith.xori %sub3A, %masked_sort3A_2258 : vector<16xi32>
        %masked_sort3A_2260, %masked_sort3A_2261, %masked_sort3A_2262 = tpu.sort %masked_sort3A_2259, %get3A_2247 masked %masked_sort3A_2256 : (vector<16xi32>, vector<16xi32>, vector<16xi1>) -> (vector<16xi1>, vector<16xi32>, vector<16xi32>)
        %masked_sort3A_2263 = arith.xori %masked_sort3A_2261, %masked_sort3A_2258 : vector<16xi32>
        %select_n3A_2264 = arith.select %eq3A_61, %masked_sort3A_2262, %masked_sort3A_2254 : vector<16xi1>, vector<16xi32>
        %add3A_2265 = arith.addi %select_n3A_2264, %mul3A_35 : vector<16xi32>
        %swap3A_2266 = arith.constant 560 : index
        %swap3A_2267 = tpu.vector_load %arg6[%swap3A_2266] {strides = array<i32>} : memref<640xi32, #tpu.memory_space<vmem>>, vector<16xi32>,
        tpu.vector_store %arg6[%swap3A_2266], %add3A_2265 {strides = array<i32>} : memref<640xi32, #tpu.memory_space<vmem>>, vector<16xi32>,
        %get3A_2268 = arith.constant 0 : i32
        %get3A_2269 = arith.index_cast %get3A_2268 : i32 to index
        %get3A_2270 = arith.constant 72 : index
        %get3A_2271 = tpu.vector_load %arg5[%get3A_2269, %get3A_2270] {strides = array<i32>} : memref<8x96xi32, #tpu.memory_space<vmem>>, vector<16xi32>,
        %get3A_2272 = arith.constant 1 : i32
        %get3A_2273 = arith.index_cast %get3A_2272 : i32 to index
        %get3A_2274 = arith.constant 72 : index
        %get3A_2275 = tpu.vector_load %arg5[%get3A_2273, %get3A_2274] {strides = array<i32>} : memref<8x96xi32, #tpu.memory_space<vmem>>, vector<16xi32>,
        %masked_sort3A_2276 = arith.constant dense<true> : vector<16xi1>
        %masked_sort3A_2277 = arith.constant -2147483648 : i32
        %masked_sort3A_2278 = vector.broadcast %masked_sort3A_2277 : i32 to vector<16xi32>
        %masked_sort3A_2279 = arith.xori %add3A_44, %masked_sort3A_2278 : vector<16xi32>
        %masked_sort3A_2280, %masked_sort3A_2281, %masked_sort3A_2282 = tpu.sort %masked_sort3A_2279, %get3A_2271 masked %masked_sort3A_2276 : (vector<16xi32>, vector<16xi32>, vector<16xi1>) -> (vector<16xi1>, vector<16xi32>, vector<16xi32>)
        %masked_sort3A_2283 = arith.xori %masked_sort3A_2281, %masked_sort3A_2278 : vector<16xi32>
        %masked_sort3A_2284 = arith.constant dense<true> : vector<16xi1>
        %masked_sort3A_2285 = arith.constant -2147483648 : i32
        %masked_sort3A_2286 = vector.broadcast %masked_sort3A_2285 : i32 to vector<16xi32>
        %masked_sort3A_2287 = arith.xori %sub3A, %masked_sort3A_2286 : vector<16xi32>
        %masked_sort3A_2288, %masked_sort3A_2289, %masked_sort3A_2290 = tpu.sort %masked_sort3A_2287, %get3A_2275 masked %masked_sort3A_2284 : (vector<16xi32>, vector<16xi32>, vector<16xi1>) -> (vector<16xi1>, vector<16xi32>, vector<16xi32>)
        %masked_sort3A_2291 = arith.xori %masked_sort3A_2289, %masked_sort3A_2286 : vector<16xi32>
        %select_n3A_2292 = arith.select %eq3A_61, %masked_sort3A_2290, %masked_sort3A_2282 : vector<16xi1>, vector<16xi32>
        %add3A_2293 = arith.addi %select_n3A_2292, %mul3A_8 : vector<16xi32>
        %swap3A_2294 = arith.constant 576 : index
        %swap3A_2295 = tpu.vector_load %arg6[%swap3A_2294] {strides = array<i32>} : memref<640xi32, #tpu.memory_space<vmem>>, vector<16xi32>,
        tpu.vector_store %arg6[%swap3A_2294], %add3A_2293 {strides = array<i32>} : memref<640xi32, #tpu.memory_space<vmem>>, vector<16xi32>,
        %get3A_2296 = arith.constant 2 : i32
        %get3A_2297 = arith.index_cast %get3A_2296 : i32 to index
        %get3A_2298 = arith.constant 72 : index
        %get3A_2299 = tpu.vector_load %arg5[%get3A_2297, %get3A_2298] {strides = array<i32>} : memref<8x96xi32, #tpu.memory_space<vmem>>, vector<16xi32>,
        %get3A_2300 = arith.constant 3 : i32
        %get3A_2301 = arith.index_cast %get3A_2300 : i32 to index
        %get3A_2302 = arith.constant 72 : index
        %get3A_2303 = tpu.vector_load %arg5[%get3A_2301, %get3A_2302] {strides = array<i32>} : memref<8x96xi32, #tpu.memory_space<vmem>>, vector<16xi32>,
        %masked_sort3A_2304 = arith.constant dense<true> : vector<16xi1>
        %masked_sort3A_2305 = arith.constant -2147483648 : i32
        %masked_sort3A_2306 = vector.broadcast %masked_sort3A_2305 : i32 to vector<16xi32>
        %masked_sort3A_2307 = arith.xori %add3A_44, %masked_sort3A_2306 : vector<16xi32>
        %masked_sort3A_2308, %masked_sort3A_2309, %masked_sort3A_2310 = tpu.sort %masked_sort3A_2307, %get3A_2299 masked %masked_sort3A_2304 : (vector<16xi32>, vector<16xi32>, vector<16xi1>) -> (vector<16xi1>, vector<16xi32>, vector<16xi32>)
        %masked_sort3A_2311 = arith.xori %masked_sort3A_2309, %masked_sort3A_2306 : vector<16xi32>
        %masked_sort3A_2312 = arith.constant dense<true> : vector<16xi1>
        %masked_sort3A_2313 = arith.constant -2147483648 : i32
        %masked_sort3A_2314 = vector.broadcast %masked_sort3A_2313 : i32 to vector<16xi32>
        %masked_sort3A_2315 = arith.xori %sub3A, %masked_sort3A_2314 : vector<16xi32>
        %masked_sort3A_2316, %masked_sort3A_2317, %masked_sort3A_2318 = tpu.sort %masked_sort3A_2315, %get3A_2303 masked %masked_sort3A_2312 : (vector<16xi32>, vector<16xi32>, vector<16xi1>) -> (vector<16xi1>, vector<16xi32>, vector<16xi32>)
        %masked_sort3A_2319 = arith.xori %masked_sort3A_2317, %masked_sort3A_2314 : vector<16xi32>
        %select_n3A_2320 = arith.select %eq3A_61, %masked_sort3A_2318, %masked_sort3A_2310 : vector<16xi1>, vector<16xi32>
        %add3A_2321 = arith.addi %select_n3A_2320, %mul3A_17 : vector<16xi32>
        %swap3A_2322 = arith.constant 592 : index
        %swap3A_2323 = tpu.vector_load %arg6[%swap3A_2322] {strides = array<i32>} : memref<640xi32, #tpu.memory_space<vmem>>, vector<16xi32>,
        tpu.vector_store %arg6[%swap3A_2322], %add3A_2321 {strides = array<i32>} : memref<640xi32, #tpu.memory_space<vmem>>, vector<16xi32>,
        %get3A_2324 = arith.constant 4 : i32
        %get3A_2325 = arith.index_cast %get3A_2324 : i32 to index
        %get3A_2326 = arith.constant 72 : index
        %get3A_2327 = tpu.vector_load %arg5[%get3A_2325, %get3A_2326] {strides = array<i32>} : memref<8x96xi32, #tpu.memory_space<vmem>>, vector<16xi32>,
        %get3A_2328 = arith.constant 5 : i32
        %get3A_2329 = arith.index_cast %get3A_2328 : i32 to index
        %get3A_2330 = arith.constant 72 : index
        %get3A_2331 = tpu.vector_load %arg5[%get3A_2329, %get3A_2330] {strides = array<i32>} : memref<8x96xi32, #tpu.memory_space<vmem>>, vector<16xi32>,
        %masked_sort3A_2332 = arith.constant dense<true> : vector<16xi1>
        %masked_sort3A_2333 = arith.constant -2147483648 : i32
        %masked_sort3A_2334 = vector.broadcast %masked_sort3A_2333 : i32 to vector<16xi32>
        %masked_sort3A_2335 = arith.xori %add3A_44, %masked_sort3A_2334 : vector<16xi32>
        %masked_sort3A_2336, %masked_sort3A_2337, %masked_sort3A_2338 = tpu.sort %masked_sort3A_2335, %get3A_2327 masked %masked_sort3A_2332 : (vector<16xi32>, vector<16xi32>, vector<16xi1>) -> (vector<16xi1>, vector<16xi32>, vector<16xi32>)
        %masked_sort3A_2339 = arith.xori %masked_sort3A_2337, %masked_sort3A_2334 : vector<16xi32>
        %masked_sort3A_2340 = arith.constant dense<true> : vector<16xi1>
        %masked_sort3A_2341 = arith.constant -2147483648 : i32
        %masked_sort3A_2342 = vector.broadcast %masked_sort3A_2341 : i32 to vector<16xi32>
        %masked_sort3A_2343 = arith.xori %sub3A, %masked_sort3A_2342 : vector<16xi32>
        %masked_sort3A_2344, %masked_sort3A_2345, %masked_sort3A_2346 = tpu.sort %masked_sort3A_2343, %get3A_2331 masked %masked_sort3A_2340 : (vector<16xi32>, vector<16xi32>, vector<16xi1>) -> (vector<16xi1>, vector<16xi32>, vector<16xi32>)
        %masked_sort3A_2347 = arith.xori %masked_sort3A_2345, %masked_sort3A_2342 : vector<16xi32>
        %select_n3A_2348 = arith.select %eq3A_61, %masked_sort3A_2346, %masked_sort3A_2338 : vector<16xi1>, vector<16xi32>
        %add3A_2349 = arith.addi %select_n3A_2348, %mul3A_26 : vector<16xi32>
        %swap3A_2350 = arith.constant 608 : index
        %swap3A_2351 = tpu.vector_load %arg6[%swap3A_2350] {strides = array<i32>} : memref<640xi32, #tpu.memory_space<vmem>>, vector<16xi32>,
        tpu.vector_store %arg6[%swap3A_2350], %add3A_2349 {strides = array<i32>} : memref<640xi32, #tpu.memory_space<vmem>>, vector<16xi32>,
        %get3A_2352 = arith.constant 6 : i32
        %get3A_2353 = arith.index_cast %get3A_2352 : i32 to index
        %get3A_2354 = arith.constant 72 : index
        %get3A_2355 = tpu.vector_load %arg5[%get3A_2353, %get3A_2354] {strides = array<i32>} : memref<8x96xi32, #tpu.memory_space<vmem>>, vector<16xi32>,
        %get3A_2356 = arith.constant 7 : i32
        %get3A_2357 = arith.index_cast %get3A_2356 : i32 to index
        %get3A_2358 = arith.constant 72 : index
        %get3A_2359 = tpu.vector_load %arg5[%get3A_2357, %get3A_2358] {strides = array<i32>} : memref<8x96xi32, #tpu.memory_space<vmem>>, vector<16xi32>,
        %masked_sort3A_2360 = arith.constant dense<true> : vector<16xi1>
        %masked_sort3A_2361 = arith.constant -2147483648 : i32
        %masked_sort3A_2362 = vector.broadcast %masked_sort3A_2361 : i32 to vector<16xi32>
        %masked_sort3A_2363 = arith.xori %add3A_44, %masked_sort3A_2362 : vector<16xi32>
        %masked_sort3A_2364, %masked_sort3A_2365, %masked_sort3A_2366 = tpu.sort %masked_sort3A_2363, %get3A_2355 masked %masked_sort3A_2360 : (vector<16xi32>, vector<16xi32>, vector<16xi1>) -> (vector<16xi1>, vector<16xi32>, vector<16xi32>)
        %masked_sort3A_2367 = arith.xori %masked_sort3A_2365, %masked_sort3A_2362 : vector<16xi32>
        %masked_sort3A_2368 = arith.constant dense<true> : vector<16xi1>
        %masked_sort3A_2369 = arith.constant -2147483648 : i32
        %masked_sort3A_2370 = vector.broadcast %masked_sort3A_2369 : i32 to vector<16xi32>
        %masked_sort3A_2371 = arith.xori %sub3A, %masked_sort3A_2370 : vector<16xi32>
        %masked_sort3A_2372, %masked_sort3A_2373, %masked_sort3A_2374 = tpu.sort %masked_sort3A_2371, %get3A_2359 masked %masked_sort3A_2368 : (vector<16xi32>, vector<16xi32>, vector<16xi1>) -> (vector<16xi1>, vector<16xi32>, vector<16xi32>)
        %masked_sort3A_2375 = arith.xori %masked_sort3A_2373, %masked_sort3A_2370 : vector<16xi32>
        %select_n3A_2376 = arith.select %eq3A_61, %masked_sort3A_2374, %masked_sort3A_2366 : vector<16xi1>, vector<16xi32>
        %add3A_2377 = arith.addi %select_n3A_2376, %mul3A_35 : vector<16xi32>
        %swap3A_2378 = arith.constant 624 : index
        %swap3A_2379 = tpu.vector_load %arg6[%swap3A_2378] {strides = array<i32>} : memref<640xi32, #tpu.memory_space<vmem>>, vector<16xi32>,
        tpu.vector_store %arg6[%swap3A_2378], %add3A_2377 {strides = array<i32>} : memref<640xi32, #tpu.memory_space<vmem>>, vector<16xi32>,
        %ge3A = arith.constant 2 : i32
        %ge3A_2380 = arith.cmpi sge, %add3A_1254, %ge3A : i32
        %convert_element_type3A_2381 = arith.extui %ge3A_2380 : i1 to i32
        %cond3A_2382 = arith.constant 0 : i32
        %cond3A_2383 = arith.cmpi ne, %convert_element_type3A_2381, %cond3A_2382 : i32
        scf.if %cond3A_2383 {
          %dma_wait3A_2387 = arith.constant 0 : i32
          %dma_wait3A_2388 = arith.constant 0 : i32
          %dma_wait3A_2389 = arith.constant 0 : i32
          %dma_wait3A_2390 = tpu.memref_slice %arg4[%dma_wait3A_2387, %dma_wait3A_2388, %dma_wait3A_2389] : memref<1250x640x64xf32, #tpu.memory_space<hbm>> -> memref<1x640x64xf32, #tpu.memory_space<hbm>>
          %dma_wait3A_2391 = tpu.memref_squeeze %dma_wait3A_2390 : memref<1x640x64xf32, #tpu.memory_space<hbm>> -> memref<640x64xf32, #tpu.memory_space<hbm>>
          %dma_wait3A_2392 = arith.constant 0 : i32
          %dma_wait3A_2393 = arith.constant 0 : i32
          %dma_wait3A_2394 = tpu.memref_slice %arg4[%dma_wait3A_2387, %dma_wait3A_2392, %dma_wait3A_2393] : memref<1250x640x64xf32, #tpu.memory_space<hbm>> -> memref<1x640x64xf32, #tpu.memory_space<hbm>>
          %dma_wait3A_2395 = tpu.memref_squeeze %dma_wait3A_2394 : memref<1x640x64xf32, #tpu.memory_space<hbm>> -> memref<640x64xf32, #tpu.memory_space<hbm>>
          tpu.wait_dma2 semaphore(%arg12 : memref<!tpu.dma_semaphore, #tpu.memory_space<semaphore_mem>>) src(%arg8 : memref<640x64xf32, #tpu.memory_space<vmem>>) dst(%dma_wait3A_2395 : memref<640x64xf32, #tpu.memory_space<hbm>>)
        } else {
        }
        %dma_start3A_2384 = arith.constant 0 : i32
        %dma_start3A_2385 = arith.constant 0 : i32
        %dma_start3A_2386 = tpu.memref_slice %arg2[%dma_start3A_2384, %dma_start3A_2385] : memref<65536x64xf32, #tpu.memory_space<hbm>> -> memref<65536x64xf32, #tpu.memory_space<hbm>>
        tpu.enqueue_indirect_dma source(%dma_start3A_2386 : memref<65536x64xf32, #tpu.memory_space<hbm>>) target(%arg8 : memref<640x64xf32, #tpu.memory_space<vmem>>) offsets(%arg6 : memref<640xi32, #tpu.memory_space<vmem>>) semaphore(%arg10 : memref<!tpu.dma_semaphore, #tpu.memory_space<semaphore_mem>>)
      } else {
      }
      %lt3A_1249 = arith.cmpi slt, %add3A_1237, %select_n3A : i32
      %convert_element_type3A_1250 = arith.extui %lt3A_1249 : i1 to i32
      %cond3A_1251 = arith.constant 0 : i32
      %cond3A_1252 = arith.cmpi ne, %convert_element_type3A_1250, %cond3A_1251 : i32
      scf.if %cond3A_1252 {
        %dma_wait3A_1253 = arith.constant 0 : i32
        %dma_wait3A_1254 = arith.constant 0 : i32
        %dma_wait3A_1255 = tpu.memref_slice %arg2[%dma_wait3A_1253, %dma_wait3A_1254] : memref<65536x64xf32, #tpu.memory_space<hbm>> -> memref<65536x64xf32, #tpu.memory_space<hbm>>
        tpu.wait_indirect_dma semaphore(%arg11 : memref<!tpu.dma_semaphore, #tpu.memory_space<semaphore_mem>>) src(%dma_wait3A_1255 : memref<65536x64xf32, #tpu.memory_space<hbm>>) dst(%arg9 : memref<640x64xf32, #tpu.memory_space<vmem>>)
        %mul3A_1256 = arith.constant 32 : i32
        %mul3A_1257 = arith.muli %add3A_1237, %mul3A_1256 : i32
        %add3A_1258 = arith.addi %add3A, %mul3A_1257 : i32
        %dma_start3A_1259 = arith.constant 0 : i32
        %dma_start3A_1260 = arith.constant 0 : i32
        %dma_start3A_1261 = tpu.memref_slice %arg4[%add3A_1258, %dma_start3A_1259, %dma_start3A_1260] : memref<1250x640x64xf32, #tpu.memory_space<hbm>> -> memref<1x640x64xf32, #tpu.memory_space<hbm>>
        %dma_start3A_1262 = tpu.memref_squeeze %dma_start3A_1261 : memref<1x640x64xf32, #tpu.memory_space<hbm>> -> memref<640x64xf32, #tpu.memory_space<hbm>>
        %dma_start3A_1263 = arith.constant 0 : i32
        %dma_start3A_1264 = arith.constant 0 : i32
        %dma_start3A_1265 = tpu.memref_slice %arg4[%add3A_1258, %dma_start3A_1263, %dma_start3A_1264] : memref<1250x640x64xf32, #tpu.memory_space<hbm>> -> memref<1x640x64xf32, #tpu.memory_space<hbm>>
        %dma_start3A_1266 = tpu.memref_squeeze %dma_start3A_1265 : memref<1x640x64xf32, #tpu.memory_space<hbm>> -> memref<640x64xf32, #tpu.memory_space<hbm>>
        tpu.enqueue_dma source(%arg9 : memref<640x64xf32, #tpu.memory_space<vmem>>) target(%dma_start3A_1266 : memref<640x64xf32, #tpu.memory_space<hbm>>) target_semaphore(%arg13 : memref<!tpu.dma_semaphore, #tpu.memory_space<semaphore_mem>>)
      } else {
      }
    }
    %scan3A_1213 = arith.constant 20 : i32
    %dma_wait3A = arith.constant 0 : i32
    %dma_wait3A_1214 = arith.constant 0 : i32
    %dma_wait3A_1215 = arith.constant 0 : i32
    %dma_wait3A_1216 = tpu.memref_slice %arg4[%dma_wait3A, %dma_wait3A_1214, %dma_wait3A_1215] : memref<1250x640x64xf32, #tpu.memory_space<hbm>> -> memref<1x640x64xf32, #tpu.memory_space<hbm>>
    %dma_wait3A_1217 = tpu.memref_squeeze %dma_wait3A_1216 : memref<1x640x64xf32, #tpu.memory_space<hbm>> -> memref<640x64xf32, #tpu.memory_space<hbm>>
    %dma_wait3A_1218 = arith.constant 0 : i32
    %dma_wait3A_1219 = arith.constant 0 : i32
    %dma_wait3A_1220 = tpu.memref_slice %arg4[%dma_wait3A, %dma_wait3A_1218, %dma_wait3A_1219] : memref<1250x640x64xf32, #tpu.memory_space<hbm>> -> memref<1x640x64xf32, #tpu.memory_space<hbm>>
    %dma_wait3A_1221 = tpu.memref_squeeze %dma_wait3A_1220 : memref<1x640x64xf32, #tpu.memory_space<hbm>> -> memref<640x64xf32, #tpu.memory_space<hbm>>
    tpu.wait_dma2 semaphore(%arg12 : memref<!tpu.dma_semaphore, #tpu.memory_space<semaphore_mem>>) src(%arg8 : memref<640x64xf32, #tpu.memory_space<vmem>>) dst(%dma_wait3A_1221 : memref<640x64xf32, #tpu.memory_space<hbm>>)
    %dma_wait3A_1222 = arith.constant 0 : i32
    %dma_wait3A_1223 = arith.constant 0 : i32
    %dma_wait3A_1224 = arith.constant 0 : i32
    %dma_wait3A_1225 = tpu.memref_slice %arg4[%dma_wait3A_1222, %dma_wait3A_1223, %dma_wait3A_1224] : memref<1250x640x64xf32, #tpu.memory_space<hbm>> -> memref<1x640x64xf32, #tpu.memory_space<hbm>>
    %dma_wait3A_1226 = tpu.memref_squeeze %dma_wait3A_1225 : memref<1x640x64xf32, #tpu.memory_space<hbm>> -> memref<640x64xf32, #tpu.memory_space<hbm>>
    %dma_wait3A_1227 = arith.constant 0 : i32
    %dma_wait3A_1228 = arith.constant 0 : i32
    %dma_wait3A_1229 = tpu.memref_slice %arg4[%dma_wait3A_1222, %dma_wait3A_1227, %dma_wait3A_1228] : memref<1250x640x64xf32, #tpu.memory_space<hbm>> -> memref<1x640x64xf32, #tpu.memory_space<hbm>>
    %dma_wait3A_1230 = tpu.memref_squeeze %dma_wait3A_1229 : memref<1x640x64xf32, #tpu.memory_space<hbm>> -> memref<640x64xf32, #tpu.memory_space<hbm>>
    tpu.wait_dma2 semaphore(%arg13 : memref<!tpu.dma_semaphore, #tpu.memory_space<semaphore_mem>>) src(%arg9 : memref<640x64xf32, #tpu.memory_space<vmem>>) dst(%dma_wait3A_1230 : memref<640x64xf32, #tpu.memory_space<hbm>>)
    return
  }
}

</mosaic_0001>

<sc_bundles>
// kernel: kernel.3.cloned.1.call-start
scs
__scs_entry_jumppad:
0x0: {  	(pc) =	sbr.rel $0x88, $3  }
0x1: {  	(tag) =	ssettag $0x0;
	lr =	simm.s32 $0x1  }
0x2: {  	[smem:$0x3F9F] =	sst lr;
	_ =	strace $0xD0000000  }
0x3: {  	_ = 	snop  }
0x4: {  	_ = 	snop  }
0x5: {  	_ = 	snop  }
0x6: {  	_ = 	snop  }
0x7: {  	_ = 	snop  }
__scs_overlays_trampoline_lowered:
0x8: {  	[smem:$0x3FAE] =	sst s0  }
0x9: {  	[smem:$0x3FAF] =	sst s1  }
0xa: {  	[smem:$0x3FB0] =	sst s2  }
0xb: {  	[smem:$0x3FB1] =	sst s3  }
0xc: {  	[smem:$0x3FB2] =	sst s4  }
0xd: {  	[smem:$0x3FB3] =	sst s5  }
0xe: {  	[smem:$0x3FB4] =	sst s6  }
0xf: {  	[smem:$0x3FB5] =	sst s7  }
0x10: {  	[smem:$0x3FB6] =	sst s8  }
0x11: {  	[smem:$0x3FB7] =	sst s9;
	s0 =	simm.s32 @!p0 $0x0  }
0x12: {  	s1 =	sld [smem:$0x3F9D];
	s0 =	simm.s32 @p0 $0x1  }
0x13: {  	[smem:$0x3FB8] =	sst s0;
	s0 =	simm.s32 @!p1 $0x0  }
0x14: {  	s2 =	sld [smem:$0x3F9C];
	s0 =	simm.s32 @p1 $0x1  }
0x15: {  	[smem:$0x3FB9] =	sst s0;
	s0 =	simm.s32 @!p2 $0x0  }
0x16: {  	s3 =	sld [smem:$0x3FDB];
	s0 =	simm.s32 @p2 $0x1  }
0x17: {  	s4 =	simm.s32 $0x1BF5;
	[smem:$0x3FBB] =	sst s0  }
0x18: {  	s0 =	sld [smem:$0x3F9E];
	_ =	swait.ge [sflag:s4], $0x0  }
0x19: {  	s7 =	sld [smem:$0x3F9F]  }
0x1a: {  	s8 =	sadd.s32 $0xFFFFE003, lr  }
0x1b: {  	s9 =	sadd.s32 $0xFFFFFEF7, lr;
	s5 =	simm.s32 $0xFFFFFFFF;
	p2 =	slt.u32 s8, $0xFFFFF086  }
0x1c: {  	p1 =	slt.u32 s9, $0xF7A;
	s5 =	simm.s32 @!p2 $0x0  }
0x1d: {  	s5 =	simm.s32 @p1 $0x1;
	p0 =	seq.s32 s7, s2  }
0x1e: {  	s7 =	smul.u32 @!p0 $0xF7A, s2;
	p2 =	seq.s32 @!p0 s5, $0x0  }
0x1f: {  	s9 =	smul.u32 $0xF7A, s1;
	s8 =	simm.s32 @!p0 $0x1BF5;
	p2 =	por !p2, p0  }
0x20: {  	[sflag:s8] =	ssyncset.s32 @!p0 $0xFFFFF086;
	s6 =	sadd.s32 @!p0 s3, s7;
	s7 =	simm.s32 @!p0 $0x108  }
0x21: {  	s3 =	sadd.s32 s3, s9;
	s6 =	sadd.s32 @!p0 $0x88, s6;
	s7 =	simm.s32 @p2 $0x1082  }
0x22: {  	[simem:s7], [sflag:s8] =	dma.local @!p0 [hbm:s6], $0xF7A  }
0x23: {  	s9 =	sor.u32 $0xD0000000, s2;
	s6 =	simm.s32 $0x108;
	_ =	swait.ge @!p0 [sflag:s8], $0x0  }
0x24: {  	s3 =	sadd.s32 $0x88, s3;
	s6 =	simm.s32 @!p1 $0x1082;
	[sflag:s4] =	ssyncset.s32 $0xFFFFF086  }
0x25: {  	[simem:s6], [sflag:s4] =	dma.local [hbm:s3], $0xF7A  }
0x26: {  	[smem:$0x3F9F] =	sst s1;
	(tag) =	ssettag s2;
	_ =	strace s9  }
0x27: {  	s1 =	sld [smem:$0x3FAF]  }
0x28: {  	s2 =	sld [smem:$0x3FB0]  }
0x29: {  	s4 =	sld [smem:$0x3FB2]  }
0x2a: {  	p0 =	seq.s32 s5, $0x0;
	s5 =	sld [smem:$0x3FB3]  }
0x2b: {  	s6 =	sld [smem:$0x3FB4]  }
0x2c: {  	s7 =	sld [smem:$0x3FB5]  }
0x2d: {  	s3 =	simm.s32 $0x108;
	s8 =	sld [smem:$0x3FB6]  }
0x2e: {  	s3 =	simm.s32 @!p0 $0x1082;
	s9 =	sld [smem:$0x3FB7]  }
0x2f: {  	lr =	sadd.s32 s0, s3;
	s0 =	sld [smem:$0x3FAE]  }
0x30: {  	s3 =	sld [smem:$0x3FB1]  }
0x31: {  	[smem:$0x3FBA] =	sst s10  }
0x32: {  	s10 =	sld [smem:$0x3FB8];
	_ =	sdelay $0x3  }
0x33: {  	p0 =	seq.s32 s10, $0x1;
	s10 =	sld [smem:$0x3FBA];
	_ =	sdelay $0x3  }
0x34: {  	[smem:$0x3FBA] =	sst s10  }
0x35: {  	s10 =	sld [smem:$0x3FB9];
	_ =	sdelay $0x3  }
0x36: {  	p1 =	seq.s32 s10, $0x1;
	s10 =	sld [smem:$0x3FBA];
	_ =	sdelay $0x3  }
0x37: {  	[smem:$0x3FBA] =	sst s10  }
0x38: {  	s10 =	sld [smem:$0x3FBB]  }
0x39: {  	_ = 	snop;
	(pc) =	sbr.ind lr, $3  }
0x3a: {  	_ = 	snop  }
0x3b: {  	_ = 	snop  }
0x3c: {  	p2 =	seq.s32 s10, $0x1;
	s10 =	sld [smem:$0x3FBA]  }
0x3d: {  	_ =	shalt  }
0x3e: {  	_ =	shalt  }
0x3f: {  	_ =	shalt  }
0x40: {  	_ =	shalt  }
0x41: {  	_ =	shalt  }
0x42: {  	_ =	shalt  }
0x43: {  	_ =	shalt  }
0x44: {  	_ =	shalt  }
0x45: {  	_ =	shalt  }
0x46: {  	_ =	shalt  }
0x47: {  	_ =	shalt  }
0x48: {  	_ =	shalt  }
0x49: {  	_ =	shalt  }
0x4a: {  	_ =	shalt  }
0x4b: {  	_ =	shalt  }
0x4c: {  	_ =	shalt  }
0x4d: {  	_ =	shalt  }
0x4e: {  	_ =	shalt  }
0x4f: {  	_ =	shalt  }
0x50: {  	_ =	shalt  }
0x51: {  	_ =	shalt  }
0x52: {  	_ =	shalt  }
0x53: {  	_ =	shalt  }
0x54: {  	_ =	shalt  }
0x55: {  	_ =	shalt  }
0x56: {  	_ =	shalt  }
0x57: {  	_ =	shalt  }
0x58: {  	_ =	shalt  }
0x59: {  	_ =	shalt  }
0x5a: {  	_ =	shalt  }
0x5b: {  	_ =	shalt  }
0x5c: {  	_ =	shalt  }
0x5d: {  	_ =	shalt  }
0x5e: {  	_ =	shalt  }
0x5f: {  	_ =	shalt  }
0x60: {  	_ =	shalt  }
0x61: {  	_ =	shalt  }
0x62: {  	_ =	shalt  }
0x63: {  	_ =	shalt  }
0x64: {  	_ =	shalt  }
0x65: {  	_ =	shalt  }
0x66: {  	_ =	shalt  }
0x67: {  	_ =	shalt  }
0x68: {  	_ =	shalt  }
0x69: {  	_ =	shalt  }
0x6a: {  	_ =	shalt  }
0x6b: {  	_ =	shalt  }
0x6c: {  	_ =	shalt  }
0x6d: {  	_ =	shalt  }
0x6e: {  	_ =	shalt  }
0x6f: {  	_ =	shalt  }
0x70: {  	_ =	shalt  }
0x71: {  	_ =	shalt  }
0x72: {  	_ =	shalt  }
0x73: {  	_ =	shalt  }
0x74: {  	_ =	shalt  }
0x75: {  	_ =	shalt  }
0x76: {  	_ =	shalt  }
0x77: {  	_ =	shalt  }
0x78: {  	_ =	shalt  }
0x79: {  	_ =	shalt  }
0x7a: {  	_ =	shalt  }
0x7b: {  	_ =	shalt  }
0x7c: {  	_ =	shalt  }
0x7d: {  	_ =	shalt  }
0x7e: {  	_ =	shalt  }
0x7f: {  	_ =	shalt  }
0x80: {  	_ =	shalt  }
0x81: {  	_ =	shalt  }
0x82: {  	_ =	shalt  }
0x83: {  	_ =	shalt  }
0x84: {  	_ =	shalt  }
0x85: {  	_ =	shalt  }
0x86: {  	_ =	shalt  }
0x87: {  	_ =	shalt  }
.Lfunc_end0:
.L_simem_size_0:
called_computation_lowered:
.L_overlay_start_0:
0x88: {  	s2 =	sld [smem:$0x3FD9]  }
0x89: {  	s3 =	sld [smem:$0x3FFE];
	_ =	sdelay $0x1  }
0x8a: {  	s1 =	srdreg.scid  }
0x8b: {  	s0 =	sand.u32 $0x1, s1  }
0x8c: {  	s17 =	sshll.u32 s0, $0xA;
	s2 =	sadd.s32 s3, s2  }
0x8d: {  	s2 =	sadd.s32 s2, s17  }
0x8e: {  	[smem:$0x3FC6] =	sst s2  }
0x8f: {  	_ = 	snop  }
0x90: {  	s2 =	sld [smem:$0x3FD0];
	(tm) =	ssettm $0x1  }
0x91: {  	s18 =	sld [smem:$0x3FFB];
	_ =	sdelay $0x3  }
0x92: {  	_ =	strace s18  }
0x93: {  	s3 =	sld [smem:$0x3FFC];
	_ =	sdelay $0x3  }
0x94: {  	_ =	strace s3  }
0x95: {  	s3 =	sld [smem:$0x3FFD];
	_ =	sdelay $0x3  }
0x96: {  	_ =	strace s3  }
0x97: {  	_ =	strace $0x8FFFFFFF  }
0x98: {  	s19 =	sld [smem:$0x3FDB];
	_ =	sdelay $0x1  }
0x99: {  	s4 =	simm.s32 $_scs_section_size  }
0x9a: {  	s5 =	simm.s32 $_size__tile_overlayer_lowered;
	s6 =	simm.s32 $_tile_overlayer_lowered  }
0x9b: {  	s22 =	simm.s32 $0x1BFF;
	s21 =	sshll.u32 s6, $0x1;
	s3 =	sadd.s32 s4, s19  }
0x9c: {  	s7 =	simm.s32 $0x0;
	s20 =	sshll.u32 s5, $0x1;
	s5 =	sadd.s32 s21, s3  }
0x9d: {  	[timem:s7], [sflag:s22] =	dma.local [hbm:s5], s20  }
0x9e: {  	_ =	swait.ge [sflag:s22], s20  }
0x9f: {  	s4 =	ssub.s32 $0x0, s20;
	[sflag:s22] =	ssyncset.done $0x0  }
0xa0: {  	[sflag:s22] =	ssyncadd.s32 s4;
	_ =	sdelay $0x1  }
0xa1: {  	s23 =	simm.s32 $0x1B8B  }
0xa2: {  	_ =	swait.ge [sflag:s23], $0x1  }
0xa3: {  	[sflag:s23] =	ssyncset.done $0x0  }
0xa4: {  	s25 =	simm.s32 $0x1B8E;
	s24 =	sld [smem:$0x3FFE];
	[sflag:s23] =	ssyncadd.s32 $0xFFFFFFFF  }
0xa5: {  	s26 =	simm.s32 $execute0_lowered;
	[smem:$0x3FD2] =	sst s25  }
0xa6: {  	s5 =	sshll.u32 s26, $0x1;
	_ =	strace $0x80000046;
	[dreg:$0x1] =	wrdreg $0xFFFFFFFF  }
0xa7: {  	s28 =	simm.s32 $_size_execute0_lowered;
	s3 =	sadd.s32 s3, s5;
	[dreg:$0x0] =	wrdreg $0x0  }
0xa8: {  	s5 =	sshll.u32 s28, $0x1;
	[dreg:$0x2] =	wrdreg s3  }
0xa9: {  	[dreg:$0x3] =	wrdreg s5  }
0xaa: {  	[dreg:$0x4] =	wrdreg $0xC0  }
0xab: {  	_ =	task [dreg:s7], $0x5FFFF  }
0xac: {  	[dreg:$0x1] =	wrdreg $0xFFFFFFFF  }
0xad: {  	[dreg:$0x0] =	wrdreg $0x60  }
0xae: {  	[dreg:$0x2] =	wrdreg s24  }
0xaf: {  	[dreg:$0x3] =	wrdreg s2  }
0xb0: {  	[dreg:$0x4] =	wrdreg $0x9  }
0xb1: {  	_ =	task.clear_ibuf [dreg:s7], $0x5FFFF;
	_ =	strace $0x90000046  }
0xb2: {  	s29 =	simm.s32 $0x9;
	_ =	strace $0x80000048  }
0xb3: {  	_ =	swait.ge [sflag:s29], $0x1  }
0xb4: {  	[sflag:s29] =	ssyncadd.s32 $0xFFFFFFFF  }
0xb5: {  	_ =	strace $0x90000048  }
0xb6: {  	_ =	sfence  }
0xb7: {  	s30 =	sld [smem:$0x0];
	_ =	sdelay $0x2  }
0xb8: {  	s31 =	sshll.u32 s1, $0xD;
	s1 =	sshrl.u32 s1, $0x2  }
0xb9: {  	s3 =	sand.u32 $0x4000, s31;
	s1 =	sadd.s32 s1, s30  }
0xba: {  	s0 =	sor.u32 s3, s0;
	s1 =	sshll.u32 s1, $0x11  }
0xbb: {  	s0 =	sor.u32 s1, s0  }
0xbc: {  	s0 =	sadd.s32 $0x8F2B, s0  }
0xbd: {  	[sflag:s0] =	ssyncadd.remote.s32 $0x1  }
0xbe: {  	_ =	sfence.sel $0xFFFF  }
0xbf: {  	[dreg:$0x0] =	wrdreg $0xFFFFFFFF;
	(pc) =	sbr.abs _section_cstart, $3  }
0xc0: {  	[dreg:$0x1] =	wrdreg $0xFFFFFFFF  }
0xc1: {  	_ =	task.clear_ibuf [dreg:s7], $0x2FFFF;
	_ =	strace $0x9FFFFFFF  }
0xc2: {  	(tm) =	ssettm $0x7FFFFFFF  }
0xc3: {  	_ =	shalt  }
tec
execute0_lowered:
.L_overlay_start_1:
0x0: {  	(tag) =	ssettag $0x1  }
0x1: {  	vm0 =	vcmask $0x300  }
0x2: {  	v0 =	vimm.s32 $0x8000000F;
	vm3 =	vcmask $0x704;
	vm1 =	vcmask $0xB08  }
0x3: {  	s1 =	rddreg [dreg:$0x0];
	vm4 =	vcmask $0xF0C;
	v1 =	vimm.s32 $0x8000000E;
	vm2 =	vcmask $0x1310  }
0x4: {  	s0 =	rddreg [dreg:$0x1];
	s2 =	simm.s32 $0x0;
	s3 =	srdreg.scid;
	vm5 =	vcmask $0x1714;
	vm6 =	vcmask $0x1F1C;
	vm13 =	vcmask $0x2320  }
0x5: {  	s8 =	stileid.u32;
	vm7 =	vcmask $0x2724;
	vm14 =	vcmask $0x2B28;
	s17 =	simm.s32 $0xC0;
	s18 =	simm.s32 $0x120;
	v0 =	vsel vm0, $0x80000000, v0  }
0x6: {  	vm8 =	vcmask $0x2F2C;
	s28 =	simm.s32 $0x580;
	s29 =	simm.s32 $0xA800;
	s13 =	smul.u32 $0x2800, s8;
	v0 =	vsel vm3, $0x80000002, v0  }
0x7: {  	[smem:$0x7FF] =	sst s2;
	v1 =	vsel vm0, $0x80000001, v1;
	s24 =	smul.u32 $0x14, s8;
	v0 =	vsel vm1, $0x80000004, v0  }
0x8: {  	s16 =	simm.s32 $0x60;
	s5 =	sand.u32 $0x1, s3;
	_ =	strace $0x80000047;
	v1 =	vsel vm3, $0x80000003, v1;
	v0 =	vsel vm4, $0x80000006, v0  }
0x9: {  	s19 =	sshll.u32 s8, $0x1;
	s3 =	sadd.s32 $0x18C00, s1;
	s14 =	smul.u32 $0x1400, s5;
	v1 =	vsel vm1, $0x80000005, v1;
	v0 =	vsel vm2, $0x80000008, v0  }
0xa: {  	s4 =	sor.u32 s5, s19;
	vm3 =	vcmask $0x1B18;
	s23 =	ssub.s32 $0x2, s5;
	s5 =	smul.u32 $0xA, s5;
	v1 =	vsel vm4, $0x80000007, v1;
	v0 =	vsel vm5, $0x8000000A, v0  }
0xb: {  	s30 =	simm.s32 $0x1;
	s1 =	sadd.s32 $0x400, s1;
	s6 =	smul.u32 $0xA, s4;
	v1 =	vsel vm2, $0x80000009, v1;
	v0 =	vsel vm3, $0x8000000C, v0  }
0xc: {  	s31 =	simm.s32 $0x3;
	s19 =	simm.s32 $0x180;
	s7 =	ssub.s32 $0x501, s4;
	v1 =	vsel vm5, $0x8000000B, v1;
	v0 =	vsel vm6, $0x8000000E, v0  }
0xd: {  	vm15 =	vcmask $0x3330;
	s9 =	sshrl.u32 s23, $0x1;
	s0 =	sadd.s32 s13, s0;
	s4 =	sadd.s32 s1, s6;
	v1 =	vsel vm3, $0x8000000D, v1;
	v0 =	vsel vm13, $0x80000001, v0  }
0xe: {  	vm0 =	vmor vm0, vm1;
	s1 =	sadd.s32 s24, s1;
	s24 =	simm.s32 $0x280;
	s6 =	sadd.s32 $0x30D4, s4;
	v1 =	vsel vm6, $0x8000000F, v1;
	v0 =	vsel vm7, $0x80000003, v0  }
0xf: {  	vm1 =	vcmask $0x3734;
	s20 =	sadd.s32 $0x61A8, s4;
	s21 =	sadd.s32 $0x927C, s4;
	[dreg:$0x3] =	wrdreg s6;
	v1 =	vsel vm13, $0x80000000, v1;
	v0 =	vsel vm14, $0x80000005, v0  }
0x10: {  	s22 =	sadd.s32 $0xC350, s4;
	s25 =	sadd.s32 $0xF424, s4;
	[dreg:$0x4] =	wrdreg s20;
	v1 =	vsel vm7, $0x80000002, v1;
	v0 =	vsel vm8, $0x80000007, v0  }
0x11: {  	vm0 =	vmor vm0, vm2;
	s12 =	sadd.s32 $0x124F8, s4;
	s13 =	sadd.s32 $0x155CC, s4;
	[dreg:$0x5] =	wrdreg s21;
	v1 =	vsel vm14, $0x80000004, v1;
	v0 =	vsel vm15, $0x80000009, v0  }
0x12: {  	vm0 =	vmor vm0, vm3;
	s26 =	sadd.s32 s5, s1;
	s1 =	simm.s32 $0x0;
	[dreg:$0x6] =	wrdreg s22;
	v2 =	vsel vm1, $0x8000000B, v0;
	v0 =	vsel vm8, $0x80000006, v1  }
.Ltmp0:
0x13: {  	vm0 =	vmor vm0, vm13;
	s6 =	ssub.s32 s23, s9;
	s9 =	sshrl.u32 s7, $0x5;
	v1 =	vlaneseq.u32;
	v0 =	vsel vm15, $0x80000008, v0;
	(pc) =	sbr.rel .LBB2_1-.Ltmp0, $4  }
0x14: {  	vm0 =	vmor vm0, vm14;
	[dreg:$0x8] =	wrdreg s25;
	s7 =	sadd.s32 s14, s0;
	s20 =	simm.s32 $0x1E0;
	v3 =	vsel vm1, $0x8000000A, v0;
	v0 =	vand.u32 $0x1, v1  }
0x15: {  	vm0 =	vmor vm0, vm15;
	s21 =	simm.s32 $0x240;
	s22 =	simm.s32 $0x2A0;
	s23 =	simm.s32 $0x5;
	vm1 =	vcmask $0x3B38;
	v0 =	vmul.u32 $0x2000, v0  }
0x16: {  	s25 =	simm.s32 $0x300;
	s0 =	simm.s32 $0x4;
	s6 =	smax.u32 s6, $0x1;
	v1 =	vsel vm1, $0x8000000D, v2;
	v2 =	vsel vm1, $0x8000000C, v3;
	vm0 =	vmor vm0, vm1  }
0x17: {  	[dreg:$0x7] =	wrdreg s6;
	s6 =	sadd.s32 $0x140, s26;
	s26 =	simm.s32 $0x800;
	v3 =	vor.u32 $0x4000, v0;
	v4 =	vor.u32 $0x8000, v0;
	v5 =	vor.u32 $0xC000, v0  }
.LBB2_7:
0x18: {  	_ =	swait.ge [sflag:s31], $0xA000  }
0x19: {  	[sflag:s31] =	ssyncset.done $0x0  }
0x1a: {  	[sflag:s31] =	ssyncadd.s32 $0xFFFF6000  }
0x1b: {  	_ =	swait.ge [sflag:s0], $0xA000  }
0x1c: {  	s1 =	sadd.s32 $0x1, s1;
	s5 =	rddreg [dreg:$0x7]  }
0x1d: {  	p0 =	sne.s32 s1, s5  }
.Ltmp1:
0x1e: {  	_ = 	snop;
	(pc) =	sbr.rel @!p0 .LBB2_8-.Ltmp1, $3  }
0x1f: {  	_ =	sdelay $0x1  }
0x20: {  	[sflag:s0] =	ssyncset.done $0x0  }
0x21: {  	[sflag:s0] =	ssyncadd.s32 $0xFFFF6000  }
.LBB2_1:
0x22: {  	[tilespmem:s2], [sflag:$0x5] =	stream.linear.gather [hbm4b:s4+s2], $0x50, $0x38;
	[tilespmem:$0x14800] =	vst v63  }
0x23: {  	s5 =	rddreg [dreg:$0x3]  }
0x24: {  	[tilespmem:s16], [sflag:$0x5] =	stream.linear.gather [hbm4b:s5+s2], $0x50, $0x38;
	[tilespmem:$0x14800] =	vst v63  }
0x25: {  	s10 =	rddreg [dreg:$0x4]  }
0x26: {  	[tilespmem:s17], [sflag:$0x5] =	stream.linear.gather [hbm4b:s10+s2], $0x50, $0x38;
	[tilespmem:$0x14800] =	vst v63  }
0x27: {  	s11 =	rddreg [dreg:$0x5]  }
0x28: {  	[tilespmem:s18], [sflag:$0x5] =	stream.linear.gather [hbm4b:s11+s2], $0x50, $0x38;
	[tilespmem:$0x14800] =	vst v63  }
0x29: {  	s14 =	rddreg [dreg:$0x6]  }
0x2a: {  	[tilespmem:s19], [sflag:$0x5] =	stream.linear.gather [hbm4b:s14+s2], $0x50, $0x38;
	[tilespmem:$0x14800] =	vst v63  }
0x2b: {  	s15 =	rddreg [dreg:$0x8]  }
0x2c: {  	[tilespmem:s20], [sflag:$0x5] =	stream.linear.gather [hbm4b:s15+s2], $0x50, $0x38;
	[tilespmem:$0x14800] =	vst v63  }
0x2d: {  	_ = 	snop  }
0x2e: {  	[tilespmem:s21], [sflag:$0x5] =	stream.linear.gather [hbm4b:s12+s2], $0x50, $0x38;
	[tilespmem:$0x14800] =	vst v63  }
0x2f: {  	_ = 	snop  }
0x30: {  	[tilespmem:s22], [sflag:$0x5] =	stream.linear.gather [hbm4b:s13+s2], $0x50, $0x38;
	[tilespmem:$0x14800] =	vst v63  }
0x31: {  	_ =	swait.ge [sflag:s23], $0x280  }
0x32: {  	[sflag:s23] =	ssyncset.done $0x0  }
0x33: {  	[sflag:s23] =	ssyncadd.s32 $0xFFFFFD80  }
0x34: {  	v6 =	vld [tilespmem:$0x0]  }
0x35: {  	v7 =	vld [tilespmem:$0x60]  }
0x36: {  	v8 =	vld [tilespmem:$0xC0]  }
0x37: {  	v9 =	vld [tilespmem:$0x120]  }
0x38: {  	v10 =	vld [tilespmem:$0x180]  }
0x39: {  	(xrf1) =	vsort.ascd.msk.u32 $0xffff, v1, v6;
	v6 =	vld [tilespmem:$0x1E0]  }
0x3a: {  	(xrf1) =	vsort.ascd.msk.u32 $0xffff, v2, v7;
	v7 =	vld [tilespmem:$0x240]  }
0x3b: {  	v28 =	vld [tilespmem:$0x2A0];
	(xrf1) =	vsort.ascd.msk.u32 $0xffff, v1, v8  }
0x3c: {  	v29 =	vld [tilespmem:$0x8];
	(xrf1) =	vsort.ascd.msk.u32 $0xffff, v2, v9  }
0x3d: {  	v30 =	vld [tilespmem:$0x68];
	(xrf1) =	vsort.ascd.msk.u32 $0xffff, v1, v10  }
0x3e: {  	(xrf1) =	vsort.ascd.msk.u32 $0xffff, v2, v6;
	v6 =	vld [tilespmem:$0xC8]  }
0x3f: {  	(xrf1) =	vsort.ascd.msk.u32 $0xffff, v1, v7;
	v7 =	vld [tilespmem:$0x128]  }
0x40: {  	v31 =	vld [tilespmem:$0x188];
	(xrf1) =	vsort.ascd.msk.u32 $0xffff, v2, v28  }
0x41: {  	v32 =	vld [tilespmem:$0x1E8];
	(xrf1) =	vsort.ascd.msk.u32 $0xffff, v1, v29  }
0x42: {  	v33 =	vld [tilespmem:$0x248];
	(xrf1) =	vsort.ascd.msk.u32 $0xffff, v2, v30  }
0x43: {  	(xrf1) =	vsort.ascd.msk.u32 $0xffff, v1, v6;
	v6 =	vld [tilespmem:$0x2A8]  }
0x44: {  	(xrf1) =	vsort.ascd.msk.u32 $0xffff, v2, v7;
	v7 =	vld [tilespmem:$0x10]  }
0x45: {  	v34 =	vld [tilespmem:$0x70];
	(xrf1) =	vsort.ascd.msk.u32 $0xffff, v1, v31  }
0x46: {  	v35 =	vld [tilespmem:$0xD0];
	(xrf1) =	vsort.ascd.msk.u32 $0xffff, v2, v32  }
0x47: {  	v36 =	vld [tilespmem:$0x130];
	_, v11, _ =	vpop (xrf1);
	(xrf1) =	vsort.ascd.msk.u32 $0xffff, v1, v33  }
0x48: {  	_, v12, _ =	vpop (xrf1);
	(xrf1) =	vsort.ascd.msk.u32 $0xffff, v2, v6;
	v6 =	vld [tilespmem:$0x190]  }
0x49: {  	_, v13, _ =	vpop (xrf1);
	(xrf1) =	vsort.ascd.msk.u32 $0xffff, v1, v7;
	v7 =	vld [tilespmem:$0x1F0]  }
0x4a: {  	v37 =	vld [tilespmem:$0x250];
	_, v14, _ =	vpop (xrf1);
	(xrf1) =	vsort.ascd.msk.u32 $0xffff, v2, v34  }
0x4b: {  	v38 =	vld [tilespmem:$0x2B0];
	_, v15, _ =	vpop (xrf1);
	(xrf1) =	vsort.ascd.msk.u32 $0xffff, v1, v35  }
0x4c: {  	v39 =	vld [tilespmem:$0x18];
	_, v16, _ =	vpop (xrf1);
	(xrf1) =	vsort.ascd.msk.u32 $0xffff, v2, v36  }
0x4d: {  	_, v17, _ =	vpop (xrf1);
	(xrf1) =	vsort.ascd.msk.u32 $0xffff, v1, v6;
	v6 =	vld [tilespmem:$0x78]  }
0x4e: {  	_, v18, _ =	vpop (xrf1);
	(xrf1) =	vsort.ascd.msk.u32 $0xffff, v2, v7;
	v7 =	vld [tilespmem:$0xD8]  }
0x4f: {  	v40 =	vld [tilespmem:$0x138];
	_, v19, _ =	vpop (xrf1);
	(xrf1) =	vsort.ascd.msk.u32 $0xffff, v1, v37  }
0x50: {  	v41 =	vld [tilespmem:$0x198];
	_, v20, _ =	vpop (xrf1);
	(xrf1) =	vsort.ascd.msk.u32 $0xffff, v2, v38  }
0x51: {  	v42 =	vld [tilespmem:$0x1F8];
	_, v21, _ =	vpop (xrf1);
	(xrf1) =	vsort.ascd.msk.u32 $0xffff, v1, v39  }
0x52: {  	_, v22, _ =	vpop (xrf1);
	(xrf1) =	vsort.ascd.msk.u32 $0xffff, v2, v6;
	v6 =	vld [tilespmem:$0x258]  }
0x53: {  	_, v23, _ =	vpop (xrf1);
	(xrf1) =	vsort.ascd.msk.u32 $0xffff, v1, v7;
	v7 =	vld [tilespmem:$0x2B8]  }
0x54: {  	v43 =	vld [tilespmem:$0x20];
	_, v24, _ =	vpop (xrf1);
	(xrf1) =	vsort.ascd.msk.u32 $0xffff, v2, v40  }
0x55: {  	v44 =	vld [tilespmem:$0x80];
	_, v25, _ =	vpop (xrf1);
	(xrf1) =	vsort.ascd.msk.u32 $0xffff, v1, v41  }
0x56: {  	v45 =	vld [tilespmem:$0xE0];
	_, v26, _ =	vpop (xrf1);
	(xrf1) =	vsort.ascd.msk.u32 $0xffff, v2, v42  }
0x57: {  	_, v27, _ =	vpop (xrf1);
	(xrf1) =	vsort.ascd.msk.u32 $0xffff, v1, v6;
	v6 =	vld [tilespmem:$0x140]  }
0x58: {  	_, v28, _ =	vpop (xrf1);
	(xrf1) =	vsort.ascd.msk.u32 $0xffff, v2, v7;
	v7 =	vld [tilespmem:$0x1A0]  }
0x59: {  	v46 =	vld [tilespmem:$0x200];
	_, v29, _ =	vpop (xrf1);
	(xrf1) =	vsort.ascd.msk.u32 $0xffff, v1, v43  }
0x5a: {  	v47 =	vld [tilespmem:$0x260];
	_, v30, _ =	vpop (xrf1);
	(xrf1) =	vsort.ascd.msk.u32 $0xffff, v2, v44  }
0x5b: {  	v48 =	vld [tilespmem:$0x2C0];
	_, v31, _ =	vpop (xrf1);
	(xrf1) =	vsort.ascd.msk.u32 $0xffff, v1, v45  }
0x5c: {  	_, v32, _ =	vpop (xrf1);
	(xrf1) =	vsort.ascd.msk.u32 $0xffff, v2, v6;
	v6 =	vld [tilespmem:$0x28]  }
0x5d: {  	_, v33, _ =	vpop (xrf1);
	(xrf1) =	vsort.ascd.msk.u32 $0xffff, v1, v7;
	v7 =	vld [tilespmem:$0x88]  }
0x5e: {  	v49 =	vld [tilespmem:$0xE8];
	_, v34, _ =	vpop (xrf1);
	(xrf1) =	vsort.ascd.msk.u32 $0xffff, v2, v46  }
0x5f: {  	v50 =	vld [tilespmem:$0x148];
	_, v35, _ =	vpop (xrf1);
	(xrf1) =	vsort.ascd.msk.u32 $0xffff, v1, v47  }
0x60: {  	v51 =	vld [tilespmem:$0x1A8];
	_, v36, _ =	vpop (xrf1);
	(xrf1) =	vsort.ascd.msk.u32 $0xffff, v2, v48  }
0x61: {  	_, v37, _ =	vpop (xrf1);
	(xrf1) =	vsort.ascd.msk.u32 $0xffff, v1, v6;
	v6 =	vld [tilespmem:$0x208]  }
0x62: {  	_, v38, _ =	vpop (xrf1);
	(xrf1) =	vsort.ascd.msk.u32 $0xffff, v2, v7;
	v7 =	vld [tilespmem:$0x268]  }
0x63: {  	v52 =	vld [tilespmem:$0x2C8];
	_, v39, _ =	vpop (xrf1);
	(xrf1) =	vsort.ascd.msk.u32 $0xffff, v1, v49  }
0x64: {  	v53 =	vld [tilespmem:$0x30];
	_, v40, _ =	vpop (xrf1);
	(xrf1) =	vsort.ascd.msk.u32 $0xffff, v2, v50  }
0x65: {  	v54 =	vld [tilespmem:$0x90];
	_, v41, _ =	vpop (xrf1);
	(xrf1) =	vsort.ascd.msk.u32 $0xffff, v1, v51  }
0x66: {  	_, v42, _ =	vpop (xrf1);
	(xrf1) =	vsort.ascd.msk.u32 $0xffff, v2, v6;
	v6 =	vld [tilespmem:$0xF0]  }
0x67: {  	_, v43, _ =	vpop (xrf1);
	(xrf1) =	vsort.ascd.msk.u32 $0xffff, v1, v7;
	v7 =	vld [tilespmem:$0x150]  }
0x68: {  	v55 =	vld [tilespmem:$0x1B0];
	_, v44, _ =	vpop (xrf1);
	(xrf1) =	vsort.ascd.msk.u32 $0xffff, v2, v52  }
0x69: {  	v56 =	vld [tilespmem:$0x210];
	_, v45, _ =	vpop (xrf1);
	(xrf1) =	vsort.ascd.msk.u32 $0xffff, v1, v53  }
0x6a: {  	v57 =	vld [tilespmem:$0x270];
	_, v46, _ =	vpop (xrf1);
	(xrf1) =	vsort.ascd.msk.u32 $0xffff, v2, v54  }
0x6b: {  	_, v47, _ =	vpop (xrf1);
	(xrf1) =	vsort.ascd.msk.u32 $0xffff, v1, v6;
	v6 =	vld [tilespmem:$0x2D0]  }
0x6c: {  	_, v48, _ =	vpop (xrf1);
	(xrf1) =	vsort.ascd.msk.u32 $0xffff, v2, v7;
	v7 =	vld [tilespmem:$0x38]  }
0x6d: {  	v58 =	vld [tilespmem:$0x98];
	_, v49, _ =	vpop (xrf1);
	(xrf1) =	vsort.ascd.msk.u32 $0xffff, v1, v55  }
0x6e: {  	v59 =	vld [tilespmem:$0xF8];
	_, v50, _ =	vpop (xrf1);
	(xrf1) =	vsort.ascd.msk.u32 $0xffff, v2, v56  }
0x6f: {  	v60 =	vld [tilespmem:$0x158];
	v11 =	vsel vm0, v11, v12;
	_, v51, _ =	vpop (xrf1);
	(xrf1) =	vsort.ascd.msk.u32 $0xffff, v1, v57  }
0x70: {  	v11 =	vadd.s32 v0, v11;
	v13 =	vsel vm0, v13, v14;
	_, v12, _ =	vpop (xrf1);
	(xrf1) =	vsort.ascd.msk.u32 $0xffff, v2, v6;
	v6 =	vld [tilespmem:$0x1B8]  }
0x71: {  	v61 =	vadd.s32 v3, v13;
	v62 =	vsel vm0, v15, v16;
	_, v14, _ =	vpop (xrf1);
	(xrf1) =	vsort.ascd.msk.u32 $0xffff, v1, v7;
	v7 =	vld [tilespmem:$0x218]  }
0x72: {  	v8 =	vld [tilespmem:$0x278];
	[tilespmem:$0x300] =	vst v11;
	v63 =	vadd.s32 v4, v62;
	v62 =	vsel vm0, v25, v26;
	_, v15, _ =	vpop (xrf1);
	(xrf1) =	vsort.ascd.msk.u32 $0xffff, v2, v58  }
0x73: {  	[tilespmem:$0x310] =	vst v61;
	v26 =	vadd.s32 v5, v62;
	v52 =	vsel vm0, v17, v18;
	v53 =	vld [tilespmem:$0x2D8];
	_, v16, _ =	vpop (xrf1);
	(xrf1) =	vsort.ascd.msk.u32 $0xffff, v1, v59  }
0x74: {  	[tilespmem:$0x320] =	vst v63;
	v54 =	vadd.s32 v5, v52;
	v52 =	vsel vm0, v27, v28;
	v56 =	vld [tilespmem:$0x40];
	_, v17, _ =	vpop (xrf1);
	(xrf1) =	vsort.ascd.msk.u32 $0xffff, v2, v60  }
0x75: {  	v62 =	vsel vm0, v35, v36;
	[tilespmem:$0x330] =	vst v54;
	v54 =	vadd.s32 v0, v52;
	_, v18, _ =	vpop (xrf1);
	(xrf1) =	vsort.ascd.msk.u32 $0xffff, v1, v6;
	v6 =	vld [tilespmem:$0xA0]  }
0x76: {  	[tilespmem:$0x370] =	vst v26;
	v52 =	vsel vm0, v39, v40;
	v55 =	vsel vm0, v19, v20;
	_, v19, _ =	vpop (xrf1);
	(xrf1) =	vsort.ascd.msk.u32 $0xffff, v2, v7;
	v7 =	vld [tilespmem:$0x100]  }
0x77: {  	v63 =	vld [tilespmem:$0x160];
	[tilespmem:$0x380] =	vst v54;
	v54 =	vadd.s32 v4, v52;
	v57 =	vadd.s32 v0, v55;
	_, v20, _ =	vpop (xrf1);
	(xrf1) =	vsort.ascd.msk.u32 $0xffff, v1, v8  }
0x78: {  	[tilespmem:$0x3E0] =	vst v54;
	v55 =	vsel vm0, v29, v30;
	v58 =	vsel vm0, v21, v22;
	_, v21, _ =	vpop (xrf1);
	(xrf1) =	vsort.ascd.msk.u32 $0xffff, v2, v53;
	v53 =	vld [tilespmem:$0x1C0]  }
0x79: {  	[tilespmem:$0x340] =	vst v57;
	v57 =	vadd.s32 v3, v55;
	v55 =	vsel vm0, v41, v42;
	_, v22, _ =	vpop (xrf1);
	(xrf1) =	vsort.ascd.msk.u32 $0xffff, v1, v56;
	v56 =	vld [tilespmem:$0x220]  }
0x7a: {  	[tilespmem:$0x390] =	vst v57;
	v57 =	vadd.s32 v5, v55;
	v60 =	vsel vm0, v23, v24;
	_, v23, _ =	vpop (xrf1);
	(xrf1) =	vsort.ascd.msk.u32 $0xffff, v2, v6;
	v6 =	vld [tilespmem:$0x280]  }
0x7b: {  	[tilespmem:$0x3F0] =	vst v57;
	v59 =	vadd.s32 v3, v58;
	v58 =	vsel vm0, v31, v32;
	_, v24, _ =	vpop (xrf1);
	(xrf1) =	vsort.ascd.msk.u32 $0xffff, v1, v7;
	v7 =	vld [tilespmem:$0x2E0]  }
0x7c: {  	[tilespmem:$0x350] =	vst v59;
	v59 =	vadd.s32 v4, v58;
	v61 =	vadd.s32 v4, v60;
	_, v25, _ =	vpop (xrf1);
	(xrf1) =	vsort.ascd.msk.u32 $0xffff, v2, v63;
	v63 =	vld [tilespmem:$0x48]  }
0x7d: {  	v35 =	vld [tilespmem:$0xA8];
	v60 =	vsel vm0, v33, v34;
	[tilespmem:$0x3A0] =	vst v59;
	v34 =	vsel vm0, v37, v38;
	_, v26, _ =	vpop (xrf1);
	(xrf1) =	vsort.ascd.msk.u32 $0xffff, v1, v53  }
0x7e: {  	v33 =	vadd.s32 v0, v62;
	[tilespmem:$0x360] =	vst v61;
	v38 =	vadd.s32 v3, v34;
	v53 =	vld [tilespmem:$0x108];
	_, v27, _ =	vpop (xrf1);
	(xrf1) =	vsort.ascd.msk.u32 $0xffff, v2, v56  }
0x7f: {  	v61 =	vadd.s32 v5, v60;
	[tilespmem:$0x3C0] =	vst v33;
	_, v56, _ =	vpop (xrf1);
	(xrf1) =	vsort.ascd.msk.u32 $0xffff, v1, v6;
	v6 =	vld [tilespmem:$0x168]  }
0x80: {  	v58 =	vsel vm0, v43, v44;
	[tilespmem:$0x3B0] =	vst v61;
	_, v59, _ =	vpop (xrf1);
	(xrf1) =	vsort.ascd.msk.u32 $0xffff, v2, v7;
	v7 =	vld [tilespmem:$0x1C8]  }
0x81: {  	v37 =	vsel vm0, v47, v48;
	v60 =	vadd.s32 v0, v58;
	[tilespmem:$0x3D0] =	vst v38;
	_, v62, _ =	vpop (xrf1);
	(xrf1) =	vsort.ascd.msk.u32 $0xffff, v1, v63;
	v63 =	vld [tilespmem:$0x228]  }
0x82: {  	v39 =	vld [tilespmem:$0x288];
	v40 =	vadd.s32 v4, v37;
	v61 =	vsel vm0, v45, v46;
	[tilespmem:$0x400] =	vst v60;
	_, v38, _ =	vpop (xrf1);
	(xrf1) =	vsort.ascd.msk.u32 $0xffff, v2, v35  }
0x83: {  	v41 =	vsel vm0, v49, v50;
	v43 =	vld [tilespmem:$0x2E8];
	[tilespmem:$0x420] =	vst v40;
	v36 =	vadd.s32 v3, v61;
	_, v42, _ =	vpop (xrf1);
	(xrf1) =	vsort.ascd.msk.u32 $0xffff, v1, v53  }
0x84: {  	v44 =	vsel vm0, v51, v12;
	[tilespmem:$0x410] =	vst v36;
	_, v45, _ =	vpop (xrf1);
	(xrf1) =	vsort.ascd.msk.u32 $0xffff, v2, v6;
	v6 =	vadd.s32 v5, v41  }
0x85: {  	[tilespmem:$0x430] =	vst v6;
	v6 =	vsel vm0, v14, v15;
	_, v46, _ =	vpop (xrf1);
	(xrf1) =	vsort.ascd.msk.u32 $0xffff, v1, v7;
	v7 =	vadd.s32 v0, v44  }
0x86: {  	[tilespmem:$0x440] =	vst v7;
	v7 =	vsel vm0, v16, v17;
	_, v47, _ =	vpop (xrf1);
	(xrf1) =	vsort.ascd.msk.u32 $0xffff, v2, v63;
	v6 =	vadd.s32 v3, v6  }
0x87: {  	[tilespmem:$0x450] =	vst v6;
	v6 =	vsel vm0, v18, v19;
	_, v48, _ =	vpop (xrf1);
	(xrf1) =	vsort.ascd.msk.u32 $0xffff, v1, v39;
	v7 =	vadd.s32 v4, v7  }
0x88: {  	[tilespmem:$0x460] =	vst v7;
	v6 =	vadd.s32 v5, v6;
	v7 =	vsel vm0, v20, v21;
	_, v49, _ =	vpop (xrf1);
	(xrf1) =	vsort.ascd.msk.u32 $0xffff, v2, v43  }
0x89: {  	_, v50, _ =	vpop (xrf1);
	[tilespmem:$0x470] =	vst v6;
	v6 =	vadd.s32 v0, v7;
	v7 =	vsel vm0, v22, v23  }
0x8a: {  	_, v51, _ =	vpop (xrf1);
	[tilespmem:$0x480] =	vst v6;
	v6 =	vadd.s32 v3, v7;
	v7 =	vsel vm0, v24, v25  }
0x8b: {  	_, v52, _ =	vpop (xrf1);
	[tilespmem:$0x490] =	vst v6;
	v6 =	vadd.s32 v4, v7;
	v7 =	vsel vm0, v26, v27  }
0x8c: {  	_, v53, _ =	vpop (xrf1);
	[tilespmem:$0x4A0] =	vst v6;
	v6 =	vadd.s32 v5, v7;
	v7 =	vsel vm0, v56, v59  }
0x8d: {  	_, v54, _ =	vpop (xrf1);
	[tilespmem:$0x4B0] =	vst v6;
	v6 =	vadd.s32 v0, v7;
	v7 =	vsel vm0, v62, v38  }
0x8e: {  	_, v55, _ =	vpop (xrf1);
	[tilespmem:$0x4C0] =	vst v6;
	v6 =	vadd.s32 v3, v7;
	v7 =	vsel vm0, v42, v45  }
0x8f: {  	_, v56, _ =	vpop (xrf1);
	[tilespmem:$0x4D0] =	vst v6;
	v6 =	vadd.s32 v4, v7;
	v7 =	vsel vm0, v46, v47  }
0x90: {  	_, v57, _ =	vpop (xrf1);
	[tilespmem:$0x4E0] =	vst v6;
	v6 =	vadd.s32 v5, v7;
	v7 =	vsel vm0, v48, v49  }
0x91: {  	_, v58, _ =	vpop (xrf1);
	[tilespmem:$0x4F0] =	vst v6;
	v6 =	vadd.s32 v0, v7;
	v7 =	vsel vm0, v50, v51  }
0x92: {  	_, v59, _ =	vpop (xrf1);
	[tilespmem:$0x500] =	vst v6;
	v6 =	vadd.s32 v3, v7;
	v7 =	vsel vm0, v52, v53  }
0x93: {  	_, v60, _ =	vpop (xrf1);
	[tilespmem:$0x510] =	vst v6;
	v6 =	vadd.s32 v4, v7;
	v7 =	vsel vm0, v54, v55  }
0x94: {  	_, v61, _ =	vpop (xrf1);
	[tilespmem:$0x520] =	vst v6;
	v6 =	vadd.s32 v5, v7;
	v7 =	vsel vm0, v56, v57  }
0x95: {  	_, v62, _ =	vpop (xrf1);
	[tilespmem:$0x530] =	vst v6;
	v6 =	vsel vm0, v58, v59;
	v7 =	vadd.s32 v0, v7  }
.Ltmp2:
0x96: {  	[tilespmem:$0x540] =	vst v7;
	v6 =	vadd.s32 v3, v6;
	v7 =	vsel vm0, v60, v61;
	_, v63, _ =	vpop (xrf1);
	(pc) =	sbr.rel .LBB2_2-.Ltmp2, $4  }
0x97: {  	[tilespmem:$0x550] =	vst v6;
	v6 =	vsel vm0, v62, v63;
	v7 =	vadd.s32 v4, v7  }
0x98: {  	[tilespmem:$0x560] =	vst v7;
	v6 =	vadd.s32 v5, v6  }
0x99: {  	s5 =	simm.s32 $0x2;
	s14 =	smov.u32 s7;
	s15 =	smov.u32 s6;
	[tilespmem:$0x570] =	vst v6  }
0x9a: {  	[tilespmem:s26], [sflag:$0x1] =	stream.indirect.gather [hbm4b:s3+s24], $0x40, s25, s24, $0xb8;
	[tilespmem:$0x14800] =	vst v63  }
.LBB2_6:
0x9b: {  	s8 =	simm.s32 @!p0 $0x2  }
0x9c: {  	_ =	swait.ge @!p0 [sflag:s8], $0xA000  }
0x9d: {  	s10 =	simm.s32 @!p0 $0x0;
	s11 =	simm.s32 @!p0 $0xA800;
	[sflag:s8] =	ssyncset.done @!p0 $0x0  }
0x9e: {  	s5 =	sadd.s32 $0x2, s5;
	[sflag:s8] =	ssyncadd.s32 @!p0 $0xFFFF6000;
	s8 =	sadd.s32 @!p0 $0x28000, s14  }
0x9f: {  	[hbm4b:s8+s10] =	stream.linear.scatter @!p0 [tilespmem:s11], [sflag:$0x4], $0xA000, $0x38;
	[tilespmem:$0x14800] =	vst v63  }
0xa0: {  	p0 =	sne.s32 s5, $0x2A  }
.Ltmp3:
0xa1: {  	_ = 	snop;
	(pc) =	sbr.rel @!p0 .LBB2_7-.Ltmp3, $2  }
0xa2: {  	_ =	sdelay $0x2  }
0xa3: {  	s15 =	sadd.s32 $0x280, s15;
	s14 =	sadd.s32 $0x50000, s14  }
.LBB2_2:
0xa4: {  	s8 =	sadd.s32 $0xFFFFFFFF, s5  }
0xa5: {  	p0 =	sge.u32 s8, s9  }
.Ltmp4:
0xa6: {  	_ = 	snop;
	(pc) =	sbr.rel @p0 .LBB2_4-.Ltmp4, $1  }
0xa7: {  	_ =	sdelay $0x3  }
0xa8: {  	[tilespmem:s2], [sflag:$0x5] =	stream.linear.gather [hbm4b:s15+s2], $0x50, $0x38;
	[tilespmem:$0x14800] =	vst v63  }
0xa9: {  	s8 =	sadd.s32 $0x30D4, s15  }
0xaa: {  	[tilespmem:s16], [sflag:$0x5] =	stream.linear.gather [hbm4b:s8+s2], $0x50, $0x38;
	[tilespmem:$0x14800] =	vst v63  }
0xab: {  	s10 =	sadd.s32 $0x61A8, s15  }
0xac: {  	[tilespmem:s17], [sflag:$0x5] =	stream.linear.gather [hbm4b:s10+s2], $0x50, $0x38;
	[tilespmem:$0x14800] =	vst v63  }
0xad: {  	s11 =	sadd.s32 $0x927C, s15  }
0xae: {  	[tilespmem:s18], [sflag:$0x5] =	stream.linear.gather [hbm4b:s11+s2], $0x50, $0x38;
	[tilespmem:$0x14800] =	vst v63  }
0xaf: {  	s10 =	sadd.s32 $0xC350, s15  }
0xb0: {  	[tilespmem:s19], [sflag:$0x5] =	stream.linear.gather [hbm4b:s10+s2], $0x50, $0x38;
	[tilespmem:$0x14800] =	vst v63  }
0xb1: {  	s11 =	sadd.s32 $0xF424, s15  }
0xb2: {  	[tilespmem:s20], [sflag:$0x5] =	stream.linear.gather [hbm4b:s11+s2], $0x50, $0x38;
	[tilespmem:$0x14800] =	vst v63  }
0xb3: {  	s10 =	sadd.s32 $0x124F8, s15  }
0xb4: {  	[tilespmem:s21], [sflag:$0x5] =	stream.linear.gather [hbm4b:s10+s2], $0x50, $0x38;
	[tilespmem:$0x14800] =	vst v63  }
0xb5: {  	s11 =	sadd.s32 $0x155CC, s15  }
0xb6: {  	[tilespmem:s22], [sflag:$0x5] =	stream.linear.gather [hbm4b:s11+s2], $0x50, $0x38;
	[tilespmem:$0x14800] =	vst v63  }
0xb7: {  	_ =	swait.ge [sflag:s23], $0x280  }
0xb8: {  	[sflag:s23] =	ssyncset.done $0x0  }
0xb9: {  	[sflag:s23] =	ssyncadd.s32 $0xFFFFFD80  }
0xba: {  	v6 =	vld [tilespmem:$0x0]  }
0xbb: {  	v7 =	vld [tilespmem:$0x60]  }
0xbc: {  	v8 =	vld [tilespmem:$0xC0]  }
0xbd: {  	v9 =	vld [tilespmem:$0x120]  }
0xbe: {  	v10 =	vld [tilespmem:$0x180]  }
0xbf: {  	(xrf1) =	vsort.ascd.msk.u32 $0xffff, v1, v6;
	v6 =	vld [tilespmem:$0x1E0]  }
0xc0: {  	(xrf1) =	vsort.ascd.msk.u32 $0xffff, v2, v7;
	v7 =	vld [tilespmem:$0x240]  }
0xc1: {  	v28 =	vld [tilespmem:$0x2A0];
	(xrf1) =	vsort.ascd.msk.u32 $0xffff, v1, v8  }
0xc2: {  	v29 =	vld [tilespmem:$0x8];
	(xrf1) =	vsort.ascd.msk.u32 $0xffff, v2, v9  }
0xc3: {  	v30 =	vld [tilespmem:$0x68];
	(xrf1) =	vsort.ascd.msk.u32 $0xffff, v1, v10  }
0xc4: {  	(xrf1) =	vsort.ascd.msk.u32 $0xffff, v2, v6;
	v6 =	vld [tilespmem:$0xC8]  }
0xc5: {  	(xrf1) =	vsort.ascd.msk.u32 $0xffff, v1, v7;
	v7 =	vld [tilespmem:$0x128]  }
0xc6: {  	v31 =	vld [tilespmem:$0x188];
	(xrf1) =	vsort.ascd.msk.u32 $0xffff, v2, v28  }
0xc7: {  	v32 =	vld [tilespmem:$0x1E8];
	(xrf1) =	vsort.ascd.msk.u32 $0xffff, v1, v29  }
0xc8: {  	v33 =	vld [tilespmem:$0x248];
	(xrf1) =	vsort.ascd.msk.u32 $0xffff, v2, v30  }
0xc9: {  	(xrf1) =	vsort.ascd.msk.u32 $0xffff, v1, v6;
	v6 =	vld [tilespmem:$0x2A8]  }
0xca: {  	(xrf1) =	vsort.ascd.msk.u32 $0xffff, v2, v7;
	v7 =	vld [tilespmem:$0x10]  }
0xcb: {  	v34 =	vld [tilespmem:$0x70];
	(xrf1) =	vsort.ascd.msk.u32 $0xffff, v1, v31  }
0xcc: {  	v35 =	vld [tilespmem:$0xD0];
	(xrf1) =	vsort.ascd.msk.u32 $0xffff, v2, v32  }
0xcd: {  	v36 =	vld [tilespmem:$0x130];
	_, v11, _ =	vpop (xrf1);
	(xrf1) =	vsort.ascd.msk.u32 $0xffff, v1, v33  }
0xce: {  	_, v12, _ =	vpop (xrf1);
	(xrf1) =	vsort.ascd.msk.u32 $0xffff, v2, v6;
	v6 =	vld [tilespmem:$0x190]  }
0xcf: {  	_, v13, _ =	vpop (xrf1);
	(xrf1) =	vsort.ascd.msk.u32 $0xffff, v1, v7;
	v7 =	vld [tilespmem:$0x1F0]  }
0xd0: {  	v37 =	vld [tilespmem:$0x250];
	_, v14, _ =	vpop (xrf1);
	(xrf1) =	vsort.ascd.msk.u32 $0xffff, v2, v34  }
0xd1: {  	v38 =	vld [tilespmem:$0x2B0];
	_, v15, _ =	vpop (xrf1);
	(xrf1) =	vsort.ascd.msk.u32 $0xffff, v1, v35  }
0xd2: {  	v39 =	vld [tilespmem:$0x18];
	_, v16, _ =	vpop (xrf1);
	(xrf1) =	vsort.ascd.msk.u32 $0xffff, v2, v36  }
0xd3: {  	_, v17, _ =	vpop (xrf1);
	(xrf1) =	vsort.ascd.msk.u32 $0xffff, v1, v6;
	v6 =	vld [tilespmem:$0x78]  }
0xd4: {  	_, v18, _ =	vpop (xrf1);
	(xrf1) =	vsort.ascd.msk.u32 $0xffff, v2, v7;
	v7 =	vld [tilespmem:$0xD8]  }
0xd5: {  	v40 =	vld [tilespmem:$0x138];
	_, v19, _ =	vpop (xrf1);
	(xrf1) =	vsort.ascd.msk.u32 $0xffff, v1, v37  }
0xd6: {  	v41 =	vld [tilespmem:$0x198];
	_, v20, _ =	vpop (xrf1);
	(xrf1) =	vsort.ascd.msk.u32 $0xffff, v2, v38  }
0xd7: {  	v42 =	vld [tilespmem:$0x1F8];
	_, v21, _ =	vpop (xrf1);
	(xrf1) =	vsort.ascd.msk.u32 $0xffff, v1, v39  }
0xd8: {  	_, v22, _ =	vpop (xrf1);
	(xrf1) =	vsort.ascd.msk.u32 $0xffff, v2, v6;
	v6 =	vld [tilespmem:$0x258]  }
0xd9: {  	_, v23, _ =	vpop (xrf1);
	(xrf1) =	vsort.ascd.msk.u32 $0xffff, v1, v7;
	v7 =	vld [tilespmem:$0x2B8]  }
0xda: {  	v43 =	vld [tilespmem:$0x20];
	_, v24, _ =	vpop (xrf1);
	(xrf1) =	vsort.ascd.msk.u32 $0xffff, v2, v40  }
0xdb: {  	v44 =	vld [tilespmem:$0x80];
	_, v25, _ =	vpop (xrf1);
	(xrf1) =	vsort.ascd.msk.u32 $0xffff, v1, v41  }
0xdc: {  	v45 =	vld [tilespmem:$0xE0];
	_, v26, _ =	vpop (xrf1);
	(xrf1) =	vsort.ascd.msk.u32 $0xffff, v2, v42  }
0xdd: {  	_, v27, _ =	vpop (xrf1);
	(xrf1) =	vsort.ascd.msk.u32 $0xffff, v1, v6;
	v6 =	vld [tilespmem:$0x140]  }
0xde: {  	_, v28, _ =	vpop (xrf1);
	(xrf1) =	vsort.ascd.msk.u32 $0xffff, v2, v7;
	v7 =	vld [tilespmem:$0x1A0]  }
0xdf: {  	v46 =	vld [tilespmem:$0x200];
	_, v29, _ =	vpop (xrf1);
	(xrf1) =	vsort.ascd.msk.u32 $0xffff, v1, v43  }
0xe0: {  	v47 =	vld [tilespmem:$0x260];
	_, v30, _ =	vpop (xrf1);
	(xrf1) =	vsort.ascd.msk.u32 $0xffff, v2, v44  }
0xe1: {  	v48 =	vld [tilespmem:$0x2C0];
	_, v31, _ =	vpop (xrf1);
	(xrf1) =	vsort.ascd.msk.u32 $0xffff, v1, v45  }
0xe2: {  	_, v32, _ =	vpop (xrf1);
	(xrf1) =	vsort.ascd.msk.u32 $0xffff, v2, v6;
	v6 =	vld [tilespmem:$0x28]  }
0xe3: {  	_, v33, _ =	vpop (xrf1);
	(xrf1) =	vsort.ascd.msk.u32 $0xffff, v1, v7;
	v7 =	vld [tilespmem:$0x88]  }
0xe4: {  	v49 =	vld [tilespmem:$0xE8];
	_, v34, _ =	vpop (xrf1);
	(xrf1) =	vsort.ascd.msk.u32 $0xffff, v2, v46  }
0xe5: {  	v50 =	vld [tilespmem:$0x148];
	_, v35, _ =	vpop (xrf1);
	(xrf1) =	vsort.ascd.msk.u32 $0xffff, v1, v47  }
0xe6: {  	v51 =	vld [tilespmem:$0x1A8];
	_, v36, _ =	vpop (xrf1);
	(xrf1) =	vsort.ascd.msk.u32 $0xffff, v2, v48  }
0xe7: {  	_, v37, _ =	vpop (xrf1);
	(xrf1) =	vsort.ascd.msk.u32 $0xffff, v1, v6;
	v6 =	vld [tilespmem:$0x208]  }
0xe8: {  	_, v38, _ =	vpop (xrf1);
	(xrf1) =	vsort.ascd.msk.u32 $0xffff, v2, v7;
	v7 =	vld [tilespmem:$0x268]  }
0xe9: {  	v52 =	vld [tilespmem:$0x2C8];
	_, v39, _ =	vpop (xrf1);
	(xrf1) =	vsort.ascd.msk.u32 $0xffff, v1, v49  }
0xea: {  	v53 =	vld [tilespmem:$0x30];
	_, v40, _ =	vpop (xrf1);
	(xrf1) =	vsort.ascd.msk.u32 $0xffff, v2, v50  }
0xeb: {  	v54 =	vld [tilespmem:$0x90];
	_, v41, _ =	vpop (xrf1);
	(xrf1) =	vsort.ascd.msk.u32 $0xffff, v1, v51  }
0xec: {  	_, v42, _ =	vpop (xrf1);
	(xrf1) =	vsort.ascd.msk.u32 $0xffff, v2, v6;
	v6 =	vld [tilespmem:$0xF0]  }
0xed: {  	_, v43, _ =	vpop (xrf1);
	(xrf1) =	vsort.ascd.msk.u32 $0xffff, v1, v7;
	v7 =	vld [tilespmem:$0x150]  }
0xee: {  	v55 =	vld [tilespmem:$0x1B0];
	_, v44, _ =	vpop (xrf1);
	(xrf1) =	vsort.ascd.msk.u32 $0xffff, v2, v52  }
0xef: {  	v56 =	vld [tilespmem:$0x210];
	_, v45, _ =	vpop (xrf1);
	(xrf1) =	vsort.ascd.msk.u32 $0xffff, v1, v53  }
0xf0: {  	v57 =	vld [tilespmem:$0x270];
	_, v46, _ =	vpop (xrf1);
	(xrf1) =	vsort.ascd.msk.u32 $0xffff, v2, v54  }
0xf1: {  	_, v47, _ =	vpop (xrf1);
	(xrf1) =	vsort.ascd.msk.u32 $0xffff, v1, v6;
	v6 =	vld [tilespmem:$0x2D0]  }
0xf2: {  	_, v48, _ =	vpop (xrf1);
	(xrf1) =	vsort.ascd.msk.u32 $0xffff, v2, v7;
	v7 =	vld [tilespmem:$0x38]  }
0xf3: {  	v58 =	vld [tilespmem:$0x98];
	_, v49, _ =	vpop (xrf1);
	(xrf1) =	vsort.ascd.msk.u32 $0xffff, v1, v55  }
0xf4: {  	v59 =	vld [tilespmem:$0xF8];
	_, v50, _ =	vpop (xrf1);
	(xrf1) =	vsort.ascd.msk.u32 $0xffff, v2, v56  }
0xf5: {  	v60 =	vld [tilespmem:$0x158];
	v11 =	vsel vm0, v11, v12;
	_, v51, _ =	vpop (xrf1);
	(xrf1) =	vsort.ascd.msk.u32 $0xffff, v1, v57  }
0xf6: {  	v11 =	vadd.s32 v0, v11;
	v13 =	vsel vm0, v13, v14;
	_, v12, _ =	vpop (xrf1);
	(xrf1) =	vsort.ascd.msk.u32 $0xffff, v2, v6;
	v6 =	vld [tilespmem:$0x1B8]  }
0xf7: {  	v61 =	vadd.s32 v3, v13;
	v62 =	vsel vm0, v15, v16;
	_, v14, _ =	vpop (xrf1);
	(xrf1) =	vsort.ascd.msk.u32 $0xffff, v1, v7;
	v7 =	vld [tilespmem:$0x218]  }
0xf8: {  	v8 =	vld [tilespmem:$0x278];
	[tilespmem:$0x580] =	vst v11;
	v63 =	vadd.s32 v4, v62;
	v62 =	vsel vm0, v25, v26;
	_, v15, _ =	vpop (xrf1);
	(xrf1) =	vsort.ascd.msk.u32 $0xffff, v2, v58  }
0xf9: {  	[tilespmem:$0x590] =	vst v61;
	v26 =	vadd.s32 v5, v62;
	v52 =	vsel vm0, v17, v18;
	v53 =	vld [tilespmem:$0x2D8];
	_, v16, _ =	vpop (xrf1);
	(xrf1) =	vsort.ascd.msk.u32 $0xffff, v1, v59  }
0xfa: {  	[tilespmem:$0x5A0] =	vst v63;
	v54 =	vadd.s32 v5, v52;
	v52 =	vsel vm0, v27, v28;
	v56 =	vld [tilespmem:$0x40];
	_, v17, _ =	vpop (xrf1);
	(xrf1) =	vsort.ascd.msk.u32 $0xffff, v2, v60  }
0xfb: {  	v62 =	vsel vm0, v35, v36;
	[tilespmem:$0x5B0] =	vst v54;
	v54 =	vadd.s32 v0, v52;
	_, v18, _ =	vpop (xrf1);
	(xrf1) =	vsort.ascd.msk.u32 $0xffff, v1, v6;
	v6 =	vld [tilespmem:$0xA0]  }
0xfc: {  	[tilespmem:$0x5F0] =	vst v26;
	v52 =	vsel vm0, v39, v40;
	v55 =	vsel vm0, v19, v20;
	_, v19, _ =	vpop (xrf1);
	(xrf1) =	vsort.ascd.msk.u32 $0xffff, v2, v7;
	v7 =	vld [tilespmem:$0x100]  }
0xfd: {  	v63 =	vld [tilespmem:$0x160];
	[tilespmem:$0x600] =	vst v54;
	v54 =	vadd.s32 v4, v52;
	v57 =	vadd.s32 v0, v55;
	_, v20, _ =	vpop (xrf1);
	(xrf1) =	vsort.ascd.msk.u32 $0xffff, v1, v8  }
0xfe: {  	[tilespmem:$0x660] =	vst v54;
	v55 =	vsel vm0, v29, v30;
	v58 =	vsel vm0, v21, v22;
	_, v21, _ =	vpop (xrf1);
	(xrf1) =	vsort.ascd.msk.u32 $0xffff, v2, v53;
	v53 =	vld [tilespmem:$0x1C0]  }
0xff: {  	[tilespmem:$0x5C0] =	vst v57;
	v57 =	vadd.s32 v3, v55;
	v55 =	vsel vm0, v41, v42;
	_, v22, _ =	vpop (xrf1);
	(xrf1) =	vsort.ascd.msk.u32 $0xffff, v1, v56;
	v56 =	vld [tilespmem:$0x220]  }
0x100: {  	[tilespmem:$0x610] =	vst v57;
	v57 =	vadd.s32 v5, v55;
	v60 =	vsel vm0, v23, v24;
	_, v23, _ =	vpop (xrf1);
	(xrf1) =	vsort.ascd.msk.u32 $0xffff, v2, v6;
	v6 =	vld [tilespmem:$0x280]  }
0x101: {  	[tilespmem:$0x670] =	vst v57;
	v59 =	vadd.s32 v3, v58;
	v58 =	vsel vm0, v31, v32;
	_, v24, _ =	vpop (xrf1);
	(xrf1) =	vsort.ascd.msk.u32 $0xffff, v1, v7;
	v7 =	vld [tilespmem:$0x2E0]  }
0x102: {  	[tilespmem:$0x5D0] =	vst v59;
	v59 =	vadd.s32 v4, v58;
	v61 =	vadd.s32 v4, v60;
	_, v25, _ =	vpop (xrf1);
	(xrf1) =	vsort.ascd.msk.u32 $0xffff, v2, v63;
	v63 =	vld [tilespmem:$0x48]  }
0x103: {  	v35 =	vld [tilespmem:$0xA8];
	v60 =	vsel vm0, v33, v34;
	[tilespmem:$0x620] =	vst v59;
	v34 =	vsel vm0, v37, v38;
	_, v26, _ =	vpop (xrf1);
	(xrf1) =	vsort.ascd.msk.u32 $0xffff, v1, v53  }
0x104: {  	v33 =	vadd.s32 v0, v62;
	[tilespmem:$0x5E0] =	vst v61;
	v38 =	vadd.s32 v3, v34;
	v53 =	vld [tilespmem:$0x108];
	_, v27, _ =	vpop (xrf1);
	(xrf1) =	vsort.ascd.msk.u32 $0xffff, v2, v56  }
0x105: {  	v61 =	vadd.s32 v5, v60;
	[tilespmem:$0x640] =	vst v33;
	_, v56, _ =	vpop (xrf1);
	(xrf1) =	vsort.ascd.msk.u32 $0xffff, v1, v6;
	v6 =	vld [tilespmem:$0x168]  }
0x106: {  	v58 =	vsel vm0, v43, v44;
	[tilespmem:$0x630] =	vst v61;
	_, v59, _ =	vpop (xrf1);
	(xrf1) =	vsort.ascd.msk.u32 $0xffff, v2, v7;
	v7 =	vld [tilespmem:$0x1C8]  }
0x107: {  	v37 =	vsel vm0, v47, v48;
	v60 =	vadd.s32 v0, v58;
	[tilespmem:$0x650] =	vst v38;
	_, v62, _ =	vpop (xrf1);
	(xrf1) =	vsort.ascd.msk.u32 $0xffff, v1, v63;
	v63 =	vld [tilespmem:$0x228]  }
0x108: {  	v39 =	vld [tilespmem:$0x288];
	v40 =	vadd.s32 v4, v37;
	v61 =	vsel vm0, v45, v46;
	[tilespmem:$0x680] =	vst v60;
	_, v38, _ =	vpop (xrf1);
	(xrf1) =	vsort.ascd.msk.u32 $0xffff, v2, v35  }
0x109: {  	v41 =	vsel vm0, v49, v50;
	v43 =	vld [tilespmem:$0x2E8];
	[tilespmem:$0x6A0] =	vst v40;
	v36 =	vadd.s32 v3, v61;
	_, v42, _ =	vpop (xrf1);
	(xrf1) =	vsort.ascd.msk.u32 $0xffff, v1, v53  }
0x10a: {  	v44 =	vsel vm0, v51, v12;
	[tilespmem:$0x690] =	vst v36;
	_, v45, _ =	vpop (xrf1);
	(xrf1) =	vsort.ascd.msk.u32 $0xffff, v2, v6;
	v6 =	vadd.s32 v5, v41  }
0x10b: {  	[tilespmem:$0x6B0] =	vst v6;
	v6 =	vsel vm0, v14, v15;
	_, v46, _ =	vpop (xrf1);
	(xrf1) =	vsort.ascd.msk.u32 $0xffff, v1, v7;
	v7 =	vadd.s32 v0, v44  }
0x10c: {  	[tilespmem:$0x6C0] =	vst v7;
	v7 =	vsel vm0, v16, v17;
	_, v47, _ =	vpop (xrf1);
	(xrf1) =	vsort.ascd.msk.u32 $0xffff, v2, v63;
	v6 =	vadd.s32 v3, v6  }
0x10d: {  	[tilespmem:$0x6D0] =	vst v6;
	v6 =	vsel vm0, v18, v19;
	_, v48, _ =	vpop (xrf1);
	(xrf1) =	vsort.ascd.msk.u32 $0xffff, v1, v39;
	v7 =	vadd.s32 v4, v7  }
0x10e: {  	[tilespmem:$0x6E0] =	vst v7;
	v6 =	vadd.s32 v5, v6;
	v7 =	vsel vm0, v20, v21;
	_, v49, _ =	vpop (xrf1);
	(xrf1) =	vsort.ascd.msk.u32 $0xffff, v2, v43  }
0x10f: {  	_, v50, _ =	vpop (xrf1);
	[tilespmem:$0x6F0] =	vst v6;
	v6 =	vadd.s32 v0, v7;
	v7 =	vsel vm0, v22, v23  }
0x110: {  	_, v51, _ =	vpop (xrf1);
	[tilespmem:$0x700] =	vst v6;
	v6 =	vadd.s32 v3, v7;
	v7 =	vsel vm0, v24, v25  }
0x111: {  	_, v52, _ =	vpop (xrf1);
	[tilespmem:$0x710] =	vst v6;
	v6 =	vadd.s32 v4, v7;
	v7 =	vsel vm0, v26, v27  }
0x112: {  	_, v53, _ =	vpop (xrf1);
	[tilespmem:$0x720] =	vst v6;
	v6 =	vadd.s32 v5, v7;
	v7 =	vsel vm0, v56, v59  }
0x113: {  	_, v54, _ =	vpop (xrf1);
	[tilespmem:$0x730] =	vst v6;
	v6 =	vadd.s32 v0, v7;
	v7 =	vsel vm0, v62, v38  }
0x114: {  	_, v55, _ =	vpop (xrf1);
	[tilespmem:$0x740] =	vst v6;
	v6 =	vadd.s32 v3, v7;
	v7 =	vsel vm0, v42, v45  }
0x115: {  	_, v56, _ =	vpop (xrf1);
	[tilespmem:$0x750] =	vst v6;
	v6 =	vadd.s32 v4, v7;
	v7 =	vsel vm0, v46, v47  }
0x116: {  	_, v57, _ =	vpop (xrf1);
	[tilespmem:$0x760] =	vst v6;
	v6 =	vadd.s32 v5, v7;
	v7 =	vsel vm0, v48, v49  }
0x117: {  	_, v58, _ =	vpop (xrf1);
	[tilespmem:$0x770] =	vst v6;
	v6 =	vadd.s32 v0, v7;
	v7 =	vsel vm0, v50, v51  }
0x118: {  	_, v59, _ =	vpop (xrf1);
	[tilespmem:$0x780] =	vst v6;
	v6 =	vadd.s32 v3, v7;
	v7 =	vsel vm0, v52, v53  }
0x119: {  	_, v60, _ =	vpop (xrf1);
	[tilespmem:$0x790] =	vst v6;
	v6 =	vadd.s32 v4, v7;
	v7 =	vsel vm0, v54, v55  }
0x11a: {  	_, v61, _ =	vpop (xrf1);
	[tilespmem:$0x7A0] =	vst v6;
	v6 =	vadd.s32 v5, v7;
	v7 =	vsel vm0, v56, v57  }
0x11b: {  	_, v62, _ =	vpop (xrf1);
	[tilespmem:$0x7B0] =	vst v6;
	v6 =	vsel vm0, v58, v59;
	v7 =	vadd.s32 v0, v7  }
0x11c: {  	[tilespmem:$0x7C0] =	vst v7;
	v6 =	vadd.s32 v3, v6;
	v7 =	vsel vm0, v60, v61;
	_, v63, _ =	vpop (xrf1)  }
0x11d: {  	[tilespmem:$0x7D0] =	vst v6;
	v6 =	vsel vm0, v62, v63;
	v7 =	vadd.s32 v4, v7  }
0x11e: {  	p1 =	seq.s32 s5, $0x2;
	[tilespmem:$0x7E0] =	vst v7;
	v6 =	vadd.s32 v5, v6  }
0x11f: {  	s8 =	simm.s32 @!p1 $0x4;
	[tilespmem:$0x7F0] =	vst v6  }
0x120: {  	_ =	swait.ge @!p1 [sflag:s8], $0xA000  }
0x121: {  	[sflag:s8] =	ssyncset.done @!p1 $0x0  }
0x122: {  	[sflag:s8] =	ssyncadd.s32 @!p1 $0xFFFF6000  }
0x123: {  	[tilespmem:s29], [sflag:$0x2] =	stream.indirect.gather [hbm4b:s3+s24], $0x40, s28, s24, $0xb8;
	[tilespmem:$0x14800] =	vst v63  }
.LBB2_4:
0x124: {  	p1 =	sge.u32 s5, s9  }
.Ltmp5:
0x125: {  	_ = 	snop;
	(pc) =	sbr.rel @p1 .LBB2_6-.Ltmp5, $4  }
0x126: {  	_ =	swait.ge [sflag:s30], $0xA000  }
0x127: {  	[sflag:s30] =	ssyncset.done $0x0  }
0x128: {  	[sflag:s30] =	ssyncadd.s32 $0xFFFF6000  }
0x129: {  	[hbm4b:s14+s2] =	stream.linear.scatter [tilespmem:s26], [sflag:$0x3], $0xA000, $0x38;
	[tilespmem:$0x14800] =	vst v63  }
0x12a: {  	s8 =	sadd.s32 $0x140, s15  }
0x12b: {  	[tilespmem:s2], [sflag:$0x5] =	stream.linear.gather [hbm4b:s8+s2], $0x50, $0x38;
	[tilespmem:$0x14800] =	vst v63  }
0x12c: {  	s11 =	sadd.s32 $0x3214, s15  }
0x12d: {  	[tilespmem:s16], [sflag:$0x5] =	stream.linear.gather [hbm4b:s11+s2], $0x50, $0x38;
	[tilespmem:$0x14800] =	vst v63  }
0x12e: {  	s10 =	sadd.s32 $0x62E8, s15  }
0x12f: {  	[tilespmem:s17], [sflag:$0x5] =	stream.linear.gather [hbm4b:s10+s2], $0x50, $0x38;
	[tilespmem:$0x14800] =	vst v63  }
0x130: {  	s11 =	sadd.s32 $0x93BC, s15  }
0x131: {  	[tilespmem:s18], [sflag:$0x5] =	stream.linear.gather [hbm4b:s11+s2], $0x50, $0x38;
	[tilespmem:$0x14800] =	vst v63  }
0x132: {  	s10 =	sadd.s32 $0xC490, s15  }
0x133: {  	[tilespmem:s19], [sflag:$0x5] =	stream.linear.gather [hbm4b:s10+s2], $0x50, $0x38;
	[tilespmem:$0x14800] =	vst v63  }
0x134: {  	s11 =	sadd.s32 $0xF564, s15  }
0x135: {  	[tilespmem:s20], [sflag:$0x5] =	stream.linear.gather [hbm4b:s11+s2], $0x50, $0x38;
	[tilespmem:$0x14800] =	vst v63  }
0x136: {  	s10 =	sadd.s32 $0x12638, s15  }
0x137: {  	[tilespmem:s21], [sflag:$0x5] =	stream.linear.gather [hbm4b:s10+s2], $0x50, $0x38;
	[tilespmem:$0x14800] =	vst v63  }
0x138: {  	s11 =	sadd.s32 $0x1570C, s15  }
0x139: {  	[tilespmem:s22], [sflag:$0x5] =	stream.linear.gather [hbm4b:s11+s2], $0x50, $0x38;
	[tilespmem:$0x14800] =	vst v63  }
0x13a: {  	_ =	swait.ge [sflag:s23], $0x280  }
0x13b: {  	[sflag:s23] =	ssyncset.done $0x0  }
0x13c: {  	[sflag:s23] =	ssyncadd.s32 $0xFFFFFD80  }
0x13d: {  	v6 =	vld [tilespmem:$0x0]  }
0x13e: {  	v7 =	vld [tilespmem:$0x60]  }
0x13f: {  	v8 =	vld [tilespmem:$0xC0]  }
0x140: {  	v9 =	vld [tilespmem:$0x120]  }
0x141: {  	v10 =	vld [tilespmem:$0x180]  }
0x142: {  	(xrf1) =	vsort.ascd.msk.u32 $0xffff, v1, v6;
	v6 =	vld [tilespmem:$0x1E0]  }
0x143: {  	(xrf1) =	vsort.ascd.msk.u32 $0xffff, v2, v7;
	v7 =	vld [tilespmem:$0x240]  }
0x144: {  	v28 =	vld [tilespmem:$0x2A0];
	(xrf1) =	vsort.ascd.msk.u32 $0xffff, v1, v8  }
0x145: {  	v29 =	vld [tilespmem:$0x8];
	(xrf1) =	vsort.ascd.msk.u32 $0xffff, v2, v9  }
0x146: {  	v30 =	vld [tilespmem:$0x68];
	(xrf1) =	vsort.ascd.msk.u32 $0xffff, v1, v10  }
0x147: {  	(xrf1) =	vsort.ascd.msk.u32 $0xffff, v2, v6;
	v6 =	vld [tilespmem:$0xC8]  }
0x148: {  	(xrf1) =	vsort.ascd.msk.u32 $0xffff, v1, v7;
	v7 =	vld [tilespmem:$0x128]  }
0x149: {  	v31 =	vld [tilespmem:$0x188];
	(xrf1) =	vsort.ascd.msk.u32 $0xffff, v2, v28  }
0x14a: {  	v32 =	vld [tilespmem:$0x1E8];
	(xrf1) =	vsort.ascd.msk.u32 $0xffff, v1, v29  }
0x14b: {  	v33 =	vld [tilespmem:$0x248];
	(xrf1) =	vsort.ascd.msk.u32 $0xffff, v2, v30  }
0x14c: {  	(xrf1) =	vsort.ascd.msk.u32 $0xffff, v1, v6;
	v6 =	vld [tilespmem:$0x2A8]  }
0x14d: {  	(xrf1) =	vsort.ascd.msk.u32 $0xffff, v2, v7;
	v7 =	vld [tilespmem:$0x10]  }
0x14e: {  	v34 =	vld [tilespmem:$0x70];
	(xrf1) =	vsort.ascd.msk.u32 $0xffff, v1, v31  }
0x14f: {  	v35 =	vld [tilespmem:$0xD0];
	(xrf1) =	vsort.ascd.msk.u32 $0xffff, v2, v32  }
0x150: {  	v36 =	vld [tilespmem:$0x130];
	_, v11, _ =	vpop (xrf1);
	(xrf1) =	vsort.ascd.msk.u32 $0xffff, v1, v33  }
0x151: {  	_, v12, _ =	vpop (xrf1);
	(xrf1) =	vsort.ascd.msk.u32 $0xffff, v2, v6;
	v6 =	vld [tilespmem:$0x190]  }
0x152: {  	_, v13, _ =	vpop (xrf1);
	(xrf1) =	vsort.ascd.msk.u32 $0xffff, v1, v7;
	v7 =	vld [tilespmem:$0x1F0]  }
0x153: {  	v37 =	vld [tilespmem:$0x250];
	_, v14, _ =	vpop (xrf1);
	(xrf1) =	vsort.ascd.msk.u32 $0xffff, v2, v34  }
0x154: {  	v38 =	vld [tilespmem:$0x2B0];
	_, v15, _ =	vpop (xrf1);
	(xrf1) =	vsort.ascd.msk.u32 $0xffff, v1, v35  }
0x155: {  	v39 =	vld [tilespmem:$0x18];
	_, v16, _ =	vpop (xrf1);
	(xrf1) =	vsort.ascd.msk.u32 $0xffff, v2, v36  }
0x156: {  	_, v17, _ =	vpop (xrf1);
	(xrf1) =	vsort.ascd.msk.u32 $0xffff, v1, v6;
	v6 =	vld [tilespmem:$0x78]  }
0x157: {  	_, v18, _ =	vpop (xrf1);
	(xrf1) =	vsort.ascd.msk.u32 $0xffff, v2, v7;
	v7 =	vld [tilespmem:$0xD8]  }
0x158: {  	v40 =	vld [tilespmem:$0x138];
	_, v19, _ =	vpop (xrf1);
	(xrf1) =	vsort.ascd.msk.u32 $0xffff, v1, v37  }
0x159: {  	v41 =	vld [tilespmem:$0x198];
	_, v20, _ =	vpop (xrf1);
	(xrf1) =	vsort.ascd.msk.u32 $0xffff, v2, v38  }
0x15a: {  	v42 =	vld [tilespmem:$0x1F8];
	_, v21, _ =	vpop (xrf1);
	(xrf1) =	vsort.ascd.msk.u32 $0xffff, v1, v39  }
0x15b: {  	_, v22, _ =	vpop (xrf1);
	(xrf1) =	vsort.ascd.msk.u32 $0xffff, v2, v6;
	v6 =	vld [tilespmem:$0x258]  }
0x15c: {  	_, v23, _ =	vpop (xrf1);
	(xrf1) =	vsort.ascd.msk.u32 $0xffff, v1, v7;
	v7 =	vld [tilespmem:$0x2B8]  }
0x15d: {  	v43 =	vld [tilespmem:$0x20];
	_, v24, _ =	vpop (xrf1);
	(xrf1) =	vsort.ascd.msk.u32 $0xffff, v2, v40  }
0x15e: {  	v44 =	vld [tilespmem:$0x80];
	_, v25, _ =	vpop (xrf1);
	(xrf1) =	vsort.ascd.msk.u32 $0xffff, v1, v41  }
0x15f: {  	v45 =	vld [tilespmem:$0xE0];
	_, v26, _ =	vpop (xrf1);
	(xrf1) =	vsort.ascd.msk.u32 $0xffff, v2, v42  }
0x160: {  	_, v27, _ =	vpop (xrf1);
	(xrf1) =	vsort.ascd.msk.u32 $0xffff, v1, v6;
	v6 =	vld [tilespmem:$0x140]  }
0x161: {  	_, v28, _ =	vpop (xrf1);
	(xrf1) =	vsort.ascd.msk.u32 $0xffff, v2, v7;
	v7 =	vld [tilespmem:$0x1A0]  }
0x162: {  	v46 =	vld [tilespmem:$0x200];
	_, v29, _ =	vpop (xrf1);
	(xrf1) =	vsort.ascd.msk.u32 $0xffff, v1, v43  }
0x163: {  	v47 =	vld [tilespmem:$0x260];
	_, v30, _ =	vpop (xrf1);
	(xrf1) =	vsort.ascd.msk.u32 $0xffff, v2, v44  }
0x164: {  	v48 =	vld [tilespmem:$0x2C0];
	_, v31, _ =	vpop (xrf1);
	(xrf1) =	vsort.ascd.msk.u32 $0xffff, v1, v45  }
0x165: {  	_, v32, _ =	vpop (xrf1);
	(xrf1) =	vsort.ascd.msk.u32 $0xffff, v2, v6;
	v6 =	vld [tilespmem:$0x28]  }
0x166: {  	_, v33, _ =	vpop (xrf1);
	(xrf1) =	vsort.ascd.msk.u32 $0xffff, v1, v7;
	v7 =	vld [tilespmem:$0x88]  }
0x167: {  	v49 =	vld [tilespmem:$0xE8];
	_, v34, _ =	vpop (xrf1);
	(xrf1) =	vsort.ascd.msk.u32 $0xffff, v2, v46  }
0x168: {  	v50 =	vld [tilespmem:$0x148];
	_, v35, _ =	vpop (xrf1);
	(xrf1) =	vsort.ascd.msk.u32 $0xffff, v1, v47  }
0x169: {  	v51 =	vld [tilespmem:$0x1A8];
	_, v36, _ =	vpop (xrf1);
	(xrf1) =	vsort.ascd.msk.u32 $0xffff, v2, v48  }
0x16a: {  	_, v37, _ =	vpop (xrf1);
	(xrf1) =	vsort.ascd.msk.u32 $0xffff, v1, v6;
	v6 =	vld [tilespmem:$0x208]  }
0x16b: {  	_, v38, _ =	vpop (xrf1);
	(xrf1) =	vsort.ascd.msk.u32 $0xffff, v2, v7;
	v7 =	vld [tilespmem:$0x268]  }
0x16c: {  	v52 =	vld [tilespmem:$0x2C8];
	_, v39, _ =	vpop (xrf1);
	(xrf1) =	vsort.ascd.msk.u32 $0xffff, v1, v49  }
0x16d: {  	v53 =	vld [tilespmem:$0x30];
	_, v40, _ =	vpop (xrf1);
	(xrf1) =	vsort.ascd.msk.u32 $0xffff, v2, v50  }
0x16e: {  	v54 =	vld [tilespmem:$0x90];
	_, v41, _ =	vpop (xrf1);
	(xrf1) =	vsort.ascd.msk.u32 $0xffff, v1, v51  }
0x16f: {  	_, v42, _ =	vpop (xrf1);
	(xrf1) =	vsort.ascd.msk.u32 $0xffff, v2, v6;
	v6 =	vld [tilespmem:$0xF0]  }
0x170: {  	_, v43, _ =	vpop (xrf1);
	(xrf1) =	vsort.ascd.msk.u32 $0xffff, v1, v7;
	v7 =	vld [tilespmem:$0x150]  }
0x171: {  	v55 =	vld [tilespmem:$0x1B0];
	_, v44, _ =	vpop (xrf1);
	(xrf1) =	vsort.ascd.msk.u32 $0xffff, v2, v52  }
0x172: {  	v56 =	vld [tilespmem:$0x210];
	_, v45, _ =	vpop (xrf1);
	(xrf1) =	vsort.ascd.msk.u32 $0xffff, v1, v53  }
0x173: {  	v57 =	vld [tilespmem:$0x270];
	_, v46, _ =	vpop (xrf1);
	(xrf1) =	vsort.ascd.msk.u32 $0xffff, v2, v54  }
0x174: {  	_, v47, _ =	vpop (xrf1);
	(xrf1) =	vsort.ascd.msk.u32 $0xffff, v1, v6;
	v6 =	vld [tilespmem:$0x2D0]  }
0x175: {  	_, v48, _ =	vpop (xrf1);
	(xrf1) =	vsort.ascd.msk.u32 $0xffff, v2, v7;
	v7 =	vld [tilespmem:$0x38]  }
0x176: {  	v58 =	vld [tilespmem:$0x98];
	_, v49, _ =	vpop (xrf1);
	(xrf1) =	vsort.ascd.msk.u32 $0xffff, v1, v55  }
0x177: {  	v59 =	vld [tilespmem:$0xF8];
	_, v50, _ =	vpop (xrf1);
	(xrf1) =	vsort.ascd.msk.u32 $0xffff, v2, v56  }
0x178: {  	v60 =	vld [tilespmem:$0x158];
	v11 =	vsel vm0, v11, v12;
	_, v51, _ =	vpop (xrf1);
	(xrf1) =	vsort.ascd.msk.u32 $0xffff, v1, v57  }
0x179: {  	v11 =	vadd.s32 v0, v11;
	v13 =	vsel vm0, v13, v14;
	_, v12, _ =	vpop (xrf1);
	(xrf1) =	vsort.ascd.msk.u32 $0xffff, v2, v6;
	v6 =	vld [tilespmem:$0x1B8]  }
0x17a: {  	v61 =	vadd.s32 v3, v13;
	v62 =	vsel vm0, v15, v16;
	_, v14, _ =	vpop (xrf1);
	(xrf1) =	vsort.ascd.msk.u32 $0xffff, v1, v7;
	v7 =	vld [tilespmem:$0x218]  }
0x17b: {  	v8 =	vld [tilespmem:$0x278];
	[tilespmem:$0x300] =	vst v11;
	v63 =	vadd.s32 v4, v62;
	v62 =	vsel vm0, v25, v26;
	_, v15, _ =	vpop (xrf1);
	(xrf1) =	vsort.ascd.msk.u32 $0xffff, v2, v58  }
0x17c: {  	[tilespmem:$0x310] =	vst v61;
	v26 =	vadd.s32 v5, v62;
	v52 =	vsel vm0, v17, v18;
	v53 =	vld [tilespmem:$0x2D8];
	_, v16, _ =	vpop (xrf1);
	(xrf1) =	vsort.ascd.msk.u32 $0xffff, v1, v59  }
0x17d: {  	[tilespmem:$0x320] =	vst v63;
	v54 =	vadd.s32 v5, v52;
	v52 =	vsel vm0, v27, v28;
	v56 =	vld [tilespmem:$0x40];
	_, v17, _ =	vpop (xrf1);
	(xrf1) =	vsort.ascd.msk.u32 $0xffff, v2, v60  }
0x17e: {  	v62 =	vsel vm0, v35, v36;
	[tilespmem:$0x330] =	vst v54;
	v54 =	vadd.s32 v0, v52;
	_, v18, _ =	vpop (xrf1);
	(xrf1) =	vsort.ascd.msk.u32 $0xffff, v1, v6;
	v6 =	vld [tilespmem:$0xA0]  }
0x17f: {  	[tilespmem:$0x370] =	vst v26;
	v52 =	vsel vm0, v39, v40;
	v55 =	vsel vm0, v19, v20;
	_, v19, _ =	vpop (xrf1);
	(xrf1) =	vsort.ascd.msk.u32 $0xffff, v2, v7;
	v7 =	vld [tilespmem:$0x100]  }
0x180: {  	v63 =	vld [tilespmem:$0x160];
	[tilespmem:$0x380] =	vst v54;
	v54 =	vadd.s32 v4, v52;
	v57 =	vadd.s32 v0, v55;
	_, v20, _ =	vpop (xrf1);
	(xrf1) =	vsort.ascd.msk.u32 $0xffff, v1, v8  }
0x181: {  	[tilespmem:$0x3E0] =	vst v54;
	v55 =	vsel vm0, v29, v30;
	v58 =	vsel vm0, v21, v22;
	_, v21, _ =	vpop (xrf1);
	(xrf1) =	vsort.ascd.msk.u32 $0xffff, v2, v53;
	v53 =	vld [tilespmem:$0x1C0]  }
0x182: {  	[tilespmem:$0x340] =	vst v57;
	v57 =	vadd.s32 v3, v55;
	v55 =	vsel vm0, v41, v42;
	_, v22, _ =	vpop (xrf1);
	(xrf1) =	vsort.ascd.msk.u32 $0xffff, v1, v56;
	v56 =	vld [tilespmem:$0x220]  }
0x183: {  	[tilespmem:$0x390] =	vst v57;
	v57 =	vadd.s32 v5, v55;
	v60 =	vsel vm0, v23, v24;
	_, v23, _ =	vpop (xrf1);
	(xrf1) =	vsort.ascd.msk.u32 $0xffff, v2, v6;
	v6 =	vld [tilespmem:$0x280]  }
0x184: {  	[tilespmem:$0x3F0] =	vst v57;
	v59 =	vadd.s32 v3, v58;
	v58 =	vsel vm0, v31, v32;
	_, v24, _ =	vpop (xrf1);
	(xrf1) =	vsort.ascd.msk.u32 $0xffff, v1, v7;
	v7 =	vld [tilespmem:$0x2E0]  }
0x185: {  	[tilespmem:$0x350] =	vst v59;
	v59 =	vadd.s32 v4, v58;
	v61 =	vadd.s32 v4, v60;
	_, v25, _ =	vpop (xrf1);
	(xrf1) =	vsort.ascd.msk.u32 $0xffff, v2, v63;
	v63 =	vld [tilespmem:$0x48]  }
0x186: {  	v35 =	vld [tilespmem:$0xA8];
	v60 =	vsel vm0, v33, v34;
	[tilespmem:$0x3A0] =	vst v59;
	v34 =	vsel vm0, v37, v38;
	_, v26, _ =	vpop (xrf1);
	(xrf1) =	vsort.ascd.msk.u32 $0xffff, v1, v53  }
0x187: {  	v33 =	vadd.s32 v0, v62;
	[tilespmem:$0x360] =	vst v61;
	v38 =	vadd.s32 v3, v34;
	v53 =	vld [tilespmem:$0x108];
	_, v27, _ =	vpop (xrf1);
	(xrf1) =	vsort.ascd.msk.u32 $0xffff, v2, v56  }
0x188: {  	v61 =	vadd.s32 v5, v60;
	[tilespmem:$0x3C0] =	vst v33;
	_, v56, _ =	vpop (xrf1);
	(xrf1) =	vsort.ascd.msk.u32 $0xffff, v1, v6;
	v6 =	vld [tilespmem:$0x168]  }
0x189: {  	v58 =	vsel vm0, v43, v44;
	[tilespmem:$0x3B0] =	vst v61;
	_, v59, _ =	vpop (xrf1);
	(xrf1) =	vsort.ascd.msk.u32 $0xffff, v2, v7;
	v7 =	vld [tilespmem:$0x1C8]  }
0x18a: {  	v37 =	vsel vm0, v47, v48;
	v60 =	vadd.s32 v0, v58;
	[tilespmem:$0x3D0] =	vst v38;
	_, v62, _ =	vpop (xrf1);
	(xrf1) =	vsort.ascd.msk.u32 $0xffff, v1, v63;
	v63 =	vld [tilespmem:$0x228]  }
0x18b: {  	v39 =	vld [tilespmem:$0x288];
	v40 =	vadd.s32 v4, v37;
	v61 =	vsel vm0, v45, v46;
	[tilespmem:$0x400] =	vst v60;
	_, v38, _ =	vpop (xrf1);
	(xrf1) =	vsort.ascd.msk.u32 $0xffff, v2, v35  }
0x18c: {  	v41 =	vsel vm0, v49, v50;
	v43 =	vld [tilespmem:$0x2E8];
	[tilespmem:$0x420] =	vst v40;
	v36 =	vadd.s32 v3, v61;
	_, v42, _ =	vpop (xrf1);
	(xrf1) =	vsort.ascd.msk.u32 $0xffff, v1, v53  }
0x18d: {  	v44 =	vsel vm0, v51, v12;
	[tilespmem:$0x410] =	vst v36;
	_, v45, _ =	vpop (xrf1);
	(xrf1) =	vsort.ascd.msk.u32 $0xffff, v2, v6;
	v6 =	vadd.s32 v5, v41  }
0x18e: {  	[tilespmem:$0x430] =	vst v6;
	v6 =	vsel vm0, v14, v15;
	_, v46, _ =	vpop (xrf1);
	(xrf1) =	vsort.ascd.msk.u32 $0xffff, v1, v7;
	v7 =	vadd.s32 v0, v44  }
0x18f: {  	[tilespmem:$0x440] =	vst v7;
	v7 =	vsel vm0, v16, v17;
	_, v47, _ =	vpop (xrf1);
	(xrf1) =	vsort.ascd.msk.u32 $0xffff, v2, v63;
	v6 =	vadd.s32 v3, v6  }
0x190: {  	[tilespmem:$0x450] =	vst v6;
	v6 =	vsel vm0, v18, v19;
	_, v48, _ =	vpop (xrf1);
	(xrf1) =	vsort.ascd.msk.u32 $0xffff, v1, v39;
	v7 =	vadd.s32 v4, v7  }
0x191: {  	[tilespmem:$0x460] =	vst v7;
	v6 =	vadd.s32 v5, v6;
	v7 =	vsel vm0, v20, v21;
	_, v49, _ =	vpop (xrf1);
	(xrf1) =	vsort.ascd.msk.u32 $0xffff, v2, v43  }
0x192: {  	_, v50, _ =	vpop (xrf1);
	[tilespmem:$0x470] =	vst v6;
	v6 =	vadd.s32 v0, v7;
	v7 =	vsel vm0, v22, v23  }
0x193: {  	_, v51, _ =	vpop (xrf1);
	[tilespmem:$0x480] =	vst v6;
	v6 =	vadd.s32 v3, v7;
	v7 =	vsel vm0, v24, v25  }
0x194: {  	_, v52, _ =	vpop (xrf1);
	[tilespmem:$0x490] =	vst v6;
	v6 =	vadd.s32 v4, v7;
	v7 =	vsel vm0, v26, v27  }
0x195: {  	_, v53, _ =	vpop (xrf1);
	[tilespmem:$0x4A0] =	vst v6;
	v6 =	vadd.s32 v5, v7;
	v7 =	vsel vm0, v56, v59  }
0x196: {  	_, v54, _ =	vpop (xrf1);
	[tilespmem:$0x4B0] =	vst v6;
	v6 =	vadd.s32 v0, v7;
	v7 =	vsel vm0, v62, v38  }
0x197: {  	_, v55, _ =	vpop (xrf1);
	[tilespmem:$0x4C0] =	vst v6;
	v6 =	vadd.s32 v3, v7;
	v7 =	vsel vm0, v42, v45  }
0x198: {  	_, v56, _ =	vpop (xrf1);
	[tilespmem:$0x4D0] =	vst v6;
	v6 =	vadd.s32 v4, v7;
	v7 =	vsel vm0, v46, v47  }
0x199: {  	_, v57, _ =	vpop (xrf1);
	[tilespmem:$0x4E0] =	vst v6;
	v6 =	vadd.s32 v5, v7;
	v7 =	vsel vm0, v48, v49  }
0x19a: {  	_, v58, _ =	vpop (xrf1);
	[tilespmem:$0x4F0] =	vst v6;
	v6 =	vadd.s32 v0, v7;
	v7 =	vsel vm0, v50, v51  }
0x19b: {  	_, v59, _ =	vpop (xrf1);
	[tilespmem:$0x500] =	vst v6;
	v6 =	vadd.s32 v3, v7;
	v7 =	vsel vm0, v52, v53  }
0x19c: {  	_, v60, _ =	vpop (xrf1);
	[tilespmem:$0x510] =	vst v6;
	v6 =	vadd.s32 v4, v7;
	v7 =	vsel vm0, v54, v55  }
0x19d: {  	_, v61, _ =	vpop (xrf1);
	[tilespmem:$0x520] =	vst v6;
	v6 =	vadd.s32 v5, v7;
	v7 =	vsel vm0, v56, v57  }
0x19e: {  	_, v62, _ =	vpop (xrf1);
	[tilespmem:$0x530] =	vst v6;
	v6 =	vsel vm0, v58, v59;
	v7 =	vadd.s32 v0, v7  }
0x19f: {  	[tilespmem:$0x540] =	vst v7;
	v6 =	vadd.s32 v3, v6;
	v7 =	vsel vm0, v60, v61;
	_, v63, _ =	vpop (xrf1)  }
0x1a0: {  	[tilespmem:$0x550] =	vst v6;
	v6 =	vsel vm0, v62, v63;
	v7 =	vadd.s32 v4, v7  }
0x1a1: {  	[tilespmem:$0x560] =	vst v7;
	v6 =	vadd.s32 v5, v6  }
.Ltmp6:
0x1a2: {  	[tilespmem:$0x570] =	vst v6;
	(pc) =	sbr.rel .LBB2_6-.Ltmp6, $4  }
0x1a3: {  	_ =	swait.ge [sflag:s31], $0xA000  }
0x1a4: {  	[sflag:s31] =	ssyncset.done $0x0  }
0x1a5: {  	[sflag:s31] =	ssyncadd.s32 $0xFFFF6000  }
0x1a6: {  	[tilespmem:s26], [sflag:$0x1] =	stream.indirect.gather [hbm4b:s3+s24], $0x40, s25, s24, $0xb8;
	[tilespmem:$0x14800] =	vst v63  }
.LBB2_8:
0x1a7: {  	_ =	sfence.sel $0x180000  }
0x1a8: {  	[bflag:$0x0] =	sbarrier.arrive $0xFFFF  }
0x1a9: {  	_ =	strace $0x90000047  }
0x1aa: {  	s0 =	stileid.u32;
	[bflag:$0x2] =	sbarrier.arrive $0xFFFF  }
0x1ab: {  	p0 =	sne.s32 s0, $0x0;
	s0 =	rddreg [dreg:$0x2]  }
0x1ac: {  	s0 =	sadd.s32 @!p0 $0x100000, s0  }
0x1ad: {  	[sflag:s0] =	ssyncadd.tile.s32 @!p0 $0x1;
	_ =	shalt  }
.Lfunc_end2:
_tile_overlayer_lowered:
.L_overlay_start_2:
0x1ae: {  	(tag) =	ssettag $0x2  }
0x1af: {  	s0 =	rddreg [dreg:$0x0];
	s2 =	stileid.u32  }
0x1b0: {  	s1 =	rddreg [dreg:$0x1];
	p0 =	sne.s32 s2, $0x0  }
0x1b1: {  	s3 =	rddreg [dreg:$0x2];
	[bflag:$0x3] =	sbarrier.arrive $0xFFFF;
	s2 =	simm.s32 @!p0 $0x1C05  }
0x1b2: {  	[timem:s3], [sflag:s2] =	dma.local @!p0 [hbm:s0], s1  }
0x1b3: {  	s0 =	simm.s32 @!p0 $0x5  }
0x1b4: {  	_ =	swait.ge @!p0 [sflag:s0], s1  }
0x1b5: {  	s1 =	ssub.s32 @!p0 $0x0, s1;
	[sflag:s0] =	ssyncset.done @!p0 $0x0  }
0x1b6: {  	[sflag:s0] =	ssyncadd.s32 @!p0 s1  }
0x1b7: {  	[bflag:$0x3] =	sbarrier.arrive $0xFFFF  }
0x1b8: {  	_ =	shalt  }

</sc_bundles>
